<compile_context>
chip_gen: v7x
topology: tpu7x:2x2x1
jax: 0.10.2.dev20260603
libtpu: 0.0.44.dev20260713+nightly
codegen_flags: <defaults>
</compile_context>

<pallas_src>
import functools

import jax
import jax.numpy as jnp
from jax import lax
from jax.experimental import pallas as pl
from jax.experimental.pallas import tpu as pltpu
from jax.experimental.pallas import tpu_sc as plsc

NC = 2
NS = 16
L = 16

CH = 128
BLK = CH
NBUF = 3
EBUF = 6

_DNUMS = lax.GatherDimensionNumbers(
    offset_dims=(), collapsed_slice_dims=(0,), start_index_map=(0,))


def _bcast_lane(v, j):
    idx = jnp.full((L, 1), j, jnp.int32)
    return lax.gather(v, idx, _DNUMS, slice_sizes=(1,),
                      mode=lax.GatherScatterMode.PROMISE_IN_BOUNDS)


def _matmul_body(x_ref, wt_ref, b_ref, o_ref):
    h = jnp.dot(x_ref[...], wt_ref[...],
                preferred_element_type=jnp.float32) + b_ref[...]
    dh = h.shape[-1] // 2
    o_ref[0] = h[:, :dh].astype(jnp.bfloat16)
    o_ref[1] = h[:, dh:].astype(jnp.bfloat16)


def _linear_split(x, W, b):
    n, d_in = x.shape
    d_out = W.shape[0]
    dh = d_out // 2
    bm = 2000
    return pl.pallas_call(
        _matmul_body,
        grid=(n // bm,),
        in_specs=[pl.BlockSpec((bm, d_in), lambda i: (i, 0)),
                  pl.BlockSpec((d_in, d_out), lambda i: (0, 0)),
                  pl.BlockSpec((1, d_out), lambda i: (0, 0))],
        out_specs=pl.BlockSpec((2, bm, dh), lambda i: (0, i, 0)),
        out_shape=jax.ShapeDtypeStruct((2, n, dh), jnp.bfloat16),
    )(x, W.T, b.reshape(1, d_out))


def _cat_body(p_ref, pm_ref, o_ref):
    dh = p_ref.shape[-1]
    o_ref[:, :dh] = jnp.dot(p_ref[0], pm_ref[...],
                            preferred_element_type=jnp.float32)
    o_ref[:, dh:] = jnp.dot(p_ref[1], pm_ref[...],
                            preferred_element_type=jnp.float32)


def _final_cat(p):
    _, n_pad, dh = p.shape
    bm = 2000
    assert n_pad % bm == 0
    pm = jnp.zeros((dh, dh), jnp.bfloat16).at[
        jnp.arange(dh), jnp.asarray(_pair_perm(dh))].set(1)
    return pl.pallas_call(
        _cat_body,
        grid=(n_pad // bm,),
        in_specs=[pl.BlockSpec((NC, bm, dh), lambda i: (0, i, 0)),
                  pl.BlockSpec((dh, dh), lambda i: (0, 0))],
        out_specs=pl.BlockSpec((bm, NC * dh), lambda i: (i, 0)),
        out_shape=jax.ShapeDtypeStruct((n_pad, NC * dh), jnp.float32),
    )(p, pm)


def _sc_body(n, dh, nblk, rows_per_sub, zchunks,
             h_hbm, edata_hbm, out_hbm,
             e_v, rows_v, out_v, zbuf_v, acc_sh, hc_sh, *sems):
    gsems = sems[:NBUF]
    ssems = sems[NBUF:2 * NBUF]
    esems = sems[2 * NBUF:]
    cid = lax.axis_index("c")
    sid = lax.axis_index("s")

    zr = zchunks[0]
    @pl.loop(0, zr)
    def _(r):
        for f in range(dh // (2 * L)):
            zbuf_v[r, pl.ds(f * 2 * L, 2 * L)] = jnp.zeros(
                (2 * L,), jnp.bfloat16)

    zoff = 0
    for zc in zchunks:
        pltpu.sync_copy(
            zbuf_v.at[pl.ds(0, zc)],
            acc_sh.at[pl.ds(sid * rows_per_sub + zoff, zc)])
        zoff += zc

    hrows = n // NS
    pltpu.sync_copy(h_hbm.at[pl.ds(cid * n + sid * hrows, hrows)],
                    hc_sh.at[pl.ds(sid * hrows, hrows)])
    plsc.subcore_barrier()

    eblock0 = sid * nblk

    def i_issue(h, eb):
        pltpu.async_copy(edata_hbm.at[pl.ds((eblock0 + h) * 3, 3)],
                         e_v.at[pl.ds(eb * 3, 3)], esems[eb])

    def i_wait(h, eb):
        pltpu.make_async_copy(edata_hbm.at[pl.ds((eblock0 + h) * 3, 3)],
                              e_v.at[pl.ds(eb * 3, 3)], esems[eb]).wait()

    def g_issue(h, b, eb):
        pltpu.async_copy(hc_sh.at[e_v.at[eb * 3]],
                         rows_v.at[pl.ds(b * BLK, CH)], gsems[b])

    def g_wait(h, b, eb):
        pltpu.make_async_copy(hc_sh.at[e_v.at[eb * 3]],
                              rows_v.at[pl.ds(b * BLK, CH)], gsems[b]).wait()

    def s_issue(h, b, eb):
        pltpu.async_copy(out_v.at[pl.ds(b * BLK, CH)],
                         acc_sh.at[e_v.at[eb * 3 + 1]], ssems[b], add=True)

    def s_wait(h, b, eb):
        pltpu.make_async_copy(out_v.at[pl.ds(b * BLK, CH)],
                              acc_sh.at[e_v.at[eb * 3 + 1]], ssems[b]).wait()

    def compute(h, b, eb):
        @pl.loop(0, BLK // L)
        def _(g):
            w16 = plsc.bitcast(e_v[eb * 3 + 2, pl.ds(g * L, L)], jnp.float32)
            r = b * BLK + g * L
            for j in range(L):
                wb = _bcast_lane(w16, j)
                wb2 = plsc.pack(wb, wb, format=plsc.PackFormat.INTERLEAVED)
                for q in range(dh // (2 * L)):
                    sl = pl.ds(q * 2 * L, 2 * L)
                    out_v[r + j, sl] = rows_v[r + j, sl] * wb2

    i_issue(0, 0)
    i_issue(1, 1)
    i_wait(0, 0)
    g_issue(0, 0, 0)

    @pl.loop(0, nblk // EBUF)
    def _(rr):
        for b in range(EBUF):
            h = rr * EBUF + b
            d = b % NBUF
            nd = (b + 1) % NBUF
            ne = (b + 1) % EBUF
            n2e = (b + 2) % EBUF

            @pl.when(h >= 2)
            def _():
                s_wait(h - 2, nd, (b - 2) % EBUF)

            @pl.when(h + 2 < nblk)
            def _():
                i_issue(h + 2, n2e)

            @pl.when(h + 1 < nblk)
            def _():
                i_wait(h + 1, ne)
                g_issue(h + 1, nd, ne)

            g_wait(h, d, b)
            compute(h, d, b)
            s_issue(h, d, b)

    s_wait(nblk - 2, (nblk - 2) % NBUF, (nblk - 2) % EBUF)
    s_wait(nblk - 1, (nblk - 1) % NBUF, (nblk - 1) % EBUF)

    plsc.subcore_barrier()
    r0 = sid * rows_per_sub
    pltpu.sync_copy(acc_sh.at[pl.ds(r0, rows_per_sub)],
                    out_hbm.at[cid, pl.ds(r0, rows_per_sub)])


def _sc_scatter(h2, edata, nblk, n, n_pad):
    dh = h2.shape[-1]
    h_flat = h2.reshape(NC * n, dh)
    rows_per_sub = n_pad // NS
    zchunks = []
    left = rows_per_sub
    while left > 0:
        zc = min(80, left)
        zchunks.append(zc)
        left -= zc
    mesh = plsc.VectorSubcoreMesh(core_axis_name="c", subcore_axis_name="s",
                                  num_cores=NC)
    body = functools.partial(_sc_body, n, dh, nblk, rows_per_sub,
                             tuple(zchunks))
    return pl.kernel(
        body,
        out_type=pltpu.HBM((NC, n_pad, dh), jnp.bfloat16),
        mesh=mesh,
        compiler_params=pltpu.CompilerParams(use_tc_tiling_on_sc=False,
                                             needs_layout_passes=False),
        scratch_types=[
            pltpu.VMEM((EBUF * 3, CH), jnp.int32),
            pltpu.VMEM((NBUF * BLK, dh), jnp.bfloat16),
            pltpu.VMEM((NBUF * BLK, dh), jnp.bfloat16),
            pltpu.VMEM((zchunks[0], dh), jnp.bfloat16),
            pltpu.VMEM_SHARED((n_pad, dh), jnp.bfloat16),
            pltpu.VMEM_SHARED((n, dh), jnp.bfloat16),
        ] + [pltpu.SemaphoreType.DMA] * (2 * NBUF + EBUF),
    )(h_flat, edata)


def _pair_perm(d_out):
    perm = []
    for g in range(d_out // 32):
        for i in range(L):
            perm.append(32 * g + i)
            perm.append(32 * g + L + i)
    return perm


def kernel(x, edge_index, edge_weight, W, b):
    n = x.shape[0]
    e = edge_index.shape[1]
    row = edge_index[0].astype(jnp.int32)
    col = edge_index[1].astype(jnp.int32)
    w = edge_weight.astype(jnp.float32)

    perm = jnp.asarray(_pair_perm(W.shape[0]))
    W = W[perm]
    b = b[perm]

    per_s = -(-e // (NS * BLK * EBUF)) * (BLK * EBUF)
    e_pad = per_s * NS
    pad = e_pad - e
    row_p = jnp.concatenate([row, jnp.zeros((pad,), jnp.int32)])
    col_p = jnp.concatenate([col, jnp.zeros((pad,), jnp.int32)])
    w_p = jnp.concatenate([w, jnp.zeros((pad,), jnp.float32)])
    nblocks = e_pad // CH
    edata = jnp.stack([col_p.reshape(nblocks, CH),
                       row_p.reshape(nblocks, CH),
                       lax.bitcast_convert_type(w_p, jnp.int32)
                       .reshape(nblocks, CH)], axis=1).reshape(3 * nblocks, CH)

    n_pad = n

    h2 = _linear_split(x, W, b)
    partials = _sc_scatter(h2, edata, per_s // BLK, n, n_pad)
    return _final_cat(partials)

# --- scband reference (transcript-rebuilt; emitter-appended) ---
"""Pipeline reference for scband-graph-conv-layer-25512105738334 (READ-ONLY COPY).

The authoritative reference and input builder live on the scoring server;
editing this copy changes nothing except your own understanding.
"""

import jax, jax.numpy as jnp
import numpy as np

N = 10000
E = 320000
D_IN = 128
D_OUT = 128


def setup_inputs(seed: int = 0) -> dict:
    key = jax.random.key(seed)
    k1, k2, k3, k4, k5 = jax.random.split(key, 5)
    x = jax.random.normal(k1, (N, D_IN), dtype=jnp.float32)
    edge_index = jax.random.randint(k2, (2, E), 0, N)
    edge_weight = jax.random.uniform(k3, (E,), dtype=jnp.float32)
    # Learned parameters of nn.Linear(in_dim, out_dim, bias=True)
    W = jax.random.normal(k4, (D_OUT, D_IN), dtype=jnp.float32) * 0.05
    b = jax.random.normal(k5, (D_OUT,), dtype=jnp.float32) * 0.05
    return {"x": x, "edge_index": edge_index, "edge_weight": edge_weight, "W": W, "b": b}


def reference(x, edge_index, edge_weight, W, b):
    # h = linear(x)
    h = x @ W.T + b
    # sparse.mm(adj_norm, h): adj_norm in COO form (row=dst, col=src, val=edge_weight)
    row = edge_index[0]
    col = edge_index[1]
    msgs = edge_weight[:, None] * jnp.take(h, col, axis=0)
    out = jax.ops.segment_sum(msgs, row, num_segments=x.shape[0])
    return out

if __name__ == "__main__":
    import jax
    _d = setup_inputs()
    print(jax.jit(kernel)(*tuple(_d.values())))

</pallas_src>

<mosaic_0001>
#map = affine_map<(d0, d1) -> (0, 0)>
#map1 = affine_map<(d0, d1) -> (0, 0, 0)>
module attributes {stable_mosaic.version = 14 : i64} {
  func.func @_sc_body(%arg0: i32, %arg1: i32, %arg2: memref<20000x64xbf16, #tpu.memory_space<hbm>>, %arg3: memref<7776x128xi32, #tpu.memory_space<hbm>>, %arg4: memref<2x10000x64xbf16, #tpu.memory_space<hbm>>, %arg5: memref<18x128xi32, #tpu.memory_space<vmem>>, %arg6: memref<384x64xbf16, #tpu.memory_space<vmem>>, %arg7: memref<384x64xbf16, #tpu.memory_space<vmem>>, %arg8: memref<80x64xbf16, #tpu.memory_space<vmem>>, %arg9: memref<10000x64xbf16, #tpu.memory_space<vmem_shared>>, %arg10: memref<10000x64xbf16, #tpu.memory_space<vmem_shared>>, %arg11: memref<!tpu.dma_semaphore, #tpu.memory_space<semaphore_mem>>, %arg12: memref<!tpu.dma_semaphore, #tpu.memory_space<semaphore_mem>>, %arg13: memref<!tpu.dma_semaphore, #tpu.memory_space<semaphore_mem>>, %arg14: memref<!tpu.dma_semaphore, #tpu.memory_space<semaphore_mem>>, %arg15: memref<!tpu.dma_semaphore, #tpu.memory_space<semaphore_mem>>, %arg16: memref<!tpu.dma_semaphore, #tpu.memory_space<semaphore_mem>>, %arg17: memref<!tpu.dma_semaphore, #tpu.memory_space<semaphore_mem>>, %arg18: memref<!tpu.dma_semaphore, #tpu.memory_space<semaphore_mem>>, %arg19: memref<!tpu.dma_semaphore, #tpu.memory_space<semaphore_mem>>, %arg20: memref<!tpu.dma_semaphore, #tpu.memory_space<semaphore_mem>>, %arg21: memref<!tpu.dma_semaphore, #tpu.memory_space<semaphore_mem>>, %arg22: memref<!tpu.dma_semaphore, #tpu.memory_space<semaphore_mem>>) attributes {dimension_semantics = [#tpu.dimension_semantics<core_parallel>, #tpu.dimension_semantics<subcore_parallel>], iteration_bounds = array<i64: 2, 16>, scalar_prefetch = 0 : i64, scratch_operands = 18 : i64, tpu.core_type = #tpu.core_type<sc_vector_subcore>, window_params = [{transform_indices = #map}, {transform_indices = #map}, {transform_indices = #map1}]} {
    %scan3A = arith.constant 0 : i32
    %scan3A_0 = arith.constant 80 : i32
    %scan3A_1 = arith.addi %scan3A, %scan3A_0 : i32
    %scan3A_2 = arith.constant 1 : i32
    scf.for %scan3A_121 = %scan3A to %scan3A_1 step %scan3A_2  : i32 {
      %mul3A_122 = arith.constant 1 : i32
      %mul3A_123 = arith.muli %scan3A_121, %mul3A_122 : i32
      %add3A_124 = arith.constant 0 : i32
      %add3A_125 = arith.addi %add3A_124, %mul3A_123 : i32
      %broadcast_in_dim3A = arith.constant 0.000000e+00 : bf16
      %broadcast_in_dim3A_126 = vector.broadcast %broadcast_in_dim3A : bf16 to vector<32xbf16>
      %swap3A = arith.index_cast %add3A_125 : i32 to index
      %swap3A_127 = arith.constant 0 : index
      %swap3A_128 = tpu.vector_load %arg8[%swap3A, %swap3A_127] {strides = array<i32>} : memref<80x64xbf16, #tpu.memory_space<vmem>>, vector<32xbf16>,
      tpu.vector_store %arg8[%swap3A, %swap3A_127], %broadcast_in_dim3A_126 {strides = array<i32>} : memref<80x64xbf16, #tpu.memory_space<vmem>>, vector<32xbf16>,
      %broadcast_in_dim3A_129 = arith.constant 0.000000e+00 : bf16
      %broadcast_in_dim3A_130 = vector.broadcast %broadcast_in_dim3A_129 : bf16 to vector<32xbf16>
      %swap3A_131 = arith.index_cast %add3A_125 : i32 to index
      %swap3A_132 = arith.constant 32 : index
      %swap3A_133 = tpu.vector_load %arg8[%swap3A_131, %swap3A_132] {strides = array<i32>} : memref<80x64xbf16, #tpu.memory_space<vmem>>, vector<32xbf16>,
      tpu.vector_store %arg8[%swap3A_131, %swap3A_132], %broadcast_in_dim3A_130 {strides = array<i32>} : memref<80x64xbf16, #tpu.memory_space<vmem>>, vector<32xbf16>,
    }
    %scan3A_3 = arith.constant 80 : i32
    %mul3A = arith.constant 625 : i32
    %mul3A_4 = arith.muli %arg1, %mul3A : i32
    %add3A = arith.constant 0 : i32
    %add3A_5 = arith.addi %mul3A_4, %add3A : i32
    "tpu.region"() ({
      %run_scoped3A = tpu.sem_alloc : memref<!tpu.dma_semaphore, #tpu.memory_space<semaphore_mem>>
      %dma_start3A_121 = arith.constant 0 : i32
      %dma_start3A_122 = arith.constant 0 : i32
      %dma_start3A_123 = tpu.memref_slice %arg8[%dma_start3A_121, %dma_start3A_122] : memref<80x64xbf16, #tpu.memory_space<vmem>> -> memref<80x64xbf16, #tpu.memory_space<vmem>>
      %dma_start3A_124 = arith.constant 0 : i32
      %dma_start3A_125 = tpu.memref_slice %arg9[%add3A_5, %dma_start3A_124] : memref<10000x64xbf16, #tpu.memory_space<vmem_shared>> -> memref<80x64xbf16, #tpu.memory_space<vmem_shared>>
      %dma_start3A_126 = arith.constant 0 : i32
      %dma_start3A_127 = tpu.memref_slice %arg9[%add3A_5, %dma_start3A_126] : memref<10000x64xbf16, #tpu.memory_space<vmem_shared>> -> memref<80x64xbf16, #tpu.memory_space<vmem_shared>>
      %dma_start3A_128 = arith.constant 0 : i32
      %dma_start3A_129 = arith.constant 0 : i32
      %dma_start3A_130 = tpu.memref_slice %arg8[%dma_start3A_128, %dma_start3A_129] : memref<80x64xbf16, #tpu.memory_space<vmem>> -> memref<80x64xbf16, #tpu.memory_space<vmem>>
      tpu.enqueue_dma source(%dma_start3A_130 : memref<80x64xbf16, #tpu.memory_space<vmem>>) target(%dma_start3A_127 : memref<80x64xbf16, #tpu.memory_space<vmem_shared>>) target_semaphore(%run_scoped3A : memref<!tpu.dma_semaphore, #tpu.memory_space<semaphore_mem>>)
      %dma_wait3A_131 = arith.constant 0 : i32
      %dma_wait3A_132 = arith.constant 0 : i32
      %dma_wait3A_133 = tpu.memref_slice %arg8[%dma_wait3A_131, %dma_wait3A_132] : memref<80x64xbf16, #tpu.memory_space<vmem>> -> memref<80x64xbf16, #tpu.memory_space<vmem>>
      %dma_wait3A_134 = arith.constant 0 : i32
      %dma_wait3A_135 = tpu.memref_slice %arg9[%add3A_5, %dma_wait3A_134] : memref<10000x64xbf16, #tpu.memory_space<vmem_shared>> -> memref<80x64xbf16, #tpu.memory_space<vmem_shared>>
      %dma_wait3A_136 = arith.constant 0 : i32
      %dma_wait3A_137 = tpu.memref_slice %arg9[%add3A_5, %dma_wait3A_136] : memref<10000x64xbf16, #tpu.memory_space<vmem_shared>> -> memref<80x64xbf16, #tpu.memory_space<vmem_shared>>
      %dma_wait3A_138 = arith.constant 0 : i32
      %dma_wait3A_139 = arith.constant 0 : i32
      %dma_wait3A_140 = tpu.memref_slice %arg8[%dma_wait3A_138, %dma_wait3A_139] : memref<80x64xbf16, #tpu.memory_space<vmem>> -> memref<80x64xbf16, #tpu.memory_space<vmem>>
      tpu.wait_dma2 semaphore(%run_scoped3A : memref<!tpu.dma_semaphore, #tpu.memory_space<semaphore_mem>>) src(%dma_wait3A_140 : memref<80x64xbf16, #tpu.memory_space<vmem>>) dst(%dma_wait3A_137 : memref<80x64xbf16, #tpu.memory_space<vmem_shared>>)
      tpu.yield
    }) : () -> ()
    %mul3A_6 = arith.constant 625 : i32
    %mul3A_7 = arith.muli %arg1, %mul3A_6 : i32
    %add3A_8 = arith.constant 80 : i32
    %add3A_9 = arith.addi %mul3A_7, %add3A_8 : i32
    "tpu.region"() ({
      %run_scoped3A = tpu.sem_alloc : memref<!tpu.dma_semaphore, #tpu.memory_space<semaphore_mem>>
      %dma_start3A_121 = arith.constant 0 : i32
      %dma_start3A_122 = arith.constant 0 : i32
      %dma_start3A_123 = tpu.memref_slice %arg8[%dma_start3A_121, %dma_start3A_122] : memref<80x64xbf16, #tpu.memory_space<vmem>> -> memref<80x64xbf16, #tpu.memory_space<vmem>>
      %dma_start3A_124 = arith.constant 0 : i32
      %dma_start3A_125 = tpu.memref_slice %arg9[%add3A_9, %dma_start3A_124] : memref<10000x64xbf16, #tpu.memory_space<vmem_shared>> -> memref<80x64xbf16, #tpu.memory_space<vmem_shared>>
      %dma_start3A_126 = arith.constant 0 : i32
      %dma_start3A_127 = tpu.memref_slice %arg9[%add3A_9, %dma_start3A_126] : memref<10000x64xbf16, #tpu.memory_space<vmem_shared>> -> memref<80x64xbf16, #tpu.memory_space<vmem_shared>>
      %dma_start3A_128 = arith.constant 0 : i32
      %dma_start3A_129 = arith.constant 0 : i32
      %dma_start3A_130 = tpu.memref_slice %arg8[%dma_start3A_128, %dma_start3A_129] : memref<80x64xbf16, #tpu.memory_space<vmem>> -> memref<80x64xbf16, #tpu.memory_space<vmem>>
      tpu.enqueue_dma source(%dma_start3A_130 : memref<80x64xbf16, #tpu.memory_space<vmem>>) target(%dma_start3A_127 : memref<80x64xbf16, #tpu.memory_space<vmem_shared>>) target_semaphore(%run_scoped3A : memref<!tpu.dma_semaphore, #tpu.memory_space<semaphore_mem>>)
      %dma_wait3A_131 = arith.constant 0 : i32
      %dma_wait3A_132 = arith.constant 0 : i32
      %dma_wait3A_133 = tpu.memref_slice %arg8[%dma_wait3A_131, %dma_wait3A_132] : memref<80x64xbf16, #tpu.memory_space<vmem>> -> memref<80x64xbf16, #tpu.memory_space<vmem>>
      %dma_wait3A_134 = arith.constant 0 : i32
      %dma_wait3A_135 = tpu.memref_slice %arg9[%add3A_9, %dma_wait3A_134] : memref<10000x64xbf16, #tpu.memory_space<vmem_shared>> -> memref<80x64xbf16, #tpu.memory_space<vmem_shared>>
      %dma_wait3A_136 = arith.constant 0 : i32
      %dma_wait3A_137 = tpu.memref_slice %arg9[%add3A_9, %dma_wait3A_136] : memref<10000x64xbf16, #tpu.memory_space<vmem_shared>> -> memref<80x64xbf16, #tpu.memory_space<vmem_shared>>
      %dma_wait3A_138 = arith.constant 0 : i32
      %dma_wait3A_139 = arith.constant 0 : i32
      %dma_wait3A_140 = tpu.memref_slice %arg8[%dma_wait3A_138, %dma_wait3A_139] : memref<80x64xbf16, #tpu.memory_space<vmem>> -> memref<80x64xbf16, #tpu.memory_space<vmem>>
      tpu.wait_dma2 semaphore(%run_scoped3A : memref<!tpu.dma_semaphore, #tpu.memory_space<semaphore_mem>>) src(%dma_wait3A_140 : memref<80x64xbf16, #tpu.memory_space<vmem>>) dst(%dma_wait3A_137 : memref<80x64xbf16, #tpu.memory_space<vmem_shared>>)
      tpu.yield
    }) : () -> ()
    %mul3A_10 = arith.constant 625 : i32
    %mul3A_11 = arith.muli %arg1, %mul3A_10 : i32
    %add3A_12 = arith.constant 160 : i32
    %add3A_13 = arith.addi %mul3A_11, %add3A_12 : i32
    "tpu.region"() ({
      %run_scoped3A = tpu.sem_alloc : memref<!tpu.dma_semaphore, #tpu.memory_space<semaphore_mem>>
      %dma_start3A_121 = arith.constant 0 : i32
      %dma_start3A_122 = arith.constant 0 : i32
      %dma_start3A_123 = tpu.memref_slice %arg8[%dma_start3A_121, %dma_start3A_122] : memref<80x64xbf16, #tpu.memory_space<vmem>> -> memref<80x64xbf16, #tpu.memory_space<vmem>>
      %dma_start3A_124 = arith.constant 0 : i32
      %dma_start3A_125 = tpu.memref_slice %arg9[%add3A_13, %dma_start3A_124] : memref<10000x64xbf16, #tpu.memory_space<vmem_shared>> -> memref<80x64xbf16, #tpu.memory_space<vmem_shared>>
      %dma_start3A_126 = arith.constant 0 : i32
      %dma_start3A_127 = tpu.memref_slice %arg9[%add3A_13, %dma_start3A_126] : memref<10000x64xbf16, #tpu.memory_space<vmem_shared>> -> memref<80x64xbf16, #tpu.memory_space<vmem_shared>>
      %dma_start3A_128 = arith.constant 0 : i32
      %dma_start3A_129 = arith.constant 0 : i32
      %dma_start3A_130 = tpu.memref_slice %arg8[%dma_start3A_128, %dma_start3A_129] : memref<80x64xbf16, #tpu.memory_space<vmem>> -> memref<80x64xbf16, #tpu.memory_space<vmem>>
      tpu.enqueue_dma source(%dma_start3A_130 : memref<80x64xbf16, #tpu.memory_space<vmem>>) target(%dma_start3A_127 : memref<80x64xbf16, #tpu.memory_space<vmem_shared>>) target_semaphore(%run_scoped3A : memref<!tpu.dma_semaphore, #tpu.memory_space<semaphore_mem>>)
      %dma_wait3A_131 = arith.constant 0 : i32
      %dma_wait3A_132 = arith.constant 0 : i32
      %dma_wait3A_133 = tpu.memref_slice %arg8[%dma_wait3A_131, %dma_wait3A_132] : memref<80x64xbf16, #tpu.memory_space<vmem>> -> memref<80x64xbf16, #tpu.memory_space<vmem>>
      %dma_wait3A_134 = arith.constant 0 : i32
      %dma_wait3A_135 = tpu.memref_slice %arg9[%add3A_13, %dma_wait3A_134] : memref<10000x64xbf16, #tpu.memory_space<vmem_shared>> -> memref<80x64xbf16, #tpu.memory_space<vmem_shared>>
      %dma_wait3A_136 = arith.constant 0 : i32
      %dma_wait3A_137 = tpu.memref_slice %arg9[%add3A_13, %dma_wait3A_136] : memref<10000x64xbf16, #tpu.memory_space<vmem_shared>> -> memref<80x64xbf16, #tpu.memory_space<vmem_shared>>
      %dma_wait3A_138 = arith.constant 0 : i32
      %dma_wait3A_139 = arith.constant 0 : i32
      %dma_wait3A_140 = tpu.memref_slice %arg8[%dma_wait3A_138, %dma_wait3A_139] : memref<80x64xbf16, #tpu.memory_space<vmem>> -> memref<80x64xbf16, #tpu.memory_space<vmem>>
      tpu.wait_dma2 semaphore(%run_scoped3A : memref<!tpu.dma_semaphore, #tpu.memory_space<semaphore_mem>>) src(%dma_wait3A_140 : memref<80x64xbf16, #tpu.memory_space<vmem>>) dst(%dma_wait3A_137 : memref<80x64xbf16, #tpu.memory_space<vmem_shared>>)
      tpu.yield
    }) : () -> ()
    %mul3A_14 = arith.constant 625 : i32
    %mul3A_15 = arith.muli %arg1, %mul3A_14 : i32
    %add3A_16 = arith.constant 240 : i32
    %add3A_17 = arith.addi %mul3A_15, %add3A_16 : i32
    "tpu.region"() ({
      %run_scoped3A = tpu.sem_alloc : memref<!tpu.dma_semaphore, #tpu.memory_space<semaphore_mem>>
      %dma_start3A_121 = arith.constant 0 : i32
      %dma_start3A_122 = arith.constant 0 : i32
      %dma_start3A_123 = tpu.memref_slice %arg8[%dma_start3A_121, %dma_start3A_122] : memref<80x64xbf16, #tpu.memory_space<vmem>> -> memref<80x64xbf16, #tpu.memory_space<vmem>>
      %dma_start3A_124 = arith.constant 0 : i32
      %dma_start3A_125 = tpu.memref_slice %arg9[%add3A_17, %dma_start3A_124] : memref<10000x64xbf16, #tpu.memory_space<vmem_shared>> -> memref<80x64xbf16, #tpu.memory_space<vmem_shared>>
      %dma_start3A_126 = arith.constant 0 : i32
      %dma_start3A_127 = tpu.memref_slice %arg9[%add3A_17, %dma_start3A_126] : memref<10000x64xbf16, #tpu.memory_space<vmem_shared>> -> memref<80x64xbf16, #tpu.memory_space<vmem_shared>>
      %dma_start3A_128 = arith.constant 0 : i32
      %dma_start3A_129 = arith.constant 0 : i32
      %dma_start3A_130 = tpu.memref_slice %arg8[%dma_start3A_128, %dma_start3A_129] : memref<80x64xbf16, #tpu.memory_space<vmem>> -> memref<80x64xbf16, #tpu.memory_space<vmem>>
      tpu.enqueue_dma source(%dma_start3A_130 : memref<80x64xbf16, #tpu.memory_space<vmem>>) target(%dma_start3A_127 : memref<80x64xbf16, #tpu.memory_space<vmem_shared>>) target_semaphore(%run_scoped3A : memref<!tpu.dma_semaphore, #tpu.memory_space<semaphore_mem>>)
      %dma_wait3A_131 = arith.constant 0 : i32
      %dma_wait3A_132 = arith.constant 0 : i32
      %dma_wait3A_133 = tpu.memref_slice %arg8[%dma_wait3A_131, %dma_wait3A_132] : memref<80x64xbf16, #tpu.memory_space<vmem>> -> memref<80x64xbf16, #tpu.memory_space<vmem>>
      %dma_wait3A_134 = arith.constant 0 : i32
      %dma_wait3A_135 = tpu.memref_slice %arg9[%add3A_17, %dma_wait3A_134] : memref<10000x64xbf16, #tpu.memory_space<vmem_shared>> -> memref<80x64xbf16, #tpu.memory_space<vmem_shared>>
      %dma_wait3A_136 = arith.constant 0 : i32
      %dma_wait3A_137 = tpu.memref_slice %arg9[%add3A_17, %dma_wait3A_136] : memref<10000x64xbf16, #tpu.memory_space<vmem_shared>> -> memref<80x64xbf16, #tpu.memory_space<vmem_shared>>
      %dma_wait3A_138 = arith.constant 0 : i32
      %dma_wait3A_139 = arith.constant 0 : i32
      %dma_wait3A_140 = tpu.memref_slice %arg8[%dma_wait3A_138, %dma_wait3A_139] : memref<80x64xbf16, #tpu.memory_space<vmem>> -> memref<80x64xbf16, #tpu.memory_space<vmem>>
      tpu.wait_dma2 semaphore(%run_scoped3A : memref<!tpu.dma_semaphore, #tpu.memory_space<semaphore_mem>>) src(%dma_wait3A_140 : memref<80x64xbf16, #tpu.memory_space<vmem>>) dst(%dma_wait3A_137 : memref<80x64xbf16, #tpu.memory_space<vmem_shared>>)
      tpu.yield
    }) : () -> ()
    %mul3A_18 = arith.constant 625 : i32
    %mul3A_19 = arith.muli %arg1, %mul3A_18 : i32
    %add3A_20 = arith.constant 320 : i32
    %add3A_21 = arith.addi %mul3A_19, %add3A_20 : i32
    "tpu.region"() ({
      %run_scoped3A = tpu.sem_alloc : memref<!tpu.dma_semaphore, #tpu.memory_space<semaphore_mem>>
      %dma_start3A_121 = arith.constant 0 : i32
      %dma_start3A_122 = arith.constant 0 : i32
      %dma_start3A_123 = tpu.memref_slice %arg8[%dma_start3A_121, %dma_start3A_122] : memref<80x64xbf16, #tpu.memory_space<vmem>> -> memref<80x64xbf16, #tpu.memory_space<vmem>>
      %dma_start3A_124 = arith.constant 0 : i32
      %dma_start3A_125 = tpu.memref_slice %arg9[%add3A_21, %dma_start3A_124] : memref<10000x64xbf16, #tpu.memory_space<vmem_shared>> -> memref<80x64xbf16, #tpu.memory_space<vmem_shared>>
      %dma_start3A_126 = arith.constant 0 : i32
      %dma_start3A_127 = tpu.memref_slice %arg9[%add3A_21, %dma_start3A_126] : memref<10000x64xbf16, #tpu.memory_space<vmem_shared>> -> memref<80x64xbf16, #tpu.memory_space<vmem_shared>>
      %dma_start3A_128 = arith.constant 0 : i32
      %dma_start3A_129 = arith.constant 0 : i32
      %dma_start3A_130 = tpu.memref_slice %arg8[%dma_start3A_128, %dma_start3A_129] : memref<80x64xbf16, #tpu.memory_space<vmem>> -> memref<80x64xbf16, #tpu.memory_space<vmem>>
      tpu.enqueue_dma source(%dma_start3A_130 : memref<80x64xbf16, #tpu.memory_space<vmem>>) target(%dma_start3A_127 : memref<80x64xbf16, #tpu.memory_space<vmem_shared>>) target_semaphore(%run_scoped3A : memref<!tpu.dma_semaphore, #tpu.memory_space<semaphore_mem>>)
      %dma_wait3A_131 = arith.constant 0 : i32
      %dma_wait3A_132 = arith.constant 0 : i32
      %dma_wait3A_133 = tpu.memref_slice %arg8[%dma_wait3A_131, %dma_wait3A_132] : memref<80x64xbf16, #tpu.memory_space<vmem>> -> memref<80x64xbf16, #tpu.memory_space<vmem>>
      %dma_wait3A_134 = arith.constant 0 : i32
      %dma_wait3A_135 = tpu.memref_slice %arg9[%add3A_21, %dma_wait3A_134] : memref<10000x64xbf16, #tpu.memory_space<vmem_shared>> -> memref<80x64xbf16, #tpu.memory_space<vmem_shared>>
      %dma_wait3A_136 = arith.constant 0 : i32
      %dma_wait3A_137 = tpu.memref_slice %arg9[%add3A_21, %dma_wait3A_136] : memref<10000x64xbf16, #tpu.memory_space<vmem_shared>> -> memref<80x64xbf16, #tpu.memory_space<vmem_shared>>
      %dma_wait3A_138 = arith.constant 0 : i32
      %dma_wait3A_139 = arith.constant 0 : i32
      %dma_wait3A_140 = tpu.memref_slice %arg8[%dma_wait3A_138, %dma_wait3A_139] : memref<80x64xbf16, #tpu.memory_space<vmem>> -> memref<80x64xbf16, #tpu.memory_space<vmem>>
      tpu.wait_dma2 semaphore(%run_scoped3A : memref<!tpu.dma_semaphore, #tpu.memory_space<semaphore_mem>>) src(%dma_wait3A_140 : memref<80x64xbf16, #tpu.memory_space<vmem>>) dst(%dma_wait3A_137 : memref<80x64xbf16, #tpu.memory_space<vmem_shared>>)
      tpu.yield
    }) : () -> ()
    %mul3A_22 = arith.constant 625 : i32
    %mul3A_23 = arith.muli %arg1, %mul3A_22 : i32
    %add3A_24 = arith.constant 400 : i32
    %add3A_25 = arith.addi %mul3A_23, %add3A_24 : i32
    "tpu.region"() ({
      %run_scoped3A = tpu.sem_alloc : memref<!tpu.dma_semaphore, #tpu.memory_space<semaphore_mem>>
      %dma_start3A_121 = arith.constant 0 : i32
      %dma_start3A_122 = arith.constant 0 : i32
      %dma_start3A_123 = tpu.memref_slice %arg8[%dma_start3A_121, %dma_start3A_122] : memref<80x64xbf16, #tpu.memory_space<vmem>> -> memref<80x64xbf16, #tpu.memory_space<vmem>>
      %dma_start3A_124 = arith.constant 0 : i32
      %dma_start3A_125 = tpu.memref_slice %arg9[%add3A_25, %dma_start3A_124] : memref<10000x64xbf16, #tpu.memory_space<vmem_shared>> -> memref<80x64xbf16, #tpu.memory_space<vmem_shared>>
      %dma_start3A_126 = arith.constant 0 : i32
      %dma_start3A_127 = tpu.memref_slice %arg9[%add3A_25, %dma_start3A_126] : memref<10000x64xbf16, #tpu.memory_space<vmem_shared>> -> memref<80x64xbf16, #tpu.memory_space<vmem_shared>>
      %dma_start3A_128 = arith.constant 0 : i32
      %dma_start3A_129 = arith.constant 0 : i32
      %dma_start3A_130 = tpu.memref_slice %arg8[%dma_start3A_128, %dma_start3A_129] : memref<80x64xbf16, #tpu.memory_space<vmem>> -> memref<80x64xbf16, #tpu.memory_space<vmem>>
      tpu.enqueue_dma source(%dma_start3A_130 : memref<80x64xbf16, #tpu.memory_space<vmem>>) target(%dma_start3A_127 : memref<80x64xbf16, #tpu.memory_space<vmem_shared>>) target_semaphore(%run_scoped3A : memref<!tpu.dma_semaphore, #tpu.memory_space<semaphore_mem>>)
      %dma_wait3A_131 = arith.constant 0 : i32
      %dma_wait3A_132 = arith.constant 0 : i32
      %dma_wait3A_133 = tpu.memref_slice %arg8[%dma_wait3A_131, %dma_wait3A_132] : memref<80x64xbf16, #tpu.memory_space<vmem>> -> memref<80x64xbf16, #tpu.memory_space<vmem>>
      %dma_wait3A_134 = arith.constant 0 : i32
      %dma_wait3A_135 = tpu.memref_slice %arg9[%add3A_25, %dma_wait3A_134] : memref<10000x64xbf16, #tpu.memory_space<vmem_shared>> -> memref<80x64xbf16, #tpu.memory_space<vmem_shared>>
      %dma_wait3A_136 = arith.constant 0 : i32
      %dma_wait3A_137 = tpu.memref_slice %arg9[%add3A_25, %dma_wait3A_136] : memref<10000x64xbf16, #tpu.memory_space<vmem_shared>> -> memref<80x64xbf16, #tpu.memory_space<vmem_shared>>
      %dma_wait3A_138 = arith.constant 0 : i32
      %dma_wait3A_139 = arith.constant 0 : i32
      %dma_wait3A_140 = tpu.memref_slice %arg8[%dma_wait3A_138, %dma_wait3A_139] : memref<80x64xbf16, #tpu.memory_space<vmem>> -> memref<80x64xbf16, #tpu.memory_space<vmem>>
      tpu.wait_dma2 semaphore(%run_scoped3A : memref<!tpu.dma_semaphore, #tpu.memory_space<semaphore_mem>>) src(%dma_wait3A_140 : memref<80x64xbf16, #tpu.memory_space<vmem>>) dst(%dma_wait3A_137 : memref<80x64xbf16, #tpu.memory_space<vmem_shared>>)
      tpu.yield
    }) : () -> ()
    %mul3A_26 = arith.constant 625 : i32
    %mul3A_27 = arith.muli %arg1, %mul3A_26 : i32
    %add3A_28 = arith.constant 480 : i32
    %add3A_29 = arith.addi %mul3A_27, %add3A_28 : i32
    "tpu.region"() ({
      %run_scoped3A = tpu.sem_alloc : memref<!tpu.dma_semaphore, #tpu.memory_space<semaphore_mem>>
      %dma_start3A_121 = arith.constant 0 : i32
      %dma_start3A_122 = arith.constant 0 : i32
      %dma_start3A_123 = tpu.memref_slice %arg8[%dma_start3A_121, %dma_start3A_122] : memref<80x64xbf16, #tpu.memory_space<vmem>> -> memref<80x64xbf16, #tpu.memory_space<vmem>>
      %dma_start3A_124 = arith.constant 0 : i32
      %dma_start3A_125 = tpu.memref_slice %arg9[%add3A_29, %dma_start3A_124] : memref<10000x64xbf16, #tpu.memory_space<vmem_shared>> -> memref<80x64xbf16, #tpu.memory_space<vmem_shared>>
      %dma_start3A_126 = arith.constant 0 : i32
      %dma_start3A_127 = tpu.memref_slice %arg9[%add3A_29, %dma_start3A_126] : memref<10000x64xbf16, #tpu.memory_space<vmem_shared>> -> memref<80x64xbf16, #tpu.memory_space<vmem_shared>>
      %dma_start3A_128 = arith.constant 0 : i32
      %dma_start3A_129 = arith.constant 0 : i32
      %dma_start3A_130 = tpu.memref_slice %arg8[%dma_start3A_128, %dma_start3A_129] : memref<80x64xbf16, #tpu.memory_space<vmem>> -> memref<80x64xbf16, #tpu.memory_space<vmem>>
      tpu.enqueue_dma source(%dma_start3A_130 : memref<80x64xbf16, #tpu.memory_space<vmem>>) target(%dma_start3A_127 : memref<80x64xbf16, #tpu.memory_space<vmem_shared>>) target_semaphore(%run_scoped3A : memref<!tpu.dma_semaphore, #tpu.memory_space<semaphore_mem>>)
      %dma_wait3A_131 = arith.constant 0 : i32
      %dma_wait3A_132 = arith.constant 0 : i32
      %dma_wait3A_133 = tpu.memref_slice %arg8[%dma_wait3A_131, %dma_wait3A_132] : memref<80x64xbf16, #tpu.memory_space<vmem>> -> memref<80x64xbf16, #tpu.memory_space<vmem>>
      %dma_wait3A_134 = arith.constant 0 : i32
      %dma_wait3A_135 = tpu.memref_slice %arg9[%add3A_29, %dma_wait3A_134] : memref<10000x64xbf16, #tpu.memory_space<vmem_shared>> -> memref<80x64xbf16, #tpu.memory_space<vmem_shared>>
      %dma_wait3A_136 = arith.constant 0 : i32
      %dma_wait3A_137 = tpu.memref_slice %arg9[%add3A_29, %dma_wait3A_136] : memref<10000x64xbf16, #tpu.memory_space<vmem_shared>> -> memref<80x64xbf16, #tpu.memory_space<vmem_shared>>
      %dma_wait3A_138 = arith.constant 0 : i32
      %dma_wait3A_139 = arith.constant 0 : i32
      %dma_wait3A_140 = tpu.memref_slice %arg8[%dma_wait3A_138, %dma_wait3A_139] : memref<80x64xbf16, #tpu.memory_space<vmem>> -> memref<80x64xbf16, #tpu.memory_space<vmem>>
      tpu.wait_dma2 semaphore(%run_scoped3A : memref<!tpu.dma_semaphore, #tpu.memory_space<semaphore_mem>>) src(%dma_wait3A_140 : memref<80x64xbf16, #tpu.memory_space<vmem>>) dst(%dma_wait3A_137 : memref<80x64xbf16, #tpu.memory_space<vmem_shared>>)
      tpu.yield
    }) : () -> ()
    %mul3A_30 = arith.constant 625 : i32
    %mul3A_31 = arith.muli %arg1, %mul3A_30 : i32
    %add3A_32 = arith.constant 560 : i32
    %add3A_33 = arith.addi %mul3A_31, %add3A_32 : i32
    "tpu.region"() ({
      %run_scoped3A = tpu.sem_alloc : memref<!tpu.dma_semaphore, #tpu.memory_space<semaphore_mem>>
      %dma_start3A_121 = arith.constant 0 : i32
      %dma_start3A_122 = arith.constant 0 : i32
      %dma_start3A_123 = tpu.memref_slice %arg8[%dma_start3A_121, %dma_start3A_122] : memref<80x64xbf16, #tpu.memory_space<vmem>> -> memref<65x64xbf16, #tpu.memory_space<vmem>>
      %dma_start3A_124 = arith.constant 0 : i32
      %dma_start3A_125 = tpu.memref_slice %arg9[%add3A_33, %dma_start3A_124] : memref<10000x64xbf16, #tpu.memory_space<vmem_shared>> -> memref<65x64xbf16, #tpu.memory_space<vmem_shared>>
      %dma_start3A_126 = arith.constant 0 : i32
      %dma_start3A_127 = tpu.memref_slice %arg9[%add3A_33, %dma_start3A_126] : memref<10000x64xbf16, #tpu.memory_space<vmem_shared>> -> memref<65x64xbf16, #tpu.memory_space<vmem_shared>>
      %dma_start3A_128 = arith.constant 0 : i32
      %dma_start3A_129 = arith.constant 0 : i32
      %dma_start3A_130 = tpu.memref_slice %arg8[%dma_start3A_128, %dma_start3A_129] : memref<80x64xbf16, #tpu.memory_space<vmem>> -> memref<65x64xbf16, #tpu.memory_space<vmem>>
      tpu.enqueue_dma source(%dma_start3A_130 : memref<65x64xbf16, #tpu.memory_space<vmem>>) target(%dma_start3A_127 : memref<65x64xbf16, #tpu.memory_space<vmem_shared>>) target_semaphore(%run_scoped3A : memref<!tpu.dma_semaphore, #tpu.memory_space<semaphore_mem>>)
      %dma_wait3A_131 = arith.constant 0 : i32
      %dma_wait3A_132 = arith.constant 0 : i32
      %dma_wait3A_133 = tpu.memref_slice %arg8[%dma_wait3A_131, %dma_wait3A_132] : memref<80x64xbf16, #tpu.memory_space<vmem>> -> memref<65x64xbf16, #tpu.memory_space<vmem>>
      %dma_wait3A_134 = arith.constant 0 : i32
      %dma_wait3A_135 = tpu.memref_slice %arg9[%add3A_33, %dma_wait3A_134] : memref<10000x64xbf16, #tpu.memory_space<vmem_shared>> -> memref<65x64xbf16, #tpu.memory_space<vmem_shared>>
      %dma_wait3A_136 = arith.constant 0 : i32
      %dma_wait3A_137 = tpu.memref_slice %arg9[%add3A_33, %dma_wait3A_136] : memref<10000x64xbf16, #tpu.memory_space<vmem_shared>> -> memref<65x64xbf16, #tpu.memory_space<vmem_shared>>
      %dma_wait3A_138 = arith.constant 0 : i32
      %dma_wait3A_139 = arith.constant 0 : i32
      %dma_wait3A_140 = tpu.memref_slice %arg8[%dma_wait3A_138, %dma_wait3A_139] : memref<80x64xbf16, #tpu.memory_space<vmem>> -> memref<65x64xbf16, #tpu.memory_space<vmem>>
      tpu.wait_dma2 semaphore(%run_scoped3A : memref<!tpu.dma_semaphore, #tpu.memory_space<semaphore_mem>>) src(%dma_wait3A_140 : memref<65x64xbf16, #tpu.memory_space<vmem>>) dst(%dma_wait3A_137 : memref<65x64xbf16, #tpu.memory_space<vmem_shared>>)
      tpu.yield
    }) : () -> ()
    %mul3A_34 = arith.constant 10000 : i32
    %mul3A_35 = arith.muli %arg0, %mul3A_34 : i32
    %mul3A_36 = arith.constant 625 : i32
    %mul3A_37 = arith.muli %arg1, %mul3A_36 : i32
    %add3A_38 = arith.addi %mul3A_35, %mul3A_37 : i32
    %mul3A_39 = arith.constant 625 : i32
    %mul3A_40 = arith.muli %arg1, %mul3A_39 : i32
    "tpu.region"() ({
      %run_scoped3A = tpu.sem_alloc : memref<!tpu.dma_semaphore, #tpu.memory_space<semaphore_mem>>
      %dma_start3A_121 = arith.constant 0 : i32
      %dma_start3A_122 = tpu.memref_slice %arg10[%mul3A_40, %dma_start3A_121] : memref<10000x64xbf16, #tpu.memory_space<vmem_shared>> -> memref<625x64xbf16, #tpu.memory_space<vmem_shared>>
      %dma_start3A_123 = arith.constant 0 : i32
      %dma_start3A_124 = tpu.memref_slice %arg2[%add3A_38, %dma_start3A_123] : memref<20000x64xbf16, #tpu.memory_space<hbm>> -> memref<625x64xbf16, #tpu.memory_space<hbm>>
      tpu.enqueue_dma source(%dma_start3A_124 : memref<625x64xbf16, #tpu.memory_space<hbm>>) target(%dma_start3A_122 : memref<625x64xbf16, #tpu.memory_space<vmem_shared>>) target_semaphore(%run_scoped3A : memref<!tpu.dma_semaphore, #tpu.memory_space<semaphore_mem>>)
      %dma_wait3A_125 = arith.constant 0 : i32
      %dma_wait3A_126 = tpu.memref_slice %arg10[%mul3A_40, %dma_wait3A_125] : memref<10000x64xbf16, #tpu.memory_space<vmem_shared>> -> memref<625x64xbf16, #tpu.memory_space<vmem_shared>>
      %dma_wait3A_127 = arith.constant 0 : i32
      %dma_wait3A_128 = tpu.memref_slice %arg2[%add3A_38, %dma_wait3A_127] : memref<20000x64xbf16, #tpu.memory_space<hbm>> -> memref<625x64xbf16, #tpu.memory_space<hbm>>
      tpu.wait_dma2 semaphore(%run_scoped3A : memref<!tpu.dma_semaphore, #tpu.memory_space<semaphore_mem>>) src(%dma_wait3A_128 : memref<625x64xbf16, #tpu.memory_space<hbm>>) dst(%dma_wait3A_126 : memref<625x64xbf16, #tpu.memory_space<vmem_shared>>)
      tpu.yield
    }) : () -> ()
    %barrier3A = arith.constant 0 : index
    tpu.barrier barrier_id(%barrier3A)
    %mul3A_41 = arith.constant 162 : i32
    %mul3A_42 = arith.muli %arg1, %mul3A_41 : i32
    %add3A_43 = arith.constant 0 : i32
    %add3A_44 = arith.addi %mul3A_42, %add3A_43 : i32
    %mul3A_45 = arith.constant 3 : i32
    %mul3A_46 = arith.muli %add3A_44, %mul3A_45 : i32
    %dma_start3A = arith.constant 0 : i32
    %dma_start3A_47 = arith.constant 0 : i32
    %dma_start3A_48 = tpu.memref_slice %arg5[%dma_start3A, %dma_start3A_47] : memref<18x128xi32, #tpu.memory_space<vmem>> -> memref<3x128xi32, #tpu.memory_space<vmem>>
    %dma_start3A_49 = arith.constant 0 : i32
    %dma_start3A_50 = tpu.memref_slice %arg3[%mul3A_46, %dma_start3A_49] : memref<7776x128xi32, #tpu.memory_space<hbm>> -> memref<3x128xi32, #tpu.memory_space<hbm>>
    %dma_start3A_51 = arith.constant 0 : i32
    %dma_start3A_52 = arith.constant 0 : i32
    %dma_start3A_53 = tpu.memref_slice %arg5[%dma_start3A_51, %dma_start3A_52] : memref<18x128xi32, #tpu.memory_space<vmem>> -> memref<3x128xi32, #tpu.memory_space<vmem>>
    %dma_start3A_54 = arith.constant 0 : i32
    %dma_start3A_55 = tpu.memref_slice %arg3[%mul3A_46, %dma_start3A_54] : memref<7776x128xi32, #tpu.memory_space<hbm>> -> memref<3x128xi32, #tpu.memory_space<hbm>>
    tpu.enqueue_dma source(%dma_start3A_55 : memref<3x128xi32, #tpu.memory_space<hbm>>) target(%dma_start3A_53 : memref<3x128xi32, #tpu.memory_space<vmem>>) target_semaphore(%arg17 : memref<!tpu.dma_semaphore, #tpu.memory_space<semaphore_mem>>)
    %add3A_56 = arith.constant 1 : i32
    %add3A_57 = arith.addi %mul3A_42, %add3A_56 : i32
    %mul3A_58 = arith.constant 3 : i32
    %mul3A_59 = arith.muli %add3A_57, %mul3A_58 : i32
    %dma_start3A_60 = arith.constant 3 : i32
    %dma_start3A_61 = arith.constant 0 : i32
    %dma_start3A_62 = tpu.memref_slice %arg5[%dma_start3A_60, %dma_start3A_61] : memref<18x128xi32, #tpu.memory_space<vmem>> -> memref<3x128xi32, #tpu.memory_space<vmem>>
    %dma_start3A_63 = arith.constant 0 : i32
    %dma_start3A_64 = tpu.memref_slice %arg3[%mul3A_59, %dma_start3A_63] : memref<7776x128xi32, #tpu.memory_space<hbm>> -> memref<3x128xi32, #tpu.memory_space<hbm>>
    %dma_start3A_65 = arith.constant 3 : i32
    %dma_start3A_66 = arith.constant 0 : i32
    %dma_start3A_67 = tpu.memref_slice %arg5[%dma_start3A_65, %dma_start3A_66] : memref<18x128xi32, #tpu.memory_space<vmem>> -> memref<3x128xi32, #tpu.memory_space<vmem>>
    %dma_start3A_68 = arith.constant 0 : i32
    %dma_start3A_69 = tpu.memref_slice %arg3[%mul3A_59, %dma_start3A_68] : memref<7776x128xi32, #tpu.memory_space<hbm>> -> memref<3x128xi32, #tpu.memory_space<hbm>>
    tpu.enqueue_dma source(%dma_start3A_69 : memref<3x128xi32, #tpu.memory_space<hbm>>) target(%dma_start3A_67 : memref<3x128xi32, #tpu.memory_space<vmem>>) target_semaphore(%arg18 : memref<!tpu.dma_semaphore, #tpu.memory_space<semaphore_mem>>)
    %add3A_70 = arith.constant 0 : i32
    %add3A_71 = arith.addi %mul3A_42, %add3A_70 : i32
    %mul3A_72 = arith.constant 3 : i32
    %mul3A_73 = arith.muli %add3A_71, %mul3A_72 : i32
    %dma_wait3A = arith.constant 0 : i32
    %dma_wait3A_74 = arith.constant 0 : i32
    %dma_wait3A_75 = tpu.memref_slice %arg5[%dma_wait3A, %dma_wait3A_74] : memref<18x128xi32, #tpu.memory_space<vmem>> -> memref<3x128xi32, #tpu.memory_space<vmem>>
    %dma_wait3A_76 = arith.constant 0 : i32
    %dma_wait3A_77 = tpu.memref_slice %arg3[%mul3A_73, %dma_wait3A_76] : memref<7776x128xi32, #tpu.memory_space<hbm>> -> memref<3x128xi32, #tpu.memory_space<hbm>>
    %dma_wait3A_78 = arith.constant 0 : i32
    %dma_wait3A_79 = arith.constant 0 : i32
    %dma_wait3A_80 = tpu.memref_slice %arg5[%dma_wait3A_78, %dma_wait3A_79] : memref<18x128xi32, #tpu.memory_space<vmem>> -> memref<3x128xi32, #tpu.memory_space<vmem>>
    %dma_wait3A_81 = arith.constant 0 : i32
    %dma_wait3A_82 = tpu.memref_slice %arg3[%mul3A_73, %dma_wait3A_81] : memref<7776x128xi32, #tpu.memory_space<hbm>> -> memref<3x128xi32, #tpu.memory_space<hbm>>
    tpu.wait_dma2 semaphore(%arg17 : memref<!tpu.dma_semaphore, #tpu.memory_space<semaphore_mem>>) src(%dma_wait3A_82 : memref<3x128xi32, #tpu.memory_space<hbm>>) dst(%dma_wait3A_80 : memref<3x128xi32, #tpu.memory_space<vmem>>)
    %dma_start3A_83 = arith.constant 0 : i32
    %dma_start3A_84 = arith.constant 0 : i32
    %dma_start3A_85 = arith.constant 0 : i32
    %dma_start3A_86 = tpu.memref_slice %arg6[%dma_start3A_84, %dma_start3A_85] : memref<384x64xbf16, #tpu.memory_space<vmem>> -> memref<128x64xbf16, #tpu.memory_space<vmem>>
    %dma_start3A_87 = arith.constant 0 : i32
    %dma_start3A_88 = tpu.memref_slice %arg5[%dma_start3A_83, %dma_start3A_87] : memref<18x128xi32, #tpu.memory_space<vmem>> -> memref<1x128xi32, #tpu.memory_space<vmem>>
    %dma_start3A_89 = tpu.memref_squeeze %dma_start3A_88 : memref<1x128xi32, #tpu.memory_space<vmem>> -> memref<128xi32, #tpu.memory_space<vmem>>
    %dma_start3A_90 = arith.constant 0 : i32
    %dma_start3A_91 = arith.constant 0 : i32
    %dma_start3A_92 = tpu.memref_slice %arg10[%dma_start3A_90, %dma_start3A_91] : memref<10000x64xbf16, #tpu.memory_space<vmem_shared>> -> memref<10000x64xbf16, #tpu.memory_space<vmem_shared>>
    tpu.enqueue_indirect_dma source(%dma_start3A_92 : memref<10000x64xbf16, #tpu.memory_space<vmem_shared>>) target(%dma_start3A_86 : memref<128x64xbf16, #tpu.memory_space<vmem>>) offsets(%dma_start3A_89 : memref<128xi32, #tpu.memory_space<vmem>>) semaphore(%arg11 : memref<!tpu.dma_semaphore, #tpu.memory_space<semaphore_mem>>)
    %scan3A_93 = arith.constant 0 : i32
    %scan3A_94 = arith.constant 27 : i32
    %scan3A_95 = arith.addi %scan3A_93, %scan3A_94 : i32
    %scan3A_96 = arith.constant 1 : i32
    scf.for %scan3A_121 = %scan3A_93 to %scan3A_95 step %scan3A_96  : i32 {
      %mul3A_122 = arith.constant 1 : i32
      %mul3A_123 = arith.muli %scan3A_121, %mul3A_122 : i32
      %add3A_124 = arith.constant 0 : i32
      %add3A_125 = arith.addi %add3A_124, %mul3A_123 : i32
      %mul3A_126 = arith.constant 6 : i32
      %mul3A_127 = arith.muli %add3A_125, %mul3A_126 : i32
      %add3A_128 = arith.constant 0 : i32
      %add3A_129 = arith.addi %mul3A_127, %add3A_128 : i32
      %ge3A = arith.constant 2 : i32
      %ge3A_130 = arith.cmpi sge, %add3A_129, %ge3A : i32
      %convert_element_type3A = arith.extui %ge3A_130 : i1 to i32
      %cond3A = arith.constant 0 : i32
      %cond3A_131 = arith.cmpi ne, %convert_element_type3A, %cond3A : i32
      scf.if %cond3A_131 {
        %sub3A = arith.constant 2 : i32
        %sub3A_410 = arith.subi %add3A_129, %sub3A : i32
        %dma_wait3A_411 = arith.constant 13 : i32
        %dma_wait3A_412 = arith.constant 128 : i32
        %dma_wait3A_413 = arith.constant 0 : i32
        %dma_wait3A_414 = tpu.memref_slice %arg7[%dma_wait3A_412, %dma_wait3A_413] : memref<384x64xbf16, #tpu.memory_space<vmem>> -> memref<128x64xbf16, #tpu.memory_space<vmem>>
        %dma_wait3A_415 = arith.constant 0 : i32
        %dma_wait3A_416 = tpu.memref_slice %arg5[%dma_wait3A_411, %dma_wait3A_415] : memref<18x128xi32, #tpu.memory_space<vmem>> -> memref<1x128xi32, #tpu.memory_space<vmem>>
        %dma_wait3A_417 = tpu.memref_squeeze %dma_wait3A_416 : memref<1x128xi32, #tpu.memory_space<vmem>> -> memref<128xi32, #tpu.memory_space<vmem>>
        %dma_wait3A_418 = arith.constant 0 : i32
        %dma_wait3A_419 = arith.constant 0 : i32
        %dma_wait3A_420 = tpu.memref_slice %arg9[%dma_wait3A_418, %dma_wait3A_419] : memref<10000x64xbf16, #tpu.memory_space<vmem_shared>> -> memref<10000x64xbf16, #tpu.memory_space<vmem_shared>>
        tpu.wait_indirect_dma semaphore(%arg15 : memref<!tpu.dma_semaphore, #tpu.memory_space<semaphore_mem>>) src(%dma_wait3A_414 : memref<128x64xbf16, #tpu.memory_space<vmem>>) dst(%dma_wait3A_420 : memref<10000x64xbf16, #tpu.memory_space<vmem_shared>>)
      } else {
      }
      %add3A_132 = arith.constant 2 : i32
      %add3A_133 = arith.addi %add3A_129, %add3A_132 : i32
      %lt3A = arith.constant 162 : i32
      %lt3A_134 = arith.cmpi slt, %add3A_133, %lt3A : i32
      %convert_element_type3A_135 = arith.extui %lt3A_134 : i1 to i32
      %cond3A_136 = arith.constant 0 : i32
      %cond3A_137 = arith.cmpi ne, %convert_element_type3A_135, %cond3A_136 : i32
      scf.if %cond3A_137 {
        %add3A_410 = arith.constant 2 : i32
        %add3A_411 = arith.addi %add3A_129, %add3A_410 : i32
        %add3A_412 = arith.addi %mul3A_42, %add3A_411 : i32
        %mul3A_413 = arith.constant 3 : i32
        %mul3A_414 = arith.muli %add3A_412, %mul3A_413 : i32
        %dma_start3A_415 = arith.constant 6 : i32
        %dma_start3A_416 = arith.constant 0 : i32
        %dma_start3A_417 = tpu.memref_slice %arg5[%dma_start3A_415, %dma_start3A_416] : memref<18x128xi32, #tpu.memory_space<vmem>> -> memref<3x128xi32, #tpu.memory_space<vmem>>
        %dma_start3A_418 = arith.constant 0 : i32
        %dma_start3A_419 = tpu.memref_slice %arg3[%mul3A_414, %dma_start3A_418] : memref<7776x128xi32, #tpu.memory_space<hbm>> -> memref<3x128xi32, #tpu.memory_space<hbm>>
        %dma_start3A_420 = arith.constant 6 : i32
        %dma_start3A_421 = arith.constant 0 : i32
        %dma_start3A_422 = tpu.memref_slice %arg5[%dma_start3A_420, %dma_start3A_421] : memref<18x128xi32, #tpu.memory_space<vmem>> -> memref<3x128xi32, #tpu.memory_space<vmem>>
        %dma_start3A_423 = arith.constant 0 : i32
        %dma_start3A_424 = tpu.memref_slice %arg3[%mul3A_414, %dma_start3A_423] : memref<7776x128xi32, #tpu.memory_space<hbm>> -> memref<3x128xi32, #tpu.memory_space<hbm>>
        tpu.enqueue_dma source(%dma_start3A_424 : memref<3x128xi32, #tpu.memory_space<hbm>>) target(%dma_start3A_422 : memref<3x128xi32, #tpu.memory_space<vmem>>) target_semaphore(%arg19 : memref<!tpu.dma_semaphore, #tpu.memory_space<semaphore_mem>>)
      } else {
      }
      %add3A_138 = arith.constant 1 : i32
      %add3A_139 = arith.addi %add3A_129, %add3A_138 : i32
      %lt3A_140 = arith.constant 162 : i32
      %lt3A_141 = arith.cmpi slt, %add3A_139, %lt3A_140 : i32
      %convert_element_type3A_142 = arith.extui %lt3A_141 : i1 to i32
      %cond3A_143 = arith.constant 0 : i32
      %cond3A_144 = arith.cmpi ne, %convert_element_type3A_142, %cond3A_143 : i32
      scf.if %cond3A_144 {
        %add3A_410 = arith.constant 1 : i32
        %add3A_411 = arith.addi %add3A_129, %add3A_410 : i32
        %add3A_412 = arith.addi %mul3A_42, %add3A_411 : i32
        %mul3A_413 = arith.constant 3 : i32
        %mul3A_414 = arith.muli %add3A_412, %mul3A_413 : i32
        %dma_wait3A_415 = arith.constant 3 : i32
        %dma_wait3A_416 = arith.constant 0 : i32
        %dma_wait3A_417 = tpu.memref_slice %arg5[%dma_wait3A_415, %dma_wait3A_416] : memref<18x128xi32, #tpu.memory_space<vmem>> -> memref<3x128xi32, #tpu.memory_space<vmem>>
        %dma_wait3A_418 = arith.constant 0 : i32
        %dma_wait3A_419 = tpu.memref_slice %arg3[%mul3A_414, %dma_wait3A_418] : memref<7776x128xi32, #tpu.memory_space<hbm>> -> memref<3x128xi32, #tpu.memory_space<hbm>>
        %dma_wait3A_420 = arith.constant 3 : i32
        %dma_wait3A_421 = arith.constant 0 : i32
        %dma_wait3A_422 = tpu.memref_slice %arg5[%dma_wait3A_420, %dma_wait3A_421] : memref<18x128xi32, #tpu.memory_space<vmem>> -> memref<3x128xi32, #tpu.memory_space<vmem>>
        %dma_wait3A_423 = arith.constant 0 : i32
        %dma_wait3A_424 = tpu.memref_slice %arg3[%mul3A_414, %dma_wait3A_423] : memref<7776x128xi32, #tpu.memory_space<hbm>> -> memref<3x128xi32, #tpu.memory_space<hbm>>
        tpu.wait_dma2 semaphore(%arg18 : memref<!tpu.dma_semaphore, #tpu.memory_space<semaphore_mem>>) src(%dma_wait3A_424 : memref<3x128xi32, #tpu.memory_space<hbm>>) dst(%dma_wait3A_422 : memref<3x128xi32, #tpu.memory_space<vmem>>)
        %add3A_425 = arith.constant 1 : i32
        %add3A_426 = arith.addi %add3A_129, %add3A_425 : i32
        %dma_start3A_427 = arith.constant 3 : i32
        %dma_start3A_428 = arith.constant 128 : i32
        %dma_start3A_429 = arith.constant 0 : i32
        %dma_start3A_430 = tpu.memref_slice %arg6[%dma_start3A_428, %dma_start3A_429] : memref<384x64xbf16, #tpu.memory_space<vmem>> -> memref<128x64xbf16, #tpu.memory_space<vmem>>
        %dma_start3A_431 = arith.constant 0 : i32
        %dma_start3A_432 = tpu.memref_slice %arg5[%dma_start3A_427, %dma_start3A_431] : memref<18x128xi32, #tpu.memory_space<vmem>> -> memref<1x128xi32, #tpu.memory_space<vmem>>
        %dma_start3A_433 = tpu.memref_squeeze %dma_start3A_432 : memref<1x128xi32, #tpu.memory_space<vmem>> -> memref<128xi32, #tpu.memory_space<vmem>>
        %dma_start3A_434 = arith.constant 0 : i32
        %dma_start3A_435 = arith.constant 0 : i32
        %dma_start3A_436 = tpu.memref_slice %arg10[%dma_start3A_434, %dma_start3A_435] : memref<10000x64xbf16, #tpu.memory_space<vmem_shared>> -> memref<10000x64xbf16, #tpu.memory_space<vmem_shared>>
        tpu.enqueue_indirect_dma source(%dma_start3A_436 : memref<10000x64xbf16, #tpu.memory_space<vmem_shared>>) target(%dma_start3A_430 : memref<128x64xbf16, #tpu.memory_space<vmem>>) offsets(%dma_start3A_433 : memref<128xi32, #tpu.memory_space<vmem>>) semaphore(%arg12 : memref<!tpu.dma_semaphore, #tpu.memory_space<semaphore_mem>>)
      } else {
      }
      %dma_wait3A_145 = arith.constant 0 : i32
      %dma_wait3A_146 = arith.constant 0 : i32
      %dma_wait3A_147 = arith.constant 0 : i32
      %dma_wait3A_148 = tpu.memref_slice %arg6[%dma_wait3A_146, %dma_wait3A_147] : memref<384x64xbf16, #tpu.memory_space<vmem>> -> memref<128x64xbf16, #tpu.memory_space<vmem>>
      %dma_wait3A_149 = arith.constant 0 : i32
      %dma_wait3A_150 = tpu.memref_slice %arg5[%dma_wait3A_145, %dma_wait3A_149] : memref<18x128xi32, #tpu.memory_space<vmem>> -> memref<1x128xi32, #tpu.memory_space<vmem>>
      %dma_wait3A_151 = tpu.memref_squeeze %dma_wait3A_150 : memref<1x128xi32, #tpu.memory_space<vmem>> -> memref<128xi32, #tpu.memory_space<vmem>>
      %dma_wait3A_152 = arith.constant 0 : i32
      %dma_wait3A_153 = arith.constant 0 : i32
      %dma_wait3A_154 = tpu.memref_slice %arg10[%dma_wait3A_152, %dma_wait3A_153] : memref<10000x64xbf16, #tpu.memory_space<vmem_shared>> -> memref<10000x64xbf16, #tpu.memory_space<vmem_shared>>
      tpu.wait_indirect_dma semaphore(%arg11 : memref<!tpu.dma_semaphore, #tpu.memory_space<semaphore_mem>>) src(%dma_wait3A_154 : memref<10000x64xbf16, #tpu.memory_space<vmem_shared>>) dst(%dma_wait3A_148 : memref<128x64xbf16, #tpu.memory_space<vmem>>)
      %scan3A_155 = arith.constant 0 : i32
      %scan3A_156 = arith.constant 8 : i32
      %scan3A_157 = arith.addi %scan3A_155, %scan3A_156 : i32
      %scan3A_158 = arith.constant 1 : i32
      scf.for %scan3A_410 = %scan3A_155 to %scan3A_157 step %scan3A_158  : i32 {
        %mul3A_411 = arith.constant 1 : i32
        %mul3A_412 = arith.muli %scan3A_410, %mul3A_411 : i32
        %add3A_413 = arith.constant 0 : i32
        %add3A_414 = arith.addi %add3A_413, %mul3A_412 : i32
        %mul3A_415 = arith.constant 16 : i32
        %mul3A_416 = arith.muli %add3A_414, %mul3A_415 : i32
        %get3A = arith.constant 2 : i32
        %get3A_417 = arith.index_cast %get3A : i32 to index
        %get3A_418 = arith.index_cast %mul3A_416 : i32 to index
        %get3A_419 = tpu.vector_load %arg5[%get3A_417, %get3A_418] {strides = array<i32>} : memref<18x128xi32, #tpu.memory_space<vmem>>, vector<16xi32>,
        %bitcast3A = vector.bitcast %get3A_419 : vector<16xi32> to vector<16xf32>
        %mul3A_420 = arith.constant 16 : i32
        %mul3A_421 = arith.muli %add3A_414, %mul3A_420 : i32
        %add3A_422 = arith.constant 0 : i32
        %add3A_423 = arith.addi %add3A_422, %mul3A_421 : i32
        %broadcast_in_dim3A = arith.constant 0 : i32
        %broadcast_in_dim3A_424 = vector.broadcast %broadcast_in_dim3A : i32 to vector<16x1xi32>
        %gather3A = vector.shape_cast %broadcast_in_dim3A_424 : vector<16x1xi32> to vector<16xi32>
        %gather3A_425 = tpu.dynamic_gather %bitcast3A[%gather3A] in [0] : vector<16xf32>, vector<16xi32> -> vector<16xf32>
        %pack3A = tpu.pack_subelements %gather3A_425, %gather3A_425 {pack_format = #tpu.pack_format<interleaved>, positions = array<i32: 0, 1>} : vector<16xf32>, vector<16xf32> -> vector<32xbf16>
        %add3A_426 = arith.constant 0 : i32
        %add3A_427 = arith.addi %add3A_423, %add3A_426 : i32
        %get3A_428 = arith.index_cast %add3A_427 : i32 to index
        %get3A_429 = arith.constant 0 : index
        %get3A_430 = tpu.vector_load %arg6[%get3A_428, %get3A_429] {strides = array<i32>} : memref<384x64xbf16, #tpu.memory_space<vmem>>, vector<32xbf16>,
        %mul3A_431 = arith.mulf %get3A_430, %pack3A : vector<32xbf16>
        %add3A_432 = arith.constant 0 : i32
        %add3A_433 = arith.addi %add3A_423, %add3A_432 : i32
        %swap3A = arith.index_cast %add3A_433 : i32 to index
        %swap3A_434 = arith.constant 0 : index
        %swap3A_435 = tpu.vector_load %arg7[%swap3A, %swap3A_434] {strides = array<i32>} : memref<384x64xbf16, #tpu.memory_space<vmem>>, vector<32xbf16>,
        tpu.vector_store %arg7[%swap3A, %swap3A_434], %mul3A_431 {strides = array<i32>} : memref<384x64xbf16, #tpu.memory_space<vmem>>, vector<32xbf16>,
        %add3A_436 = arith.constant 0 : i32
        %add3A_437 = arith.addi %add3A_423, %add3A_436 : i32
        %get3A_438 = arith.index_cast %add3A_437 : i32 to index
        %get3A_439 = arith.constant 32 : index
        %get3A_440 = tpu.vector_load %arg6[%get3A_438, %get3A_439] {strides = array<i32>} : memref<384x64xbf16, #tpu.memory_space<vmem>>, vector<32xbf16>,
        %mul3A_441 = arith.mulf %get3A_440, %pack3A : vector<32xbf16>
        %add3A_442 = arith.constant 0 : i32
        %add3A_443 = arith.addi %add3A_423, %add3A_442 : i32
        %swap3A_444 = arith.index_cast %add3A_443 : i32 to index
        %swap3A_445 = arith.constant 32 : index
        %swap3A_446 = tpu.vector_load %arg7[%swap3A_444, %swap3A_445] {strides = array<i32>} : memref<384x64xbf16, #tpu.memory_space<vmem>>, vector<32xbf16>,
        tpu.vector_store %arg7[%swap3A_444, %swap3A_445], %mul3A_441 {strides = array<i32>} : memref<384x64xbf16, #tpu.memory_space<vmem>>, vector<32xbf16>,
        %broadcast_in_dim3A_447 = arith.constant 1 : i32
        %broadcast_in_dim3A_448 = vector.broadcast %broadcast_in_dim3A_447 : i32 to vector<16x1xi32>
        %gather3A_449 = vector.shape_cast %broadcast_in_dim3A_448 : vector<16x1xi32> to vector<16xi32>
        %gather3A_450 = tpu.dynamic_gather %bitcast3A[%gather3A_449] in [0] : vector<16xf32>, vector<16xi32> -> vector<16xf32>
        %pack3A_451 = tpu.pack_subelements %gather3A_450, %gather3A_450 {pack_format = #tpu.pack_format<interleaved>, positions = array<i32: 0, 1>} : vector<16xf32>, vector<16xf32> -> vector<32xbf16>
        %add3A_452 = arith.constant 1 : i32
        %add3A_453 = arith.addi %add3A_423, %add3A_452 : i32
        %get3A_454 = arith.index_cast %add3A_453 : i32 to index
        %get3A_455 = arith.constant 0 : index
        %get3A_456 = tpu.vector_load %arg6[%get3A_454, %get3A_455] {strides = array<i32>} : memref<384x64xbf16, #tpu.memory_space<vmem>>, vector<32xbf16>,
        %mul3A_457 = arith.mulf %get3A_456, %pack3A_451 : vector<32xbf16>
        %add3A_458 = arith.constant 1 : i32
        %add3A_459 = arith.addi %add3A_423, %add3A_458 : i32
        %swap3A_460 = arith.index_cast %add3A_459 : i32 to index
        %swap3A_461 = arith.constant 0 : index
        %swap3A_462 = tpu.vector_load %arg7[%swap3A_460, %swap3A_461] {strides = array<i32>} : memref<384x64xbf16, #tpu.memory_space<vmem>>, vector<32xbf16>,
        tpu.vector_store %arg7[%swap3A_460, %swap3A_461], %mul3A_457 {strides = array<i32>} : memref<384x64xbf16, #tpu.memory_space<vmem>>, vector<32xbf16>,
        %add3A_463 = arith.constant 1 : i32
        %add3A_464 = arith.addi %add3A_423, %add3A_463 : i32
        %get3A_465 = arith.index_cast %add3A_464 : i32 to index
        %get3A_466 = arith.constant 32 : index
        %get3A_467 = tpu.vector_load %arg6[%get3A_465, %get3A_466] {strides = array<i32>} : memref<384x64xbf16, #tpu.memory_space<vmem>>, vector<32xbf16>,
        %mul3A_468 = arith.mulf %get3A_467, %pack3A_451 : vector<32xbf16>
        %add3A_469 = arith.constant 1 : i32
        %add3A_470 = arith.addi %add3A_423, %add3A_469 : i32
        %swap3A_471 = arith.index_cast %add3A_470 : i32 to index
        %swap3A_472 = arith.constant 32 : index
        %swap3A_473 = tpu.vector_load %arg7[%swap3A_471, %swap3A_472] {strides = array<i32>} : memref<384x64xbf16, #tpu.memory_space<vmem>>, vector<32xbf16>,
        tpu.vector_store %arg7[%swap3A_471, %swap3A_472], %mul3A_468 {strides = array<i32>} : memref<384x64xbf16, #tpu.memory_space<vmem>>, vector<32xbf16>,
        %broadcast_in_dim3A_474 = arith.constant 2 : i32
        %broadcast_in_dim3A_475 = vector.broadcast %broadcast_in_dim3A_474 : i32 to vector<16x1xi32>
        %gather3A_476 = vector.shape_cast %broadcast_in_dim3A_475 : vector<16x1xi32> to vector<16xi32>
        %gather3A_477 = tpu.dynamic_gather %bitcast3A[%gather3A_476] in [0] : vector<16xf32>, vector<16xi32> -> vector<16xf32>
        %pack3A_478 = tpu.pack_subelements %gather3A_477, %gather3A_477 {pack_format = #tpu.pack_format<interleaved>, positions = array<i32: 0, 1>} : vector<16xf32>, vector<16xf32> -> vector<32xbf16>
        %add3A_479 = arith.constant 2 : i32
        %add3A_480 = arith.addi %add3A_423, %add3A_479 : i32
        %get3A_481 = arith.index_cast %add3A_480 : i32 to index
        %get3A_482 = arith.constant 0 : index
        %get3A_483 = tpu.vector_load %arg6[%get3A_481, %get3A_482] {strides = array<i32>} : memref<384x64xbf16, #tpu.memory_space<vmem>>, vector<32xbf16>,
        %mul3A_484 = arith.mulf %get3A_483, %pack3A_478 : vector<32xbf16>
        %add3A_485 = arith.constant 2 : i32
        %add3A_486 = arith.addi %add3A_423, %add3A_485 : i32
        %swap3A_487 = arith.index_cast %add3A_486 : i32 to index
        %swap3A_488 = arith.constant 0 : index
        %swap3A_489 = tpu.vector_load %arg7[%swap3A_487, %swap3A_488] {strides = array<i32>} : memref<384x64xbf16, #tpu.memory_space<vmem>>, vector<32xbf16>,
        tpu.vector_store %arg7[%swap3A_487, %swap3A_488], %mul3A_484 {strides = array<i32>} : memref<384x64xbf16, #tpu.memory_space<vmem>>, vector<32xbf16>,
        %add3A_490 = arith.constant 2 : i32
        %add3A_491 = arith.addi %add3A_423, %add3A_490 : i32
        %get3A_492 = arith.index_cast %add3A_491 : i32 to index
        %get3A_493 = arith.constant 32 : index
        %get3A_494 = tpu.vector_load %arg6[%get3A_492, %get3A_493] {strides = array<i32>} : memref<384x64xbf16, #tpu.memory_space<vmem>>, vector<32xbf16>,
        %mul3A_495 = arith.mulf %get3A_494, %pack3A_478 : vector<32xbf16>
        %add3A_496 = arith.constant 2 : i32
        %add3A_497 = arith.addi %add3A_423, %add3A_496 : i32
        %swap3A_498 = arith.index_cast %add3A_497 : i32 to index
        %swap3A_499 = arith.constant 32 : index
        %swap3A_500 = tpu.vector_load %arg7[%swap3A_498, %swap3A_499] {strides = array<i32>} : memref<384x64xbf16, #tpu.memory_space<vmem>>, vector<32xbf16>,
        tpu.vector_store %arg7[%swap3A_498, %swap3A_499], %mul3A_495 {strides = array<i32>} : memref<384x64xbf16, #tpu.memory_space<vmem>>, vector<32xbf16>,
        %broadcast_in_dim3A_501 = arith.constant 3 : i32
        %broadcast_in_dim3A_502 = vector.broadcast %broadcast_in_dim3A_501 : i32 to vector<16x1xi32>
        %gather3A_503 = vector.shape_cast %broadcast_in_dim3A_502 : vector<16x1xi32> to vector<16xi32>
        %gather3A_504 = tpu.dynamic_gather %bitcast3A[%gather3A_503] in [0] : vector<16xf32>, vector<16xi32> -> vector<16xf32>
        %pack3A_505 = tpu.pack_subelements %gather3A_504, %gather3A_504 {pack_format = #tpu.pack_format<interleaved>, positions = array<i32: 0, 1>} : vector<16xf32>, vector<16xf32> -> vector<32xbf16>
        %add3A_506 = arith.constant 3 : i32
        %add3A_507 = arith.addi %add3A_423, %add3A_506 : i32
        %get3A_508 = arith.index_cast %add3A_507 : i32 to index
        %get3A_509 = arith.constant 0 : index
        %get3A_510 = tpu.vector_load %arg6[%get3A_508, %get3A_509] {strides = array<i32>} : memref<384x64xbf16, #tpu.memory_space<vmem>>, vector<32xbf16>,
        %mul3A_511 = arith.mulf %get3A_510, %pack3A_505 : vector<32xbf16>
        %add3A_512 = arith.constant 3 : i32
        %add3A_513 = arith.addi %add3A_423, %add3A_512 : i32
        %swap3A_514 = arith.index_cast %add3A_513 : i32 to index
        %swap3A_515 = arith.constant 0 : index
        %swap3A_516 = tpu.vector_load %arg7[%swap3A_514, %swap3A_515] {strides = array<i32>} : memref<384x64xbf16, #tpu.memory_space<vmem>>, vector<32xbf16>,
        tpu.vector_store %arg7[%swap3A_514, %swap3A_515], %mul3A_511 {strides = array<i32>} : memref<384x64xbf16, #tpu.memory_space<vmem>>, vector<32xbf16>,
        %add3A_517 = arith.constant 3 : i32
        %add3A_518 = arith.addi %add3A_423, %add3A_517 : i32
        %get3A_519 = arith.index_cast %add3A_518 : i32 to index
        %get3A_520 = arith.constant 32 : index
        %get3A_521 = tpu.vector_load %arg6[%get3A_519, %get3A_520] {strides = array<i32>} : memref<384x64xbf16, #tpu.memory_space<vmem>>, vector<32xbf16>,
        %mul3A_522 = arith.mulf %get3A_521, %pack3A_505 : vector<32xbf16>
        %add3A_523 = arith.constant 3 : i32
        %add3A_524 = arith.addi %add3A_423, %add3A_523 : i32
        %swap3A_525 = arith.index_cast %add3A_524 : i32 to index
        %swap3A_526 = arith.constant 32 : index
        %swap3A_527 = tpu.vector_load %arg7[%swap3A_525, %swap3A_526] {strides = array<i32>} : memref<384x64xbf16, #tpu.memory_space<vmem>>, vector<32xbf16>,
        tpu.vector_store %arg7[%swap3A_525, %swap3A_526], %mul3A_522 {strides = array<i32>} : memref<384x64xbf16, #tpu.memory_space<vmem>>, vector<32xbf16>,
        %broadcast_in_dim3A_528 = arith.constant 4 : i32
        %broadcast_in_dim3A_529 = vector.broadcast %broadcast_in_dim3A_528 : i32 to vector<16x1xi32>
        %gather3A_530 = vector.shape_cast %broadcast_in_dim3A_529 : vector<16x1xi32> to vector<16xi32>
        %gather3A_531 = tpu.dynamic_gather %bitcast3A[%gather3A_530] in [0] : vector<16xf32>, vector<16xi32> -> vector<16xf32>
        %pack3A_532 = tpu.pack_subelements %gather3A_531, %gather3A_531 {pack_format = #tpu.pack_format<interleaved>, positions = array<i32: 0, 1>} : vector<16xf32>, vector<16xf32> -> vector<32xbf16>
        %add3A_533 = arith.constant 4 : i32
        %add3A_534 = arith.addi %add3A_423, %add3A_533 : i32
        %get3A_535 = arith.index_cast %add3A_534 : i32 to index
        %get3A_536 = arith.constant 0 : index
        %get3A_537 = tpu.vector_load %arg6[%get3A_535, %get3A_536] {strides = array<i32>} : memref<384x64xbf16, #tpu.memory_space<vmem>>, vector<32xbf16>,
        %mul3A_538 = arith.mulf %get3A_537, %pack3A_532 : vector<32xbf16>
        %add3A_539 = arith.constant 4 : i32
        %add3A_540 = arith.addi %add3A_423, %add3A_539 : i32
        %swap3A_541 = arith.index_cast %add3A_540 : i32 to index
        %swap3A_542 = arith.constant 0 : index
        %swap3A_543 = tpu.vector_load %arg7[%swap3A_541, %swap3A_542] {strides = array<i32>} : memref<384x64xbf16, #tpu.memory_space<vmem>>, vector<32xbf16>,
        tpu.vector_store %arg7[%swap3A_541, %swap3A_542], %mul3A_538 {strides = array<i32>} : memref<384x64xbf16, #tpu.memory_space<vmem>>, vector<32xbf16>,
        %add3A_544 = arith.constant 4 : i32
        %add3A_545 = arith.addi %add3A_423, %add3A_544 : i32
        %get3A_546 = arith.index_cast %add3A_545 : i32 to index
        %get3A_547 = arith.constant 32 : index
        %get3A_548 = tpu.vector_load %arg6[%get3A_546, %get3A_547] {strides = array<i32>} : memref<384x64xbf16, #tpu.memory_space<vmem>>, vector<32xbf16>,
        %mul3A_549 = arith.mulf %get3A_548, %pack3A_532 : vector<32xbf16>
        %add3A_550 = arith.constant 4 : i32
        %add3A_551 = arith.addi %add3A_423, %add3A_550 : i32
        %swap3A_552 = arith.index_cast %add3A_551 : i32 to index
        %swap3A_553 = arith.constant 32 : index
        %swap3A_554 = tpu.vector_load %arg7[%swap3A_552, %swap3A_553] {strides = array<i32>} : memref<384x64xbf16, #tpu.memory_space<vmem>>, vector<32xbf16>,
        tpu.vector_store %arg7[%swap3A_552, %swap3A_553], %mul3A_549 {strides = array<i32>} : memref<384x64xbf16, #tpu.memory_space<vmem>>, vector<32xbf16>,
        %broadcast_in_dim3A_555 = arith.constant 5 : i32
        %broadcast_in_dim3A_556 = vector.broadcast %broadcast_in_dim3A_555 : i32 to vector<16x1xi32>
        %gather3A_557 = vector.shape_cast %broadcast_in_dim3A_556 : vector<16x1xi32> to vector<16xi32>
        %gather3A_558 = tpu.dynamic_gather %bitcast3A[%gather3A_557] in [0] : vector<16xf32>, vector<16xi32> -> vector<16xf32>
        %pack3A_559 = tpu.pack_subelements %gather3A_558, %gather3A_558 {pack_format = #tpu.pack_format<interleaved>, positions = array<i32: 0, 1>} : vector<16xf32>, vector<16xf32> -> vector<32xbf16>
        %add3A_560 = arith.constant 5 : i32
        %add3A_561 = arith.addi %add3A_423, %add3A_560 : i32
        %get3A_562 = arith.index_cast %add3A_561 : i32 to index
        %get3A_563 = arith.constant 0 : index
        %get3A_564 = tpu.vector_load %arg6[%get3A_562, %get3A_563] {strides = array<i32>} : memref<384x64xbf16, #tpu.memory_space<vmem>>, vector<32xbf16>,
        %mul3A_565 = arith.mulf %get3A_564, %pack3A_559 : vector<32xbf16>
        %add3A_566 = arith.constant 5 : i32
        %add3A_567 = arith.addi %add3A_423, %add3A_566 : i32
        %swap3A_568 = arith.index_cast %add3A_567 : i32 to index
        %swap3A_569 = arith.constant 0 : index
        %swap3A_570 = tpu.vector_load %arg7[%swap3A_568, %swap3A_569] {strides = array<i32>} : memref<384x64xbf16, #tpu.memory_space<vmem>>, vector<32xbf16>,
        tpu.vector_store %arg7[%swap3A_568, %swap3A_569], %mul3A_565 {strides = array<i32>} : memref<384x64xbf16, #tpu.memory_space<vmem>>, vector<32xbf16>,
        %add3A_571 = arith.constant 5 : i32
        %add3A_572 = arith.addi %add3A_423, %add3A_571 : i32
        %get3A_573 = arith.index_cast %add3A_572 : i32 to index
        %get3A_574 = arith.constant 32 : index
        %get3A_575 = tpu.vector_load %arg6[%get3A_573, %get3A_574] {strides = array<i32>} : memref<384x64xbf16, #tpu.memory_space<vmem>>, vector<32xbf16>,
        %mul3A_576 = arith.mulf %get3A_575, %pack3A_559 : vector<32xbf16>
        %add3A_577 = arith.constant 5 : i32
        %add3A_578 = arith.addi %add3A_423, %add3A_577 : i32
        %swap3A_579 = arith.index_cast %add3A_578 : i32 to index
        %swap3A_580 = arith.constant 32 : index
        %swap3A_581 = tpu.vector_load %arg7[%swap3A_579, %swap3A_580] {strides = array<i32>} : memref<384x64xbf16, #tpu.memory_space<vmem>>, vector<32xbf16>,
        tpu.vector_store %arg7[%swap3A_579, %swap3A_580], %mul3A_576 {strides = array<i32>} : memref<384x64xbf16, #tpu.memory_space<vmem>>, vector<32xbf16>,
        %broadcast_in_dim3A_582 = arith.constant 6 : i32
        %broadcast_in_dim3A_583 = vector.broadcast %broadcast_in_dim3A_582 : i32 to vector<16x1xi32>
        %gather3A_584 = vector.shape_cast %broadcast_in_dim3A_583 : vector<16x1xi32> to vector<16xi32>
        %gather3A_585 = tpu.dynamic_gather %bitcast3A[%gather3A_584] in [0] : vector<16xf32>, vector<16xi32> -> vector<16xf32>
        %pack3A_586 = tpu.pack_subelements %gather3A_585, %gather3A_585 {pack_format = #tpu.pack_format<interleaved>, positions = array<i32: 0, 1>} : vector<16xf32>, vector<16xf32> -> vector<32xbf16>
        %add3A_587 = arith.constant 6 : i32
        %add3A_588 = arith.addi %add3A_423, %add3A_587 : i32
        %get3A_589 = arith.index_cast %add3A_588 : i32 to index
        %get3A_590 = arith.constant 0 : index
        %get3A_591 = tpu.vector_load %arg6[%get3A_589, %get3A_590] {strides = array<i32>} : memref<384x64xbf16, #tpu.memory_space<vmem>>, vector<32xbf16>,
        %mul3A_592 = arith.mulf %get3A_591, %pack3A_586 : vector<32xbf16>
        %add3A_593 = arith.constant 6 : i32
        %add3A_594 = arith.addi %add3A_423, %add3A_593 : i32
        %swap3A_595 = arith.index_cast %add3A_594 : i32 to index
        %swap3A_596 = arith.constant 0 : index
        %swap3A_597 = tpu.vector_load %arg7[%swap3A_595, %swap3A_596] {strides = array<i32>} : memref<384x64xbf16, #tpu.memory_space<vmem>>, vector<32xbf16>,
        tpu.vector_store %arg7[%swap3A_595, %swap3A_596], %mul3A_592 {strides = array<i32>} : memref<384x64xbf16, #tpu.memory_space<vmem>>, vector<32xbf16>,
        %add3A_598 = arith.constant 6 : i32
        %add3A_599 = arith.addi %add3A_423, %add3A_598 : i32
        %get3A_600 = arith.index_cast %add3A_599 : i32 to index
        %get3A_601 = arith.constant 32 : index
        %get3A_602 = tpu.vector_load %arg6[%get3A_600, %get3A_601] {strides = array<i32>} : memref<384x64xbf16, #tpu.memory_space<vmem>>, vector<32xbf16>,
        %mul3A_603 = arith.mulf %get3A_602, %pack3A_586 : vector<32xbf16>
        %add3A_604 = arith.constant 6 : i32
        %add3A_605 = arith.addi %add3A_423, %add3A_604 : i32
        %swap3A_606 = arith.index_cast %add3A_605 : i32 to index
        %swap3A_607 = arith.constant 32 : index
        %swap3A_608 = tpu.vector_load %arg7[%swap3A_606, %swap3A_607] {strides = array<i32>} : memref<384x64xbf16, #tpu.memory_space<vmem>>, vector<32xbf16>,
        tpu.vector_store %arg7[%swap3A_606, %swap3A_607], %mul3A_603 {strides = array<i32>} : memref<384x64xbf16, #tpu.memory_space<vmem>>, vector<32xbf16>,
        %broadcast_in_dim3A_609 = arith.constant 7 : i32
        %broadcast_in_dim3A_610 = vector.broadcast %broadcast_in_dim3A_609 : i32 to vector<16x1xi32>
        %gather3A_611 = vector.shape_cast %broadcast_in_dim3A_610 : vector<16x1xi32> to vector<16xi32>
        %gather3A_612 = tpu.dynamic_gather %bitcast3A[%gather3A_611] in [0] : vector<16xf32>, vector<16xi32> -> vector<16xf32>
        %pack3A_613 = tpu.pack_subelements %gather3A_612, %gather3A_612 {pack_format = #tpu.pack_format<interleaved>, positions = array<i32: 0, 1>} : vector<16xf32>, vector<16xf32> -> vector<32xbf16>
        %add3A_614 = arith.constant 7 : i32
        %add3A_615 = arith.addi %add3A_423, %add3A_614 : i32
        %get3A_616 = arith.index_cast %add3A_615 : i32 to index
        %get3A_617 = arith.constant 0 : index
        %get3A_618 = tpu.vector_load %arg6[%get3A_616, %get3A_617] {strides = array<i32>} : memref<384x64xbf16, #tpu.memory_space<vmem>>, vector<32xbf16>,
        %mul3A_619 = arith.mulf %get3A_618, %pack3A_613 : vector<32xbf16>
        %add3A_620 = arith.constant 7 : i32
        %add3A_621 = arith.addi %add3A_423, %add3A_620 : i32
        %swap3A_622 = arith.index_cast %add3A_621 : i32 to index
        %swap3A_623 = arith.constant 0 : index
        %swap3A_624 = tpu.vector_load %arg7[%swap3A_622, %swap3A_623] {strides = array<i32>} : memref<384x64xbf16, #tpu.memory_space<vmem>>, vector<32xbf16>,
        tpu.vector_store %arg7[%swap3A_622, %swap3A_623], %mul3A_619 {strides = array<i32>} : memref<384x64xbf16, #tpu.memory_space<vmem>>, vector<32xbf16>,
        %add3A_625 = arith.constant 7 : i32
        %add3A_626 = arith.addi %add3A_423, %add3A_625 : i32
        %get3A_627 = arith.index_cast %add3A_626 : i32 to index
        %get3A_628 = arith.constant 32 : index
        %get3A_629 = tpu.vector_load %arg6[%get3A_627, %get3A_628] {strides = array<i32>} : memref<384x64xbf16, #tpu.memory_space<vmem>>, vector<32xbf16>,
        %mul3A_630 = arith.mulf %get3A_629, %pack3A_613 : vector<32xbf16>
        %add3A_631 = arith.constant 7 : i32
        %add3A_632 = arith.addi %add3A_423, %add3A_631 : i32
        %swap3A_633 = arith.index_cast %add3A_632 : i32 to index
        %swap3A_634 = arith.constant 32 : index
        %swap3A_635 = tpu.vector_load %arg7[%swap3A_633, %swap3A_634] {strides = array<i32>} : memref<384x64xbf16, #tpu.memory_space<vmem>>, vector<32xbf16>,
        tpu.vector_store %arg7[%swap3A_633, %swap3A_634], %mul3A_630 {strides = array<i32>} : memref<384x64xbf16, #tpu.memory_space<vmem>>, vector<32xbf16>,
        %broadcast_in_dim3A_636 = arith.constant 8 : i32
        %broadcast_in_dim3A_637 = vector.broadcast %broadcast_in_dim3A_636 : i32 to vector<16x1xi32>
        %gather3A_638 = vector.shape_cast %broadcast_in_dim3A_637 : vector<16x1xi32> to vector<16xi32>
        %gather3A_639 = tpu.dynamic_gather %bitcast3A[%gather3A_638] in [0] : vector<16xf32>, vector<16xi32> -> vector<16xf32>
        %pack3A_640 = tpu.pack_subelements %gather3A_639, %gather3A_639 {pack_format = #tpu.pack_format<interleaved>, positions = array<i32: 0, 1>} : vector<16xf32>, vector<16xf32> -> vector<32xbf16>
        %add3A_641 = arith.constant 8 : i32
        %add3A_642 = arith.addi %add3A_423, %add3A_641 : i32
        %get3A_643 = arith.index_cast %add3A_642 : i32 to index
        %get3A_644 = arith.constant 0 : index
        %get3A_645 = tpu.vector_load %arg6[%get3A_643, %get3A_644] {strides = array<i32>} : memref<384x64xbf16, #tpu.memory_space<vmem>>, vector<32xbf16>,
        %mul3A_646 = arith.mulf %get3A_645, %pack3A_640 : vector<32xbf16>
        %add3A_647 = arith.constant 8 : i32
        %add3A_648 = arith.addi %add3A_423, %add3A_647 : i32
        %swap3A_649 = arith.index_cast %add3A_648 : i32 to index
        %swap3A_650 = arith.constant 0 : index
        %swap3A_651 = tpu.vector_load %arg7[%swap3A_649, %swap3A_650] {strides = array<i32>} : memref<384x64xbf16, #tpu.memory_space<vmem>>, vector<32xbf16>,
        tpu.vector_store %arg7[%swap3A_649, %swap3A_650], %mul3A_646 {strides = array<i32>} : memref<384x64xbf16, #tpu.memory_space<vmem>>, vector<32xbf16>,
        %add3A_652 = arith.constant 8 : i32
        %add3A_653 = arith.addi %add3A_423, %add3A_652 : i32
        %get3A_654 = arith.index_cast %add3A_653 : i32 to index
        %get3A_655 = arith.constant 32 : index
        %get3A_656 = tpu.vector_load %arg6[%get3A_654, %get3A_655] {strides = array<i32>} : memref<384x64xbf16, #tpu.memory_space<vmem>>, vector<32xbf16>,
        %mul3A_657 = arith.mulf %get3A_656, %pack3A_640 : vector<32xbf16>
        %add3A_658 = arith.constant 8 : i32
        %add3A_659 = arith.addi %add3A_423, %add3A_658 : i32
        %swap3A_660 = arith.index_cast %add3A_659 : i32 to index
        %swap3A_661 = arith.constant 32 : index
        %swap3A_662 = tpu.vector_load %arg7[%swap3A_660, %swap3A_661] {strides = array<i32>} : memref<384x64xbf16, #tpu.memory_space<vmem>>, vector<32xbf16>,
        tpu.vector_store %arg7[%swap3A_660, %swap3A_661], %mul3A_657 {strides = array<i32>} : memref<384x64xbf16, #tpu.memory_space<vmem>>, vector<32xbf16>,
        %broadcast_in_dim3A_663 = arith.constant 9 : i32
        %broadcast_in_dim3A_664 = vector.broadcast %broadcast_in_dim3A_663 : i32 to vector<16x1xi32>
        %gather3A_665 = vector.shape_cast %broadcast_in_dim3A_664 : vector<16x1xi32> to vector<16xi32>
        %gather3A_666 = tpu.dynamic_gather %bitcast3A[%gather3A_665] in [0] : vector<16xf32>, vector<16xi32> -> vector<16xf32>
        %pack3A_667 = tpu.pack_subelements %gather3A_666, %gather3A_666 {pack_format = #tpu.pack_format<interleaved>, positions = array<i32: 0, 1>} : vector<16xf32>, vector<16xf32> -> vector<32xbf16>
        %add3A_668 = arith.constant 9 : i32
        %add3A_669 = arith.addi %add3A_423, %add3A_668 : i32
        %get3A_670 = arith.index_cast %add3A_669 : i32 to index
        %get3A_671 = arith.constant 0 : index
        %get3A_672 = tpu.vector_load %arg6[%get3A_670, %get3A_671] {strides = array<i32>} : memref<384x64xbf16, #tpu.memory_space<vmem>>, vector<32xbf16>,
        %mul3A_673 = arith.mulf %get3A_672, %pack3A_667 : vector<32xbf16>
        %add3A_674 = arith.constant 9 : i32
        %add3A_675 = arith.addi %add3A_423, %add3A_674 : i32
        %swap3A_676 = arith.index_cast %add3A_675 : i32 to index
        %swap3A_677 = arith.constant 0 : index
        %swap3A_678 = tpu.vector_load %arg7[%swap3A_676, %swap3A_677] {strides = array<i32>} : memref<384x64xbf16, #tpu.memory_space<vmem>>, vector<32xbf16>,
        tpu.vector_store %arg7[%swap3A_676, %swap3A_677], %mul3A_673 {strides = array<i32>} : memref<384x64xbf16, #tpu.memory_space<vmem>>, vector<32xbf16>,
        %add3A_679 = arith.constant 9 : i32
        %add3A_680 = arith.addi %add3A_423, %add3A_679 : i32
        %get3A_681 = arith.index_cast %add3A_680 : i32 to index
        %get3A_682 = arith.constant 32 : index
        %get3A_683 = tpu.vector_load %arg6[%get3A_681, %get3A_682] {strides = array<i32>} : memref<384x64xbf16, #tpu.memory_space<vmem>>, vector<32xbf16>,
        %mul3A_684 = arith.mulf %get3A_683, %pack3A_667 : vector<32xbf16>
        %add3A_685 = arith.constant 9 : i32
        %add3A_686 = arith.addi %add3A_423, %add3A_685 : i32
        %swap3A_687 = arith.index_cast %add3A_686 : i32 to index
        %swap3A_688 = arith.constant 32 : index
        %swap3A_689 = tpu.vector_load %arg7[%swap3A_687, %swap3A_688] {strides = array<i32>} : memref<384x64xbf16, #tpu.memory_space<vmem>>, vector<32xbf16>,
        tpu.vector_store %arg7[%swap3A_687, %swap3A_688], %mul3A_684 {strides = array<i32>} : memref<384x64xbf16, #tpu.memory_space<vmem>>, vector<32xbf16>,
        %broadcast_in_dim3A_690 = arith.constant 10 : i32
        %broadcast_in_dim3A_691 = vector.broadcast %broadcast_in_dim3A_690 : i32 to vector<16x1xi32>
        %gather3A_692 = vector.shape_cast %broadcast_in_dim3A_691 : vector<16x1xi32> to vector<16xi32>
        %gather3A_693 = tpu.dynamic_gather %bitcast3A[%gather3A_692] in [0] : vector<16xf32>, vector<16xi32> -> vector<16xf32>
        %pack3A_694 = tpu.pack_subelements %gather3A_693, %gather3A_693 {pack_format = #tpu.pack_format<interleaved>, positions = array<i32: 0, 1>} : vector<16xf32>, vector<16xf32> -> vector<32xbf16>
        %add3A_695 = arith.constant 10 : i32
        %add3A_696 = arith.addi %add3A_423, %add3A_695 : i32
        %get3A_697 = arith.index_cast %add3A_696 : i32 to index
        %get3A_698 = arith.constant 0 : index
        %get3A_699 = tpu.vector_load %arg6[%get3A_697, %get3A_698] {strides = array<i32>} : memref<384x64xbf16, #tpu.memory_space<vmem>>, vector<32xbf16>,
        %mul3A_700 = arith.mulf %get3A_699, %pack3A_694 : vector<32xbf16>
        %add3A_701 = arith.constant 10 : i32
        %add3A_702 = arith.addi %add3A_423, %add3A_701 : i32
        %swap3A_703 = arith.index_cast %add3A_702 : i32 to index
        %swap3A_704 = arith.constant 0 : index
        %swap3A_705 = tpu.vector_load %arg7[%swap3A_703, %swap3A_704] {strides = array<i32>} : memref<384x64xbf16, #tpu.memory_space<vmem>>, vector<32xbf16>,
        tpu.vector_store %arg7[%swap3A_703, %swap3A_704], %mul3A_700 {strides = array<i32>} : memref<384x64xbf16, #tpu.memory_space<vmem>>, vector<32xbf16>,
        %add3A_706 = arith.constant 10 : i32
        %add3A_707 = arith.addi %add3A_423, %add3A_706 : i32
        %get3A_708 = arith.index_cast %add3A_707 : i32 to index
        %get3A_709 = arith.constant 32 : index
        %get3A_710 = tpu.vector_load %arg6[%get3A_708, %get3A_709] {strides = array<i32>} : memref<384x64xbf16, #tpu.memory_space<vmem>>, vector<32xbf16>,
        %mul3A_711 = arith.mulf %get3A_710, %pack3A_694 : vector<32xbf16>
        %add3A_712 = arith.constant 10 : i32
        %add3A_713 = arith.addi %add3A_423, %add3A_712 : i32
        %swap3A_714 = arith.index_cast %add3A_713 : i32 to index
        %swap3A_715 = arith.constant 32 : index
        %swap3A_716 = tpu.vector_load %arg7[%swap3A_714, %swap3A_715] {strides = array<i32>} : memref<384x64xbf16, #tpu.memory_space<vmem>>, vector<32xbf16>,
        tpu.vector_store %arg7[%swap3A_714, %swap3A_715], %mul3A_711 {strides = array<i32>} : memref<384x64xbf16, #tpu.memory_space<vmem>>, vector<32xbf16>,
        %broadcast_in_dim3A_717 = arith.constant 11 : i32
        %broadcast_in_dim3A_718 = vector.broadcast %broadcast_in_dim3A_717 : i32 to vector<16x1xi32>
        %gather3A_719 = vector.shape_cast %broadcast_in_dim3A_718 : vector<16x1xi32> to vector<16xi32>
        %gather3A_720 = tpu.dynamic_gather %bitcast3A[%gather3A_719] in [0] : vector<16xf32>, vector<16xi32> -> vector<16xf32>
        %pack3A_721 = tpu.pack_subelements %gather3A_720, %gather3A_720 {pack_format = #tpu.pack_format<interleaved>, positions = array<i32: 0, 1>} : vector<16xf32>, vector<16xf32> -> vector<32xbf16>
        %add3A_722 = arith.constant 11 : i32
        %add3A_723 = arith.addi %add3A_423, %add3A_722 : i32
        %get3A_724 = arith.index_cast %add3A_723 : i32 to index
        %get3A_725 = arith.constant 0 : index
        %get3A_726 = tpu.vector_load %arg6[%get3A_724, %get3A_725] {strides = array<i32>} : memref<384x64xbf16, #tpu.memory_space<vmem>>, vector<32xbf16>,
        %mul3A_727 = arith.mulf %get3A_726, %pack3A_721 : vector<32xbf16>
        %add3A_728 = arith.constant 11 : i32
        %add3A_729 = arith.addi %add3A_423, %add3A_728 : i32
        %swap3A_730 = arith.index_cast %add3A_729 : i32 to index
        %swap3A_731 = arith.constant 0 : index
        %swap3A_732 = tpu.vector_load %arg7[%swap3A_730, %swap3A_731] {strides = array<i32>} : memref<384x64xbf16, #tpu.memory_space<vmem>>, vector<32xbf16>,
        tpu.vector_store %arg7[%swap3A_730, %swap3A_731], %mul3A_727 {strides = array<i32>} : memref<384x64xbf16, #tpu.memory_space<vmem>>, vector<32xbf16>,
        %add3A_733 = arith.constant 11 : i32
        %add3A_734 = arith.addi %add3A_423, %add3A_733 : i32
        %get3A_735 = arith.index_cast %add3A_734 : i32 to index
        %get3A_736 = arith.constant 32 : index
        %get3A_737 = tpu.vector_load %arg6[%get3A_735, %get3A_736] {strides = array<i32>} : memref<384x64xbf16, #tpu.memory_space<vmem>>, vector<32xbf16>,
        %mul3A_738 = arith.mulf %get3A_737, %pack3A_721 : vector<32xbf16>
        %add3A_739 = arith.constant 11 : i32
        %add3A_740 = arith.addi %add3A_423, %add3A_739 : i32
        %swap3A_741 = arith.index_cast %add3A_740 : i32 to index
        %swap3A_742 = arith.constant 32 : index
        %swap3A_743 = tpu.vector_load %arg7[%swap3A_741, %swap3A_742] {strides = array<i32>} : memref<384x64xbf16, #tpu.memory_space<vmem>>, vector<32xbf16>,
        tpu.vector_store %arg7[%swap3A_741, %swap3A_742], %mul3A_738 {strides = array<i32>} : memref<384x64xbf16, #tpu.memory_space<vmem>>, vector<32xbf16>,
        %broadcast_in_dim3A_744 = arith.constant 12 : i32
        %broadcast_in_dim3A_745 = vector.broadcast %broadcast_in_dim3A_744 : i32 to vector<16x1xi32>
        %gather3A_746 = vector.shape_cast %broadcast_in_dim3A_745 : vector<16x1xi32> to vector<16xi32>
        %gather3A_747 = tpu.dynamic_gather %bitcast3A[%gather3A_746] in [0] : vector<16xf32>, vector<16xi32> -> vector<16xf32>
        %pack3A_748 = tpu.pack_subelements %gather3A_747, %gather3A_747 {pack_format = #tpu.pack_format<interleaved>, positions = array<i32: 0, 1>} : vector<16xf32>, vector<16xf32> -> vector<32xbf16>
        %add3A_749 = arith.constant 12 : i32
        %add3A_750 = arith.addi %add3A_423, %add3A_749 : i32
        %get3A_751 = arith.index_cast %add3A_750 : i32 to index
        %get3A_752 = arith.constant 0 : index
        %get3A_753 = tpu.vector_load %arg6[%get3A_751, %get3A_752] {strides = array<i32>} : memref<384x64xbf16, #tpu.memory_space<vmem>>, vector<32xbf16>,
        %mul3A_754 = arith.mulf %get3A_753, %pack3A_748 : vector<32xbf16>
        %add3A_755 = arith.constant 12 : i32
        %add3A_756 = arith.addi %add3A_423, %add3A_755 : i32
        %swap3A_757 = arith.index_cast %add3A_756 : i32 to index
        %swap3A_758 = arith.constant 0 : index
        %swap3A_759 = tpu.vector_load %arg7[%swap3A_757, %swap3A_758] {strides = array<i32>} : memref<384x64xbf16, #tpu.memory_space<vmem>>, vector<32xbf16>,
        tpu.vector_store %arg7[%swap3A_757, %swap3A_758], %mul3A_754 {strides = array<i32>} : memref<384x64xbf16, #tpu.memory_space<vmem>>, vector<32xbf16>,
        %add3A_760 = arith.constant 12 : i32
        %add3A_761 = arith.addi %add3A_423, %add3A_760 : i32
        %get3A_762 = arith.index_cast %add3A_761 : i32 to index
        %get3A_763 = arith.constant 32 : index
        %get3A_764 = tpu.vector_load %arg6[%get3A_762, %get3A_763] {strides = array<i32>} : memref<384x64xbf16, #tpu.memory_space<vmem>>, vector<32xbf16>,
        %mul3A_765 = arith.mulf %get3A_764, %pack3A_748 : vector<32xbf16>
        %add3A_766 = arith.constant 12 : i32
        %add3A_767 = arith.addi %add3A_423, %add3A_766 : i32
        %swap3A_768 = arith.index_cast %add3A_767 : i32 to index
        %swap3A_769 = arith.constant 32 : index
        %swap3A_770 = tpu.vector_load %arg7[%swap3A_768, %swap3A_769] {strides = array<i32>} : memref<384x64xbf16, #tpu.memory_space<vmem>>, vector<32xbf16>,
        tpu.vector_store %arg7[%swap3A_768, %swap3A_769], %mul3A_765 {strides = array<i32>} : memref<384x64xbf16, #tpu.memory_space<vmem>>, vector<32xbf16>,
        %broadcast_in_dim3A_771 = arith.constant 13 : i32
        %broadcast_in_dim3A_772 = vector.broadcast %broadcast_in_dim3A_771 : i32 to vector<16x1xi32>
        %gather3A_773 = vector.shape_cast %broadcast_in_dim3A_772 : vector<16x1xi32> to vector<16xi32>
        %gather3A_774 = tpu.dynamic_gather %bitcast3A[%gather3A_773] in [0] : vector<16xf32>, vector<16xi32> -> vector<16xf32>
        %pack3A_775 = tpu.pack_subelements %gather3A_774, %gather3A_774 {pack_format = #tpu.pack_format<interleaved>, positions = array<i32: 0, 1>} : vector<16xf32>, vector<16xf32> -> vector<32xbf16>
        %add3A_776 = arith.constant 13 : i32
        %add3A_777 = arith.addi %add3A_423, %add3A_776 : i32
        %get3A_778 = arith.index_cast %add3A_777 : i32 to index
        %get3A_779 = arith.constant 0 : index
        %get3A_780 = tpu.vector_load %arg6[%get3A_778, %get3A_779] {strides = array<i32>} : memref<384x64xbf16, #tpu.memory_space<vmem>>, vector<32xbf16>,
        %mul3A_781 = arith.mulf %get3A_780, %pack3A_775 : vector<32xbf16>
        %add3A_782 = arith.constant 13 : i32
        %add3A_783 = arith.addi %add3A_423, %add3A_782 : i32
        %swap3A_784 = arith.index_cast %add3A_783 : i32 to index
        %swap3A_785 = arith.constant 0 : index
        %swap3A_786 = tpu.vector_load %arg7[%swap3A_784, %swap3A_785] {strides = array<i32>} : memref<384x64xbf16, #tpu.memory_space<vmem>>, vector<32xbf16>,
        tpu.vector_store %arg7[%swap3A_784, %swap3A_785], %mul3A_781 {strides = array<i32>} : memref<384x64xbf16, #tpu.memory_space<vmem>>, vector<32xbf16>,
        %add3A_787 = arith.constant 13 : i32
        %add3A_788 = arith.addi %add3A_423, %add3A_787 : i32
        %get3A_789 = arith.index_cast %add3A_788 : i32 to index
        %get3A_790 = arith.constant 32 : index
        %get3A_791 = tpu.vector_load %arg6[%get3A_789, %get3A_790] {strides = array<i32>} : memref<384x64xbf16, #tpu.memory_space<vmem>>, vector<32xbf16>,
        %mul3A_792 = arith.mulf %get3A_791, %pack3A_775 : vector<32xbf16>
        %add3A_793 = arith.constant 13 : i32
        %add3A_794 = arith.addi %add3A_423, %add3A_793 : i32
        %swap3A_795 = arith.index_cast %add3A_794 : i32 to index
        %swap3A_796 = arith.constant 32 : index
        %swap3A_797 = tpu.vector_load %arg7[%swap3A_795, %swap3A_796] {strides = array<i32>} : memref<384x64xbf16, #tpu.memory_space<vmem>>, vector<32xbf16>,
        tpu.vector_store %arg7[%swap3A_795, %swap3A_796], %mul3A_792 {strides = array<i32>} : memref<384x64xbf16, #tpu.memory_space<vmem>>, vector<32xbf16>,
        %broadcast_in_dim3A_798 = arith.constant 14 : i32
        %broadcast_in_dim3A_799 = vector.broadcast %broadcast_in_dim3A_798 : i32 to vector<16x1xi32>
        %gather3A_800 = vector.shape_cast %broadcast_in_dim3A_799 : vector<16x1xi32> to vector<16xi32>
        %gather3A_801 = tpu.dynamic_gather %bitcast3A[%gather3A_800] in [0] : vector<16xf32>, vector<16xi32> -> vector<16xf32>
        %pack3A_802 = tpu.pack_subelements %gather3A_801, %gather3A_801 {pack_format = #tpu.pack_format<interleaved>, positions = array<i32: 0, 1>} : vector<16xf32>, vector<16xf32> -> vector<32xbf16>
        %add3A_803 = arith.constant 14 : i32
        %add3A_804 = arith.addi %add3A_423, %add3A_803 : i32
        %get3A_805 = arith.index_cast %add3A_804 : i32 to index
        %get3A_806 = arith.constant 0 : index
        %get3A_807 = tpu.vector_load %arg6[%get3A_805, %get3A_806] {strides = array<i32>} : memref<384x64xbf16, #tpu.memory_space<vmem>>, vector<32xbf16>,
        %mul3A_808 = arith.mulf %get3A_807, %pack3A_802 : vector<32xbf16>
        %add3A_809 = arith.constant 14 : i32
        %add3A_810 = arith.addi %add3A_423, %add3A_809 : i32
        %swap3A_811 = arith.index_cast %add3A_810 : i32 to index
        %swap3A_812 = arith.constant 0 : index
        %swap3A_813 = tpu.vector_load %arg7[%swap3A_811, %swap3A_812] {strides = array<i32>} : memref<384x64xbf16, #tpu.memory_space<vmem>>, vector<32xbf16>,
        tpu.vector_store %arg7[%swap3A_811, %swap3A_812], %mul3A_808 {strides = array<i32>} : memref<384x64xbf16, #tpu.memory_space<vmem>>, vector<32xbf16>,
        %add3A_814 = arith.constant 14 : i32
        %add3A_815 = arith.addi %add3A_423, %add3A_814 : i32
        %get3A_816 = arith.index_cast %add3A_815 : i32 to index
        %get3A_817 = arith.constant 32 : index
        %get3A_818 = tpu.vector_load %arg6[%get3A_816, %get3A_817] {strides = array<i32>} : memref<384x64xbf16, #tpu.memory_space<vmem>>, vector<32xbf16>,
        %mul3A_819 = arith.mulf %get3A_818, %pack3A_802 : vector<32xbf16>
        %add3A_820 = arith.constant 14 : i32
        %add3A_821 = arith.addi %add3A_423, %add3A_820 : i32
        %swap3A_822 = arith.index_cast %add3A_821 : i32 to index
        %swap3A_823 = arith.constant 32 : index
        %swap3A_824 = tpu.vector_load %arg7[%swap3A_822, %swap3A_823] {strides = array<i32>} : memref<384x64xbf16, #tpu.memory_space<vmem>>, vector<32xbf16>,
        tpu.vector_store %arg7[%swap3A_822, %swap3A_823], %mul3A_819 {strides = array<i32>} : memref<384x64xbf16, #tpu.memory_space<vmem>>, vector<32xbf16>,
        %broadcast_in_dim3A_825 = arith.constant 15 : i32
        %broadcast_in_dim3A_826 = vector.broadcast %broadcast_in_dim3A_825 : i32 to vector<16x1xi32>
        %gather3A_827 = vector.shape_cast %broadcast_in_dim3A_826 : vector<16x1xi32> to vector<16xi32>
        %gather3A_828 = tpu.dynamic_gather %bitcast3A[%gather3A_827] in [0] : vector<16xf32>, vector<16xi32> -> vector<16xf32>
        %pack3A_829 = tpu.pack_subelements %gather3A_828, %gather3A_828 {pack_format = #tpu.pack_format<interleaved>, positions = array<i32: 0, 1>} : vector<16xf32>, vector<16xf32> -> vector<32xbf16>
        %add3A_830 = arith.constant 15 : i32
        %add3A_831 = arith.addi %add3A_423, %add3A_830 : i32
        %get3A_832 = arith.index_cast %add3A_831 : i32 to index
        %get3A_833 = arith.constant 0 : index
        %get3A_834 = tpu.vector_load %arg6[%get3A_832, %get3A_833] {strides = array<i32>} : memref<384x64xbf16, #tpu.memory_space<vmem>>, vector<32xbf16>,
        %mul3A_835 = arith.mulf %get3A_834, %pack3A_829 : vector<32xbf16>
        %add3A_836 = arith.constant 15 : i32
        %add3A_837 = arith.addi %add3A_423, %add3A_836 : i32
        %swap3A_838 = arith.index_cast %add3A_837 : i32 to index
        %swap3A_839 = arith.constant 0 : index
        %swap3A_840 = tpu.vector_load %arg7[%swap3A_838, %swap3A_839] {strides = array<i32>} : memref<384x64xbf16, #tpu.memory_space<vmem>>, vector<32xbf16>,
        tpu.vector_store %arg7[%swap3A_838, %swap3A_839], %mul3A_835 {strides = array<i32>} : memref<384x64xbf16, #tpu.memory_space<vmem>>, vector<32xbf16>,
        %add3A_841 = arith.constant 15 : i32
        %add3A_842 = arith.addi %add3A_423, %add3A_841 : i32
        %get3A_843 = arith.index_cast %add3A_842 : i32 to index
        %get3A_844 = arith.constant 32 : index
        %get3A_845 = tpu.vector_load %arg6[%get3A_843, %get3A_844] {strides = array<i32>} : memref<384x64xbf16, #tpu.memory_space<vmem>>, vector<32xbf16>,
        %mul3A_846 = arith.mulf %get3A_845, %pack3A_829 : vector<32xbf16>
        %add3A_847 = arith.constant 15 : i32
        %add3A_848 = arith.addi %add3A_423, %add3A_847 : i32
        %swap3A_849 = arith.index_cast %add3A_848 : i32 to index
        %swap3A_850 = arith.constant 32 : index
        %swap3A_851 = tpu.vector_load %arg7[%swap3A_849, %swap3A_850] {strides = array<i32>} : memref<384x64xbf16, #tpu.memory_space<vmem>>, vector<32xbf16>,
        tpu.vector_store %arg7[%swap3A_849, %swap3A_850], %mul3A_846 {strides = array<i32>} : memref<384x64xbf16, #tpu.memory_space<vmem>>, vector<32xbf16>,
      }
      %scan3A_159 = arith.constant 8 : i32
      %dma_start3A_160 = arith.constant 1 : i32
      %dma_start3A_161 = arith.constant 0 : i32
      %dma_start3A_162 = arith.constant 0 : i32
      %dma_start3A_163 = tpu.memref_slice %arg7[%dma_start3A_161, %dma_start3A_162] : memref<384x64xbf16, #tpu.memory_space<vmem>> -> memref<128x64xbf16, #tpu.memory_space<vmem>>
      %dma_start3A_164 = arith.constant 0 : i32
      %dma_start3A_165 = tpu.memref_slice %arg5[%dma_start3A_160, %dma_start3A_164] : memref<18x128xi32, #tpu.memory_space<vmem>> -> memref<1x128xi32, #tpu.memory_space<vmem>>
      %dma_start3A_166 = tpu.memref_squeeze %dma_start3A_165 : memref<1x128xi32, #tpu.memory_space<vmem>> -> memref<128xi32, #tpu.memory_space<vmem>>
      %dma_start3A_167 = arith.constant 0 : i32
      %dma_start3A_168 = arith.constant 0 : i32
      %dma_start3A_169 = tpu.memref_slice %arg9[%dma_start3A_167, %dma_start3A_168] : memref<10000x64xbf16, #tpu.memory_space<vmem_shared>> -> memref<10000x64xbf16, #tpu.memory_space<vmem_shared>>
      tpu.enqueue_indirect_dma source(%dma_start3A_163 : memref<128x64xbf16, #tpu.memory_space<vmem>>) target(%dma_start3A_169 : memref<10000x64xbf16, #tpu.memory_space<vmem_shared>>) offsets(%dma_start3A_166 : memref<128xi32, #tpu.memory_space<vmem>>) semaphore(%arg14 : memref<!tpu.dma_semaphore, #tpu.memory_space<semaphore_mem>>) {add = true}
      %mul3A_170 = arith.constant 6 : i32
      %mul3A_171 = arith.muli %add3A_125, %mul3A_170 : i32
      %add3A_172 = arith.constant 1 : i32
      %add3A_173 = arith.addi %mul3A_171, %add3A_172 : i32
      %ge3A_174 = arith.constant 2 : i32
      %ge3A_175 = arith.cmpi sge, %add3A_173, %ge3A_174 : i32
      %convert_element_type3A_176 = arith.extui %ge3A_175 : i1 to i32
      %cond3A_177 = arith.constant 0 : i32
      %cond3A_178 = arith.cmpi ne, %convert_element_type3A_176, %cond3A_177 : i32
      scf.if %cond3A_178 {
        %sub3A = arith.constant 2 : i32
        %sub3A_410 = arith.subi %add3A_173, %sub3A : i32
        %dma_wait3A_411 = arith.constant 16 : i32
        %dma_wait3A_412 = arith.constant 256 : i32
        %dma_wait3A_413 = arith.constant 0 : i32
        %dma_wait3A_414 = tpu.memref_slice %arg7[%dma_wait3A_412, %dma_wait3A_413] : memref<384x64xbf16, #tpu.memory_space<vmem>> -> memref<128x64xbf16, #tpu.memory_space<vmem>>
        %dma_wait3A_415 = arith.constant 0 : i32
        %dma_wait3A_416 = tpu.memref_slice %arg5[%dma_wait3A_411, %dma_wait3A_415] : memref<18x128xi32, #tpu.memory_space<vmem>> -> memref<1x128xi32, #tpu.memory_space<vmem>>
        %dma_wait3A_417 = tpu.memref_squeeze %dma_wait3A_416 : memref<1x128xi32, #tpu.memory_space<vmem>> -> memref<128xi32, #tpu.memory_space<vmem>>
        %dma_wait3A_418 = arith.constant 0 : i32
        %dma_wait3A_419 = arith.constant 0 : i32
        %dma_wait3A_420 = tpu.memref_slice %arg9[%dma_wait3A_418, %dma_wait3A_419] : memref<10000x64xbf16, #tpu.memory_space<vmem_shared>> -> memref<10000x64xbf16, #tpu.memory_space<vmem_shared>>
        tpu.wait_indirect_dma semaphore(%arg16 : memref<!tpu.dma_semaphore, #tpu.memory_space<semaphore_mem>>) src(%dma_wait3A_414 : memref<128x64xbf16, #tpu.memory_space<vmem>>) dst(%dma_wait3A_420 : memref<10000x64xbf16, #tpu.memory_space<vmem_shared>>)
      } else {
      }
      %add3A_179 = arith.constant 2 : i32
      %add3A_180 = arith.addi %add3A_173, %add3A_179 : i32
      %lt3A_181 = arith.constant 162 : i32
      %lt3A_182 = arith.cmpi slt, %add3A_180, %lt3A_181 : i32
      %convert_element_type3A_183 = arith.extui %lt3A_182 : i1 to i32
      %cond3A_184 = arith.constant 0 : i32
      %cond3A_185 = arith.cmpi ne, %convert_element_type3A_183, %cond3A_184 : i32
      scf.if %cond3A_185 {
        %add3A_410 = arith.constant 2 : i32
        %add3A_411 = arith.addi %add3A_173, %add3A_410 : i32
        %add3A_412 = arith.addi %mul3A_42, %add3A_411 : i32
        %mul3A_413 = arith.constant 3 : i32
        %mul3A_414 = arith.muli %add3A_412, %mul3A_413 : i32
        %dma_start3A_415 = arith.constant 9 : i32
        %dma_start3A_416 = arith.constant 0 : i32
        %dma_start3A_417 = tpu.memref_slice %arg5[%dma_start3A_415, %dma_start3A_416] : memref<18x128xi32, #tpu.memory_space<vmem>> -> memref<3x128xi32, #tpu.memory_space<vmem>>
        %dma_start3A_418 = arith.constant 0 : i32
        %dma_start3A_419 = tpu.memref_slice %arg3[%mul3A_414, %dma_start3A_418] : memref<7776x128xi32, #tpu.memory_space<hbm>> -> memref<3x128xi32, #tpu.memory_space<hbm>>
        %dma_start3A_420 = arith.constant 9 : i32
        %dma_start3A_421 = arith.constant 0 : i32
        %dma_start3A_422 = tpu.memref_slice %arg5[%dma_start3A_420, %dma_start3A_421] : memref<18x128xi32, #tpu.memory_space<vmem>> -> memref<3x128xi32, #tpu.memory_space<vmem>>
        %dma_start3A_423 = arith.constant 0 : i32
        %dma_start3A_424 = tpu.memref_slice %arg3[%mul3A_414, %dma_start3A_423] : memref<7776x128xi32, #tpu.memory_space<hbm>> -> memref<3x128xi32, #tpu.memory_space<hbm>>
        tpu.enqueue_dma source(%dma_start3A_424 : memref<3x128xi32, #tpu.memory_space<hbm>>) target(%dma_start3A_422 : memref<3x128xi32, #tpu.memory_space<vmem>>) target_semaphore(%arg20 : memref<!tpu.dma_semaphore, #tpu.memory_space<semaphore_mem>>)
      } else {
      }
      %add3A_186 = arith.constant 1 : i32
      %add3A_187 = arith.addi %add3A_173, %add3A_186 : i32
      %lt3A_188 = arith.constant 162 : i32
      %lt3A_189 = arith.cmpi slt, %add3A_187, %lt3A_188 : i32
      %convert_element_type3A_190 = arith.extui %lt3A_189 : i1 to i32
      %cond3A_191 = arith.constant 0 : i32
      %cond3A_192 = arith.cmpi ne, %convert_element_type3A_190, %cond3A_191 : i32
      scf.if %cond3A_192 {
        %add3A_410 = arith.constant 1 : i32
        %add3A_411 = arith.addi %add3A_173, %add3A_410 : i32
        %add3A_412 = arith.addi %mul3A_42, %add3A_411 : i32
        %mul3A_413 = arith.constant 3 : i32
        %mul3A_414 = arith.muli %add3A_412, %mul3A_413 : i32
        %dma_wait3A_415 = arith.constant 6 : i32
        %dma_wait3A_416 = arith.constant 0 : i32
        %dma_wait3A_417 = tpu.memref_slice %arg5[%dma_wait3A_415, %dma_wait3A_416] : memref<18x128xi32, #tpu.memory_space<vmem>> -> memref<3x128xi32, #tpu.memory_space<vmem>>
        %dma_wait3A_418 = arith.constant 0 : i32
        %dma_wait3A_419 = tpu.memref_slice %arg3[%mul3A_414, %dma_wait3A_418] : memref<7776x128xi32, #tpu.memory_space<hbm>> -> memref<3x128xi32, #tpu.memory_space<hbm>>
        %dma_wait3A_420 = arith.constant 6 : i32
        %dma_wait3A_421 = arith.constant 0 : i32
        %dma_wait3A_422 = tpu.memref_slice %arg5[%dma_wait3A_420, %dma_wait3A_421] : memref<18x128xi32, #tpu.memory_space<vmem>> -> memref<3x128xi32, #tpu.memory_space<vmem>>
        %dma_wait3A_423 = arith.constant 0 : i32
        %dma_wait3A_424 = tpu.memref_slice %arg3[%mul3A_414, %dma_wait3A_423] : memref<7776x128xi32, #tpu.memory_space<hbm>> -> memref<3x128xi32, #tpu.memory_space<hbm>>
        tpu.wait_dma2 semaphore(%arg19 : memref<!tpu.dma_semaphore, #tpu.memory_space<semaphore_mem>>) src(%dma_wait3A_424 : memref<3x128xi32, #tpu.memory_space<hbm>>) dst(%dma_wait3A_422 : memref<3x128xi32, #tpu.memory_space<vmem>>)
        %add3A_425 = arith.constant 1 : i32
        %add3A_426 = arith.addi %add3A_173, %add3A_425 : i32
        %dma_start3A_427 = arith.constant 6 : i32
        %dma_start3A_428 = arith.constant 256 : i32
        %dma_start3A_429 = arith.constant 0 : i32
        %dma_start3A_430 = tpu.memref_slice %arg6[%dma_start3A_428, %dma_start3A_429] : memref<384x64xbf16, #tpu.memory_space<vmem>> -> memref<128x64xbf16, #tpu.memory_space<vmem>>
        %dma_start3A_431 = arith.constant 0 : i32
        %dma_start3A_432 = tpu.memref_slice %arg5[%dma_start3A_427, %dma_start3A_431] : memref<18x128xi32, #tpu.memory_space<vmem>> -> memref<1x128xi32, #tpu.memory_space<vmem>>
        %dma_start3A_433 = tpu.memref_squeeze %dma_start3A_432 : memref<1x128xi32, #tpu.memory_space<vmem>> -> memref<128xi32, #tpu.memory_space<vmem>>
        %dma_start3A_434 = arith.constant 0 : i32
        %dma_start3A_435 = arith.constant 0 : i32
        %dma_start3A_436 = tpu.memref_slice %arg10[%dma_start3A_434, %dma_start3A_435] : memref<10000x64xbf16, #tpu.memory_space<vmem_shared>> -> memref<10000x64xbf16, #tpu.memory_space<vmem_shared>>
        tpu.enqueue_indirect_dma source(%dma_start3A_436 : memref<10000x64xbf16, #tpu.memory_space<vmem_shared>>) target(%dma_start3A_430 : memref<128x64xbf16, #tpu.memory_space<vmem>>) offsets(%dma_start3A_433 : memref<128xi32, #tpu.memory_space<vmem>>) semaphore(%arg13 : memref<!tpu.dma_semaphore, #tpu.memory_space<semaphore_mem>>)
      } else {
      }
      %dma_wait3A_193 = arith.constant 3 : i32
      %dma_wait3A_194 = arith.constant 128 : i32
      %dma_wait3A_195 = arith.constant 0 : i32
      %dma_wait3A_196 = tpu.memref_slice %arg6[%dma_wait3A_194, %dma_wait3A_195] : memref<384x64xbf16, #tpu.memory_space<vmem>> -> memref<128x64xbf16, #tpu.memory_space<vmem>>
      %dma_wait3A_197 = arith.constant 0 : i32
      %dma_wait3A_198 = tpu.memref_slice %arg5[%dma_wait3A_193, %dma_wait3A_197] : memref<18x128xi32, #tpu.memory_space<vmem>> -> memref<1x128xi32, #tpu.memory_space<vmem>>
      %dma_wait3A_199 = tpu.memref_squeeze %dma_wait3A_198 : memref<1x128xi32, #tpu.memory_space<vmem>> -> memref<128xi32, #tpu.memory_space<vmem>>
      %dma_wait3A_200 = arith.constant 0 : i32
      %dma_wait3A_201 = arith.constant 0 : i32
      %dma_wait3A_202 = tpu.memref_slice %arg10[%dma_wait3A_200, %dma_wait3A_201] : memref<10000x64xbf16, #tpu.memory_space<vmem_shared>> -> memref<10000x64xbf16, #tpu.memory_space<vmem_shared>>
      tpu.wait_indirect_dma semaphore(%arg12 : memref<!tpu.dma_semaphore, #tpu.memory_space<semaphore_mem>>) src(%dma_wait3A_202 : memref<10000x64xbf16, #tpu.memory_space<vmem_shared>>) dst(%dma_wait3A_196 : memref<128x64xbf16, #tpu.memory_space<vmem>>)
      %scan3A_203 = arith.constant 0 : i32
      %scan3A_204 = arith.constant 8 : i32
      %scan3A_205 = arith.addi %scan3A_203, %scan3A_204 : i32
      %scan3A_206 = arith.constant 1 : i32
      scf.for %scan3A_410 = %scan3A_203 to %scan3A_205 step %scan3A_206  : i32 {
        %mul3A_411 = arith.constant 1 : i32
        %mul3A_412 = arith.muli %scan3A_410, %mul3A_411 : i32
        %add3A_413 = arith.constant 0 : i32
        %add3A_414 = arith.addi %add3A_413, %mul3A_412 : i32
        %mul3A_415 = arith.constant 16 : i32
        %mul3A_416 = arith.muli %add3A_414, %mul3A_415 : i32
        %get3A = arith.constant 5 : i32
        %get3A_417 = arith.index_cast %get3A : i32 to index
        %get3A_418 = arith.index_cast %mul3A_416 : i32 to index
        %get3A_419 = tpu.vector_load %arg5[%get3A_417, %get3A_418] {strides = array<i32>} : memref<18x128xi32, #tpu.memory_space<vmem>>, vector<16xi32>,
        %bitcast3A = vector.bitcast %get3A_419 : vector<16xi32> to vector<16xf32>
        %mul3A_420 = arith.constant 16 : i32
        %mul3A_421 = arith.muli %add3A_414, %mul3A_420 : i32
        %add3A_422 = arith.constant 128 : i32
        %add3A_423 = arith.addi %add3A_422, %mul3A_421 : i32
        %broadcast_in_dim3A = arith.constant 0 : i32
        %broadcast_in_dim3A_424 = vector.broadcast %broadcast_in_dim3A : i32 to vector<16x1xi32>
        %gather3A = vector.shape_cast %broadcast_in_dim3A_424 : vector<16x1xi32> to vector<16xi32>
        %gather3A_425 = tpu.dynamic_gather %bitcast3A[%gather3A] in [0] : vector<16xf32>, vector<16xi32> -> vector<16xf32>
        %pack3A = tpu.pack_subelements %gather3A_425, %gather3A_425 {pack_format = #tpu.pack_format<interleaved>, positions = array<i32: 0, 1>} : vector<16xf32>, vector<16xf32> -> vector<32xbf16>
        %add3A_426 = arith.constant 0 : i32
        %add3A_427 = arith.addi %add3A_423, %add3A_426 : i32
        %get3A_428 = arith.index_cast %add3A_427 : i32 to index
        %get3A_429 = arith.constant 0 : index
        %get3A_430 = tpu.vector_load %arg6[%get3A_428, %get3A_429] {strides = array<i32>} : memref<384x64xbf16, #tpu.memory_space<vmem>>, vector<32xbf16>,
        %mul3A_431 = arith.mulf %get3A_430, %pack3A : vector<32xbf16>
        %add3A_432 = arith.constant 0 : i32
        %add3A_433 = arith.addi %add3A_423, %add3A_432 : i32
        %swap3A = arith.index_cast %add3A_433 : i32 to index
        %swap3A_434 = arith.constant 0 : index
        %swap3A_435 = tpu.vector_load %arg7[%swap3A, %swap3A_434] {strides = array<i32>} : memref<384x64xbf16, #tpu.memory_space<vmem>>, vector<32xbf16>,
        tpu.vector_store %arg7[%swap3A, %swap3A_434], %mul3A_431 {strides = array<i32>} : memref<384x64xbf16, #tpu.memory_space<vmem>>, vector<32xbf16>,
        %add3A_436 = arith.constant 0 : i32
        %add3A_437 = arith.addi %add3A_423, %add3A_436 : i32
        %get3A_438 = arith.index_cast %add3A_437 : i32 to index
        %get3A_439 = arith.constant 32 : index
        %get3A_440 = tpu.vector_load %arg6[%get3A_438, %get3A_439] {strides = array<i32>} : memref<384x64xbf16, #tpu.memory_space<vmem>>, vector<32xbf16>,
        %mul3A_441 = arith.mulf %get3A_440, %pack3A : vector<32xbf16>
        %add3A_442 = arith.constant 0 : i32
        %add3A_443 = arith.addi %add3A_423, %add3A_442 : i32
        %swap3A_444 = arith.index_cast %add3A_443 : i32 to index
        %swap3A_445 = arith.constant 32 : index
        %swap3A_446 = tpu.vector_load %arg7[%swap3A_444, %swap3A_445] {strides = array<i32>} : memref<384x64xbf16, #tpu.memory_space<vmem>>, vector<32xbf16>,
        tpu.vector_store %arg7[%swap3A_444, %swap3A_445], %mul3A_441 {strides = array<i32>} : memref<384x64xbf16, #tpu.memory_space<vmem>>, vector<32xbf16>,
        %broadcast_in_dim3A_447 = arith.constant 1 : i32
        %broadcast_in_dim3A_448 = vector.broadcast %broadcast_in_dim3A_447 : i32 to vector<16x1xi32>
        %gather3A_449 = vector.shape_cast %broadcast_in_dim3A_448 : vector<16x1xi32> to vector<16xi32>
        %gather3A_450 = tpu.dynamic_gather %bitcast3A[%gather3A_449] in [0] : vector<16xf32>, vector<16xi32> -> vector<16xf32>
        %pack3A_451 = tpu.pack_subelements %gather3A_450, %gather3A_450 {pack_format = #tpu.pack_format<interleaved>, positions = array<i32: 0, 1>} : vector<16xf32>, vector<16xf32> -> vector<32xbf16>
        %add3A_452 = arith.constant 1 : i32
        %add3A_453 = arith.addi %add3A_423, %add3A_452 : i32
        %get3A_454 = arith.index_cast %add3A_453 : i32 to index
        %get3A_455 = arith.constant 0 : index
        %get3A_456 = tpu.vector_load %arg6[%get3A_454, %get3A_455] {strides = array<i32>} : memref<384x64xbf16, #tpu.memory_space<vmem>>, vector<32xbf16>,
        %mul3A_457 = arith.mulf %get3A_456, %pack3A_451 : vector<32xbf16>
        %add3A_458 = arith.constant 1 : i32
        %add3A_459 = arith.addi %add3A_423, %add3A_458 : i32
        %swap3A_460 = arith.index_cast %add3A_459 : i32 to index
        %swap3A_461 = arith.constant 0 : index
        %swap3A_462 = tpu.vector_load %arg7[%swap3A_460, %swap3A_461] {strides = array<i32>} : memref<384x64xbf16, #tpu.memory_space<vmem>>, vector<32xbf16>,
        tpu.vector_store %arg7[%swap3A_460, %swap3A_461], %mul3A_457 {strides = array<i32>} : memref<384x64xbf16, #tpu.memory_space<vmem>>, vector<32xbf16>,
        %add3A_463 = arith.constant 1 : i32
        %add3A_464 = arith.addi %add3A_423, %add3A_463 : i32
        %get3A_465 = arith.index_cast %add3A_464 : i32 to index
        %get3A_466 = arith.constant 32 : index
        %get3A_467 = tpu.vector_load %arg6[%get3A_465, %get3A_466] {strides = array<i32>} : memref<384x64xbf16, #tpu.memory_space<vmem>>, vector<32xbf16>,
        %mul3A_468 = arith.mulf %get3A_467, %pack3A_451 : vector<32xbf16>
        %add3A_469 = arith.constant 1 : i32
        %add3A_470 = arith.addi %add3A_423, %add3A_469 : i32
        %swap3A_471 = arith.index_cast %add3A_470 : i32 to index
        %swap3A_472 = arith.constant 32 : index
        %swap3A_473 = tpu.vector_load %arg7[%swap3A_471, %swap3A_472] {strides = array<i32>} : memref<384x64xbf16, #tpu.memory_space<vmem>>, vector<32xbf16>,
        tpu.vector_store %arg7[%swap3A_471, %swap3A_472], %mul3A_468 {strides = array<i32>} : memref<384x64xbf16, #tpu.memory_space<vmem>>, vector<32xbf16>,
        %broadcast_in_dim3A_474 = arith.constant 2 : i32
        %broadcast_in_dim3A_475 = vector.broadcast %broadcast_in_dim3A_474 : i32 to vector<16x1xi32>
        %gather3A_476 = vector.shape_cast %broadcast_in_dim3A_475 : vector<16x1xi32> to vector<16xi32>
        %gather3A_477 = tpu.dynamic_gather %bitcast3A[%gather3A_476] in [0] : vector<16xf32>, vector<16xi32> -> vector<16xf32>
        %pack3A_478 = tpu.pack_subelements %gather3A_477, %gather3A_477 {pack_format = #tpu.pack_format<interleaved>, positions = array<i32: 0, 1>} : vector<16xf32>, vector<16xf32> -> vector<32xbf16>
        %add3A_479 = arith.constant 2 : i32
        %add3A_480 = arith.addi %add3A_423, %add3A_479 : i32
        %get3A_481 = arith.index_cast %add3A_480 : i32 to index
        %get3A_482 = arith.constant 0 : index
        %get3A_483 = tpu.vector_load %arg6[%get3A_481, %get3A_482] {strides = array<i32>} : memref<384x64xbf16, #tpu.memory_space<vmem>>, vector<32xbf16>,
        %mul3A_484 = arith.mulf %get3A_483, %pack3A_478 : vector<32xbf16>
        %add3A_485 = arith.constant 2 : i32
        %add3A_486 = arith.addi %add3A_423, %add3A_485 : i32
        %swap3A_487 = arith.index_cast %add3A_486 : i32 to index
        %swap3A_488 = arith.constant 0 : index
        %swap3A_489 = tpu.vector_load %arg7[%swap3A_487, %swap3A_488] {strides = array<i32>} : memref<384x64xbf16, #tpu.memory_space<vmem>>, vector<32xbf16>,
        tpu.vector_store %arg7[%swap3A_487, %swap3A_488], %mul3A_484 {strides = array<i32>} : memref<384x64xbf16, #tpu.memory_space<vmem>>, vector<32xbf16>,
        %add3A_490 = arith.constant 2 : i32
        %add3A_491 = arith.addi %add3A_423, %add3A_490 : i32
        %get3A_492 = arith.index_cast %add3A_491 : i32 to index
        %get3A_493 = arith.constant 32 : index
        %get3A_494 = tpu.vector_load %arg6[%get3A_492, %get3A_493] {strides = array<i32>} : memref<384x64xbf16, #tpu.memory_space<vmem>>, vector<32xbf16>,
        %mul3A_495 = arith.mulf %get3A_494, %pack3A_478 : vector<32xbf16>
        %add3A_496 = arith.constant 2 : i32
        %add3A_497 = arith.addi %add3A_423, %add3A_496 : i32
        %swap3A_498 = arith.index_cast %add3A_497 : i32 to index
        %swap3A_499 = arith.constant 32 : index
        %swap3A_500 = tpu.vector_load %arg7[%swap3A_498, %swap3A_499] {strides = array<i32>} : memref<384x64xbf16, #tpu.memory_space<vmem>>, vector<32xbf16>,
        tpu.vector_store %arg7[%swap3A_498, %swap3A_499], %mul3A_495 {strides = array<i32>} : memref<384x64xbf16, #tpu.memory_space<vmem>>, vector<32xbf16>,
        %broadcast_in_dim3A_501 = arith.constant 3 : i32
        %broadcast_in_dim3A_502 = vector.broadcast %broadcast_in_dim3A_501 : i32 to vector<16x1xi32>
        %gather3A_503 = vector.shape_cast %broadcast_in_dim3A_502 : vector<16x1xi32> to vector<16xi32>
        %gather3A_504 = tpu.dynamic_gather %bitcast3A[%gather3A_503] in [0] : vector<16xf32>, vector<16xi32> -> vector<16xf32>
        %pack3A_505 = tpu.pack_subelements %gather3A_504, %gather3A_504 {pack_format = #tpu.pack_format<interleaved>, positions = array<i32: 0, 1>} : vector<16xf32>, vector<16xf32> -> vector<32xbf16>
        %add3A_506 = arith.constant 3 : i32
        %add3A_507 = arith.addi %add3A_423, %add3A_506 : i32
        %get3A_508 = arith.index_cast %add3A_507 : i32 to index
        %get3A_509 = arith.constant 0 : index
        %get3A_510 = tpu.vector_load %arg6[%get3A_508, %get3A_509] {strides = array<i32>} : memref<384x64xbf16, #tpu.memory_space<vmem>>, vector<32xbf16>,
        %mul3A_511 = arith.mulf %get3A_510, %pack3A_505 : vector<32xbf16>
        %add3A_512 = arith.constant 3 : i32
        %add3A_513 = arith.addi %add3A_423, %add3A_512 : i32
        %swap3A_514 = arith.index_cast %add3A_513 : i32 to index
        %swap3A_515 = arith.constant 0 : index
        %swap3A_516 = tpu.vector_load %arg7[%swap3A_514, %swap3A_515] {strides = array<i32>} : memref<384x64xbf16, #tpu.memory_space<vmem>>, vector<32xbf16>,
        tpu.vector_store %arg7[%swap3A_514, %swap3A_515], %mul3A_511 {strides = array<i32>} : memref<384x64xbf16, #tpu.memory_space<vmem>>, vector<32xbf16>,
        %add3A_517 = arith.constant 3 : i32
        %add3A_518 = arith.addi %add3A_423, %add3A_517 : i32
        %get3A_519 = arith.index_cast %add3A_518 : i32 to index
        %get3A_520 = arith.constant 32 : index
        %get3A_521 = tpu.vector_load %arg6[%get3A_519, %get3A_520] {strides = array<i32>} : memref<384x64xbf16, #tpu.memory_space<vmem>>, vector<32xbf16>,
        %mul3A_522 = arith.mulf %get3A_521, %pack3A_505 : vector<32xbf16>
        %add3A_523 = arith.constant 3 : i32
        %add3A_524 = arith.addi %add3A_423, %add3A_523 : i32
        %swap3A_525 = arith.index_cast %add3A_524 : i32 to index
        %swap3A_526 = arith.constant 32 : index
        %swap3A_527 = tpu.vector_load %arg7[%swap3A_525, %swap3A_526] {strides = array<i32>} : memref<384x64xbf16, #tpu.memory_space<vmem>>, vector<32xbf16>,
        tpu.vector_store %arg7[%swap3A_525, %swap3A_526], %mul3A_522 {strides = array<i32>} : memref<384x64xbf16, #tpu.memory_space<vmem>>, vector<32xbf16>,
        %broadcast_in_dim3A_528 = arith.constant 4 : i32
        %broadcast_in_dim3A_529 = vector.broadcast %broadcast_in_dim3A_528 : i32 to vector<16x1xi32>
        %gather3A_530 = vector.shape_cast %broadcast_in_dim3A_529 : vector<16x1xi32> to vector<16xi32>
        %gather3A_531 = tpu.dynamic_gather %bitcast3A[%gather3A_530] in [0] : vector<16xf32>, vector<16xi32> -> vector<16xf32>
        %pack3A_532 = tpu.pack_subelements %gather3A_531, %gather3A_531 {pack_format = #tpu.pack_format<interleaved>, positions = array<i32: 0, 1>} : vector<16xf32>, vector<16xf32> -> vector<32xbf16>
        %add3A_533 = arith.constant 4 : i32
        %add3A_534 = arith.addi %add3A_423, %add3A_533 : i32
        %get3A_535 = arith.index_cast %add3A_534 : i32 to index
        %get3A_536 = arith.constant 0 : index
        %get3A_537 = tpu.vector_load %arg6[%get3A_535, %get3A_536] {strides = array<i32>} : memref<384x64xbf16, #tpu.memory_space<vmem>>, vector<32xbf16>,
        %mul3A_538 = arith.mulf %get3A_537, %pack3A_532 : vector<32xbf16>
        %add3A_539 = arith.constant 4 : i32
        %add3A_540 = arith.addi %add3A_423, %add3A_539 : i32
        %swap3A_541 = arith.index_cast %add3A_540 : i32 to index
        %swap3A_542 = arith.constant 0 : index
        %swap3A_543 = tpu.vector_load %arg7[%swap3A_541, %swap3A_542] {strides = array<i32>} : memref<384x64xbf16, #tpu.memory_space<vmem>>, vector<32xbf16>,
        tpu.vector_store %arg7[%swap3A_541, %swap3A_542], %mul3A_538 {strides = array<i32>} : memref<384x64xbf16, #tpu.memory_space<vmem>>, vector<32xbf16>,
        %add3A_544 = arith.constant 4 : i32
        %add3A_545 = arith.addi %add3A_423, %add3A_544 : i32
        %get3A_546 = arith.index_cast %add3A_545 : i32 to index
        %get3A_547 = arith.constant 32 : index
        %get3A_548 = tpu.vector_load %arg6[%get3A_546, %get3A_547] {strides = array<i32>} : memref<384x64xbf16, #tpu.memory_space<vmem>>, vector<32xbf16>,
        %mul3A_549 = arith.mulf %get3A_548, %pack3A_532 : vector<32xbf16>
        %add3A_550 = arith.constant 4 : i32
        %add3A_551 = arith.addi %add3A_423, %add3A_550 : i32
        %swap3A_552 = arith.index_cast %add3A_551 : i32 to index
        %swap3A_553 = arith.constant 32 : index
        %swap3A_554 = tpu.vector_load %arg7[%swap3A_552, %swap3A_553] {strides = array<i32>} : memref<384x64xbf16, #tpu.memory_space<vmem>>, vector<32xbf16>,
        tpu.vector_store %arg7[%swap3A_552, %swap3A_553], %mul3A_549 {strides = array<i32>} : memref<384x64xbf16, #tpu.memory_space<vmem>>, vector<32xbf16>,
        %broadcast_in_dim3A_555 = arith.constant 5 : i32
        %broadcast_in_dim3A_556 = vector.broadcast %broadcast_in_dim3A_555 : i32 to vector<16x1xi32>
        %gather3A_557 = vector.shape_cast %broadcast_in_dim3A_556 : vector<16x1xi32> to vector<16xi32>
        %gather3A_558 = tpu.dynamic_gather %bitcast3A[%gather3A_557] in [0] : vector<16xf32>, vector<16xi32> -> vector<16xf32>
        %pack3A_559 = tpu.pack_subelements %gather3A_558, %gather3A_558 {pack_format = #tpu.pack_format<interleaved>, positions = array<i32: 0, 1>} : vector<16xf32>, vector<16xf32> -> vector<32xbf16>
        %add3A_560 = arith.constant 5 : i32
        %add3A_561 = arith.addi %add3A_423, %add3A_560 : i32
        %get3A_562 = arith.index_cast %add3A_561 : i32 to index
        %get3A_563 = arith.constant 0 : index
        %get3A_564 = tpu.vector_load %arg6[%get3A_562, %get3A_563] {strides = array<i32>} : memref<384x64xbf16, #tpu.memory_space<vmem>>, vector<32xbf16>,
        %mul3A_565 = arith.mulf %get3A_564, %pack3A_559 : vector<32xbf16>
        %add3A_566 = arith.constant 5 : i32
        %add3A_567 = arith.addi %add3A_423, %add3A_566 : i32
        %swap3A_568 = arith.index_cast %add3A_567 : i32 to index
        %swap3A_569 = arith.constant 0 : index
        %swap3A_570 = tpu.vector_load %arg7[%swap3A_568, %swap3A_569] {strides = array<i32>} : memref<384x64xbf16, #tpu.memory_space<vmem>>, vector<32xbf16>,
        tpu.vector_store %arg7[%swap3A_568, %swap3A_569], %mul3A_565 {strides = array<i32>} : memref<384x64xbf16, #tpu.memory_space<vmem>>, vector<32xbf16>,
        %add3A_571 = arith.constant 5 : i32
        %add3A_572 = arith.addi %add3A_423, %add3A_571 : i32
        %get3A_573 = arith.index_cast %add3A_572 : i32 to index
        %get3A_574 = arith.constant 32 : index
        %get3A_575 = tpu.vector_load %arg6[%get3A_573, %get3A_574] {strides = array<i32>} : memref<384x64xbf16, #tpu.memory_space<vmem>>, vector<32xbf16>,
        %mul3A_576 = arith.mulf %get3A_575, %pack3A_559 : vector<32xbf16>
        %add3A_577 = arith.constant 5 : i32
        %add3A_578 = arith.addi %add3A_423, %add3A_577 : i32
        %swap3A_579 = arith.index_cast %add3A_578 : i32 to index
        %swap3A_580 = arith.constant 32 : index
        %swap3A_581 = tpu.vector_load %arg7[%swap3A_579, %swap3A_580] {strides = array<i32>} : memref<384x64xbf16, #tpu.memory_space<vmem>>, vector<32xbf16>,
        tpu.vector_store %arg7[%swap3A_579, %swap3A_580], %mul3A_576 {strides = array<i32>} : memref<384x64xbf16, #tpu.memory_space<vmem>>, vector<32xbf16>,
        %broadcast_in_dim3A_582 = arith.constant 6 : i32
        %broadcast_in_dim3A_583 = vector.broadcast %broadcast_in_dim3A_582 : i32 to vector<16x1xi32>
        %gather3A_584 = vector.shape_cast %broadcast_in_dim3A_583 : vector<16x1xi32> to vector<16xi32>
        %gather3A_585 = tpu.dynamic_gather %bitcast3A[%gather3A_584] in [0] : vector<16xf32>, vector<16xi32> -> vector<16xf32>
        %pack3A_586 = tpu.pack_subelements %gather3A_585, %gather3A_585 {pack_format = #tpu.pack_format<interleaved>, positions = array<i32: 0, 1>} : vector<16xf32>, vector<16xf32> -> vector<32xbf16>
        %add3A_587 = arith.constant 6 : i32
        %add3A_588 = arith.addi %add3A_423, %add3A_587 : i32
        %get3A_589 = arith.index_cast %add3A_588 : i32 to index
        %get3A_590 = arith.constant 0 : index
        %get3A_591 = tpu.vector_load %arg6[%get3A_589, %get3A_590] {strides = array<i32>} : memref<384x64xbf16, #tpu.memory_space<vmem>>, vector<32xbf16>,
        %mul3A_592 = arith.mulf %get3A_591, %pack3A_586 : vector<32xbf16>
        %add3A_593 = arith.constant 6 : i32
        %add3A_594 = arith.addi %add3A_423, %add3A_593 : i32
        %swap3A_595 = arith.index_cast %add3A_594 : i32 to index
        %swap3A_596 = arith.constant 0 : index
        %swap3A_597 = tpu.vector_load %arg7[%swap3A_595, %swap3A_596] {strides = array<i32>} : memref<384x64xbf16, #tpu.memory_space<vmem>>, vector<32xbf16>,
        tpu.vector_store %arg7[%swap3A_595, %swap3A_596], %mul3A_592 {strides = array<i32>} : memref<384x64xbf16, #tpu.memory_space<vmem>>, vector<32xbf16>,
        %add3A_598 = arith.constant 6 : i32
        %add3A_599 = arith.addi %add3A_423, %add3A_598 : i32
        %get3A_600 = arith.index_cast %add3A_599 : i32 to index
        %get3A_601 = arith.constant 32 : index
        %get3A_602 = tpu.vector_load %arg6[%get3A_600, %get3A_601] {strides = array<i32>} : memref<384x64xbf16, #tpu.memory_space<vmem>>, vector<32xbf16>,
        %mul3A_603 = arith.mulf %get3A_602, %pack3A_586 : vector<32xbf16>
        %add3A_604 = arith.constant 6 : i32
        %add3A_605 = arith.addi %add3A_423, %add3A_604 : i32
        %swap3A_606 = arith.index_cast %add3A_605 : i32 to index
        %swap3A_607 = arith.constant 32 : index
        %swap3A_608 = tpu.vector_load %arg7[%swap3A_606, %swap3A_607] {strides = array<i32>} : memref<384x64xbf16, #tpu.memory_space<vmem>>, vector<32xbf16>,
        tpu.vector_store %arg7[%swap3A_606, %swap3A_607], %mul3A_603 {strides = array<i32>} : memref<384x64xbf16, #tpu.memory_space<vmem>>, vector<32xbf16>,
        %broadcast_in_dim3A_609 = arith.constant 7 : i32
        %broadcast_in_dim3A_610 = vector.broadcast %broadcast_in_dim3A_609 : i32 to vector<16x1xi32>
        %gather3A_611 = vector.shape_cast %broadcast_in_dim3A_610 : vector<16x1xi32> to vector<16xi32>
        %gather3A_612 = tpu.dynamic_gather %bitcast3A[%gather3A_611] in [0] : vector<16xf32>, vector<16xi32> -> vector<16xf32>
        %pack3A_613 = tpu.pack_subelements %gather3A_612, %gather3A_612 {pack_format = #tpu.pack_format<interleaved>, positions = array<i32: 0, 1>} : vector<16xf32>, vector<16xf32> -> vector<32xbf16>
        %add3A_614 = arith.constant 7 : i32
        %add3A_615 = arith.addi %add3A_423, %add3A_614 : i32
        %get3A_616 = arith.index_cast %add3A_615 : i32 to index
        %get3A_617 = arith.constant 0 : index
        %get3A_618 = tpu.vector_load %arg6[%get3A_616, %get3A_617] {strides = array<i32>} : memref<384x64xbf16, #tpu.memory_space<vmem>>, vector<32xbf16>,
        %mul3A_619 = arith.mulf %get3A_618, %pack3A_613 : vector<32xbf16>
        %add3A_620 = arith.constant 7 : i32
        %add3A_621 = arith.addi %add3A_423, %add3A_620 : i32
        %swap3A_622 = arith.index_cast %add3A_621 : i32 to index
        %swap3A_623 = arith.constant 0 : index
        %swap3A_624 = tpu.vector_load %arg7[%swap3A_622, %swap3A_623] {strides = array<i32>} : memref<384x64xbf16, #tpu.memory_space<vmem>>, vector<32xbf16>,
        tpu.vector_store %arg7[%swap3A_622, %swap3A_623], %mul3A_619 {strides = array<i32>} : memref<384x64xbf16, #tpu.memory_space<vmem>>, vector<32xbf16>,
        %add3A_625 = arith.constant 7 : i32
        %add3A_626 = arith.addi %add3A_423, %add3A_625 : i32
        %get3A_627 = arith.index_cast %add3A_626 : i32 to index
        %get3A_628 = arith.constant 32 : index
        %get3A_629 = tpu.vector_load %arg6[%get3A_627, %get3A_628] {strides = array<i32>} : memref<384x64xbf16, #tpu.memory_space<vmem>>, vector<32xbf16>,
        %mul3A_630 = arith.mulf %get3A_629, %pack3A_613 : vector<32xbf16>
        %add3A_631 = arith.constant 7 : i32
        %add3A_632 = arith.addi %add3A_423, %add3A_631 : i32
        %swap3A_633 = arith.index_cast %add3A_632 : i32 to index
        %swap3A_634 = arith.constant 32 : index
        %swap3A_635 = tpu.vector_load %arg7[%swap3A_633, %swap3A_634] {strides = array<i32>} : memref<384x64xbf16, #tpu.memory_space<vmem>>, vector<32xbf16>,
        tpu.vector_store %arg7[%swap3A_633, %swap3A_634], %mul3A_630 {strides = array<i32>} : memref<384x64xbf16, #tpu.memory_space<vmem>>, vector<32xbf16>,
        %broadcast_in_dim3A_636 = arith.constant 8 : i32
        %broadcast_in_dim3A_637 = vector.broadcast %broadcast_in_dim3A_636 : i32 to vector<16x1xi32>
        %gather3A_638 = vector.shape_cast %broadcast_in_dim3A_637 : vector<16x1xi32> to vector<16xi32>
        %gather3A_639 = tpu.dynamic_gather %bitcast3A[%gather3A_638] in [0] : vector<16xf32>, vector<16xi32> -> vector<16xf32>
        %pack3A_640 = tpu.pack_subelements %gather3A_639, %gather3A_639 {pack_format = #tpu.pack_format<interleaved>, positions = array<i32: 0, 1>} : vector<16xf32>, vector<16xf32> -> vector<32xbf16>
        %add3A_641 = arith.constant 8 : i32
        %add3A_642 = arith.addi %add3A_423, %add3A_641 : i32
        %get3A_643 = arith.index_cast %add3A_642 : i32 to index
        %get3A_644 = arith.constant 0 : index
        %get3A_645 = tpu.vector_load %arg6[%get3A_643, %get3A_644] {strides = array<i32>} : memref<384x64xbf16, #tpu.memory_space<vmem>>, vector<32xbf16>,
        %mul3A_646 = arith.mulf %get3A_645, %pack3A_640 : vector<32xbf16>
        %add3A_647 = arith.constant 8 : i32
        %add3A_648 = arith.addi %add3A_423, %add3A_647 : i32
        %swap3A_649 = arith.index_cast %add3A_648 : i32 to index
        %swap3A_650 = arith.constant 0 : index
        %swap3A_651 = tpu.vector_load %arg7[%swap3A_649, %swap3A_650] {strides = array<i32>} : memref<384x64xbf16, #tpu.memory_space<vmem>>, vector<32xbf16>,
        tpu.vector_store %arg7[%swap3A_649, %swap3A_650], %mul3A_646 {strides = array<i32>} : memref<384x64xbf16, #tpu.memory_space<vmem>>, vector<32xbf16>,
        %add3A_652 = arith.constant 8 : i32
        %add3A_653 = arith.addi %add3A_423, %add3A_652 : i32
        %get3A_654 = arith.index_cast %add3A_653 : i32 to index
        %get3A_655 = arith.constant 32 : index
        %get3A_656 = tpu.vector_load %arg6[%get3A_654, %get3A_655] {strides = array<i32>} : memref<384x64xbf16, #tpu.memory_space<vmem>>, vector<32xbf16>,
        %mul3A_657 = arith.mulf %get3A_656, %pack3A_640 : vector<32xbf16>
        %add3A_658 = arith.constant 8 : i32
        %add3A_659 = arith.addi %add3A_423, %add3A_658 : i32
        %swap3A_660 = arith.index_cast %add3A_659 : i32 to index
        %swap3A_661 = arith.constant 32 : index
        %swap3A_662 = tpu.vector_load %arg7[%swap3A_660, %swap3A_661] {strides = array<i32>} : memref<384x64xbf16, #tpu.memory_space<vmem>>, vector<32xbf16>,
        tpu.vector_store %arg7[%swap3A_660, %swap3A_661], %mul3A_657 {strides = array<i32>} : memref<384x64xbf16, #tpu.memory_space<vmem>>, vector<32xbf16>,
        %broadcast_in_dim3A_663 = arith.constant 9 : i32
        %broadcast_in_dim3A_664 = vector.broadcast %broadcast_in_dim3A_663 : i32 to vector<16x1xi32>
        %gather3A_665 = vector.shape_cast %broadcast_in_dim3A_664 : vector<16x1xi32> to vector<16xi32>
        %gather3A_666 = tpu.dynamic_gather %bitcast3A[%gather3A_665] in [0] : vector<16xf32>, vector<16xi32> -> vector<16xf32>
        %pack3A_667 = tpu.pack_subelements %gather3A_666, %gather3A_666 {pack_format = #tpu.pack_format<interleaved>, positions = array<i32: 0, 1>} : vector<16xf32>, vector<16xf32> -> vector<32xbf16>
        %add3A_668 = arith.constant 9 : i32
        %add3A_669 = arith.addi %add3A_423, %add3A_668 : i32
        %get3A_670 = arith.index_cast %add3A_669 : i32 to index
        %get3A_671 = arith.constant 0 : index
        %get3A_672 = tpu.vector_load %arg6[%get3A_670, %get3A_671] {strides = array<i32>} : memref<384x64xbf16, #tpu.memory_space<vmem>>, vector<32xbf16>,
        %mul3A_673 = arith.mulf %get3A_672, %pack3A_667 : vector<32xbf16>
        %add3A_674 = arith.constant 9 : i32
        %add3A_675 = arith.addi %add3A_423, %add3A_674 : i32
        %swap3A_676 = arith.index_cast %add3A_675 : i32 to index
        %swap3A_677 = arith.constant 0 : index
        %swap3A_678 = tpu.vector_load %arg7[%swap3A_676, %swap3A_677] {strides = array<i32>} : memref<384x64xbf16, #tpu.memory_space<vmem>>, vector<32xbf16>,
        tpu.vector_store %arg7[%swap3A_676, %swap3A_677], %mul3A_673 {strides = array<i32>} : memref<384x64xbf16, #tpu.memory_space<vmem>>, vector<32xbf16>,
        %add3A_679 = arith.constant 9 : i32
        %add3A_680 = arith.addi %add3A_423, %add3A_679 : i32
        %get3A_681 = arith.index_cast %add3A_680 : i32 to index
        %get3A_682 = arith.constant 32 : index
        %get3A_683 = tpu.vector_load %arg6[%get3A_681, %get3A_682] {strides = array<i32>} : memref<384x64xbf16, #tpu.memory_space<vmem>>, vector<32xbf16>,
        %mul3A_684 = arith.mulf %get3A_683, %pack3A_667 : vector<32xbf16>
        %add3A_685 = arith.constant 9 : i32
        %add3A_686 = arith.addi %add3A_423, %add3A_685 : i32
        %swap3A_687 = arith.index_cast %add3A_686 : i32 to index
        %swap3A_688 = arith.constant 32 : index
        %swap3A_689 = tpu.vector_load %arg7[%swap3A_687, %swap3A_688] {strides = array<i32>} : memref<384x64xbf16, #tpu.memory_space<vmem>>, vector<32xbf16>,
        tpu.vector_store %arg7[%swap3A_687, %swap3A_688], %mul3A_684 {strides = array<i32>} : memref<384x64xbf16, #tpu.memory_space<vmem>>, vector<32xbf16>,
        %broadcast_in_dim3A_690 = arith.constant 10 : i32
        %broadcast_in_dim3A_691 = vector.broadcast %broadcast_in_dim3A_690 : i32 to vector<16x1xi32>
        %gather3A_692 = vector.shape_cast %broadcast_in_dim3A_691 : vector<16x1xi32> to vector<16xi32>
        %gather3A_693 = tpu.dynamic_gather %bitcast3A[%gather3A_692] in [0] : vector<16xf32>, vector<16xi32> -> vector<16xf32>
        %pack3A_694 = tpu.pack_subelements %gather3A_693, %gather3A_693 {pack_format = #tpu.pack_format<interleaved>, positions = array<i32: 0, 1>} : vector<16xf32>, vector<16xf32> -> vector<32xbf16>
        %add3A_695 = arith.constant 10 : i32
        %add3A_696 = arith.addi %add3A_423, %add3A_695 : i32
        %get3A_697 = arith.index_cast %add3A_696 : i32 to index
        %get3A_698 = arith.constant 0 : index
        %get3A_699 = tpu.vector_load %arg6[%get3A_697, %get3A_698] {strides = array<i32>} : memref<384x64xbf16, #tpu.memory_space<vmem>>, vector<32xbf16>,
        %mul3A_700 = arith.mulf %get3A_699, %pack3A_694 : vector<32xbf16>
        %add3A_701 = arith.constant 10 : i32
        %add3A_702 = arith.addi %add3A_423, %add3A_701 : i32
        %swap3A_703 = arith.index_cast %add3A_702 : i32 to index
        %swap3A_704 = arith.constant 0 : index
        %swap3A_705 = tpu.vector_load %arg7[%swap3A_703, %swap3A_704] {strides = array<i32>} : memref<384x64xbf16, #tpu.memory_space<vmem>>, vector<32xbf16>,
        tpu.vector_store %arg7[%swap3A_703, %swap3A_704], %mul3A_700 {strides = array<i32>} : memref<384x64xbf16, #tpu.memory_space<vmem>>, vector<32xbf16>,
        %add3A_706 = arith.constant 10 : i32
        %add3A_707 = arith.addi %add3A_423, %add3A_706 : i32
        %get3A_708 = arith.index_cast %add3A_707 : i32 to index
        %get3A_709 = arith.constant 32 : index
        %get3A_710 = tpu.vector_load %arg6[%get3A_708, %get3A_709] {strides = array<i32>} : memref<384x64xbf16, #tpu.memory_space<vmem>>, vector<32xbf16>,
        %mul3A_711 = arith.mulf %get3A_710, %pack3A_694 : vector<32xbf16>
        %add3A_712 = arith.constant 10 : i32
        %add3A_713 = arith.addi %add3A_423, %add3A_712 : i32
        %swap3A_714 = arith.index_cast %add3A_713 : i32 to index
        %swap3A_715 = arith.constant 32 : index
        %swap3A_716 = tpu.vector_load %arg7[%swap3A_714, %swap3A_715] {strides = array<i32>} : memref<384x64xbf16, #tpu.memory_space<vmem>>, vector<32xbf16>,
        tpu.vector_store %arg7[%swap3A_714, %swap3A_715], %mul3A_711 {strides = array<i32>} : memref<384x64xbf16, #tpu.memory_space<vmem>>, vector<32xbf16>,
        %broadcast_in_dim3A_717 = arith.constant 11 : i32
        %broadcast_in_dim3A_718 = vector.broadcast %broadcast_in_dim3A_717 : i32 to vector<16x1xi32>
        %gather3A_719 = vector.shape_cast %broadcast_in_dim3A_718 : vector<16x1xi32> to vector<16xi32>
        %gather3A_720 = tpu.dynamic_gather %bitcast3A[%gather3A_719] in [0] : vector<16xf32>, vector<16xi32> -> vector<16xf32>
        %pack3A_721 = tpu.pack_subelements %gather3A_720, %gather3A_720 {pack_format = #tpu.pack_format<interleaved>, positions = array<i32: 0, 1>} : vector<16xf32>, vector<16xf32> -> vector<32xbf16>
        %add3A_722 = arith.constant 11 : i32
        %add3A_723 = arith.addi %add3A_423, %add3A_722 : i32
        %get3A_724 = arith.index_cast %add3A_723 : i32 to index
        %get3A_725 = arith.constant 0 : index
        %get3A_726 = tpu.vector_load %arg6[%get3A_724, %get3A_725] {strides = array<i32>} : memref<384x64xbf16, #tpu.memory_space<vmem>>, vector<32xbf16>,
        %mul3A_727 = arith.mulf %get3A_726, %pack3A_721 : vector<32xbf16>
        %add3A_728 = arith.constant 11 : i32
        %add3A_729 = arith.addi %add3A_423, %add3A_728 : i32
        %swap3A_730 = arith.index_cast %add3A_729 : i32 to index
        %swap3A_731 = arith.constant 0 : index
        %swap3A_732 = tpu.vector_load %arg7[%swap3A_730, %swap3A_731] {strides = array<i32>} : memref<384x64xbf16, #tpu.memory_space<vmem>>, vector<32xbf16>,
        tpu.vector_store %arg7[%swap3A_730, %swap3A_731], %mul3A_727 {strides = array<i32>} : memref<384x64xbf16, #tpu.memory_space<vmem>>, vector<32xbf16>,
        %add3A_733 = arith.constant 11 : i32
        %add3A_734 = arith.addi %add3A_423, %add3A_733 : i32
        %get3A_735 = arith.index_cast %add3A_734 : i32 to index
        %get3A_736 = arith.constant 32 : index
        %get3A_737 = tpu.vector_load %arg6[%get3A_735, %get3A_736] {strides = array<i32>} : memref<384x64xbf16, #tpu.memory_space<vmem>>, vector<32xbf16>,
        %mul3A_738 = arith.mulf %get3A_737, %pack3A_721 : vector<32xbf16>
        %add3A_739 = arith.constant 11 : i32
        %add3A_740 = arith.addi %add3A_423, %add3A_739 : i32
        %swap3A_741 = arith.index_cast %add3A_740 : i32 to index
        %swap3A_742 = arith.constant 32 : index
        %swap3A_743 = tpu.vector_load %arg7[%swap3A_741, %swap3A_742] {strides = array<i32>} : memref<384x64xbf16, #tpu.memory_space<vmem>>, vector<32xbf16>,
        tpu.vector_store %arg7[%swap3A_741, %swap3A_742], %mul3A_738 {strides = array<i32>} : memref<384x64xbf16, #tpu.memory_space<vmem>>, vector<32xbf16>,
        %broadcast_in_dim3A_744 = arith.constant 12 : i32
        %broadcast_in_dim3A_745 = vector.broadcast %broadcast_in_dim3A_744 : i32 to vector<16x1xi32>
        %gather3A_746 = vector.shape_cast %broadcast_in_dim3A_745 : vector<16x1xi32> to vector<16xi32>
        %gather3A_747 = tpu.dynamic_gather %bitcast3A[%gather3A_746] in [0] : vector<16xf32>, vector<16xi32> -> vector<16xf32>
        %pack3A_748 = tpu.pack_subelements %gather3A_747, %gather3A_747 {pack_format = #tpu.pack_format<interleaved>, positions = array<i32: 0, 1>} : vector<16xf32>, vector<16xf32> -> vector<32xbf16>
        %add3A_749 = arith.constant 12 : i32
        %add3A_750 = arith.addi %add3A_423, %add3A_749 : i32
        %get3A_751 = arith.index_cast %add3A_750 : i32 to index
        %get3A_752 = arith.constant 0 : index
        %get3A_753 = tpu.vector_load %arg6[%get3A_751, %get3A_752] {strides = array<i32>} : memref<384x64xbf16, #tpu.memory_space<vmem>>, vector<32xbf16>,
        %mul3A_754 = arith.mulf %get3A_753, %pack3A_748 : vector<32xbf16>
        %add3A_755 = arith.constant 12 : i32
        %add3A_756 = arith.addi %add3A_423, %add3A_755 : i32
        %swap3A_757 = arith.index_cast %add3A_756 : i32 to index
        %swap3A_758 = arith.constant 0 : index
        %swap3A_759 = tpu.vector_load %arg7[%swap3A_757, %swap3A_758] {strides = array<i32>} : memref<384x64xbf16, #tpu.memory_space<vmem>>, vector<32xbf16>,
        tpu.vector_store %arg7[%swap3A_757, %swap3A_758], %mul3A_754 {strides = array<i32>} : memref<384x64xbf16, #tpu.memory_space<vmem>>, vector<32xbf16>,
        %add3A_760 = arith.constant 12 : i32
        %add3A_761 = arith.addi %add3A_423, %add3A_760 : i32
        %get3A_762 = arith.index_cast %add3A_761 : i32 to index
        %get3A_763 = arith.constant 32 : index
        %get3A_764 = tpu.vector_load %arg6[%get3A_762, %get3A_763] {strides = array<i32>} : memref<384x64xbf16, #tpu.memory_space<vmem>>, vector<32xbf16>,
        %mul3A_765 = arith.mulf %get3A_764, %pack3A_748 : vector<32xbf16>
        %add3A_766 = arith.constant 12 : i32
        %add3A_767 = arith.addi %add3A_423, %add3A_766 : i32
        %swap3A_768 = arith.index_cast %add3A_767 : i32 to index
        %swap3A_769 = arith.constant 32 : index
        %swap3A_770 = tpu.vector_load %arg7[%swap3A_768, %swap3A_769] {strides = array<i32>} : memref<384x64xbf16, #tpu.memory_space<vmem>>, vector<32xbf16>,
        tpu.vector_store %arg7[%swap3A_768, %swap3A_769], %mul3A_765 {strides = array<i32>} : memref<384x64xbf16, #tpu.memory_space<vmem>>, vector<32xbf16>,
        %broadcast_in_dim3A_771 = arith.constant 13 : i32
        %broadcast_in_dim3A_772 = vector.broadcast %broadcast_in_dim3A_771 : i32 to vector<16x1xi32>
        %gather3A_773 = vector.shape_cast %broadcast_in_dim3A_772 : vector<16x1xi32> to vector<16xi32>
        %gather3A_774 = tpu.dynamic_gather %bitcast3A[%gather3A_773] in [0] : vector<16xf32>, vector<16xi32> -> vector<16xf32>
        %pack3A_775 = tpu.pack_subelements %gather3A_774, %gather3A_774 {pack_format = #tpu.pack_format<interleaved>, positions = array<i32: 0, 1>} : vector<16xf32>, vector<16xf32> -> vector<32xbf16>
        %add3A_776 = arith.constant 13 : i32
        %add3A_777 = arith.addi %add3A_423, %add3A_776 : i32
        %get3A_778 = arith.index_cast %add3A_777 : i32 to index
        %get3A_779 = arith.constant 0 : index
        %get3A_780 = tpu.vector_load %arg6[%get3A_778, %get3A_779] {strides = array<i32>} : memref<384x64xbf16, #tpu.memory_space<vmem>>, vector<32xbf16>,
        %mul3A_781 = arith.mulf %get3A_780, %pack3A_775 : vector<32xbf16>
        %add3A_782 = arith.constant 13 : i32
        %add3A_783 = arith.addi %add3A_423, %add3A_782 : i32
        %swap3A_784 = arith.index_cast %add3A_783 : i32 to index
        %swap3A_785 = arith.constant 0 : index
        %swap3A_786 = tpu.vector_load %arg7[%swap3A_784, %swap3A_785] {strides = array<i32>} : memref<384x64xbf16, #tpu.memory_space<vmem>>, vector<32xbf16>,
        tpu.vector_store %arg7[%swap3A_784, %swap3A_785], %mul3A_781 {strides = array<i32>} : memref<384x64xbf16, #tpu.memory_space<vmem>>, vector<32xbf16>,
        %add3A_787 = arith.constant 13 : i32
        %add3A_788 = arith.addi %add3A_423, %add3A_787 : i32
        %get3A_789 = arith.index_cast %add3A_788 : i32 to index
        %get3A_790 = arith.constant 32 : index
        %get3A_791 = tpu.vector_load %arg6[%get3A_789, %get3A_790] {strides = array<i32>} : memref<384x64xbf16, #tpu.memory_space<vmem>>, vector<32xbf16>,
        %mul3A_792 = arith.mulf %get3A_791, %pack3A_775 : vector<32xbf16>
        %add3A_793 = arith.constant 13 : i32
        %add3A_794 = arith.addi %add3A_423, %add3A_793 : i32
        %swap3A_795 = arith.index_cast %add3A_794 : i32 to index
        %swap3A_796 = arith.constant 32 : index
        %swap3A_797 = tpu.vector_load %arg7[%swap3A_795, %swap3A_796] {strides = array<i32>} : memref<384x64xbf16, #tpu.memory_space<vmem>>, vector<32xbf16>,
        tpu.vector_store %arg7[%swap3A_795, %swap3A_796], %mul3A_792 {strides = array<i32>} : memref<384x64xbf16, #tpu.memory_space<vmem>>, vector<32xbf16>,
        %broadcast_in_dim3A_798 = arith.constant 14 : i32
        %broadcast_in_dim3A_799 = vector.broadcast %broadcast_in_dim3A_798 : i32 to vector<16x1xi32>
        %gather3A_800 = vector.shape_cast %broadcast_in_dim3A_799 : vector<16x1xi32> to vector<16xi32>
        %gather3A_801 = tpu.dynamic_gather %bitcast3A[%gather3A_800] in [0] : vector<16xf32>, vector<16xi32> -> vector<16xf32>
        %pack3A_802 = tpu.pack_subelements %gather3A_801, %gather3A_801 {pack_format = #tpu.pack_format<interleaved>, positions = array<i32: 0, 1>} : vector<16xf32>, vector<16xf32> -> vector<32xbf16>
        %add3A_803 = arith.constant 14 : i32
        %add3A_804 = arith.addi %add3A_423, %add3A_803 : i32
        %get3A_805 = arith.index_cast %add3A_804 : i32 to index
        %get3A_806 = arith.constant 0 : index
        %get3A_807 = tpu.vector_load %arg6[%get3A_805, %get3A_806] {strides = array<i32>} : memref<384x64xbf16, #tpu.memory_space<vmem>>, vector<32xbf16>,
        %mul3A_808 = arith.mulf %get3A_807, %pack3A_802 : vector<32xbf16>
        %add3A_809 = arith.constant 14 : i32
        %add3A_810 = arith.addi %add3A_423, %add3A_809 : i32
        %swap3A_811 = arith.index_cast %add3A_810 : i32 to index
        %swap3A_812 = arith.constant 0 : index
        %swap3A_813 = tpu.vector_load %arg7[%swap3A_811, %swap3A_812] {strides = array<i32>} : memref<384x64xbf16, #tpu.memory_space<vmem>>, vector<32xbf16>,
        tpu.vector_store %arg7[%swap3A_811, %swap3A_812], %mul3A_808 {strides = array<i32>} : memref<384x64xbf16, #tpu.memory_space<vmem>>, vector<32xbf16>,
        %add3A_814 = arith.constant 14 : i32
        %add3A_815 = arith.addi %add3A_423, %add3A_814 : i32
        %get3A_816 = arith.index_cast %add3A_815 : i32 to index
        %get3A_817 = arith.constant 32 : index
        %get3A_818 = tpu.vector_load %arg6[%get3A_816, %get3A_817] {strides = array<i32>} : memref<384x64xbf16, #tpu.memory_space<vmem>>, vector<32xbf16>,
        %mul3A_819 = arith.mulf %get3A_818, %pack3A_802 : vector<32xbf16>
        %add3A_820 = arith.constant 14 : i32
        %add3A_821 = arith.addi %add3A_423, %add3A_820 : i32
        %swap3A_822 = arith.index_cast %add3A_821 : i32 to index
        %swap3A_823 = arith.constant 32 : index
        %swap3A_824 = tpu.vector_load %arg7[%swap3A_822, %swap3A_823] {strides = array<i32>} : memref<384x64xbf16, #tpu.memory_space<vmem>>, vector<32xbf16>,
        tpu.vector_store %arg7[%swap3A_822, %swap3A_823], %mul3A_819 {strides = array<i32>} : memref<384x64xbf16, #tpu.memory_space<vmem>>, vector<32xbf16>,
        %broadcast_in_dim3A_825 = arith.constant 15 : i32
        %broadcast_in_dim3A_826 = vector.broadcast %broadcast_in_dim3A_825 : i32 to vector<16x1xi32>
        %gather3A_827 = vector.shape_cast %broadcast_in_dim3A_826 : vector<16x1xi32> to vector<16xi32>
        %gather3A_828 = tpu.dynamic_gather %bitcast3A[%gather3A_827] in [0] : vector<16xf32>, vector<16xi32> -> vector<16xf32>
        %pack3A_829 = tpu.pack_subelements %gather3A_828, %gather3A_828 {pack_format = #tpu.pack_format<interleaved>, positions = array<i32: 0, 1>} : vector<16xf32>, vector<16xf32> -> vector<32xbf16>
        %add3A_830 = arith.constant 15 : i32
        %add3A_831 = arith.addi %add3A_423, %add3A_830 : i32
        %get3A_832 = arith.index_cast %add3A_831 : i32 to index
        %get3A_833 = arith.constant 0 : index
        %get3A_834 = tpu.vector_load %arg6[%get3A_832, %get3A_833] {strides = array<i32>} : memref<384x64xbf16, #tpu.memory_space<vmem>>, vector<32xbf16>,
        %mul3A_835 = arith.mulf %get3A_834, %pack3A_829 : vector<32xbf16>
        %add3A_836 = arith.constant 15 : i32
        %add3A_837 = arith.addi %add3A_423, %add3A_836 : i32
        %swap3A_838 = arith.index_cast %add3A_837 : i32 to index
        %swap3A_839 = arith.constant 0 : index
        %swap3A_840 = tpu.vector_load %arg7[%swap3A_838, %swap3A_839] {strides = array<i32>} : memref<384x64xbf16, #tpu.memory_space<vmem>>, vector<32xbf16>,
        tpu.vector_store %arg7[%swap3A_838, %swap3A_839], %mul3A_835 {strides = array<i32>} : memref<384x64xbf16, #tpu.memory_space<vmem>>, vector<32xbf16>,
        %add3A_841 = arith.constant 15 : i32
        %add3A_842 = arith.addi %add3A_423, %add3A_841 : i32
        %get3A_843 = arith.index_cast %add3A_842 : i32 to index
        %get3A_844 = arith.constant 32 : index
        %get3A_845 = tpu.vector_load %arg6[%get3A_843, %get3A_844] {strides = array<i32>} : memref<384x64xbf16, #tpu.memory_space<vmem>>, vector<32xbf16>,
        %mul3A_846 = arith.mulf %get3A_845, %pack3A_829 : vector<32xbf16>
        %add3A_847 = arith.constant 15 : i32
        %add3A_848 = arith.addi %add3A_423, %add3A_847 : i32
        %swap3A_849 = arith.index_cast %add3A_848 : i32 to index
        %swap3A_850 = arith.constant 32 : index
        %swap3A_851 = tpu.vector_load %arg7[%swap3A_849, %swap3A_850] {strides = array<i32>} : memref<384x64xbf16, #tpu.memory_space<vmem>>, vector<32xbf16>,
        tpu.vector_store %arg7[%swap3A_849, %swap3A_850], %mul3A_846 {strides = array<i32>} : memref<384x64xbf16, #tpu.memory_space<vmem>>, vector<32xbf16>,
      }
      %scan3A_207 = arith.constant 8 : i32
      %dma_start3A_208 = arith.constant 4 : i32
      %dma_start3A_209 = arith.constant 128 : i32
      %dma_start3A_210 = arith.constant 0 : i32
      %dma_start3A_211 = tpu.memref_slice %arg7[%dma_start3A_209, %dma_start3A_210] : memref<384x64xbf16, #tpu.memory_space<vmem>> -> memref<128x64xbf16, #tpu.memory_space<vmem>>
      %dma_start3A_212 = arith.constant 0 : i32
      %dma_start3A_213 = tpu.memref_slice %arg5[%dma_start3A_208, %dma_start3A_212] : memref<18x128xi32, #tpu.memory_space<vmem>> -> memref<1x128xi32, #tpu.memory_space<vmem>>
      %dma_start3A_214 = tpu.memref_squeeze %dma_start3A_213 : memref<1x128xi32, #tpu.memory_space<vmem>> -> memref<128xi32, #tpu.memory_space<vmem>>
      %dma_start3A_215 = arith.constant 0 : i32
      %dma_start3A_216 = arith.constant 0 : i32
      %dma_start3A_217 = tpu.memref_slice %arg9[%dma_start3A_215, %dma_start3A_216] : memref<10000x64xbf16, #tpu.memory_space<vmem_shared>> -> memref<10000x64xbf16, #tpu.memory_space<vmem_shared>>
      tpu.enqueue_indirect_dma source(%dma_start3A_211 : memref<128x64xbf16, #tpu.memory_space<vmem>>) target(%dma_start3A_217 : memref<10000x64xbf16, #tpu.memory_space<vmem_shared>>) offsets(%dma_start3A_214 : memref<128xi32, #tpu.memory_space<vmem>>) semaphore(%arg15 : memref<!tpu.dma_semaphore, #tpu.memory_space<semaphore_mem>>) {add = true}
      %mul3A_218 = arith.constant 6 : i32
      %mul3A_219 = arith.muli %add3A_125, %mul3A_218 : i32
      %add3A_220 = arith.constant 2 : i32
      %add3A_221 = arith.addi %mul3A_219, %add3A_220 : i32
      %ge3A_222 = arith.constant 2 : i32
      %ge3A_223 = arith.cmpi sge, %add3A_221, %ge3A_222 : i32
      %convert_element_type3A_224 = arith.extui %ge3A_223 : i1 to i32
      %cond3A_225 = arith.constant 0 : i32
      %cond3A_226 = arith.cmpi ne, %convert_element_type3A_224, %cond3A_225 : i32
      scf.if %cond3A_226 {
        %sub3A = arith.constant 2 : i32
        %sub3A_410 = arith.subi %add3A_221, %sub3A : i32
        %dma_wait3A_411 = arith.constant 1 : i32
        %dma_wait3A_412 = arith.constant 0 : i32
        %dma_wait3A_413 = arith.constant 0 : i32
        %dma_wait3A_414 = tpu.memref_slice %arg7[%dma_wait3A_412, %dma_wait3A_413] : memref<384x64xbf16, #tpu.memory_space<vmem>> -> memref<128x64xbf16, #tpu.memory_space<vmem>>
        %dma_wait3A_415 = arith.constant 0 : i32
        %dma_wait3A_416 = tpu.memref_slice %arg5[%dma_wait3A_411, %dma_wait3A_415] : memref<18x128xi32, #tpu.memory_space<vmem>> -> memref<1x128xi32, #tpu.memory_space<vmem>>
        %dma_wait3A_417 = tpu.memref_squeeze %dma_wait3A_416 : memref<1x128xi32, #tpu.memory_space<vmem>> -> memref<128xi32, #tpu.memory_space<vmem>>
        %dma_wait3A_418 = arith.constant 0 : i32
        %dma_wait3A_419 = arith.constant 0 : i32
        %dma_wait3A_420 = tpu.memref_slice %arg9[%dma_wait3A_418, %dma_wait3A_419] : memref<10000x64xbf16, #tpu.memory_space<vmem_shared>> -> memref<10000x64xbf16, #tpu.memory_space<vmem_shared>>
        tpu.wait_indirect_dma semaphore(%arg14 : memref<!tpu.dma_semaphore, #tpu.memory_space<semaphore_mem>>) src(%dma_wait3A_414 : memref<128x64xbf16, #tpu.memory_space<vmem>>) dst(%dma_wait3A_420 : memref<10000x64xbf16, #tpu.memory_space<vmem_shared>>)
      } else {
      }
      %add3A_227 = arith.constant 2 : i32
      %add3A_228 = arith.addi %add3A_221, %add3A_227 : i32
      %lt3A_229 = arith.constant 162 : i32
      %lt3A_230 = arith.cmpi slt, %add3A_228, %lt3A_229 : i32
      %convert_element_type3A_231 = arith.extui %lt3A_230 : i1 to i32
      %cond3A_232 = arith.constant 0 : i32
      %cond3A_233 = arith.cmpi ne, %convert_element_type3A_231, %cond3A_232 : i32
      scf.if %cond3A_233 {
        %add3A_410 = arith.constant 2 : i32
        %add3A_411 = arith.addi %add3A_221, %add3A_410 : i32
        %add3A_412 = arith.addi %mul3A_42, %add3A_411 : i32
        %mul3A_413 = arith.constant 3 : i32
        %mul3A_414 = arith.muli %add3A_412, %mul3A_413 : i32
        %dma_start3A_415 = arith.constant 12 : i32
        %dma_start3A_416 = arith.constant 0 : i32
        %dma_start3A_417 = tpu.memref_slice %arg5[%dma_start3A_415, %dma_start3A_416] : memref<18x128xi32, #tpu.memory_space<vmem>> -> memref<3x128xi32, #tpu.memory_space<vmem>>
        %dma_start3A_418 = arith.constant 0 : i32
        %dma_start3A_419 = tpu.memref_slice %arg3[%mul3A_414, %dma_start3A_418] : memref<7776x128xi32, #tpu.memory_space<hbm>> -> memref<3x128xi32, #tpu.memory_space<hbm>>
        %dma_start3A_420 = arith.constant 12 : i32
        %dma_start3A_421 = arith.constant 0 : i32
        %dma_start3A_422 = tpu.memref_slice %arg5[%dma_start3A_420, %dma_start3A_421] : memref<18x128xi32, #tpu.memory_space<vmem>> -> memref<3x128xi32, #tpu.memory_space<vmem>>
        %dma_start3A_423 = arith.constant 0 : i32
        %dma_start3A_424 = tpu.memref_slice %arg3[%mul3A_414, %dma_start3A_423] : memref<7776x128xi32, #tpu.memory_space<hbm>> -> memref<3x128xi32, #tpu.memory_space<hbm>>
        tpu.enqueue_dma source(%dma_start3A_424 : memref<3x128xi32, #tpu.memory_space<hbm>>) target(%dma_start3A_422 : memref<3x128xi32, #tpu.memory_space<vmem>>) target_semaphore(%arg21 : memref<!tpu.dma_semaphore, #tpu.memory_space<semaphore_mem>>)
      } else {
      }
      %add3A_234 = arith.constant 1 : i32
      %add3A_235 = arith.addi %add3A_221, %add3A_234 : i32
      %lt3A_236 = arith.constant 162 : i32
      %lt3A_237 = arith.cmpi slt, %add3A_235, %lt3A_236 : i32
      %convert_element_type3A_238 = arith.extui %lt3A_237 : i1 to i32
      %cond3A_239 = arith.constant 0 : i32
      %cond3A_240 = arith.cmpi ne, %convert_element_type3A_238, %cond3A_239 : i32
      scf.if %cond3A_240 {
        %add3A_410 = arith.constant 1 : i32
        %add3A_411 = arith.addi %add3A_221, %add3A_410 : i32
        %add3A_412 = arith.addi %mul3A_42, %add3A_411 : i32
        %mul3A_413 = arith.constant 3 : i32
        %mul3A_414 = arith.muli %add3A_412, %mul3A_413 : i32
        %dma_wait3A_415 = arith.constant 9 : i32
        %dma_wait3A_416 = arith.constant 0 : i32
        %dma_wait3A_417 = tpu.memref_slice %arg5[%dma_wait3A_415, %dma_wait3A_416] : memref<18x128xi32, #tpu.memory_space<vmem>> -> memref<3x128xi32, #tpu.memory_space<vmem>>
        %dma_wait3A_418 = arith.constant 0 : i32
        %dma_wait3A_419 = tpu.memref_slice %arg3[%mul3A_414, %dma_wait3A_418] : memref<7776x128xi32, #tpu.memory_space<hbm>> -> memref<3x128xi32, #tpu.memory_space<hbm>>
        %dma_wait3A_420 = arith.constant 9 : i32
        %dma_wait3A_421 = arith.constant 0 : i32
        %dma_wait3A_422 = tpu.memref_slice %arg5[%dma_wait3A_420, %dma_wait3A_421] : memref<18x128xi32, #tpu.memory_space<vmem>> -> memref<3x128xi32, #tpu.memory_space<vmem>>
        %dma_wait3A_423 = arith.constant 0 : i32
        %dma_wait3A_424 = tpu.memref_slice %arg3[%mul3A_414, %dma_wait3A_423] : memref<7776x128xi32, #tpu.memory_space<hbm>> -> memref<3x128xi32, #tpu.memory_space<hbm>>
        tpu.wait_dma2 semaphore(%arg20 : memref<!tpu.dma_semaphore, #tpu.memory_space<semaphore_mem>>) src(%dma_wait3A_424 : memref<3x128xi32, #tpu.memory_space<hbm>>) dst(%dma_wait3A_422 : memref<3x128xi32, #tpu.memory_space<vmem>>)
        %add3A_425 = arith.constant 1 : i32
        %add3A_426 = arith.addi %add3A_221, %add3A_425 : i32
        %dma_start3A_427 = arith.constant 9 : i32
        %dma_start3A_428 = arith.constant 0 : i32
        %dma_start3A_429 = arith.constant 0 : i32
        %dma_start3A_430 = tpu.memref_slice %arg6[%dma_start3A_428, %dma_start3A_429] : memref<384x64xbf16, #tpu.memory_space<vmem>> -> memref<128x64xbf16, #tpu.memory_space<vmem>>
        %dma_start3A_431 = arith.constant 0 : i32
        %dma_start3A_432 = tpu.memref_slice %arg5[%dma_start3A_427, %dma_start3A_431] : memref<18x128xi32, #tpu.memory_space<vmem>> -> memref<1x128xi32, #tpu.memory_space<vmem>>
        %dma_start3A_433 = tpu.memref_squeeze %dma_start3A_432 : memref<1x128xi32, #tpu.memory_space<vmem>> -> memref<128xi32, #tpu.memory_space<vmem>>
        %dma_start3A_434 = arith.constant 0 : i32
        %dma_start3A_435 = arith.constant 0 : i32
        %dma_start3A_436 = tpu.memref_slice %arg10[%dma_start3A_434, %dma_start3A_435] : memref<10000x64xbf16, #tpu.memory_space<vmem_shared>> -> memref<10000x64xbf16, #tpu.memory_space<vmem_shared>>
        tpu.enqueue_indirect_dma source(%dma_start3A_436 : memref<10000x64xbf16, #tpu.memory_space<vmem_shared>>) target(%dma_start3A_430 : memref<128x64xbf16, #tpu.memory_space<vmem>>) offsets(%dma_start3A_433 : memref<128xi32, #tpu.memory_space<vmem>>) semaphore(%arg11 : memref<!tpu.dma_semaphore, #tpu.memory_space<semaphore_mem>>)
      } else {
      }
      %dma_wait3A_241 = arith.constant 6 : i32
      %dma_wait3A_242 = arith.constant 256 : i32
      %dma_wait3A_243 = arith.constant 0 : i32
      %dma_wait3A_244 = tpu.memref_slice %arg6[%dma_wait3A_242, %dma_wait3A_243] : memref<384x64xbf16, #tpu.memory_space<vmem>> -> memref<128x64xbf16, #tpu.memory_space<vmem>>
      %dma_wait3A_245 = arith.constant 0 : i32
      %dma_wait3A_246 = tpu.memref_slice %arg5[%dma_wait3A_241, %dma_wait3A_245] : memref<18x128xi32, #tpu.memory_space<vmem>> -> memref<1x128xi32, #tpu.memory_space<vmem>>
      %dma_wait3A_247 = tpu.memref_squeeze %dma_wait3A_246 : memref<1x128xi32, #tpu.memory_space<vmem>> -> memref<128xi32, #tpu.memory_space<vmem>>
      %dma_wait3A_248 = arith.constant 0 : i32
      %dma_wait3A_249 = arith.constant 0 : i32
      %dma_wait3A_250 = tpu.memref_slice %arg10[%dma_wait3A_248, %dma_wait3A_249] : memref<10000x64xbf16, #tpu.memory_space<vmem_shared>> -> memref<10000x64xbf16, #tpu.memory_space<vmem_shared>>
      tpu.wait_indirect_dma semaphore(%arg13 : memref<!tpu.dma_semaphore, #tpu.memory_space<semaphore_mem>>) src(%dma_wait3A_250 : memref<10000x64xbf16, #tpu.memory_space<vmem_shared>>) dst(%dma_wait3A_244 : memref<128x64xbf16, #tpu.memory_space<vmem>>)
      %scan3A_251 = arith.constant 0 : i32
      %scan3A_252 = arith.constant 8 : i32
      %scan3A_253 = arith.addi %scan3A_251, %scan3A_252 : i32
      %scan3A_254 = arith.constant 1 : i32
      scf.for %scan3A_410 = %scan3A_251 to %scan3A_253 step %scan3A_254  : i32 {
        %mul3A_411 = arith.constant 1 : i32
        %mul3A_412 = arith.muli %scan3A_410, %mul3A_411 : i32
        %add3A_413 = arith.constant 0 : i32
        %add3A_414 = arith.addi %add3A_413, %mul3A_412 : i32
        %mul3A_415 = arith.constant 16 : i32
        %mul3A_416 = arith.muli %add3A_414, %mul3A_415 : i32
        %get3A = arith.constant 8 : i32
        %get3A_417 = arith.index_cast %get3A : i32 to index
        %get3A_418 = arith.index_cast %mul3A_416 : i32 to index
        %get3A_419 = tpu.vector_load %arg5[%get3A_417, %get3A_418] {strides = array<i32>} : memref<18x128xi32, #tpu.memory_space<vmem>>, vector<16xi32>,
        %bitcast3A = vector.bitcast %get3A_419 : vector<16xi32> to vector<16xf32>
        %mul3A_420 = arith.constant 16 : i32
        %mul3A_421 = arith.muli %add3A_414, %mul3A_420 : i32
        %add3A_422 = arith.constant 256 : i32
        %add3A_423 = arith.addi %add3A_422, %mul3A_421 : i32
        %broadcast_in_dim3A = arith.constant 0 : i32
        %broadcast_in_dim3A_424 = vector.broadcast %broadcast_in_dim3A : i32 to vector<16x1xi32>
        %gather3A = vector.shape_cast %broadcast_in_dim3A_424 : vector<16x1xi32> to vector<16xi32>
        %gather3A_425 = tpu.dynamic_gather %bitcast3A[%gather3A] in [0] : vector<16xf32>, vector<16xi32> -> vector<16xf32>
        %pack3A = tpu.pack_subelements %gather3A_425, %gather3A_425 {pack_format = #tpu.pack_format<interleaved>, positions = array<i32: 0, 1>} : vector<16xf32>, vector<16xf32> -> vector<32xbf16>
        %add3A_426 = arith.constant 0 : i32
        %add3A_427 = arith.addi %add3A_423, %add3A_426 : i32
        %get3A_428 = arith.index_cast %add3A_427 : i32 to index
        %get3A_429 = arith.constant 0 : index
        %get3A_430 = tpu.vector_load %arg6[%get3A_428, %get3A_429] {strides = array<i32>} : memref<384x64xbf16, #tpu.memory_space<vmem>>, vector<32xbf16>,
        %mul3A_431 = arith.mulf %get3A_430, %pack3A : vector<32xbf16>
        %add3A_432 = arith.constant 0 : i32
        %add3A_433 = arith.addi %add3A_423, %add3A_432 : i32
        %swap3A = arith.index_cast %add3A_433 : i32 to index
        %swap3A_434 = arith.constant 0 : index
        %swap3A_435 = tpu.vector_load %arg7[%swap3A, %swap3A_434] {strides = array<i32>} : memref<384x64xbf16, #tpu.memory_space<vmem>>, vector<32xbf16>,
        tpu.vector_store %arg7[%swap3A, %swap3A_434], %mul3A_431 {strides = array<i32>} : memref<384x64xbf16, #tpu.memory_space<vmem>>, vector<32xbf16>,
        %add3A_436 = arith.constant 0 : i32
        %add3A_437 = arith.addi %add3A_423, %add3A_436 : i32
        %get3A_438 = arith.index_cast %add3A_437 : i32 to index
        %get3A_439 = arith.constant 32 : index
        %get3A_440 = tpu.vector_load %arg6[%get3A_438, %get3A_439] {strides = array<i32>} : memref<384x64xbf16, #tpu.memory_space<vmem>>, vector<32xbf16>,
        %mul3A_441 = arith.mulf %get3A_440, %pack3A : vector<32xbf16>
        %add3A_442 = arith.constant 0 : i32
        %add3A_443 = arith.addi %add3A_423, %add3A_442 : i32
        %swap3A_444 = arith.index_cast %add3A_443 : i32 to index
        %swap3A_445 = arith.constant 32 : index
        %swap3A_446 = tpu.vector_load %arg7[%swap3A_444, %swap3A_445] {strides = array<i32>} : memref<384x64xbf16, #tpu.memory_space<vmem>>, vector<32xbf16>,
        tpu.vector_store %arg7[%swap3A_444, %swap3A_445], %mul3A_441 {strides = array<i32>} : memref<384x64xbf16, #tpu.memory_space<vmem>>, vector<32xbf16>,
        %broadcast_in_dim3A_447 = arith.constant 1 : i32
        %broadcast_in_dim3A_448 = vector.broadcast %broadcast_in_dim3A_447 : i32 to vector<16x1xi32>
        %gather3A_449 = vector.shape_cast %broadcast_in_dim3A_448 : vector<16x1xi32> to vector<16xi32>
        %gather3A_450 = tpu.dynamic_gather %bitcast3A[%gather3A_449] in [0] : vector<16xf32>, vector<16xi32> -> vector<16xf32>
        %pack3A_451 = tpu.pack_subelements %gather3A_450, %gather3A_450 {pack_format = #tpu.pack_format<interleaved>, positions = array<i32: 0, 1>} : vector<16xf32>, vector<16xf32> -> vector<32xbf16>
        %add3A_452 = arith.constant 1 : i32
        %add3A_453 = arith.addi %add3A_423, %add3A_452 : i32
        %get3A_454 = arith.index_cast %add3A_453 : i32 to index
        %get3A_455 = arith.constant 0 : index
        %get3A_456 = tpu.vector_load %arg6[%get3A_454, %get3A_455] {strides = array<i32>} : memref<384x64xbf16, #tpu.memory_space<vmem>>, vector<32xbf16>,
        %mul3A_457 = arith.mulf %get3A_456, %pack3A_451 : vector<32xbf16>
        %add3A_458 = arith.constant 1 : i32
        %add3A_459 = arith.addi %add3A_423, %add3A_458 : i32
        %swap3A_460 = arith.index_cast %add3A_459 : i32 to index
        %swap3A_461 = arith.constant 0 : index
        %swap3A_462 = tpu.vector_load %arg7[%swap3A_460, %swap3A_461] {strides = array<i32>} : memref<384x64xbf16, #tpu.memory_space<vmem>>, vector<32xbf16>,
        tpu.vector_store %arg7[%swap3A_460, %swap3A_461], %mul3A_457 {strides = array<i32>} : memref<384x64xbf16, #tpu.memory_space<vmem>>, vector<32xbf16>,
        %add3A_463 = arith.constant 1 : i32
        %add3A_464 = arith.addi %add3A_423, %add3A_463 : i32
        %get3A_465 = arith.index_cast %add3A_464 : i32 to index
        %get3A_466 = arith.constant 32 : index
        %get3A_467 = tpu.vector_load %arg6[%get3A_465, %get3A_466] {strides = array<i32>} : memref<384x64xbf16, #tpu.memory_space<vmem>>, vector<32xbf16>,
        %mul3A_468 = arith.mulf %get3A_467, %pack3A_451 : vector<32xbf16>
        %add3A_469 = arith.constant 1 : i32
        %add3A_470 = arith.addi %add3A_423, %add3A_469 : i32
        %swap3A_471 = arith.index_cast %add3A_470 : i32 to index
        %swap3A_472 = arith.constant 32 : index
        %swap3A_473 = tpu.vector_load %arg7[%swap3A_471, %swap3A_472] {strides = array<i32>} : memref<384x64xbf16, #tpu.memory_space<vmem>>, vector<32xbf16>,
        tpu.vector_store %arg7[%swap3A_471, %swap3A_472], %mul3A_468 {strides = array<i32>} : memref<384x64xbf16, #tpu.memory_space<vmem>>, vector<32xbf16>,
        %broadcast_in_dim3A_474 = arith.constant 2 : i32
        %broadcast_in_dim3A_475 = vector.broadcast %broadcast_in_dim3A_474 : i32 to vector<16x1xi32>
        %gather3A_476 = vector.shape_cast %broadcast_in_dim3A_475 : vector<16x1xi32> to vector<16xi32>
        %gather3A_477 = tpu.dynamic_gather %bitcast3A[%gather3A_476] in [0] : vector<16xf32>, vector<16xi32> -> vector<16xf32>
        %pack3A_478 = tpu.pack_subelements %gather3A_477, %gather3A_477 {pack_format = #tpu.pack_format<interleaved>, positions = array<i32: 0, 1>} : vector<16xf32>, vector<16xf32> -> vector<32xbf16>
        %add3A_479 = arith.constant 2 : i32
        %add3A_480 = arith.addi %add3A_423, %add3A_479 : i32
        %get3A_481 = arith.index_cast %add3A_480 : i32 to index
        %get3A_482 = arith.constant 0 : index
        %get3A_483 = tpu.vector_load %arg6[%get3A_481, %get3A_482] {strides = array<i32>} : memref<384x64xbf16, #tpu.memory_space<vmem>>, vector<32xbf16>,
        %mul3A_484 = arith.mulf %get3A_483, %pack3A_478 : vector<32xbf16>
        %add3A_485 = arith.constant 2 : i32
        %add3A_486 = arith.addi %add3A_423, %add3A_485 : i32
        %swap3A_487 = arith.index_cast %add3A_486 : i32 to index
        %swap3A_488 = arith.constant 0 : index
        %swap3A_489 = tpu.vector_load %arg7[%swap3A_487, %swap3A_488] {strides = array<i32>} : memref<384x64xbf16, #tpu.memory_space<vmem>>, vector<32xbf16>,
        tpu.vector_store %arg7[%swap3A_487, %swap3A_488], %mul3A_484 {strides = array<i32>} : memref<384x64xbf16, #tpu.memory_space<vmem>>, vector<32xbf16>,
        %add3A_490 = arith.constant 2 : i32
        %add3A_491 = arith.addi %add3A_423, %add3A_490 : i32
        %get3A_492 = arith.index_cast %add3A_491 : i32 to index
        %get3A_493 = arith.constant 32 : index
        %get3A_494 = tpu.vector_load %arg6[%get3A_492, %get3A_493] {strides = array<i32>} : memref<384x64xbf16, #tpu.memory_space<vmem>>, vector<32xbf16>,
        %mul3A_495 = arith.mulf %get3A_494, %pack3A_478 : vector<32xbf16>
        %add3A_496 = arith.constant 2 : i32
        %add3A_497 = arith.addi %add3A_423, %add3A_496 : i32
        %swap3A_498 = arith.index_cast %add3A_497 : i32 to index
        %swap3A_499 = arith.constant 32 : index
        %swap3A_500 = tpu.vector_load %arg7[%swap3A_498, %swap3A_499] {strides = array<i32>} : memref<384x64xbf16, #tpu.memory_space<vmem>>, vector<32xbf16>,
        tpu.vector_store %arg7[%swap3A_498, %swap3A_499], %mul3A_495 {strides = array<i32>} : memref<384x64xbf16, #tpu.memory_space<vmem>>, vector<32xbf16>,
        %broadcast_in_dim3A_501 = arith.constant 3 : i32
        %broadcast_in_dim3A_502 = vector.broadcast %broadcast_in_dim3A_501 : i32 to vector<16x1xi32>
        %gather3A_503 = vector.shape_cast %broadcast_in_dim3A_502 : vector<16x1xi32> to vector<16xi32>
        %gather3A_504 = tpu.dynamic_gather %bitcast3A[%gather3A_503] in [0] : vector<16xf32>, vector<16xi32> -> vector<16xf32>
        %pack3A_505 = tpu.pack_subelements %gather3A_504, %gather3A_504 {pack_format = #tpu.pack_format<interleaved>, positions = array<i32: 0, 1>} : vector<16xf32>, vector<16xf32> -> vector<32xbf16>
        %add3A_506 = arith.constant 3 : i32
        %add3A_507 = arith.addi %add3A_423, %add3A_506 : i32
        %get3A_508 = arith.index_cast %add3A_507 : i32 to index
        %get3A_509 = arith.constant 0 : index
        %get3A_510 = tpu.vector_load %arg6[%get3A_508, %get3A_509] {strides = array<i32>} : memref<384x64xbf16, #tpu.memory_space<vmem>>, vector<32xbf16>,
        %mul3A_511 = arith.mulf %get3A_510, %pack3A_505 : vector<32xbf16>
        %add3A_512 = arith.constant 3 : i32
        %add3A_513 = arith.addi %add3A_423, %add3A_512 : i32
        %swap3A_514 = arith.index_cast %add3A_513 : i32 to index
        %swap3A_515 = arith.constant 0 : index
        %swap3A_516 = tpu.vector_load %arg7[%swap3A_514, %swap3A_515] {strides = array<i32>} : memref<384x64xbf16, #tpu.memory_space<vmem>>, vector<32xbf16>,
        tpu.vector_store %arg7[%swap3A_514, %swap3A_515], %mul3A_511 {strides = array<i32>} : memref<384x64xbf16, #tpu.memory_space<vmem>>, vector<32xbf16>,
        %add3A_517 = arith.constant 3 : i32
        %add3A_518 = arith.addi %add3A_423, %add3A_517 : i32
        %get3A_519 = arith.index_cast %add3A_518 : i32 to index
        %get3A_520 = arith.constant 32 : index
        %get3A_521 = tpu.vector_load %arg6[%get3A_519, %get3A_520] {strides = array<i32>} : memref<384x64xbf16, #tpu.memory_space<vmem>>, vector<32xbf16>,
        %mul3A_522 = arith.mulf %get3A_521, %pack3A_505 : vector<32xbf16>
        %add3A_523 = arith.constant 3 : i32
        %add3A_524 = arith.addi %add3A_423, %add3A_523 : i32
        %swap3A_525 = arith.index_cast %add3A_524 : i32 to index
        %swap3A_526 = arith.constant 32 : index
        %swap3A_527 = tpu.vector_load %arg7[%swap3A_525, %swap3A_526] {strides = array<i32>} : memref<384x64xbf16, #tpu.memory_space<vmem>>, vector<32xbf16>,
        tpu.vector_store %arg7[%swap3A_525, %swap3A_526], %mul3A_522 {strides = array<i32>} : memref<384x64xbf16, #tpu.memory_space<vmem>>, vector<32xbf16>,
        %broadcast_in_dim3A_528 = arith.constant 4 : i32
        %broadcast_in_dim3A_529 = vector.broadcast %broadcast_in_dim3A_528 : i32 to vector<16x1xi32>
        %gather3A_530 = vector.shape_cast %broadcast_in_dim3A_529 : vector<16x1xi32> to vector<16xi32>
        %gather3A_531 = tpu.dynamic_gather %bitcast3A[%gather3A_530] in [0] : vector<16xf32>, vector<16xi32> -> vector<16xf32>
        %pack3A_532 = tpu.pack_subelements %gather3A_531, %gather3A_531 {pack_format = #tpu.pack_format<interleaved>, positions = array<i32: 0, 1>} : vector<16xf32>, vector<16xf32> -> vector<32xbf16>
        %add3A_533 = arith.constant 4 : i32
        %add3A_534 = arith.addi %add3A_423, %add3A_533 : i32
        %get3A_535 = arith.index_cast %add3A_534 : i32 to index
        %get3A_536 = arith.constant 0 : index
        %get3A_537 = tpu.vector_load %arg6[%get3A_535, %get3A_536] {strides = array<i32>} : memref<384x64xbf16, #tpu.memory_space<vmem>>, vector<32xbf16>,
        %mul3A_538 = arith.mulf %get3A_537, %pack3A_532 : vector<32xbf16>
        %add3A_539 = arith.constant 4 : i32
        %add3A_540 = arith.addi %add3A_423, %add3A_539 : i32
        %swap3A_541 = arith.index_cast %add3A_540 : i32 to index
        %swap3A_542 = arith.constant 0 : index
        %swap3A_543 = tpu.vector_load %arg7[%swap3A_541, %swap3A_542] {strides = array<i32>} : memref<384x64xbf16, #tpu.memory_space<vmem>>, vector<32xbf16>,
        tpu.vector_store %arg7[%swap3A_541, %swap3A_542], %mul3A_538 {strides = array<i32>} : memref<384x64xbf16, #tpu.memory_space<vmem>>, vector<32xbf16>,
        %add3A_544 = arith.constant 4 : i32
        %add3A_545 = arith.addi %add3A_423, %add3A_544 : i32
        %get3A_546 = arith.index_cast %add3A_545 : i32 to index
        %get3A_547 = arith.constant 32 : index
        %get3A_548 = tpu.vector_load %arg6[%get3A_546, %get3A_547] {strides = array<i32>} : memref<384x64xbf16, #tpu.memory_space<vmem>>, vector<32xbf16>,
        %mul3A_549 = arith.mulf %get3A_548, %pack3A_532 : vector<32xbf16>
        %add3A_550 = arith.constant 4 : i32
        %add3A_551 = arith.addi %add3A_423, %add3A_550 : i32
        %swap3A_552 = arith.index_cast %add3A_551 : i32 to index
        %swap3A_553 = arith.constant 32 : index
        %swap3A_554 = tpu.vector_load %arg7[%swap3A_552, %swap3A_553] {strides = array<i32>} : memref<384x64xbf16, #tpu.memory_space<vmem>>, vector<32xbf16>,
        tpu.vector_store %arg7[%swap3A_552, %swap3A_553], %mul3A_549 {strides = array<i32>} : memref<384x64xbf16, #tpu.memory_space<vmem>>, vector<32xbf16>,
        %broadcast_in_dim3A_555 = arith.constant 5 : i32
        %broadcast_in_dim3A_556 = vector.broadcast %broadcast_in_dim3A_555 : i32 to vector<16x1xi32>
        %gather3A_557 = vector.shape_cast %broadcast_in_dim3A_556 : vector<16x1xi32> to vector<16xi32>
        %gather3A_558 = tpu.dynamic_gather %bitcast3A[%gather3A_557] in [0] : vector<16xf32>, vector<16xi32> -> vector<16xf32>
        %pack3A_559 = tpu.pack_subelements %gather3A_558, %gather3A_558 {pack_format = #tpu.pack_format<interleaved>, positions = array<i32: 0, 1>} : vector<16xf32>, vector<16xf32> -> vector<32xbf16>
        %add3A_560 = arith.constant 5 : i32
        %add3A_561 = arith.addi %add3A_423, %add3A_560 : i32
        %get3A_562 = arith.index_cast %add3A_561 : i32 to index
        %get3A_563 = arith.constant 0 : index
        %get3A_564 = tpu.vector_load %arg6[%get3A_562, %get3A_563] {strides = array<i32>} : memref<384x64xbf16, #tpu.memory_space<vmem>>, vector<32xbf16>,
        %mul3A_565 = arith.mulf %get3A_564, %pack3A_559 : vector<32xbf16>
        %add3A_566 = arith.constant 5 : i32
        %add3A_567 = arith.addi %add3A_423, %add3A_566 : i32
        %swap3A_568 = arith.index_cast %add3A_567 : i32 to index
        %swap3A_569 = arith.constant 0 : index
        %swap3A_570 = tpu.vector_load %arg7[%swap3A_568, %swap3A_569] {strides = array<i32>} : memref<384x64xbf16, #tpu.memory_space<vmem>>, vector<32xbf16>,
        tpu.vector_store %arg7[%swap3A_568, %swap3A_569], %mul3A_565 {strides = array<i32>} : memref<384x64xbf16, #tpu.memory_space<vmem>>, vector<32xbf16>,
        %add3A_571 = arith.constant 5 : i32
        %add3A_572 = arith.addi %add3A_423, %add3A_571 : i32
        %get3A_573 = arith.index_cast %add3A_572 : i32 to index
        %get3A_574 = arith.constant 32 : index
        %get3A_575 = tpu.vector_load %arg6[%get3A_573, %get3A_574] {strides = array<i32>} : memref<384x64xbf16, #tpu.memory_space<vmem>>, vector<32xbf16>,
        %mul3A_576 = arith.mulf %get3A_575, %pack3A_559 : vector<32xbf16>
        %add3A_577 = arith.constant 5 : i32
        %add3A_578 = arith.addi %add3A_423, %add3A_577 : i32
        %swap3A_579 = arith.index_cast %add3A_578 : i32 to index
        %swap3A_580 = arith.constant 32 : index
        %swap3A_581 = tpu.vector_load %arg7[%swap3A_579, %swap3A_580] {strides = array<i32>} : memref<384x64xbf16, #tpu.memory_space<vmem>>, vector<32xbf16>,
        tpu.vector_store %arg7[%swap3A_579, %swap3A_580], %mul3A_576 {strides = array<i32>} : memref<384x64xbf16, #tpu.memory_space<vmem>>, vector<32xbf16>,
        %broadcast_in_dim3A_582 = arith.constant 6 : i32
        %broadcast_in_dim3A_583 = vector.broadcast %broadcast_in_dim3A_582 : i32 to vector<16x1xi32>
        %gather3A_584 = vector.shape_cast %broadcast_in_dim3A_583 : vector<16x1xi32> to vector<16xi32>
        %gather3A_585 = tpu.dynamic_gather %bitcast3A[%gather3A_584] in [0] : vector<16xf32>, vector<16xi32> -> vector<16xf32>
        %pack3A_586 = tpu.pack_subelements %gather3A_585, %gather3A_585 {pack_format = #tpu.pack_format<interleaved>, positions = array<i32: 0, 1>} : vector<16xf32>, vector<16xf32> -> vector<32xbf16>
        %add3A_587 = arith.constant 6 : i32
        %add3A_588 = arith.addi %add3A_423, %add3A_587 : i32
        %get3A_589 = arith.index_cast %add3A_588 : i32 to index
        %get3A_590 = arith.constant 0 : index
        %get3A_591 = tpu.vector_load %arg6[%get3A_589, %get3A_590] {strides = array<i32>} : memref<384x64xbf16, #tpu.memory_space<vmem>>, vector<32xbf16>,
        %mul3A_592 = arith.mulf %get3A_591, %pack3A_586 : vector<32xbf16>
        %add3A_593 = arith.constant 6 : i32
        %add3A_594 = arith.addi %add3A_423, %add3A_593 : i32
        %swap3A_595 = arith.index_cast %add3A_594 : i32 to index
        %swap3A_596 = arith.constant 0 : index
        %swap3A_597 = tpu.vector_load %arg7[%swap3A_595, %swap3A_596] {strides = array<i32>} : memref<384x64xbf16, #tpu.memory_space<vmem>>, vector<32xbf16>,
        tpu.vector_store %arg7[%swap3A_595, %swap3A_596], %mul3A_592 {strides = array<i32>} : memref<384x64xbf16, #tpu.memory_space<vmem>>, vector<32xbf16>,
        %add3A_598 = arith.constant 6 : i32
        %add3A_599 = arith.addi %add3A_423, %add3A_598 : i32
        %get3A_600 = arith.index_cast %add3A_599 : i32 to index
        %get3A_601 = arith.constant 32 : index
        %get3A_602 = tpu.vector_load %arg6[%get3A_600, %get3A_601] {strides = array<i32>} : memref<384x64xbf16, #tpu.memory_space<vmem>>, vector<32xbf16>,
        %mul3A_603 = arith.mulf %get3A_602, %pack3A_586 : vector<32xbf16>
        %add3A_604 = arith.constant 6 : i32
        %add3A_605 = arith.addi %add3A_423, %add3A_604 : i32
        %swap3A_606 = arith.index_cast %add3A_605 : i32 to index
        %swap3A_607 = arith.constant 32 : index
        %swap3A_608 = tpu.vector_load %arg7[%swap3A_606, %swap3A_607] {strides = array<i32>} : memref<384x64xbf16, #tpu.memory_space<vmem>>, vector<32xbf16>,
        tpu.vector_store %arg7[%swap3A_606, %swap3A_607], %mul3A_603 {strides = array<i32>} : memref<384x64xbf16, #tpu.memory_space<vmem>>, vector<32xbf16>,
        %broadcast_in_dim3A_609 = arith.constant 7 : i32
        %broadcast_in_dim3A_610 = vector.broadcast %broadcast_in_dim3A_609 : i32 to vector<16x1xi32>
        %gather3A_611 = vector.shape_cast %broadcast_in_dim3A_610 : vector<16x1xi32> to vector<16xi32>
        %gather3A_612 = tpu.dynamic_gather %bitcast3A[%gather3A_611] in [0] : vector<16xf32>, vector<16xi32> -> vector<16xf32>
        %pack3A_613 = tpu.pack_subelements %gather3A_612, %gather3A_612 {pack_format = #tpu.pack_format<interleaved>, positions = array<i32: 0, 1>} : vector<16xf32>, vector<16xf32> -> vector<32xbf16>
        %add3A_614 = arith.constant 7 : i32
        %add3A_615 = arith.addi %add3A_423, %add3A_614 : i32
        %get3A_616 = arith.index_cast %add3A_615 : i32 to index
        %get3A_617 = arith.constant 0 : index
        %get3A_618 = tpu.vector_load %arg6[%get3A_616, %get3A_617] {strides = array<i32>} : memref<384x64xbf16, #tpu.memory_space<vmem>>, vector<32xbf16>,
        %mul3A_619 = arith.mulf %get3A_618, %pack3A_613 : vector<32xbf16>
        %add3A_620 = arith.constant 7 : i32
        %add3A_621 = arith.addi %add3A_423, %add3A_620 : i32
        %swap3A_622 = arith.index_cast %add3A_621 : i32 to index
        %swap3A_623 = arith.constant 0 : index
        %swap3A_624 = tpu.vector_load %arg7[%swap3A_622, %swap3A_623] {strides = array<i32>} : memref<384x64xbf16, #tpu.memory_space<vmem>>, vector<32xbf16>,
        tpu.vector_store %arg7[%swap3A_622, %swap3A_623], %mul3A_619 {strides = array<i32>} : memref<384x64xbf16, #tpu.memory_space<vmem>>, vector<32xbf16>,
        %add3A_625 = arith.constant 7 : i32
        %add3A_626 = arith.addi %add3A_423, %add3A_625 : i32
        %get3A_627 = arith.index_cast %add3A_626 : i32 to index
        %get3A_628 = arith.constant 32 : index
        %get3A_629 = tpu.vector_load %arg6[%get3A_627, %get3A_628] {strides = array<i32>} : memref<384x64xbf16, #tpu.memory_space<vmem>>, vector<32xbf16>,
        %mul3A_630 = arith.mulf %get3A_629, %pack3A_613 : vector<32xbf16>
        %add3A_631 = arith.constant 7 : i32
        %add3A_632 = arith.addi %add3A_423, %add3A_631 : i32
        %swap3A_633 = arith.index_cast %add3A_632 : i32 to index
        %swap3A_634 = arith.constant 32 : index
        %swap3A_635 = tpu.vector_load %arg7[%swap3A_633, %swap3A_634] {strides = array<i32>} : memref<384x64xbf16, #tpu.memory_space<vmem>>, vector<32xbf16>,
        tpu.vector_store %arg7[%swap3A_633, %swap3A_634], %mul3A_630 {strides = array<i32>} : memref<384x64xbf16, #tpu.memory_space<vmem>>, vector<32xbf16>,
        %broadcast_in_dim3A_636 = arith.constant 8 : i32
        %broadcast_in_dim3A_637 = vector.broadcast %broadcast_in_dim3A_636 : i32 to vector<16x1xi32>
        %gather3A_638 = vector.shape_cast %broadcast_in_dim3A_637 : vector<16x1xi32> to vector<16xi32>
        %gather3A_639 = tpu.dynamic_gather %bitcast3A[%gather3A_638] in [0] : vector<16xf32>, vector<16xi32> -> vector<16xf32>
        %pack3A_640 = tpu.pack_subelements %gather3A_639, %gather3A_639 {pack_format = #tpu.pack_format<interleaved>, positions = array<i32: 0, 1>} : vector<16xf32>, vector<16xf32> -> vector<32xbf16>
        %add3A_641 = arith.constant 8 : i32
        %add3A_642 = arith.addi %add3A_423, %add3A_641 : i32
        %get3A_643 = arith.index_cast %add3A_642 : i32 to index
        %get3A_644 = arith.constant 0 : index
        %get3A_645 = tpu.vector_load %arg6[%get3A_643, %get3A_644] {strides = array<i32>} : memref<384x64xbf16, #tpu.memory_space<vmem>>, vector<32xbf16>,
        %mul3A_646 = arith.mulf %get3A_645, %pack3A_640 : vector<32xbf16>
        %add3A_647 = arith.constant 8 : i32
        %add3A_648 = arith.addi %add3A_423, %add3A_647 : i32
        %swap3A_649 = arith.index_cast %add3A_648 : i32 to index
        %swap3A_650 = arith.constant 0 : index
        %swap3A_651 = tpu.vector_load %arg7[%swap3A_649, %swap3A_650] {strides = array<i32>} : memref<384x64xbf16, #tpu.memory_space<vmem>>, vector<32xbf16>,
        tpu.vector_store %arg7[%swap3A_649, %swap3A_650], %mul3A_646 {strides = array<i32>} : memref<384x64xbf16, #tpu.memory_space<vmem>>, vector<32xbf16>,
        %add3A_652 = arith.constant 8 : i32
        %add3A_653 = arith.addi %add3A_423, %add3A_652 : i32
        %get3A_654 = arith.index_cast %add3A_653 : i32 to index
        %get3A_655 = arith.constant 32 : index
        %get3A_656 = tpu.vector_load %arg6[%get3A_654, %get3A_655] {strides = array<i32>} : memref<384x64xbf16, #tpu.memory_space<vmem>>, vector<32xbf16>,
        %mul3A_657 = arith.mulf %get3A_656, %pack3A_640 : vector<32xbf16>
        %add3A_658 = arith.constant 8 : i32
        %add3A_659 = arith.addi %add3A_423, %add3A_658 : i32
        %swap3A_660 = arith.index_cast %add3A_659 : i32 to index
        %swap3A_661 = arith.constant 32 : index
        %swap3A_662 = tpu.vector_load %arg7[%swap3A_660, %swap3A_661] {strides = array<i32>} : memref<384x64xbf16, #tpu.memory_space<vmem>>, vector<32xbf16>,
        tpu.vector_store %arg7[%swap3A_660, %swap3A_661], %mul3A_657 {strides = array<i32>} : memref<384x64xbf16, #tpu.memory_space<vmem>>, vector<32xbf16>,
        %broadcast_in_dim3A_663 = arith.constant 9 : i32
        %broadcast_in_dim3A_664 = vector.broadcast %broadcast_in_dim3A_663 : i32 to vector<16x1xi32>
        %gather3A_665 = vector.shape_cast %broadcast_in_dim3A_664 : vector<16x1xi32> to vector<16xi32>
        %gather3A_666 = tpu.dynamic_gather %bitcast3A[%gather3A_665] in [0] : vector<16xf32>, vector<16xi32> -> vector<16xf32>
        %pack3A_667 = tpu.pack_subelements %gather3A_666, %gather3A_666 {pack_format = #tpu.pack_format<interleaved>, positions = array<i32: 0, 1>} : vector<16xf32>, vector<16xf32> -> vector<32xbf16>
        %add3A_668 = arith.constant 9 : i32
        %add3A_669 = arith.addi %add3A_423, %add3A_668 : i32
        %get3A_670 = arith.index_cast %add3A_669 : i32 to index
        %get3A_671 = arith.constant 0 : index
        %get3A_672 = tpu.vector_load %arg6[%get3A_670, %get3A_671] {strides = array<i32>} : memref<384x64xbf16, #tpu.memory_space<vmem>>, vector<32xbf16>,
        %mul3A_673 = arith.mulf %get3A_672, %pack3A_667 : vector<32xbf16>
        %add3A_674 = arith.constant 9 : i32
        %add3A_675 = arith.addi %add3A_423, %add3A_674 : i32
        %swap3A_676 = arith.index_cast %add3A_675 : i32 to index
        %swap3A_677 = arith.constant 0 : index
        %swap3A_678 = tpu.vector_load %arg7[%swap3A_676, %swap3A_677] {strides = array<i32>} : memref<384x64xbf16, #tpu.memory_space<vmem>>, vector<32xbf16>,
        tpu.vector_store %arg7[%swap3A_676, %swap3A_677], %mul3A_673 {strides = array<i32>} : memref<384x64xbf16, #tpu.memory_space<vmem>>, vector<32xbf16>,
        %add3A_679 = arith.constant 9 : i32
        %add3A_680 = arith.addi %add3A_423, %add3A_679 : i32
        %get3A_681 = arith.index_cast %add3A_680 : i32 to index
        %get3A_682 = arith.constant 32 : index
        %get3A_683 = tpu.vector_load %arg6[%get3A_681, %get3A_682] {strides = array<i32>} : memref<384x64xbf16, #tpu.memory_space<vmem>>, vector<32xbf16>,
        %mul3A_684 = arith.mulf %get3A_683, %pack3A_667 : vector<32xbf16>
        %add3A_685 = arith.constant 9 : i32
        %add3A_686 = arith.addi %add3A_423, %add3A_685 : i32
        %swap3A_687 = arith.index_cast %add3A_686 : i32 to index
        %swap3A_688 = arith.constant 32 : index
        %swap3A_689 = tpu.vector_load %arg7[%swap3A_687, %swap3A_688] {strides = array<i32>} : memref<384x64xbf16, #tpu.memory_space<vmem>>, vector<32xbf16>,
        tpu.vector_store %arg7[%swap3A_687, %swap3A_688], %mul3A_684 {strides = array<i32>} : memref<384x64xbf16, #tpu.memory_space<vmem>>, vector<32xbf16>,
        %broadcast_in_dim3A_690 = arith.constant 10 : i32
        %broadcast_in_dim3A_691 = vector.broadcast %broadcast_in_dim3A_690 : i32 to vector<16x1xi32>
        %gather3A_692 = vector.shape_cast %broadcast_in_dim3A_691 : vector<16x1xi32> to vector<16xi32>
        %gather3A_693 = tpu.dynamic_gather %bitcast3A[%gather3A_692] in [0] : vector<16xf32>, vector<16xi32> -> vector<16xf32>
        %pack3A_694 = tpu.pack_subelements %gather3A_693, %gather3A_693 {pack_format = #tpu.pack_format<interleaved>, positions = array<i32: 0, 1>} : vector<16xf32>, vector<16xf32> -> vector<32xbf16>
        %add3A_695 = arith.constant 10 : i32
        %add3A_696 = arith.addi %add3A_423, %add3A_695 : i32
        %get3A_697 = arith.index_cast %add3A_696 : i32 to index
        %get3A_698 = arith.constant 0 : index
        %get3A_699 = tpu.vector_load %arg6[%get3A_697, %get3A_698] {strides = array<i32>} : memref<384x64xbf16, #tpu.memory_space<vmem>>, vector<32xbf16>,
        %mul3A_700 = arith.mulf %get3A_699, %pack3A_694 : vector<32xbf16>
        %add3A_701 = arith.constant 10 : i32
        %add3A_702 = arith.addi %add3A_423, %add3A_701 : i32
        %swap3A_703 = arith.index_cast %add3A_702 : i32 to index
        %swap3A_704 = arith.constant 0 : index
        %swap3A_705 = tpu.vector_load %arg7[%swap3A_703, %swap3A_704] {strides = array<i32>} : memref<384x64xbf16, #tpu.memory_space<vmem>>, vector<32xbf16>,
        tpu.vector_store %arg7[%swap3A_703, %swap3A_704], %mul3A_700 {strides = array<i32>} : memref<384x64xbf16, #tpu.memory_space<vmem>>, vector<32xbf16>,
        %add3A_706 = arith.constant 10 : i32
        %add3A_707 = arith.addi %add3A_423, %add3A_706 : i32
        %get3A_708 = arith.index_cast %add3A_707 : i32 to index
        %get3A_709 = arith.constant 32 : index
        %get3A_710 = tpu.vector_load %arg6[%get3A_708, %get3A_709] {strides = array<i32>} : memref<384x64xbf16, #tpu.memory_space<vmem>>, vector<32xbf16>,
        %mul3A_711 = arith.mulf %get3A_710, %pack3A_694 : vector<32xbf16>
        %add3A_712 = arith.constant 10 : i32
        %add3A_713 = arith.addi %add3A_423, %add3A_712 : i32
        %swap3A_714 = arith.index_cast %add3A_713 : i32 to index
        %swap3A_715 = arith.constant 32 : index
        %swap3A_716 = tpu.vector_load %arg7[%swap3A_714, %swap3A_715] {strides = array<i32>} : memref<384x64xbf16, #tpu.memory_space<vmem>>, vector<32xbf16>,
        tpu.vector_store %arg7[%swap3A_714, %swap3A_715], %mul3A_711 {strides = array<i32>} : memref<384x64xbf16, #tpu.memory_space<vmem>>, vector<32xbf16>,
        %broadcast_in_dim3A_717 = arith.constant 11 : i32
        %broadcast_in_dim3A_718 = vector.broadcast %broadcast_in_dim3A_717 : i32 to vector<16x1xi32>
        %gather3A_719 = vector.shape_cast %broadcast_in_dim3A_718 : vector<16x1xi32> to vector<16xi32>
        %gather3A_720 = tpu.dynamic_gather %bitcast3A[%gather3A_719] in [0] : vector<16xf32>, vector<16xi32> -> vector<16xf32>
        %pack3A_721 = tpu.pack_subelements %gather3A_720, %gather3A_720 {pack_format = #tpu.pack_format<interleaved>, positions = array<i32: 0, 1>} : vector<16xf32>, vector<16xf32> -> vector<32xbf16>
        %add3A_722 = arith.constant 11 : i32
        %add3A_723 = arith.addi %add3A_423, %add3A_722 : i32
        %get3A_724 = arith.index_cast %add3A_723 : i32 to index
        %get3A_725 = arith.constant 0 : index
        %get3A_726 = tpu.vector_load %arg6[%get3A_724, %get3A_725] {strides = array<i32>} : memref<384x64xbf16, #tpu.memory_space<vmem>>, vector<32xbf16>,
        %mul3A_727 = arith.mulf %get3A_726, %pack3A_721 : vector<32xbf16>
        %add3A_728 = arith.constant 11 : i32
        %add3A_729 = arith.addi %add3A_423, %add3A_728 : i32
        %swap3A_730 = arith.index_cast %add3A_729 : i32 to index
        %swap3A_731 = arith.constant 0 : index
        %swap3A_732 = tpu.vector_load %arg7[%swap3A_730, %swap3A_731] {strides = array<i32>} : memref<384x64xbf16, #tpu.memory_space<vmem>>, vector<32xbf16>,
        tpu.vector_store %arg7[%swap3A_730, %swap3A_731], %mul3A_727 {strides = array<i32>} : memref<384x64xbf16, #tpu.memory_space<vmem>>, vector<32xbf16>,
        %add3A_733 = arith.constant 11 : i32
        %add3A_734 = arith.addi %add3A_423, %add3A_733 : i32
        %get3A_735 = arith.index_cast %add3A_734 : i32 to index
        %get3A_736 = arith.constant 32 : index
        %get3A_737 = tpu.vector_load %arg6[%get3A_735, %get3A_736] {strides = array<i32>} : memref<384x64xbf16, #tpu.memory_space<vmem>>, vector<32xbf16>,
        %mul3A_738 = arith.mulf %get3A_737, %pack3A_721 : vector<32xbf16>
        %add3A_739 = arith.constant 11 : i32
        %add3A_740 = arith.addi %add3A_423, %add3A_739 : i32
        %swap3A_741 = arith.index_cast %add3A_740 : i32 to index
        %swap3A_742 = arith.constant 32 : index
        %swap3A_743 = tpu.vector_load %arg7[%swap3A_741, %swap3A_742] {strides = array<i32>} : memref<384x64xbf16, #tpu.memory_space<vmem>>, vector<32xbf16>,
        tpu.vector_store %arg7[%swap3A_741, %swap3A_742], %mul3A_738 {strides = array<i32>} : memref<384x64xbf16, #tpu.memory_space<vmem>>, vector<32xbf16>,
        %broadcast_in_dim3A_744 = arith.constant 12 : i32
        %broadcast_in_dim3A_745 = vector.broadcast %broadcast_in_dim3A_744 : i32 to vector<16x1xi32>
        %gather3A_746 = vector.shape_cast %broadcast_in_dim3A_745 : vector<16x1xi32> to vector<16xi32>
        %gather3A_747 = tpu.dynamic_gather %bitcast3A[%gather3A_746] in [0] : vector<16xf32>, vector<16xi32> -> vector<16xf32>
        %pack3A_748 = tpu.pack_subelements %gather3A_747, %gather3A_747 {pack_format = #tpu.pack_format<interleaved>, positions = array<i32: 0, 1>} : vector<16xf32>, vector<16xf32> -> vector<32xbf16>
        %add3A_749 = arith.constant 12 : i32
        %add3A_750 = arith.addi %add3A_423, %add3A_749 : i32
        %get3A_751 = arith.index_cast %add3A_750 : i32 to index
        %get3A_752 = arith.constant 0 : index
        %get3A_753 = tpu.vector_load %arg6[%get3A_751, %get3A_752] {strides = array<i32>} : memref<384x64xbf16, #tpu.memory_space<vmem>>, vector<32xbf16>,
        %mul3A_754 = arith.mulf %get3A_753, %pack3A_748 : vector<32xbf16>
        %add3A_755 = arith.constant 12 : i32
        %add3A_756 = arith.addi %add3A_423, %add3A_755 : i32
        %swap3A_757 = arith.index_cast %add3A_756 : i32 to index
        %swap3A_758 = arith.constant 0 : index
        %swap3A_759 = tpu.vector_load %arg7[%swap3A_757, %swap3A_758] {strides = array<i32>} : memref<384x64xbf16, #tpu.memory_space<vmem>>, vector<32xbf16>,
        tpu.vector_store %arg7[%swap3A_757, %swap3A_758], %mul3A_754 {strides = array<i32>} : memref<384x64xbf16, #tpu.memory_space<vmem>>, vector<32xbf16>,
        %add3A_760 = arith.constant 12 : i32
        %add3A_761 = arith.addi %add3A_423, %add3A_760 : i32
        %get3A_762 = arith.index_cast %add3A_761 : i32 to index
        %get3A_763 = arith.constant 32 : index
        %get3A_764 = tpu.vector_load %arg6[%get3A_762, %get3A_763] {strides = array<i32>} : memref<384x64xbf16, #tpu.memory_space<vmem>>, vector<32xbf16>,
        %mul3A_765 = arith.mulf %get3A_764, %pack3A_748 : vector<32xbf16>
        %add3A_766 = arith.constant 12 : i32
        %add3A_767 = arith.addi %add3A_423, %add3A_766 : i32
        %swap3A_768 = arith.index_cast %add3A_767 : i32 to index
        %swap3A_769 = arith.constant 32 : index
        %swap3A_770 = tpu.vector_load %arg7[%swap3A_768, %swap3A_769] {strides = array<i32>} : memref<384x64xbf16, #tpu.memory_space<vmem>>, vector<32xbf16>,
        tpu.vector_store %arg7[%swap3A_768, %swap3A_769], %mul3A_765 {strides = array<i32>} : memref<384x64xbf16, #tpu.memory_space<vmem>>, vector<32xbf16>,
        %broadcast_in_dim3A_771 = arith.constant 13 : i32
        %broadcast_in_dim3A_772 = vector.broadcast %broadcast_in_dim3A_771 : i32 to vector<16x1xi32>
        %gather3A_773 = vector.shape_cast %broadcast_in_dim3A_772 : vector<16x1xi32> to vector<16xi32>
        %gather3A_774 = tpu.dynamic_gather %bitcast3A[%gather3A_773] in [0] : vector<16xf32>, vector<16xi32> -> vector<16xf32>
        %pack3A_775 = tpu.pack_subelements %gather3A_774, %gather3A_774 {pack_format = #tpu.pack_format<interleaved>, positions = array<i32: 0, 1>} : vector<16xf32>, vector<16xf32> -> vector<32xbf16>
        %add3A_776 = arith.constant 13 : i32
        %add3A_777 = arith.addi %add3A_423, %add3A_776 : i32
        %get3A_778 = arith.index_cast %add3A_777 : i32 to index
        %get3A_779 = arith.constant 0 : index
        %get3A_780 = tpu.vector_load %arg6[%get3A_778, %get3A_779] {strides = array<i32>} : memref<384x64xbf16, #tpu.memory_space<vmem>>, vector<32xbf16>,
        %mul3A_781 = arith.mulf %get3A_780, %pack3A_775 : vector<32xbf16>
        %add3A_782 = arith.constant 13 : i32
        %add3A_783 = arith.addi %add3A_423, %add3A_782 : i32
        %swap3A_784 = arith.index_cast %add3A_783 : i32 to index
        %swap3A_785 = arith.constant 0 : index
        %swap3A_786 = tpu.vector_load %arg7[%swap3A_784, %swap3A_785] {strides = array<i32>} : memref<384x64xbf16, #tpu.memory_space<vmem>>, vector<32xbf16>,
        tpu.vector_store %arg7[%swap3A_784, %swap3A_785], %mul3A_781 {strides = array<i32>} : memref<384x64xbf16, #tpu.memory_space<vmem>>, vector<32xbf16>,
        %add3A_787 = arith.constant 13 : i32
        %add3A_788 = arith.addi %add3A_423, %add3A_787 : i32
        %get3A_789 = arith.index_cast %add3A_788 : i32 to index
        %get3A_790 = arith.constant 32 : index
        %get3A_791 = tpu.vector_load %arg6[%get3A_789, %get3A_790] {strides = array<i32>} : memref<384x64xbf16, #tpu.memory_space<vmem>>, vector<32xbf16>,
        %mul3A_792 = arith.mulf %get3A_791, %pack3A_775 : vector<32xbf16>
        %add3A_793 = arith.constant 13 : i32
        %add3A_794 = arith.addi %add3A_423, %add3A_793 : i32
        %swap3A_795 = arith.index_cast %add3A_794 : i32 to index
        %swap3A_796 = arith.constant 32 : index
        %swap3A_797 = tpu.vector_load %arg7[%swap3A_795, %swap3A_796] {strides = array<i32>} : memref<384x64xbf16, #tpu.memory_space<vmem>>, vector<32xbf16>,
        tpu.vector_store %arg7[%swap3A_795, %swap3A_796], %mul3A_792 {strides = array<i32>} : memref<384x64xbf16, #tpu.memory_space<vmem>>, vector<32xbf16>,
        %broadcast_in_dim3A_798 = arith.constant 14 : i32
        %broadcast_in_dim3A_799 = vector.broadcast %broadcast_in_dim3A_798 : i32 to vector<16x1xi32>
        %gather3A_800 = vector.shape_cast %broadcast_in_dim3A_799 : vector<16x1xi32> to vector<16xi32>
        %gather3A_801 = tpu.dynamic_gather %bitcast3A[%gather3A_800] in [0] : vector<16xf32>, vector<16xi32> -> vector<16xf32>
        %pack3A_802 = tpu.pack_subelements %gather3A_801, %gather3A_801 {pack_format = #tpu.pack_format<interleaved>, positions = array<i32: 0, 1>} : vector<16xf32>, vector<16xf32> -> vector<32xbf16>
        %add3A_803 = arith.constant 14 : i32
        %add3A_804 = arith.addi %add3A_423, %add3A_803 : i32
        %get3A_805 = arith.index_cast %add3A_804 : i32 to index
        %get3A_806 = arith.constant 0 : index
        %get3A_807 = tpu.vector_load %arg6[%get3A_805, %get3A_806] {strides = array<i32>} : memref<384x64xbf16, #tpu.memory_space<vmem>>, vector<32xbf16>,
        %mul3A_808 = arith.mulf %get3A_807, %pack3A_802 : vector<32xbf16>
        %add3A_809 = arith.constant 14 : i32
        %add3A_810 = arith.addi %add3A_423, %add3A_809 : i32
        %swap3A_811 = arith.index_cast %add3A_810 : i32 to index
        %swap3A_812 = arith.constant 0 : index
        %swap3A_813 = tpu.vector_load %arg7[%swap3A_811, %swap3A_812] {strides = array<i32>} : memref<384x64xbf16, #tpu.memory_space<vmem>>, vector<32xbf16>,
        tpu.vector_store %arg7[%swap3A_811, %swap3A_812], %mul3A_808 {strides = array<i32>} : memref<384x64xbf16, #tpu.memory_space<vmem>>, vector<32xbf16>,
        %add3A_814 = arith.constant 14 : i32
        %add3A_815 = arith.addi %add3A_423, %add3A_814 : i32
        %get3A_816 = arith.index_cast %add3A_815 : i32 to index
        %get3A_817 = arith.constant 32 : index
        %get3A_818 = tpu.vector_load %arg6[%get3A_816, %get3A_817] {strides = array<i32>} : memref<384x64xbf16, #tpu.memory_space<vmem>>, vector<32xbf16>,
        %mul3A_819 = arith.mulf %get3A_818, %pack3A_802 : vector<32xbf16>
        %add3A_820 = arith.constant 14 : i32
        %add3A_821 = arith.addi %add3A_423, %add3A_820 : i32
        %swap3A_822 = arith.index_cast %add3A_821 : i32 to index
        %swap3A_823 = arith.constant 32 : index
        %swap3A_824 = tpu.vector_load %arg7[%swap3A_822, %swap3A_823] {strides = array<i32>} : memref<384x64xbf16, #tpu.memory_space<vmem>>, vector<32xbf16>,
        tpu.vector_store %arg7[%swap3A_822, %swap3A_823], %mul3A_819 {strides = array<i32>} : memref<384x64xbf16, #tpu.memory_space<vmem>>, vector<32xbf16>,
        %broadcast_in_dim3A_825 = arith.constant 15 : i32
        %broadcast_in_dim3A_826 = vector.broadcast %broadcast_in_dim3A_825 : i32 to vector<16x1xi32>
        %gather3A_827 = vector.shape_cast %broadcast_in_dim3A_826 : vector<16x1xi32> to vector<16xi32>
        %gather3A_828 = tpu.dynamic_gather %bitcast3A[%gather3A_827] in [0] : vector<16xf32>, vector<16xi32> -> vector<16xf32>
        %pack3A_829 = tpu.pack_subelements %gather3A_828, %gather3A_828 {pack_format = #tpu.pack_format<interleaved>, positions = array<i32: 0, 1>} : vector<16xf32>, vector<16xf32> -> vector<32xbf16>
        %add3A_830 = arith.constant 15 : i32
        %add3A_831 = arith.addi %add3A_423, %add3A_830 : i32
        %get3A_832 = arith.index_cast %add3A_831 : i32 to index
        %get3A_833 = arith.constant 0 : index
        %get3A_834 = tpu.vector_load %arg6[%get3A_832, %get3A_833] {strides = array<i32>} : memref<384x64xbf16, #tpu.memory_space<vmem>>, vector<32xbf16>,
        %mul3A_835 = arith.mulf %get3A_834, %pack3A_829 : vector<32xbf16>
        %add3A_836 = arith.constant 15 : i32
        %add3A_837 = arith.addi %add3A_423, %add3A_836 : i32
        %swap3A_838 = arith.index_cast %add3A_837 : i32 to index
        %swap3A_839 = arith.constant 0 : index
        %swap3A_840 = tpu.vector_load %arg7[%swap3A_838, %swap3A_839] {strides = array<i32>} : memref<384x64xbf16, #tpu.memory_space<vmem>>, vector<32xbf16>,
        tpu.vector_store %arg7[%swap3A_838, %swap3A_839], %mul3A_835 {strides = array<i32>} : memref<384x64xbf16, #tpu.memory_space<vmem>>, vector<32xbf16>,
        %add3A_841 = arith.constant 15 : i32
        %add3A_842 = arith.addi %add3A_423, %add3A_841 : i32
        %get3A_843 = arith.index_cast %add3A_842 : i32 to index
        %get3A_844 = arith.constant 32 : index
        %get3A_845 = tpu.vector_load %arg6[%get3A_843, %get3A_844] {strides = array<i32>} : memref<384x64xbf16, #tpu.memory_space<vmem>>, vector<32xbf16>,
        %mul3A_846 = arith.mulf %get3A_845, %pack3A_829 : vector<32xbf16>
        %add3A_847 = arith.constant 15 : i32
        %add3A_848 = arith.addi %add3A_423, %add3A_847 : i32
        %swap3A_849 = arith.index_cast %add3A_848 : i32 to index
        %swap3A_850 = arith.constant 32 : index
        %swap3A_851 = tpu.vector_load %arg7[%swap3A_849, %swap3A_850] {strides = array<i32>} : memref<384x64xbf16, #tpu.memory_space<vmem>>, vector<32xbf16>,
        tpu.vector_store %arg7[%swap3A_849, %swap3A_850], %mul3A_846 {strides = array<i32>} : memref<384x64xbf16, #tpu.memory_space<vmem>>, vector<32xbf16>,
      }
      %scan3A_255 = arith.constant 8 : i32
      %dma_start3A_256 = arith.constant 7 : i32
      %dma_start3A_257 = arith.constant 256 : i32
      %dma_start3A_258 = arith.constant 0 : i32
      %dma_start3A_259 = tpu.memref_slice %arg7[%dma_start3A_257, %dma_start3A_258] : memref<384x64xbf16, #tpu.memory_space<vmem>> -> memref<128x64xbf16, #tpu.memory_space<vmem>>
      %dma_start3A_260 = arith.constant 0 : i32
      %dma_start3A_261 = tpu.memref_slice %arg5[%dma_start3A_256, %dma_start3A_260] : memref<18x128xi32, #tpu.memory_space<vmem>> -> memref<1x128xi32, #tpu.memory_space<vmem>>
      %dma_start3A_262 = tpu.memref_squeeze %dma_start3A_261 : memref<1x128xi32, #tpu.memory_space<vmem>> -> memref<128xi32, #tpu.memory_space<vmem>>
      %dma_start3A_263 = arith.constant 0 : i32
      %dma_start3A_264 = arith.constant 0 : i32
      %dma_start3A_265 = tpu.memref_slice %arg9[%dma_start3A_263, %dma_start3A_264] : memref<10000x64xbf16, #tpu.memory_space<vmem_shared>> -> memref<10000x64xbf16, #tpu.memory_space<vmem_shared>>
      tpu.enqueue_indirect_dma source(%dma_start3A_259 : memref<128x64xbf16, #tpu.memory_space<vmem>>) target(%dma_start3A_265 : memref<10000x64xbf16, #tpu.memory_space<vmem_shared>>) offsets(%dma_start3A_262 : memref<128xi32, #tpu.memory_space<vmem>>) semaphore(%arg16 : memref<!tpu.dma_semaphore, #tpu.memory_space<semaphore_mem>>) {add = true}
      %mul3A_266 = arith.constant 6 : i32
      %mul3A_267 = arith.muli %add3A_125, %mul3A_266 : i32
      %add3A_268 = arith.constant 3 : i32
      %add3A_269 = arith.addi %mul3A_267, %add3A_268 : i32
      %ge3A_270 = arith.constant 2 : i32
      %ge3A_271 = arith.cmpi sge, %add3A_269, %ge3A_270 : i32
      %convert_element_type3A_272 = arith.extui %ge3A_271 : i1 to i32
      %cond3A_273 = arith.constant 0 : i32
      %cond3A_274 = arith.cmpi ne, %convert_element_type3A_272, %cond3A_273 : i32
      scf.if %cond3A_274 {
        %sub3A = arith.constant 2 : i32
        %sub3A_410 = arith.subi %add3A_269, %sub3A : i32
        %dma_wait3A_411 = arith.constant 4 : i32
        %dma_wait3A_412 = arith.constant 128 : i32
        %dma_wait3A_413 = arith.constant 0 : i32
        %dma_wait3A_414 = tpu.memref_slice %arg7[%dma_wait3A_412, %dma_wait3A_413] : memref<384x64xbf16, #tpu.memory_space<vmem>> -> memref<128x64xbf16, #tpu.memory_space<vmem>>
        %dma_wait3A_415 = arith.constant 0 : i32
        %dma_wait3A_416 = tpu.memref_slice %arg5[%dma_wait3A_411, %dma_wait3A_415] : memref<18x128xi32, #tpu.memory_space<vmem>> -> memref<1x128xi32, #tpu.memory_space<vmem>>
        %dma_wait3A_417 = tpu.memref_squeeze %dma_wait3A_416 : memref<1x128xi32, #tpu.memory_space<vmem>> -> memref<128xi32, #tpu.memory_space<vmem>>
        %dma_wait3A_418 = arith.constant 0 : i32
        %dma_wait3A_419 = arith.constant 0 : i32
        %dma_wait3A_420 = tpu.memref_slice %arg9[%dma_wait3A_418, %dma_wait3A_419] : memref<10000x64xbf16, #tpu.memory_space<vmem_shared>> -> memref<10000x64xbf16, #tpu.memory_space<vmem_shared>>
        tpu.wait_indirect_dma semaphore(%arg15 : memref<!tpu.dma_semaphore, #tpu.memory_space<semaphore_mem>>) src(%dma_wait3A_414 : memref<128x64xbf16, #tpu.memory_space<vmem>>) dst(%dma_wait3A_420 : memref<10000x64xbf16, #tpu.memory_space<vmem_shared>>)
      } else {
      }
      %add3A_275 = arith.constant 2 : i32
      %add3A_276 = arith.addi %add3A_269, %add3A_275 : i32
      %lt3A_277 = arith.constant 162 : i32
      %lt3A_278 = arith.cmpi slt, %add3A_276, %lt3A_277 : i32
      %convert_element_type3A_279 = arith.extui %lt3A_278 : i1 to i32
      %cond3A_280 = arith.constant 0 : i32
      %cond3A_281 = arith.cmpi ne, %convert_element_type3A_279, %cond3A_280 : i32
      scf.if %cond3A_281 {
        %add3A_410 = arith.constant 2 : i32
        %add3A_411 = arith.addi %add3A_269, %add3A_410 : i32
        %add3A_412 = arith.addi %mul3A_42, %add3A_411 : i32
        %mul3A_413 = arith.constant 3 : i32
        %mul3A_414 = arith.muli %add3A_412, %mul3A_413 : i32
        %dma_start3A_415 = arith.constant 15 : i32
        %dma_start3A_416 = arith.constant 0 : i32
        %dma_start3A_417 = tpu.memref_slice %arg5[%dma_start3A_415, %dma_start3A_416] : memref<18x128xi32, #tpu.memory_space<vmem>> -> memref<3x128xi32, #tpu.memory_space<vmem>>
        %dma_start3A_418 = arith.constant 0 : i32
        %dma_start3A_419 = tpu.memref_slice %arg3[%mul3A_414, %dma_start3A_418] : memref<7776x128xi32, #tpu.memory_space<hbm>> -> memref<3x128xi32, #tpu.memory_space<hbm>>
        %dma_start3A_420 = arith.constant 15 : i32
        %dma_start3A_421 = arith.constant 0 : i32
        %dma_start3A_422 = tpu.memref_slice %arg5[%dma_start3A_420, %dma_start3A_421] : memref<18x128xi32, #tpu.memory_space<vmem>> -> memref<3x128xi32, #tpu.memory_space<vmem>>
        %dma_start3A_423 = arith.constant 0 : i32
        %dma_start3A_424 = tpu.memref_slice %arg3[%mul3A_414, %dma_start3A_423] : memref<7776x128xi32, #tpu.memory_space<hbm>> -> memref<3x128xi32, #tpu.memory_space<hbm>>
        tpu.enqueue_dma source(%dma_start3A_424 : memref<3x128xi32, #tpu.memory_space<hbm>>) target(%dma_start3A_422 : memref<3x128xi32, #tpu.memory_space<vmem>>) target_semaphore(%arg22 : memref<!tpu.dma_semaphore, #tpu.memory_space<semaphore_mem>>)
      } else {
      }
      %add3A_282 = arith.constant 1 : i32
      %add3A_283 = arith.addi %add3A_269, %add3A_282 : i32
      %lt3A_284 = arith.constant 162 : i32
      %lt3A_285 = arith.cmpi slt, %add3A_283, %lt3A_284 : i32
      %convert_element_type3A_286 = arith.extui %lt3A_285 : i1 to i32
      %cond3A_287 = arith.constant 0 : i32
      %cond3A_288 = arith.cmpi ne, %convert_element_type3A_286, %cond3A_287 : i32
      scf.if %cond3A_288 {
        %add3A_410 = arith.constant 1 : i32
        %add3A_411 = arith.addi %add3A_269, %add3A_410 : i32
        %add3A_412 = arith.addi %mul3A_42, %add3A_411 : i32
        %mul3A_413 = arith.constant 3 : i32
        %mul3A_414 = arith.muli %add3A_412, %mul3A_413 : i32
        %dma_wait3A_415 = arith.constant 12 : i32
        %dma_wait3A_416 = arith.constant 0 : i32
        %dma_wait3A_417 = tpu.memref_slice %arg5[%dma_wait3A_415, %dma_wait3A_416] : memref<18x128xi32, #tpu.memory_space<vmem>> -> memref<3x128xi32, #tpu.memory_space<vmem>>
        %dma_wait3A_418 = arith.constant 0 : i32
        %dma_wait3A_419 = tpu.memref_slice %arg3[%mul3A_414, %dma_wait3A_418] : memref<7776x128xi32, #tpu.memory_space<hbm>> -> memref<3x128xi32, #tpu.memory_space<hbm>>
        %dma_wait3A_420 = arith.constant 12 : i32
        %dma_wait3A_421 = arith.constant 0 : i32
        %dma_wait3A_422 = tpu.memref_slice %arg5[%dma_wait3A_420, %dma_wait3A_421] : memref<18x128xi32, #tpu.memory_space<vmem>> -> memref<3x128xi32, #tpu.memory_space<vmem>>
        %dma_wait3A_423 = arith.constant 0 : i32
        %dma_wait3A_424 = tpu.memref_slice %arg3[%mul3A_414, %dma_wait3A_423] : memref<7776x128xi32, #tpu.memory_space<hbm>> -> memref<3x128xi32, #tpu.memory_space<hbm>>
        tpu.wait_dma2 semaphore(%arg21 : memref<!tpu.dma_semaphore, #tpu.memory_space<semaphore_mem>>) src(%dma_wait3A_424 : memref<3x128xi32, #tpu.memory_space<hbm>>) dst(%dma_wait3A_422 : memref<3x128xi32, #tpu.memory_space<vmem>>)
        %add3A_425 = arith.constant 1 : i32
        %add3A_426 = arith.addi %add3A_269, %add3A_425 : i32
        %dma_start3A_427 = arith.constant 12 : i32
        %dma_start3A_428 = arith.constant 128 : i32
        %dma_start3A_429 = arith.constant 0 : i32
        %dma_start3A_430 = tpu.memref_slice %arg6[%dma_start3A_428, %dma_start3A_429] : memref<384x64xbf16, #tpu.memory_space<vmem>> -> memref<128x64xbf16, #tpu.memory_space<vmem>>
        %dma_start3A_431 = arith.constant 0 : i32
        %dma_start3A_432 = tpu.memref_slice %arg5[%dma_start3A_427, %dma_start3A_431] : memref<18x128xi32, #tpu.memory_space<vmem>> -> memref<1x128xi32, #tpu.memory_space<vmem>>
        %dma_start3A_433 = tpu.memref_squeeze %dma_start3A_432 : memref<1x128xi32, #tpu.memory_space<vmem>> -> memref<128xi32, #tpu.memory_space<vmem>>
        %dma_start3A_434 = arith.constant 0 : i32
        %dma_start3A_435 = arith.constant 0 : i32
        %dma_start3A_436 = tpu.memref_slice %arg10[%dma_start3A_434, %dma_start3A_435] : memref<10000x64xbf16, #tpu.memory_space<vmem_shared>> -> memref<10000x64xbf16, #tpu.memory_space<vmem_shared>>
        tpu.enqueue_indirect_dma source(%dma_start3A_436 : memref<10000x64xbf16, #tpu.memory_space<vmem_shared>>) target(%dma_start3A_430 : memref<128x64xbf16, #tpu.memory_space<vmem>>) offsets(%dma_start3A_433 : memref<128xi32, #tpu.memory_space<vmem>>) semaphore(%arg12 : memref<!tpu.dma_semaphore, #tpu.memory_space<semaphore_mem>>)
      } else {
      }
      %dma_wait3A_289 = arith.constant 9 : i32
      %dma_wait3A_290 = arith.constant 0 : i32
      %dma_wait3A_291 = arith.constant 0 : i32
      %dma_wait3A_292 = tpu.memref_slice %arg6[%dma_wait3A_290, %dma_wait3A_291] : memref<384x64xbf16, #tpu.memory_space<vmem>> -> memref<128x64xbf16, #tpu.memory_space<vmem>>
      %dma_wait3A_293 = arith.constant 0 : i32
      %dma_wait3A_294 = tpu.memref_slice %arg5[%dma_wait3A_289, %dma_wait3A_293] : memref<18x128xi32, #tpu.memory_space<vmem>> -> memref<1x128xi32, #tpu.memory_space<vmem>>
      %dma_wait3A_295 = tpu.memref_squeeze %dma_wait3A_294 : memref<1x128xi32, #tpu.memory_space<vmem>> -> memref<128xi32, #tpu.memory_space<vmem>>
      %dma_wait3A_296 = arith.constant 0 : i32
      %dma_wait3A_297 = arith.constant 0 : i32
      %dma_wait3A_298 = tpu.memref_slice %arg10[%dma_wait3A_296, %dma_wait3A_297] : memref<10000x64xbf16, #tpu.memory_space<vmem_shared>> -> memref<10000x64xbf16, #tpu.memory_space<vmem_shared>>
      tpu.wait_indirect_dma semaphore(%arg11 : memref<!tpu.dma_semaphore, #tpu.memory_space<semaphore_mem>>) src(%dma_wait3A_298 : memref<10000x64xbf16, #tpu.memory_space<vmem_shared>>) dst(%dma_wait3A_292 : memref<128x64xbf16, #tpu.memory_space<vmem>>)
      %scan3A_299 = arith.constant 0 : i32
      %scan3A_300 = arith.constant 8 : i32
      %scan3A_301 = arith.addi %scan3A_299, %scan3A_300 : i32
      %scan3A_302 = arith.constant 1 : i32
      scf.for %scan3A_410 = %scan3A_299 to %scan3A_301 step %scan3A_302  : i32 {
        %mul3A_411 = arith.constant 1 : i32
        %mul3A_412 = arith.muli %scan3A_410, %mul3A_411 : i32
        %add3A_413 = arith.constant 0 : i32
        %add3A_414 = arith.addi %add3A_413, %mul3A_412 : i32
        %mul3A_415 = arith.constant 16 : i32
        %mul3A_416 = arith.muli %add3A_414, %mul3A_415 : i32
        %get3A = arith.constant 11 : i32
        %get3A_417 = arith.index_cast %get3A : i32 to index
        %get3A_418 = arith.index_cast %mul3A_416 : i32 to index
        %get3A_419 = tpu.vector_load %arg5[%get3A_417, %get3A_418] {strides = array<i32>} : memref<18x128xi32, #tpu.memory_space<vmem>>, vector<16xi32>,
        %bitcast3A = vector.bitcast %get3A_419 : vector<16xi32> to vector<16xf32>
        %mul3A_420 = arith.constant 16 : i32
        %mul3A_421 = arith.muli %add3A_414, %mul3A_420 : i32
        %add3A_422 = arith.constant 0 : i32
        %add3A_423 = arith.addi %add3A_422, %mul3A_421 : i32
        %broadcast_in_dim3A = arith.constant 0 : i32
        %broadcast_in_dim3A_424 = vector.broadcast %broadcast_in_dim3A : i32 to vector<16x1xi32>
        %gather3A = vector.shape_cast %broadcast_in_dim3A_424 : vector<16x1xi32> to vector<16xi32>
        %gather3A_425 = tpu.dynamic_gather %bitcast3A[%gather3A] in [0] : vector<16xf32>, vector<16xi32> -> vector<16xf32>
        %pack3A = tpu.pack_subelements %gather3A_425, %gather3A_425 {pack_format = #tpu.pack_format<interleaved>, positions = array<i32: 0, 1>} : vector<16xf32>, vector<16xf32> -> vector<32xbf16>
        %add3A_426 = arith.constant 0 : i32
        %add3A_427 = arith.addi %add3A_423, %add3A_426 : i32
        %get3A_428 = arith.index_cast %add3A_427 : i32 to index
        %get3A_429 = arith.constant 0 : index
        %get3A_430 = tpu.vector_load %arg6[%get3A_428, %get3A_429] {strides = array<i32>} : memref<384x64xbf16, #tpu.memory_space<vmem>>, vector<32xbf16>,
        %mul3A_431 = arith.mulf %get3A_430, %pack3A : vector<32xbf16>
        %add3A_432 = arith.constant 0 : i32
        %add3A_433 = arith.addi %add3A_423, %add3A_432 : i32
        %swap3A = arith.index_cast %add3A_433 : i32 to index
        %swap3A_434 = arith.constant 0 : index
        %swap3A_435 = tpu.vector_load %arg7[%swap3A, %swap3A_434] {strides = array<i32>} : memref<384x64xbf16, #tpu.memory_space<vmem>>, vector<32xbf16>,
        tpu.vector_store %arg7[%swap3A, %swap3A_434], %mul3A_431 {strides = array<i32>} : memref<384x64xbf16, #tpu.memory_space<vmem>>, vector<32xbf16>,
        %add3A_436 = arith.constant 0 : i32
        %add3A_437 = arith.addi %add3A_423, %add3A_436 : i32
        %get3A_438 = arith.index_cast %add3A_437 : i32 to index
        %get3A_439 = arith.constant 32 : index
        %get3A_440 = tpu.vector_load %arg6[%get3A_438, %get3A_439] {strides = array<i32>} : memref<384x64xbf16, #tpu.memory_space<vmem>>, vector<32xbf16>,
        %mul3A_441 = arith.mulf %get3A_440, %pack3A : vector<32xbf16>
        %add3A_442 = arith.constant 0 : i32
        %add3A_443 = arith.addi %add3A_423, %add3A_442 : i32
        %swap3A_444 = arith.index_cast %add3A_443 : i32 to index
        %swap3A_445 = arith.constant 32 : index
        %swap3A_446 = tpu.vector_load %arg7[%swap3A_444, %swap3A_445] {strides = array<i32>} : memref<384x64xbf16, #tpu.memory_space<vmem>>, vector<32xbf16>,
        tpu.vector_store %arg7[%swap3A_444, %swap3A_445], %mul3A_441 {strides = array<i32>} : memref<384x64xbf16, #tpu.memory_space<vmem>>, vector<32xbf16>,
        %broadcast_in_dim3A_447 = arith.constant 1 : i32
        %broadcast_in_dim3A_448 = vector.broadcast %broadcast_in_dim3A_447 : i32 to vector<16x1xi32>
        %gather3A_449 = vector.shape_cast %broadcast_in_dim3A_448 : vector<16x1xi32> to vector<16xi32>
        %gather3A_450 = tpu.dynamic_gather %bitcast3A[%gather3A_449] in [0] : vector<16xf32>, vector<16xi32> -> vector<16xf32>
        %pack3A_451 = tpu.pack_subelements %gather3A_450, %gather3A_450 {pack_format = #tpu.pack_format<interleaved>, positions = array<i32: 0, 1>} : vector<16xf32>, vector<16xf32> -> vector<32xbf16>
        %add3A_452 = arith.constant 1 : i32
        %add3A_453 = arith.addi %add3A_423, %add3A_452 : i32
        %get3A_454 = arith.index_cast %add3A_453 : i32 to index
        %get3A_455 = arith.constant 0 : index
        %get3A_456 = tpu.vector_load %arg6[%get3A_454, %get3A_455] {strides = array<i32>} : memref<384x64xbf16, #tpu.memory_space<vmem>>, vector<32xbf16>,
        %mul3A_457 = arith.mulf %get3A_456, %pack3A_451 : vector<32xbf16>
        %add3A_458 = arith.constant 1 : i32
        %add3A_459 = arith.addi %add3A_423, %add3A_458 : i32
        %swap3A_460 = arith.index_cast %add3A_459 : i32 to index
        %swap3A_461 = arith.constant 0 : index
        %swap3A_462 = tpu.vector_load %arg7[%swap3A_460, %swap3A_461] {strides = array<i32>} : memref<384x64xbf16, #tpu.memory_space<vmem>>, vector<32xbf16>,
        tpu.vector_store %arg7[%swap3A_460, %swap3A_461], %mul3A_457 {strides = array<i32>} : memref<384x64xbf16, #tpu.memory_space<vmem>>, vector<32xbf16>,
        %add3A_463 = arith.constant 1 : i32
        %add3A_464 = arith.addi %add3A_423, %add3A_463 : i32
        %get3A_465 = arith.index_cast %add3A_464 : i32 to index
        %get3A_466 = arith.constant 32 : index
        %get3A_467 = tpu.vector_load %arg6[%get3A_465, %get3A_466] {strides = array<i32>} : memref<384x64xbf16, #tpu.memory_space<vmem>>, vector<32xbf16>,
        %mul3A_468 = arith.mulf %get3A_467, %pack3A_451 : vector<32xbf16>
        %add3A_469 = arith.constant 1 : i32
        %add3A_470 = arith.addi %add3A_423, %add3A_469 : i32
        %swap3A_471 = arith.index_cast %add3A_470 : i32 to index
        %swap3A_472 = arith.constant 32 : index
        %swap3A_473 = tpu.vector_load %arg7[%swap3A_471, %swap3A_472] {strides = array<i32>} : memref<384x64xbf16, #tpu.memory_space<vmem>>, vector<32xbf16>,
        tpu.vector_store %arg7[%swap3A_471, %swap3A_472], %mul3A_468 {strides = array<i32>} : memref<384x64xbf16, #tpu.memory_space<vmem>>, vector<32xbf16>,
        %broadcast_in_dim3A_474 = arith.constant 2 : i32
        %broadcast_in_dim3A_475 = vector.broadcast %broadcast_in_dim3A_474 : i32 to vector<16x1xi32>
        %gather3A_476 = vector.shape_cast %broadcast_in_dim3A_475 : vector<16x1xi32> to vector<16xi32>
        %gather3A_477 = tpu.dynamic_gather %bitcast3A[%gather3A_476] in [0] : vector<16xf32>, vector<16xi32> -> vector<16xf32>
        %pack3A_478 = tpu.pack_subelements %gather3A_477, %gather3A_477 {pack_format = #tpu.pack_format<interleaved>, positions = array<i32: 0, 1>} : vector<16xf32>, vector<16xf32> -> vector<32xbf16>
        %add3A_479 = arith.constant 2 : i32
        %add3A_480 = arith.addi %add3A_423, %add3A_479 : i32
        %get3A_481 = arith.index_cast %add3A_480 : i32 to index
        %get3A_482 = arith.constant 0 : index
        %get3A_483 = tpu.vector_load %arg6[%get3A_481, %get3A_482] {strides = array<i32>} : memref<384x64xbf16, #tpu.memory_space<vmem>>, vector<32xbf16>,
        %mul3A_484 = arith.mulf %get3A_483, %pack3A_478 : vector<32xbf16>
        %add3A_485 = arith.constant 2 : i32
        %add3A_486 = arith.addi %add3A_423, %add3A_485 : i32
        %swap3A_487 = arith.index_cast %add3A_486 : i32 to index
        %swap3A_488 = arith.constant 0 : index
        %swap3A_489 = tpu.vector_load %arg7[%swap3A_487, %swap3A_488] {strides = array<i32>} : memref<384x64xbf16, #tpu.memory_space<vmem>>, vector<32xbf16>,
        tpu.vector_store %arg7[%swap3A_487, %swap3A_488], %mul3A_484 {strides = array<i32>} : memref<384x64xbf16, #tpu.memory_space<vmem>>, vector<32xbf16>,
        %add3A_490 = arith.constant 2 : i32
        %add3A_491 = arith.addi %add3A_423, %add3A_490 : i32
        %get3A_492 = arith.index_cast %add3A_491 : i32 to index
        %get3A_493 = arith.constant 32 : index
        %get3A_494 = tpu.vector_load %arg6[%get3A_492, %get3A_493] {strides = array<i32>} : memref<384x64xbf16, #tpu.memory_space<vmem>>, vector<32xbf16>,
        %mul3A_495 = arith.mulf %get3A_494, %pack3A_478 : vector<32xbf16>
        %add3A_496 = arith.constant 2 : i32
        %add3A_497 = arith.addi %add3A_423, %add3A_496 : i32
        %swap3A_498 = arith.index_cast %add3A_497 : i32 to index
        %swap3A_499 = arith.constant 32 : index
        %swap3A_500 = tpu.vector_load %arg7[%swap3A_498, %swap3A_499] {strides = array<i32>} : memref<384x64xbf16, #tpu.memory_space<vmem>>, vector<32xbf16>,
        tpu.vector_store %arg7[%swap3A_498, %swap3A_499], %mul3A_495 {strides = array<i32>} : memref<384x64xbf16, #tpu.memory_space<vmem>>, vector<32xbf16>,
        %broadcast_in_dim3A_501 = arith.constant 3 : i32
        %broadcast_in_dim3A_502 = vector.broadcast %broadcast_in_dim3A_501 : i32 to vector<16x1xi32>
        %gather3A_503 = vector.shape_cast %broadcast_in_dim3A_502 : vector<16x1xi32> to vector<16xi32>
        %gather3A_504 = tpu.dynamic_gather %bitcast3A[%gather3A_503] in [0] : vector<16xf32>, vector<16xi32> -> vector<16xf32>
        %pack3A_505 = tpu.pack_subelements %gather3A_504, %gather3A_504 {pack_format = #tpu.pack_format<interleaved>, positions = array<i32: 0, 1>} : vector<16xf32>, vector<16xf32> -> vector<32xbf16>
        %add3A_506 = arith.constant 3 : i32
        %add3A_507 = arith.addi %add3A_423, %add3A_506 : i32
        %get3A_508 = arith.index_cast %add3A_507 : i32 to index
        %get3A_509 = arith.constant 0 : index
        %get3A_510 = tpu.vector_load %arg6[%get3A_508, %get3A_509] {strides = array<i32>} : memref<384x64xbf16, #tpu.memory_space<vmem>>, vector<32xbf16>,
        %mul3A_511 = arith.mulf %get3A_510, %pack3A_505 : vector<32xbf16>
        %add3A_512 = arith.constant 3 : i32
        %add3A_513 = arith.addi %add3A_423, %add3A_512 : i32
        %swap3A_514 = arith.index_cast %add3A_513 : i32 to index
        %swap3A_515 = arith.constant 0 : index
        %swap3A_516 = tpu.vector_load %arg7[%swap3A_514, %swap3A_515] {strides = array<i32>} : memref<384x64xbf16, #tpu.memory_space<vmem>>, vector<32xbf16>,
        tpu.vector_store %arg7[%swap3A_514, %swap3A_515], %mul3A_511 {strides = array<i32>} : memref<384x64xbf16, #tpu.memory_space<vmem>>, vector<32xbf16>,
        %add3A_517 = arith.constant 3 : i32
        %add3A_518 = arith.addi %add3A_423, %add3A_517 : i32
        %get3A_519 = arith.index_cast %add3A_518 : i32 to index
        %get3A_520 = arith.constant 32 : index
        %get3A_521 = tpu.vector_load %arg6[%get3A_519, %get3A_520] {strides = array<i32>} : memref<384x64xbf16, #tpu.memory_space<vmem>>, vector<32xbf16>,
        %mul3A_522 = arith.mulf %get3A_521, %pack3A_505 : vector<32xbf16>
        %add3A_523 = arith.constant 3 : i32
        %add3A_524 = arith.addi %add3A_423, %add3A_523 : i32
        %swap3A_525 = arith.index_cast %add3A_524 : i32 to index
        %swap3A_526 = arith.constant 32 : index
        %swap3A_527 = tpu.vector_load %arg7[%swap3A_525, %swap3A_526] {strides = array<i32>} : memref<384x64xbf16, #tpu.memory_space<vmem>>, vector<32xbf16>,
        tpu.vector_store %arg7[%swap3A_525, %swap3A_526], %mul3A_522 {strides = array<i32>} : memref<384x64xbf16, #tpu.memory_space<vmem>>, vector<32xbf16>,
        %broadcast_in_dim3A_528 = arith.constant 4 : i32
        %broadcast_in_dim3A_529 = vector.broadcast %broadcast_in_dim3A_528 : i32 to vector<16x1xi32>
        %gather3A_530 = vector.shape_cast %broadcast_in_dim3A_529 : vector<16x1xi32> to vector<16xi32>
        %gather3A_531 = tpu.dynamic_gather %bitcast3A[%gather3A_530] in [0] : vector<16xf32>, vector<16xi32> -> vector<16xf32>
        %pack3A_532 = tpu.pack_subelements %gather3A_531, %gather3A_531 {pack_format = #tpu.pack_format<interleaved>, positions = array<i32: 0, 1>} : vector<16xf32>, vector<16xf32> -> vector<32xbf16>
        %add3A_533 = arith.constant 4 : i32
        %add3A_534 = arith.addi %add3A_423, %add3A_533 : i32
        %get3A_535 = arith.index_cast %add3A_534 : i32 to index
        %get3A_536 = arith.constant 0 : index
        %get3A_537 = tpu.vector_load %arg6[%get3A_535, %get3A_536] {strides = array<i32>} : memref<384x64xbf16, #tpu.memory_space<vmem>>, vector<32xbf16>,
        %mul3A_538 = arith.mulf %get3A_537, %pack3A_532 : vector<32xbf16>
        %add3A_539 = arith.constant 4 : i32
        %add3A_540 = arith.addi %add3A_423, %add3A_539 : i32
        %swap3A_541 = arith.index_cast %add3A_540 : i32 to index
        %swap3A_542 = arith.constant 0 : index
        %swap3A_543 = tpu.vector_load %arg7[%swap3A_541, %swap3A_542] {strides = array<i32>} : memref<384x64xbf16, #tpu.memory_space<vmem>>, vector<32xbf16>,
        tpu.vector_store %arg7[%swap3A_541, %swap3A_542], %mul3A_538 {strides = array<i32>} : memref<384x64xbf16, #tpu.memory_space<vmem>>, vector<32xbf16>,
        %add3A_544 = arith.constant 4 : i32
        %add3A_545 = arith.addi %add3A_423, %add3A_544 : i32
        %get3A_546 = arith.index_cast %add3A_545 : i32 to index
        %get3A_547 = arith.constant 32 : index
        %get3A_548 = tpu.vector_load %arg6[%get3A_546, %get3A_547] {strides = array<i32>} : memref<384x64xbf16, #tpu.memory_space<vmem>>, vector<32xbf16>,
        %mul3A_549 = arith.mulf %get3A_548, %pack3A_532 : vector<32xbf16>
        %add3A_550 = arith.constant 4 : i32
        %add3A_551 = arith.addi %add3A_423, %add3A_550 : i32
        %swap3A_552 = arith.index_cast %add3A_551 : i32 to index
        %swap3A_553 = arith.constant 32 : index
        %swap3A_554 = tpu.vector_load %arg7[%swap3A_552, %swap3A_553] {strides = array<i32>} : memref<384x64xbf16, #tpu.memory_space<vmem>>, vector<32xbf16>,
        tpu.vector_store %arg7[%swap3A_552, %swap3A_553], %mul3A_549 {strides = array<i32>} : memref<384x64xbf16, #tpu.memory_space<vmem>>, vector<32xbf16>,
        %broadcast_in_dim3A_555 = arith.constant 5 : i32
        %broadcast_in_dim3A_556 = vector.broadcast %broadcast_in_dim3A_555 : i32 to vector<16x1xi32>
        %gather3A_557 = vector.shape_cast %broadcast_in_dim3A_556 : vector<16x1xi32> to vector<16xi32>
        %gather3A_558 = tpu.dynamic_gather %bitcast3A[%gather3A_557] in [0] : vector<16xf32>, vector<16xi32> -> vector<16xf32>
        %pack3A_559 = tpu.pack_subelements %gather3A_558, %gather3A_558 {pack_format = #tpu.pack_format<interleaved>, positions = array<i32: 0, 1>} : vector<16xf32>, vector<16xf32> -> vector<32xbf16>
        %add3A_560 = arith.constant 5 : i32
        %add3A_561 = arith.addi %add3A_423, %add3A_560 : i32
        %get3A_562 = arith.index_cast %add3A_561 : i32 to index
        %get3A_563 = arith.constant 0 : index
        %get3A_564 = tpu.vector_load %arg6[%get3A_562, %get3A_563] {strides = array<i32>} : memref<384x64xbf16, #tpu.memory_space<vmem>>, vector<32xbf16>,
        %mul3A_565 = arith.mulf %get3A_564, %pack3A_559 : vector<32xbf16>
        %add3A_566 = arith.constant 5 : i32
        %add3A_567 = arith.addi %add3A_423, %add3A_566 : i32
        %swap3A_568 = arith.index_cast %add3A_567 : i32 to index
        %swap3A_569 = arith.constant 0 : index
        %swap3A_570 = tpu.vector_load %arg7[%swap3A_568, %swap3A_569] {strides = array<i32>} : memref<384x64xbf16, #tpu.memory_space<vmem>>, vector<32xbf16>,
        tpu.vector_store %arg7[%swap3A_568, %swap3A_569], %mul3A_565 {strides = array<i32>} : memref<384x64xbf16, #tpu.memory_space<vmem>>, vector<32xbf16>,
        %add3A_571 = arith.constant 5 : i32
        %add3A_572 = arith.addi %add3A_423, %add3A_571 : i32
        %get3A_573 = arith.index_cast %add3A_572 : i32 to index
        %get3A_574 = arith.constant 32 : index
        %get3A_575 = tpu.vector_load %arg6[%get3A_573, %get3A_574] {strides = array<i32>} : memref<384x64xbf16, #tpu.memory_space<vmem>>, vector<32xbf16>,
        %mul3A_576 = arith.mulf %get3A_575, %pack3A_559 : vector<32xbf16>
        %add3A_577 = arith.constant 5 : i32
        %add3A_578 = arith.addi %add3A_423, %add3A_577 : i32
        %swap3A_579 = arith.index_cast %add3A_578 : i32 to index
        %swap3A_580 = arith.constant 32 : index
        %swap3A_581 = tpu.vector_load %arg7[%swap3A_579, %swap3A_580] {strides = array<i32>} : memref<384x64xbf16, #tpu.memory_space<vmem>>, vector<32xbf16>,
        tpu.vector_store %arg7[%swap3A_579, %swap3A_580], %mul3A_576 {strides = array<i32>} : memref<384x64xbf16, #tpu.memory_space<vmem>>, vector<32xbf16>,
        %broadcast_in_dim3A_582 = arith.constant 6 : i32
        %broadcast_in_dim3A_583 = vector.broadcast %broadcast_in_dim3A_582 : i32 to vector<16x1xi32>
        %gather3A_584 = vector.shape_cast %broadcast_in_dim3A_583 : vector<16x1xi32> to vector<16xi32>
        %gather3A_585 = tpu.dynamic_gather %bitcast3A[%gather3A_584] in [0] : vector<16xf32>, vector<16xi32> -> vector<16xf32>
        %pack3A_586 = tpu.pack_subelements %gather3A_585, %gather3A_585 {pack_format = #tpu.pack_format<interleaved>, positions = array<i32: 0, 1>} : vector<16xf32>, vector<16xf32> -> vector<32xbf16>
        %add3A_587 = arith.constant 6 : i32
        %add3A_588 = arith.addi %add3A_423, %add3A_587 : i32
        %get3A_589 = arith.index_cast %add3A_588 : i32 to index
        %get3A_590 = arith.constant 0 : index
        %get3A_591 = tpu.vector_load %arg6[%get3A_589, %get3A_590] {strides = array<i32>} : memref<384x64xbf16, #tpu.memory_space<vmem>>, vector<32xbf16>,
        %mul3A_592 = arith.mulf %get3A_591, %pack3A_586 : vector<32xbf16>
        %add3A_593 = arith.constant 6 : i32
        %add3A_594 = arith.addi %add3A_423, %add3A_593 : i32
        %swap3A_595 = arith.index_cast %add3A_594 : i32 to index
        %swap3A_596 = arith.constant 0 : index
        %swap3A_597 = tpu.vector_load %arg7[%swap3A_595, %swap3A_596] {strides = array<i32>} : memref<384x64xbf16, #tpu.memory_space<vmem>>, vector<32xbf16>,
        tpu.vector_store %arg7[%swap3A_595, %swap3A_596], %mul3A_592 {strides = array<i32>} : memref<384x64xbf16, #tpu.memory_space<vmem>>, vector<32xbf16>,
        %add3A_598 = arith.constant 6 : i32
        %add3A_599 = arith.addi %add3A_423, %add3A_598 : i32
        %get3A_600 = arith.index_cast %add3A_599 : i32 to index
        %get3A_601 = arith.constant 32 : index
        %get3A_602 = tpu.vector_load %arg6[%get3A_600, %get3A_601] {strides = array<i32>} : memref<384x64xbf16, #tpu.memory_space<vmem>>, vector<32xbf16>,
        %mul3A_603 = arith.mulf %get3A_602, %pack3A_586 : vector<32xbf16>
        %add3A_604 = arith.constant 6 : i32
        %add3A_605 = arith.addi %add3A_423, %add3A_604 : i32
        %swap3A_606 = arith.index_cast %add3A_605 : i32 to index
        %swap3A_607 = arith.constant 32 : index
        %swap3A_608 = tpu.vector_load %arg7[%swap3A_606, %swap3A_607] {strides = array<i32>} : memref<384x64xbf16, #tpu.memory_space<vmem>>, vector<32xbf16>,
        tpu.vector_store %arg7[%swap3A_606, %swap3A_607], %mul3A_603 {strides = array<i32>} : memref<384x64xbf16, #tpu.memory_space<vmem>>, vector<32xbf16>,
        %broadcast_in_dim3A_609 = arith.constant 7 : i32
        %broadcast_in_dim3A_610 = vector.broadcast %broadcast_in_dim3A_609 : i32 to vector<16x1xi32>
        %gather3A_611 = vector.shape_cast %broadcast_in_dim3A_610 : vector<16x1xi32> to vector<16xi32>
        %gather3A_612 = tpu.dynamic_gather %bitcast3A[%gather3A_611] in [0] : vector<16xf32>, vector<16xi32> -> vector<16xf32>
        %pack3A_613 = tpu.pack_subelements %gather3A_612, %gather3A_612 {pack_format = #tpu.pack_format<interleaved>, positions = array<i32: 0, 1>} : vector<16xf32>, vector<16xf32> -> vector<32xbf16>
        %add3A_614 = arith.constant 7 : i32
        %add3A_615 = arith.addi %add3A_423, %add3A_614 : i32
        %get3A_616 = arith.index_cast %add3A_615 : i32 to index
        %get3A_617 = arith.constant 0 : index
        %get3A_618 = tpu.vector_load %arg6[%get3A_616, %get3A_617] {strides = array<i32>} : memref<384x64xbf16, #tpu.memory_space<vmem>>, vector<32xbf16>,
        %mul3A_619 = arith.mulf %get3A_618, %pack3A_613 : vector<32xbf16>
        %add3A_620 = arith.constant 7 : i32
        %add3A_621 = arith.addi %add3A_423, %add3A_620 : i32
        %swap3A_622 = arith.index_cast %add3A_621 : i32 to index
        %swap3A_623 = arith.constant 0 : index
        %swap3A_624 = tpu.vector_load %arg7[%swap3A_622, %swap3A_623] {strides = array<i32>} : memref<384x64xbf16, #tpu.memory_space<vmem>>, vector<32xbf16>,
        tpu.vector_store %arg7[%swap3A_622, %swap3A_623], %mul3A_619 {strides = array<i32>} : memref<384x64xbf16, #tpu.memory_space<vmem>>, vector<32xbf16>,
        %add3A_625 = arith.constant 7 : i32
        %add3A_626 = arith.addi %add3A_423, %add3A_625 : i32
        %get3A_627 = arith.index_cast %add3A_626 : i32 to index
        %get3A_628 = arith.constant 32 : index
        %get3A_629 = tpu.vector_load %arg6[%get3A_627, %get3A_628] {strides = array<i32>} : memref<384x64xbf16, #tpu.memory_space<vmem>>, vector<32xbf16>,
        %mul3A_630 = arith.mulf %get3A_629, %pack3A_613 : vector<32xbf16>
        %add3A_631 = arith.constant 7 : i32
        %add3A_632 = arith.addi %add3A_423, %add3A_631 : i32
        %swap3A_633 = arith.index_cast %add3A_632 : i32 to index
        %swap3A_634 = arith.constant 32 : index
        %swap3A_635 = tpu.vector_load %arg7[%swap3A_633, %swap3A_634] {strides = array<i32>} : memref<384x64xbf16, #tpu.memory_space<vmem>>, vector<32xbf16>,
        tpu.vector_store %arg7[%swap3A_633, %swap3A_634], %mul3A_630 {strides = array<i32>} : memref<384x64xbf16, #tpu.memory_space<vmem>>, vector<32xbf16>,
        %broadcast_in_dim3A_636 = arith.constant 8 : i32
        %broadcast_in_dim3A_637 = vector.broadcast %broadcast_in_dim3A_636 : i32 to vector<16x1xi32>
        %gather3A_638 = vector.shape_cast %broadcast_in_dim3A_637 : vector<16x1xi32> to vector<16xi32>
        %gather3A_639 = tpu.dynamic_gather %bitcast3A[%gather3A_638] in [0] : vector<16xf32>, vector<16xi32> -> vector<16xf32>
        %pack3A_640 = tpu.pack_subelements %gather3A_639, %gather3A_639 {pack_format = #tpu.pack_format<interleaved>, positions = array<i32: 0, 1>} : vector<16xf32>, vector<16xf32> -> vector<32xbf16>
        %add3A_641 = arith.constant 8 : i32
        %add3A_642 = arith.addi %add3A_423, %add3A_641 : i32
        %get3A_643 = arith.index_cast %add3A_642 : i32 to index
        %get3A_644 = arith.constant 0 : index
        %get3A_645 = tpu.vector_load %arg6[%get3A_643, %get3A_644] {strides = array<i32>} : memref<384x64xbf16, #tpu.memory_space<vmem>>, vector<32xbf16>,
        %mul3A_646 = arith.mulf %get3A_645, %pack3A_640 : vector<32xbf16>
        %add3A_647 = arith.constant 8 : i32
        %add3A_648 = arith.addi %add3A_423, %add3A_647 : i32
        %swap3A_649 = arith.index_cast %add3A_648 : i32 to index
        %swap3A_650 = arith.constant 0 : index
        %swap3A_651 = tpu.vector_load %arg7[%swap3A_649, %swap3A_650] {strides = array<i32>} : memref<384x64xbf16, #tpu.memory_space<vmem>>, vector<32xbf16>,
        tpu.vector_store %arg7[%swap3A_649, %swap3A_650], %mul3A_646 {strides = array<i32>} : memref<384x64xbf16, #tpu.memory_space<vmem>>, vector<32xbf16>,
        %add3A_652 = arith.constant 8 : i32
        %add3A_653 = arith.addi %add3A_423, %add3A_652 : i32
        %get3A_654 = arith.index_cast %add3A_653 : i32 to index
        %get3A_655 = arith.constant 32 : index
        %get3A_656 = tpu.vector_load %arg6[%get3A_654, %get3A_655] {strides = array<i32>} : memref<384x64xbf16, #tpu.memory_space<vmem>>, vector<32xbf16>,
        %mul3A_657 = arith.mulf %get3A_656, %pack3A_640 : vector<32xbf16>
        %add3A_658 = arith.constant 8 : i32
        %add3A_659 = arith.addi %add3A_423, %add3A_658 : i32
        %swap3A_660 = arith.index_cast %add3A_659 : i32 to index
        %swap3A_661 = arith.constant 32 : index
        %swap3A_662 = tpu.vector_load %arg7[%swap3A_660, %swap3A_661] {strides = array<i32>} : memref<384x64xbf16, #tpu.memory_space<vmem>>, vector<32xbf16>,
        tpu.vector_store %arg7[%swap3A_660, %swap3A_661], %mul3A_657 {strides = array<i32>} : memref<384x64xbf16, #tpu.memory_space<vmem>>, vector<32xbf16>,
        %broadcast_in_dim3A_663 = arith.constant 9 : i32
        %broadcast_in_dim3A_664 = vector.broadcast %broadcast_in_dim3A_663 : i32 to vector<16x1xi32>
        %gather3A_665 = vector.shape_cast %broadcast_in_dim3A_664 : vector<16x1xi32> to vector<16xi32>
        %gather3A_666 = tpu.dynamic_gather %bitcast3A[%gather3A_665] in [0] : vector<16xf32>, vector<16xi32> -> vector<16xf32>
        %pack3A_667 = tpu.pack_subelements %gather3A_666, %gather3A_666 {pack_format = #tpu.pack_format<interleaved>, positions = array<i32: 0, 1>} : vector<16xf32>, vector<16xf32> -> vector<32xbf16>
        %add3A_668 = arith.constant 9 : i32
        %add3A_669 = arith.addi %add3A_423, %add3A_668 : i32
        %get3A_670 = arith.index_cast %add3A_669 : i32 to index
        %get3A_671 = arith.constant 0 : index
        %get3A_672 = tpu.vector_load %arg6[%get3A_670, %get3A_671] {strides = array<i32>} : memref<384x64xbf16, #tpu.memory_space<vmem>>, vector<32xbf16>,
        %mul3A_673 = arith.mulf %get3A_672, %pack3A_667 : vector<32xbf16>
        %add3A_674 = arith.constant 9 : i32
        %add3A_675 = arith.addi %add3A_423, %add3A_674 : i32
        %swap3A_676 = arith.index_cast %add3A_675 : i32 to index
        %swap3A_677 = arith.constant 0 : index
        %swap3A_678 = tpu.vector_load %arg7[%swap3A_676, %swap3A_677] {strides = array<i32>} : memref<384x64xbf16, #tpu.memory_space<vmem>>, vector<32xbf16>,
        tpu.vector_store %arg7[%swap3A_676, %swap3A_677], %mul3A_673 {strides = array<i32>} : memref<384x64xbf16, #tpu.memory_space<vmem>>, vector<32xbf16>,
        %add3A_679 = arith.constant 9 : i32
        %add3A_680 = arith.addi %add3A_423, %add3A_679 : i32
        %get3A_681 = arith.index_cast %add3A_680 : i32 to index
        %get3A_682 = arith.constant 32 : index
        %get3A_683 = tpu.vector_load %arg6[%get3A_681, %get3A_682] {strides = array<i32>} : memref<384x64xbf16, #tpu.memory_space<vmem>>, vector<32xbf16>,
        %mul3A_684 = arith.mulf %get3A_683, %pack3A_667 : vector<32xbf16>
        %add3A_685 = arith.constant 9 : i32
        %add3A_686 = arith.addi %add3A_423, %add3A_685 : i32
        %swap3A_687 = arith.index_cast %add3A_686 : i32 to index
        %swap3A_688 = arith.constant 32 : index
        %swap3A_689 = tpu.vector_load %arg7[%swap3A_687, %swap3A_688] {strides = array<i32>} : memref<384x64xbf16, #tpu.memory_space<vmem>>, vector<32xbf16>,
        tpu.vector_store %arg7[%swap3A_687, %swap3A_688], %mul3A_684 {strides = array<i32>} : memref<384x64xbf16, #tpu.memory_space<vmem>>, vector<32xbf16>,
        %broadcast_in_dim3A_690 = arith.constant 10 : i32
        %broadcast_in_dim3A_691 = vector.broadcast %broadcast_in_dim3A_690 : i32 to vector<16x1xi32>
        %gather3A_692 = vector.shape_cast %broadcast_in_dim3A_691 : vector<16x1xi32> to vector<16xi32>
        %gather3A_693 = tpu.dynamic_gather %bitcast3A[%gather3A_692] in [0] : vector<16xf32>, vector<16xi32> -> vector<16xf32>
        %pack3A_694 = tpu.pack_subelements %gather3A_693, %gather3A_693 {pack_format = #tpu.pack_format<interleaved>, positions = array<i32: 0, 1>} : vector<16xf32>, vector<16xf32> -> vector<32xbf16>
        %add3A_695 = arith.constant 10 : i32
        %add3A_696 = arith.addi %add3A_423, %add3A_695 : i32
        %get3A_697 = arith.index_cast %add3A_696 : i32 to index
        %get3A_698 = arith.constant 0 : index
        %get3A_699 = tpu.vector_load %arg6[%get3A_697, %get3A_698] {strides = array<i32>} : memref<384x64xbf16, #tpu.memory_space<vmem>>, vector<32xbf16>,
        %mul3A_700 = arith.mulf %get3A_699, %pack3A_694 : vector<32xbf16>
        %add3A_701 = arith.constant 10 : i32
        %add3A_702 = arith.addi %add3A_423, %add3A_701 : i32
        %swap3A_703 = arith.index_cast %add3A_702 : i32 to index
        %swap3A_704 = arith.constant 0 : index
        %swap3A_705 = tpu.vector_load %arg7[%swap3A_703, %swap3A_704] {strides = array<i32>} : memref<384x64xbf16, #tpu.memory_space<vmem>>, vector<32xbf16>,
        tpu.vector_store %arg7[%swap3A_703, %swap3A_704], %mul3A_700 {strides = array<i32>} : memref<384x64xbf16, #tpu.memory_space<vmem>>, vector<32xbf16>,
        %add3A_706 = arith.constant 10 : i32
        %add3A_707 = arith.addi %add3A_423, %add3A_706 : i32
        %get3A_708 = arith.index_cast %add3A_707 : i32 to index
        %get3A_709 = arith.constant 32 : index
        %get3A_710 = tpu.vector_load %arg6[%get3A_708, %get3A_709] {strides = array<i32>} : memref<384x64xbf16, #tpu.memory_space<vmem>>, vector<32xbf16>,
        %mul3A_711 = arith.mulf %get3A_710, %pack3A_694 : vector<32xbf16>
        %add3A_712 = arith.constant 10 : i32
        %add3A_713 = arith.addi %add3A_423, %add3A_712 : i32
        %swap3A_714 = arith.index_cast %add3A_713 : i32 to index
        %swap3A_715 = arith.constant 32 : index
        %swap3A_716 = tpu.vector_load %arg7[%swap3A_714, %swap3A_715] {strides = array<i32>} : memref<384x64xbf16, #tpu.memory_space<vmem>>, vector<32xbf16>,
        tpu.vector_store %arg7[%swap3A_714, %swap3A_715], %mul3A_711 {strides = array<i32>} : memref<384x64xbf16, #tpu.memory_space<vmem>>, vector<32xbf16>,
        %broadcast_in_dim3A_717 = arith.constant 11 : i32
        %broadcast_in_dim3A_718 = vector.broadcast %broadcast_in_dim3A_717 : i32 to vector<16x1xi32>
        %gather3A_719 = vector.shape_cast %broadcast_in_dim3A_718 : vector<16x1xi32> to vector<16xi32>
        %gather3A_720 = tpu.dynamic_gather %bitcast3A[%gather3A_719] in [0] : vector<16xf32>, vector<16xi32> -> vector<16xf32>
        %pack3A_721 = tpu.pack_subelements %gather3A_720, %gather3A_720 {pack_format = #tpu.pack_format<interleaved>, positions = array<i32: 0, 1>} : vector<16xf32>, vector<16xf32> -> vector<32xbf16>
        %add3A_722 = arith.constant 11 : i32
        %add3A_723 = arith.addi %add3A_423, %add3A_722 : i32
        %get3A_724 = arith.index_cast %add3A_723 : i32 to index
        %get3A_725 = arith.constant 0 : index
        %get3A_726 = tpu.vector_load %arg6[%get3A_724, %get3A_725] {strides = array<i32>} : memref<384x64xbf16, #tpu.memory_space<vmem>>, vector<32xbf16>,
        %mul3A_727 = arith.mulf %get3A_726, %pack3A_721 : vector<32xbf16>
        %add3A_728 = arith.constant 11 : i32
        %add3A_729 = arith.addi %add3A_423, %add3A_728 : i32
        %swap3A_730 = arith.index_cast %add3A_729 : i32 to index
        %swap3A_731 = arith.constant 0 : index
        %swap3A_732 = tpu.vector_load %arg7[%swap3A_730, %swap3A_731] {strides = array<i32>} : memref<384x64xbf16, #tpu.memory_space<vmem>>, vector<32xbf16>,
        tpu.vector_store %arg7[%swap3A_730, %swap3A_731], %mul3A_727 {strides = array<i32>} : memref<384x64xbf16, #tpu.memory_space<vmem>>, vector<32xbf16>,
        %add3A_733 = arith.constant 11 : i32
        %add3A_734 = arith.addi %add3A_423, %add3A_733 : i32
        %get3A_735 = arith.index_cast %add3A_734 : i32 to index
        %get3A_736 = arith.constant 32 : index
        %get3A_737 = tpu.vector_load %arg6[%get3A_735, %get3A_736] {strides = array<i32>} : memref<384x64xbf16, #tpu.memory_space<vmem>>, vector<32xbf16>,
        %mul3A_738 = arith.mulf %get3A_737, %pack3A_721 : vector<32xbf16>
        %add3A_739 = arith.constant 11 : i32
        %add3A_740 = arith.addi %add3A_423, %add3A_739 : i32
        %swap3A_741 = arith.index_cast %add3A_740 : i32 to index
        %swap3A_742 = arith.constant 32 : index
        %swap3A_743 = tpu.vector_load %arg7[%swap3A_741, %swap3A_742] {strides = array<i32>} : memref<384x64xbf16, #tpu.memory_space<vmem>>, vector<32xbf16>,
        tpu.vector_store %arg7[%swap3A_741, %swap3A_742], %mul3A_738 {strides = array<i32>} : memref<384x64xbf16, #tpu.memory_space<vmem>>, vector<32xbf16>,
        %broadcast_in_dim3A_744 = arith.constant 12 : i32
        %broadcast_in_dim3A_745 = vector.broadcast %broadcast_in_dim3A_744 : i32 to vector<16x1xi32>
        %gather3A_746 = vector.shape_cast %broadcast_in_dim3A_745 : vector<16x1xi32> to vector<16xi32>
        %gather3A_747 = tpu.dynamic_gather %bitcast3A[%gather3A_746] in [0] : vector<16xf32>, vector<16xi32> -> vector<16xf32>
        %pack3A_748 = tpu.pack_subelements %gather3A_747, %gather3A_747 {pack_format = #tpu.pack_format<interleaved>, positions = array<i32: 0, 1>} : vector<16xf32>, vector<16xf32> -> vector<32xbf16>
        %add3A_749 = arith.constant 12 : i32
        %add3A_750 = arith.addi %add3A_423, %add3A_749 : i32
        %get3A_751 = arith.index_cast %add3A_750 : i32 to index
        %get3A_752 = arith.constant 0 : index
        %get3A_753 = tpu.vector_load %arg6[%get3A_751, %get3A_752] {strides = array<i32>} : memref<384x64xbf16, #tpu.memory_space<vmem>>, vector<32xbf16>,
        %mul3A_754 = arith.mulf %get3A_753, %pack3A_748 : vector<32xbf16>
        %add3A_755 = arith.constant 12 : i32
        %add3A_756 = arith.addi %add3A_423, %add3A_755 : i32
        %swap3A_757 = arith.index_cast %add3A_756 : i32 to index
        %swap3A_758 = arith.constant 0 : index
        %swap3A_759 = tpu.vector_load %arg7[%swap3A_757, %swap3A_758] {strides = array<i32>} : memref<384x64xbf16, #tpu.memory_space<vmem>>, vector<32xbf16>,
        tpu.vector_store %arg7[%swap3A_757, %swap3A_758], %mul3A_754 {strides = array<i32>} : memref<384x64xbf16, #tpu.memory_space<vmem>>, vector<32xbf16>,
        %add3A_760 = arith.constant 12 : i32
        %add3A_761 = arith.addi %add3A_423, %add3A_760 : i32
        %get3A_762 = arith.index_cast %add3A_761 : i32 to index
        %get3A_763 = arith.constant 32 : index
        %get3A_764 = tpu.vector_load %arg6[%get3A_762, %get3A_763] {strides = array<i32>} : memref<384x64xbf16, #tpu.memory_space<vmem>>, vector<32xbf16>,
        %mul3A_765 = arith.mulf %get3A_764, %pack3A_748 : vector<32xbf16>
        %add3A_766 = arith.constant 12 : i32
        %add3A_767 = arith.addi %add3A_423, %add3A_766 : i32
        %swap3A_768 = arith.index_cast %add3A_767 : i32 to index
        %swap3A_769 = arith.constant 32 : index
        %swap3A_770 = tpu.vector_load %arg7[%swap3A_768, %swap3A_769] {strides = array<i32>} : memref<384x64xbf16, #tpu.memory_space<vmem>>, vector<32xbf16>,
        tpu.vector_store %arg7[%swap3A_768, %swap3A_769], %mul3A_765 {strides = array<i32>} : memref<384x64xbf16, #tpu.memory_space<vmem>>, vector<32xbf16>,
        %broadcast_in_dim3A_771 = arith.constant 13 : i32
        %broadcast_in_dim3A_772 = vector.broadcast %broadcast_in_dim3A_771 : i32 to vector<16x1xi32>
        %gather3A_773 = vector.shape_cast %broadcast_in_dim3A_772 : vector<16x1xi32> to vector<16xi32>
        %gather3A_774 = tpu.dynamic_gather %bitcast3A[%gather3A_773] in [0] : vector<16xf32>, vector<16xi32> -> vector<16xf32>
        %pack3A_775 = tpu.pack_subelements %gather3A_774, %gather3A_774 {pack_format = #tpu.pack_format<interleaved>, positions = array<i32: 0, 1>} : vector<16xf32>, vector<16xf32> -> vector<32xbf16>
        %add3A_776 = arith.constant 13 : i32
        %add3A_777 = arith.addi %add3A_423, %add3A_776 : i32
        %get3A_778 = arith.index_cast %add3A_777 : i32 to index
        %get3A_779 = arith.constant 0 : index
        %get3A_780 = tpu.vector_load %arg6[%get3A_778, %get3A_779] {strides = array<i32>} : memref<384x64xbf16, #tpu.memory_space<vmem>>, vector<32xbf16>,
        %mul3A_781 = arith.mulf %get3A_780, %pack3A_775 : vector<32xbf16>
        %add3A_782 = arith.constant 13 : i32
        %add3A_783 = arith.addi %add3A_423, %add3A_782 : i32
        %swap3A_784 = arith.index_cast %add3A_783 : i32 to index
        %swap3A_785 = arith.constant 0 : index
        %swap3A_786 = tpu.vector_load %arg7[%swap3A_784, %swap3A_785] {strides = array<i32>} : memref<384x64xbf16, #tpu.memory_space<vmem>>, vector<32xbf16>,
        tpu.vector_store %arg7[%swap3A_784, %swap3A_785], %mul3A_781 {strides = array<i32>} : memref<384x64xbf16, #tpu.memory_space<vmem>>, vector<32xbf16>,
        %add3A_787 = arith.constant 13 : i32
        %add3A_788 = arith.addi %add3A_423, %add3A_787 : i32
        %get3A_789 = arith.index_cast %add3A_788 : i32 to index
        %get3A_790 = arith.constant 32 : index
        %get3A_791 = tpu.vector_load %arg6[%get3A_789, %get3A_790] {strides = array<i32>} : memref<384x64xbf16, #tpu.memory_space<vmem>>, vector<32xbf16>,
        %mul3A_792 = arith.mulf %get3A_791, %pack3A_775 : vector<32xbf16>
        %add3A_793 = arith.constant 13 : i32
        %add3A_794 = arith.addi %add3A_423, %add3A_793 : i32
        %swap3A_795 = arith.index_cast %add3A_794 : i32 to index
        %swap3A_796 = arith.constant 32 : index
        %swap3A_797 = tpu.vector_load %arg7[%swap3A_795, %swap3A_796] {strides = array<i32>} : memref<384x64xbf16, #tpu.memory_space<vmem>>, vector<32xbf16>,
        tpu.vector_store %arg7[%swap3A_795, %swap3A_796], %mul3A_792 {strides = array<i32>} : memref<384x64xbf16, #tpu.memory_space<vmem>>, vector<32xbf16>,
        %broadcast_in_dim3A_798 = arith.constant 14 : i32
        %broadcast_in_dim3A_799 = vector.broadcast %broadcast_in_dim3A_798 : i32 to vector<16x1xi32>
        %gather3A_800 = vector.shape_cast %broadcast_in_dim3A_799 : vector<16x1xi32> to vector<16xi32>
        %gather3A_801 = tpu.dynamic_gather %bitcast3A[%gather3A_800] in [0] : vector<16xf32>, vector<16xi32> -> vector<16xf32>
        %pack3A_802 = tpu.pack_subelements %gather3A_801, %gather3A_801 {pack_format = #tpu.pack_format<interleaved>, positions = array<i32: 0, 1>} : vector<16xf32>, vector<16xf32> -> vector<32xbf16>
        %add3A_803 = arith.constant 14 : i32
        %add3A_804 = arith.addi %add3A_423, %add3A_803 : i32
        %get3A_805 = arith.index_cast %add3A_804 : i32 to index
        %get3A_806 = arith.constant 0 : index
        %get3A_807 = tpu.vector_load %arg6[%get3A_805, %get3A_806] {strides = array<i32>} : memref<384x64xbf16, #tpu.memory_space<vmem>>, vector<32xbf16>,
        %mul3A_808 = arith.mulf %get3A_807, %pack3A_802 : vector<32xbf16>
        %add3A_809 = arith.constant 14 : i32
        %add3A_810 = arith.addi %add3A_423, %add3A_809 : i32
        %swap3A_811 = arith.index_cast %add3A_810 : i32 to index
        %swap3A_812 = arith.constant 0 : index
        %swap3A_813 = tpu.vector_load %arg7[%swap3A_811, %swap3A_812] {strides = array<i32>} : memref<384x64xbf16, #tpu.memory_space<vmem>>, vector<32xbf16>,
        tpu.vector_store %arg7[%swap3A_811, %swap3A_812], %mul3A_808 {strides = array<i32>} : memref<384x64xbf16, #tpu.memory_space<vmem>>, vector<32xbf16>,
        %add3A_814 = arith.constant 14 : i32
        %add3A_815 = arith.addi %add3A_423, %add3A_814 : i32
        %get3A_816 = arith.index_cast %add3A_815 : i32 to index
        %get3A_817 = arith.constant 32 : index
        %get3A_818 = tpu.vector_load %arg6[%get3A_816, %get3A_817] {strides = array<i32>} : memref<384x64xbf16, #tpu.memory_space<vmem>>, vector<32xbf16>,
        %mul3A_819 = arith.mulf %get3A_818, %pack3A_802 : vector<32xbf16>
        %add3A_820 = arith.constant 14 : i32
        %add3A_821 = arith.addi %add3A_423, %add3A_820 : i32
        %swap3A_822 = arith.index_cast %add3A_821 : i32 to index
        %swap3A_823 = arith.constant 32 : index
        %swap3A_824 = tpu.vector_load %arg7[%swap3A_822, %swap3A_823] {strides = array<i32>} : memref<384x64xbf16, #tpu.memory_space<vmem>>, vector<32xbf16>,
        tpu.vector_store %arg7[%swap3A_822, %swap3A_823], %mul3A_819 {strides = array<i32>} : memref<384x64xbf16, #tpu.memory_space<vmem>>, vector<32xbf16>,
        %broadcast_in_dim3A_825 = arith.constant 15 : i32
        %broadcast_in_dim3A_826 = vector.broadcast %broadcast_in_dim3A_825 : i32 to vector<16x1xi32>
        %gather3A_827 = vector.shape_cast %broadcast_in_dim3A_826 : vector<16x1xi32> to vector<16xi32>
        %gather3A_828 = tpu.dynamic_gather %bitcast3A[%gather3A_827] in [0] : vector<16xf32>, vector<16xi32> -> vector<16xf32>
        %pack3A_829 = tpu.pack_subelements %gather3A_828, %gather3A_828 {pack_format = #tpu.pack_format<interleaved>, positions = array<i32: 0, 1>} : vector<16xf32>, vector<16xf32> -> vector<32xbf16>
        %add3A_830 = arith.constant 15 : i32
        %add3A_831 = arith.addi %add3A_423, %add3A_830 : i32
        %get3A_832 = arith.index_cast %add3A_831 : i32 to index
        %get3A_833 = arith.constant 0 : index
        %get3A_834 = tpu.vector_load %arg6[%get3A_832, %get3A_833] {strides = array<i32>} : memref<384x64xbf16, #tpu.memory_space<vmem>>, vector<32xbf16>,
        %mul3A_835 = arith.mulf %get3A_834, %pack3A_829 : vector<32xbf16>
        %add3A_836 = arith.constant 15 : i32
        %add3A_837 = arith.addi %add3A_423, %add3A_836 : i32
        %swap3A_838 = arith.index_cast %add3A_837 : i32 to index
        %swap3A_839 = arith.constant 0 : index
        %swap3A_840 = tpu.vector_load %arg7[%swap3A_838, %swap3A_839] {strides = array<i32>} : memref<384x64xbf16, #tpu.memory_space<vmem>>, vector<32xbf16>,
        tpu.vector_store %arg7[%swap3A_838, %swap3A_839], %mul3A_835 {strides = array<i32>} : memref<384x64xbf16, #tpu.memory_space<vmem>>, vector<32xbf16>,
        %add3A_841 = arith.constant 15 : i32
        %add3A_842 = arith.addi %add3A_423, %add3A_841 : i32
        %get3A_843 = arith.index_cast %add3A_842 : i32 to index
        %get3A_844 = arith.constant 32 : index
        %get3A_845 = tpu.vector_load %arg6[%get3A_843, %get3A_844] {strides = array<i32>} : memref<384x64xbf16, #tpu.memory_space<vmem>>, vector<32xbf16>,
        %mul3A_846 = arith.mulf %get3A_845, %pack3A_829 : vector<32xbf16>
        %add3A_847 = arith.constant 15 : i32
        %add3A_848 = arith.addi %add3A_423, %add3A_847 : i32
        %swap3A_849 = arith.index_cast %add3A_848 : i32 to index
        %swap3A_850 = arith.constant 32 : index
        %swap3A_851 = tpu.vector_load %arg7[%swap3A_849, %swap3A_850] {strides = array<i32>} : memref<384x64xbf16, #tpu.memory_space<vmem>>, vector<32xbf16>,
        tpu.vector_store %arg7[%swap3A_849, %swap3A_850], %mul3A_846 {strides = array<i32>} : memref<384x64xbf16, #tpu.memory_space<vmem>>, vector<32xbf16>,
      }
      %scan3A_303 = arith.constant 8 : i32
      %dma_start3A_304 = arith.constant 10 : i32
      %dma_start3A_305 = arith.constant 0 : i32
      %dma_start3A_306 = arith.constant 0 : i32
      %dma_start3A_307 = tpu.memref_slice %arg7[%dma_start3A_305, %dma_start3A_306] : memref<384x64xbf16, #tpu.memory_space<vmem>> -> memref<128x64xbf16, #tpu.memory_space<vmem>>
      %dma_start3A_308 = arith.constant 0 : i32
      %dma_start3A_309 = tpu.memref_slice %arg5[%dma_start3A_304, %dma_start3A_308] : memref<18x128xi32, #tpu.memory_space<vmem>> -> memref<1x128xi32, #tpu.memory_space<vmem>>
      %dma_start3A_310 = tpu.memref_squeeze %dma_start3A_309 : memref<1x128xi32, #tpu.memory_space<vmem>> -> memref<128xi32, #tpu.memory_space<vmem>>
      %dma_start3A_311 = arith.constant 0 : i32
      %dma_start3A_312 = arith.constant 0 : i32
      %dma_start3A_313 = tpu.memref_slice %arg9[%dma_start3A_311, %dma_start3A_312] : memref<10000x64xbf16, #tpu.memory_space<vmem_shared>> -> memref<10000x64xbf16, #tpu.memory_space<vmem_shared>>
      tpu.enqueue_indirect_dma source(%dma_start3A_307 : memref<128x64xbf16, #tpu.memory_space<vmem>>) target(%dma_start3A_313 : memref<10000x64xbf16, #tpu.memory_space<vmem_shared>>) offsets(%dma_start3A_310 : memref<128xi32, #tpu.memory_space<vmem>>) semaphore(%arg14 : memref<!tpu.dma_semaphore, #tpu.memory_space<semaphore_mem>>) {add = true}
      %mul3A_314 = arith.constant 6 : i32
      %mul3A_315 = arith.muli %add3A_125, %mul3A_314 : i32
      %add3A_316 = arith.constant 4 : i32
      %add3A_317 = arith.addi %mul3A_315, %add3A_316 : i32
      %ge3A_318 = arith.constant 2 : i32
      %ge3A_319 = arith.cmpi sge, %add3A_317, %ge3A_318 : i32
      %convert_element_type3A_320 = arith.extui %ge3A_319 : i1 to i32
      %cond3A_321 = arith.constant 0 : i32
      %cond3A_322 = arith.cmpi ne, %convert_element_type3A_320, %cond3A_321 : i32
      scf.if %cond3A_322 {
        %sub3A = arith.constant 2 : i32
        %sub3A_410 = arith.subi %add3A_317, %sub3A : i32
        %dma_wait3A_411 = arith.constant 7 : i32
        %dma_wait3A_412 = arith.constant 256 : i32
        %dma_wait3A_413 = arith.constant 0 : i32
        %dma_wait3A_414 = tpu.memref_slice %arg7[%dma_wait3A_412, %dma_wait3A_413] : memref<384x64xbf16, #tpu.memory_space<vmem>> -> memref<128x64xbf16, #tpu.memory_space<vmem>>
        %dma_wait3A_415 = arith.constant 0 : i32
        %dma_wait3A_416 = tpu.memref_slice %arg5[%dma_wait3A_411, %dma_wait3A_415] : memref<18x128xi32, #tpu.memory_space<vmem>> -> memref<1x128xi32, #tpu.memory_space<vmem>>
        %dma_wait3A_417 = tpu.memref_squeeze %dma_wait3A_416 : memref<1x128xi32, #tpu.memory_space<vmem>> -> memref<128xi32, #tpu.memory_space<vmem>>
        %dma_wait3A_418 = arith.constant 0 : i32
        %dma_wait3A_419 = arith.constant 0 : i32
        %dma_wait3A_420 = tpu.memref_slice %arg9[%dma_wait3A_418, %dma_wait3A_419] : memref<10000x64xbf16, #tpu.memory_space<vmem_shared>> -> memref<10000x64xbf16, #tpu.memory_space<vmem_shared>>
        tpu.wait_indirect_dma semaphore(%arg16 : memref<!tpu.dma_semaphore, #tpu.memory_space<semaphore_mem>>) src(%dma_wait3A_414 : memref<128x64xbf16, #tpu.memory_space<vmem>>) dst(%dma_wait3A_420 : memref<10000x64xbf16, #tpu.memory_space<vmem_shared>>)
      } else {
      }
      %add3A_323 = arith.constant 2 : i32
      %add3A_324 = arith.addi %add3A_317, %add3A_323 : i32
      %lt3A_325 = arith.constant 162 : i32
      %lt3A_326 = arith.cmpi slt, %add3A_324, %lt3A_325 : i32
      %convert_element_type3A_327 = arith.extui %lt3A_326 : i1 to i32
      %cond3A_328 = arith.constant 0 : i32
      %cond3A_329 = arith.cmpi ne, %convert_element_type3A_327, %cond3A_328 : i32
      scf.if %cond3A_329 {
        %add3A_410 = arith.constant 2 : i32
        %add3A_411 = arith.addi %add3A_317, %add3A_410 : i32
        %add3A_412 = arith.addi %mul3A_42, %add3A_411 : i32
        %mul3A_413 = arith.constant 3 : i32
        %mul3A_414 = arith.muli %add3A_412, %mul3A_413 : i32
        %dma_start3A_415 = arith.constant 0 : i32
        %dma_start3A_416 = arith.constant 0 : i32
        %dma_start3A_417 = tpu.memref_slice %arg5[%dma_start3A_415, %dma_start3A_416] : memref<18x128xi32, #tpu.memory_space<vmem>> -> memref<3x128xi32, #tpu.memory_space<vmem>>
        %dma_start3A_418 = arith.constant 0 : i32
        %dma_start3A_419 = tpu.memref_slice %arg3[%mul3A_414, %dma_start3A_418] : memref<7776x128xi32, #tpu.memory_space<hbm>> -> memref<3x128xi32, #tpu.memory_space<hbm>>
        %dma_start3A_420 = arith.constant 0 : i32
        %dma_start3A_421 = arith.constant 0 : i32
        %dma_start3A_422 = tpu.memref_slice %arg5[%dma_start3A_420, %dma_start3A_421] : memref<18x128xi32, #tpu.memory_space<vmem>> -> memref<3x128xi32, #tpu.memory_space<vmem>>
        %dma_start3A_423 = arith.constant 0 : i32
        %dma_start3A_424 = tpu.memref_slice %arg3[%mul3A_414, %dma_start3A_423] : memref<7776x128xi32, #tpu.memory_space<hbm>> -> memref<3x128xi32, #tpu.memory_space<hbm>>
        tpu.enqueue_dma source(%dma_start3A_424 : memref<3x128xi32, #tpu.memory_space<hbm>>) target(%dma_start3A_422 : memref<3x128xi32, #tpu.memory_space<vmem>>) target_semaphore(%arg17 : memref<!tpu.dma_semaphore, #tpu.memory_space<semaphore_mem>>)
      } else {
      }
      %add3A_330 = arith.constant 1 : i32
      %add3A_331 = arith.addi %add3A_317, %add3A_330 : i32
      %lt3A_332 = arith.constant 162 : i32
      %lt3A_333 = arith.cmpi slt, %add3A_331, %lt3A_332 : i32
      %convert_element_type3A_334 = arith.extui %lt3A_333 : i1 to i32
      %cond3A_335 = arith.constant 0 : i32
      %cond3A_336 = arith.cmpi ne, %convert_element_type3A_334, %cond3A_335 : i32
      scf.if %cond3A_336 {
        %add3A_410 = arith.constant 1 : i32
        %add3A_411 = arith.addi %add3A_317, %add3A_410 : i32
        %add3A_412 = arith.addi %mul3A_42, %add3A_411 : i32
        %mul3A_413 = arith.constant 3 : i32
        %mul3A_414 = arith.muli %add3A_412, %mul3A_413 : i32
        %dma_wait3A_415 = arith.constant 15 : i32
        %dma_wait3A_416 = arith.constant 0 : i32
        %dma_wait3A_417 = tpu.memref_slice %arg5[%dma_wait3A_415, %dma_wait3A_416] : memref<18x128xi32, #tpu.memory_space<vmem>> -> memref<3x128xi32, #tpu.memory_space<vmem>>
        %dma_wait3A_418 = arith.constant 0 : i32
        %dma_wait3A_419 = tpu.memref_slice %arg3[%mul3A_414, %dma_wait3A_418] : memref<7776x128xi32, #tpu.memory_space<hbm>> -> memref<3x128xi32, #tpu.memory_space<hbm>>
        %dma_wait3A_420 = arith.constant 15 : i32
        %dma_wait3A_421 = arith.constant 0 : i32
        %dma_wait3A_422 = tpu.memref_slice %arg5[%dma_wait3A_420, %dma_wait3A_421] : memref<18x128xi32, #tpu.memory_space<vmem>> -> memref<3x128xi32, #tpu.memory_space<vmem>>
        %dma_wait3A_423 = arith.constant 0 : i32
        %dma_wait3A_424 = tpu.memref_slice %arg3[%mul3A_414, %dma_wait3A_423] : memref<7776x128xi32, #tpu.memory_space<hbm>> -> memref<3x128xi32, #tpu.memory_space<hbm>>
        tpu.wait_dma2 semaphore(%arg22 : memref<!tpu.dma_semaphore, #tpu.memory_space<semaphore_mem>>) src(%dma_wait3A_424 : memref<3x128xi32, #tpu.memory_space<hbm>>) dst(%dma_wait3A_422 : memref<3x128xi32, #tpu.memory_space<vmem>>)
        %add3A_425 = arith.constant 1 : i32
        %add3A_426 = arith.addi %add3A_317, %add3A_425 : i32
        %dma_start3A_427 = arith.constant 15 : i32
        %dma_start3A_428 = arith.constant 256 : i32
        %dma_start3A_429 = arith.constant 0 : i32
        %dma_start3A_430 = tpu.memref_slice %arg6[%dma_start3A_428, %dma_start3A_429] : memref<384x64xbf16, #tpu.memory_space<vmem>> -> memref<128x64xbf16, #tpu.memory_space<vmem>>
        %dma_start3A_431 = arith.constant 0 : i32
        %dma_start3A_432 = tpu.memref_slice %arg5[%dma_start3A_427, %dma_start3A_431] : memref<18x128xi32, #tpu.memory_space<vmem>> -> memref<1x128xi32, #tpu.memory_space<vmem>>
        %dma_start3A_433 = tpu.memref_squeeze %dma_start3A_432 : memref<1x128xi32, #tpu.memory_space<vmem>> -> memref<128xi32, #tpu.memory_space<vmem>>
        %dma_start3A_434 = arith.constant 0 : i32
        %dma_start3A_435 = arith.constant 0 : i32
        %dma_start3A_436 = tpu.memref_slice %arg10[%dma_start3A_434, %dma_start3A_435] : memref<10000x64xbf16, #tpu.memory_space<vmem_shared>> -> memref<10000x64xbf16, #tpu.memory_space<vmem_shared>>
        tpu.enqueue_indirect_dma source(%dma_start3A_436 : memref<10000x64xbf16, #tpu.memory_space<vmem_shared>>) target(%dma_start3A_430 : memref<128x64xbf16, #tpu.memory_space<vmem>>) offsets(%dma_start3A_433 : memref<128xi32, #tpu.memory_space<vmem>>) semaphore(%arg13 : memref<!tpu.dma_semaphore, #tpu.memory_space<semaphore_mem>>)
      } else {
      }
      %dma_wait3A_337 = arith.constant 12 : i32
      %dma_wait3A_338 = arith.constant 128 : i32
      %dma_wait3A_339 = arith.constant 0 : i32
      %dma_wait3A_340 = tpu.memref_slice %arg6[%dma_wait3A_338, %dma_wait3A_339] : memref<384x64xbf16, #tpu.memory_space<vmem>> -> memref<128x64xbf16, #tpu.memory_space<vmem>>
      %dma_wait3A_341 = arith.constant 0 : i32
      %dma_wait3A_342 = tpu.memref_slice %arg5[%dma_wait3A_337, %dma_wait3A_341] : memref<18x128xi32, #tpu.memory_space<vmem>> -> memref<1x128xi32, #tpu.memory_space<vmem>>
      %dma_wait3A_343 = tpu.memref_squeeze %dma_wait3A_342 : memref<1x128xi32, #tpu.memory_space<vmem>> -> memref<128xi32, #tpu.memory_space<vmem>>
      %dma_wait3A_344 = arith.constant 0 : i32
      %dma_wait3A_345 = arith.constant 0 : i32
      %dma_wait3A_346 = tpu.memref_slice %arg10[%dma_wait3A_344, %dma_wait3A_345] : memref<10000x64xbf16, #tpu.memory_space<vmem_shared>> -> memref<10000x64xbf16, #tpu.memory_space<vmem_shared>>
      tpu.wait_indirect_dma semaphore(%arg12 : memref<!tpu.dma_semaphore, #tpu.memory_space<semaphore_mem>>) src(%dma_wait3A_346 : memref<10000x64xbf16, #tpu.memory_space<vmem_shared>>) dst(%dma_wait3A_340 : memref<128x64xbf16, #tpu.memory_space<vmem>>)
      %scan3A_347 = arith.constant 0 : i32
      %scan3A_348 = arith.constant 8 : i32
      %scan3A_349 = arith.addi %scan3A_347, %scan3A_348 : i32
      %scan3A_350 = arith.constant 1 : i32
      scf.for %scan3A_410 = %scan3A_347 to %scan3A_349 step %scan3A_350  : i32 {
        %mul3A_411 = arith.constant 1 : i32
        %mul3A_412 = arith.muli %scan3A_410, %mul3A_411 : i32
        %add3A_413 = arith.constant 0 : i32
        %add3A_414 = arith.addi %add3A_413, %mul3A_412 : i32
        %mul3A_415 = arith.constant 16 : i32
        %mul3A_416 = arith.muli %add3A_414, %mul3A_415 : i32
        %get3A = arith.constant 14 : i32
        %get3A_417 = arith.index_cast %get3A : i32 to index
        %get3A_418 = arith.index_cast %mul3A_416 : i32 to index
        %get3A_419 = tpu.vector_load %arg5[%get3A_417, %get3A_418] {strides = array<i32>} : memref<18x128xi32, #tpu.memory_space<vmem>>, vector<16xi32>,
        %bitcast3A = vector.bitcast %get3A_419 : vector<16xi32> to vector<16xf32>
        %mul3A_420 = arith.constant 16 : i32
        %mul3A_421 = arith.muli %add3A_414, %mul3A_420 : i32
        %add3A_422 = arith.constant 128 : i32
        %add3A_423 = arith.addi %add3A_422, %mul3A_421 : i32
        %broadcast_in_dim3A = arith.constant 0 : i32
        %broadcast_in_dim3A_424 = vector.broadcast %broadcast_in_dim3A : i32 to vector<16x1xi32>
        %gather3A = vector.shape_cast %broadcast_in_dim3A_424 : vector<16x1xi32> to vector<16xi32>
        %gather3A_425 = tpu.dynamic_gather %bitcast3A[%gather3A] in [0] : vector<16xf32>, vector<16xi32> -> vector<16xf32>
        %pack3A = tpu.pack_subelements %gather3A_425, %gather3A_425 {pack_format = #tpu.pack_format<interleaved>, positions = array<i32: 0, 1>} : vector<16xf32>, vector<16xf32> -> vector<32xbf16>
        %add3A_426 = arith.constant 0 : i32
        %add3A_427 = arith.addi %add3A_423, %add3A_426 : i32
        %get3A_428 = arith.index_cast %add3A_427 : i32 to index
        %get3A_429 = arith.constant 0 : index
        %get3A_430 = tpu.vector_load %arg6[%get3A_428, %get3A_429] {strides = array<i32>} : memref<384x64xbf16, #tpu.memory_space<vmem>>, vector<32xbf16>,
        %mul3A_431 = arith.mulf %get3A_430, %pack3A : vector<32xbf16>
        %add3A_432 = arith.constant 0 : i32
        %add3A_433 = arith.addi %add3A_423, %add3A_432 : i32
        %swap3A = arith.index_cast %add3A_433 : i32 to index
        %swap3A_434 = arith.constant 0 : index
        %swap3A_435 = tpu.vector_load %arg7[%swap3A, %swap3A_434] {strides = array<i32>} : memref<384x64xbf16, #tpu.memory_space<vmem>>, vector<32xbf16>,
        tpu.vector_store %arg7[%swap3A, %swap3A_434], %mul3A_431 {strides = array<i32>} : memref<384x64xbf16, #tpu.memory_space<vmem>>, vector<32xbf16>,
        %add3A_436 = arith.constant 0 : i32
        %add3A_437 = arith.addi %add3A_423, %add3A_436 : i32
        %get3A_438 = arith.index_cast %add3A_437 : i32 to index
        %get3A_439 = arith.constant 32 : index
        %get3A_440 = tpu.vector_load %arg6[%get3A_438, %get3A_439] {strides = array<i32>} : memref<384x64xbf16, #tpu.memory_space<vmem>>, vector<32xbf16>,
        %mul3A_441 = arith.mulf %get3A_440, %pack3A : vector<32xbf16>
        %add3A_442 = arith.constant 0 : i32
        %add3A_443 = arith.addi %add3A_423, %add3A_442 : i32
        %swap3A_444 = arith.index_cast %add3A_443 : i32 to index
        %swap3A_445 = arith.constant 32 : index
        %swap3A_446 = tpu.vector_load %arg7[%swap3A_444, %swap3A_445] {strides = array<i32>} : memref<384x64xbf16, #tpu.memory_space<vmem>>, vector<32xbf16>,
        tpu.vector_store %arg7[%swap3A_444, %swap3A_445], %mul3A_441 {strides = array<i32>} : memref<384x64xbf16, #tpu.memory_space<vmem>>, vector<32xbf16>,
        %broadcast_in_dim3A_447 = arith.constant 1 : i32
        %broadcast_in_dim3A_448 = vector.broadcast %broadcast_in_dim3A_447 : i32 to vector<16x1xi32>
        %gather3A_449 = vector.shape_cast %broadcast_in_dim3A_448 : vector<16x1xi32> to vector<16xi32>
        %gather3A_450 = tpu.dynamic_gather %bitcast3A[%gather3A_449] in [0] : vector<16xf32>, vector<16xi32> -> vector<16xf32>
        %pack3A_451 = tpu.pack_subelements %gather3A_450, %gather3A_450 {pack_format = #tpu.pack_format<interleaved>, positions = array<i32: 0, 1>} : vector<16xf32>, vector<16xf32> -> vector<32xbf16>
        %add3A_452 = arith.constant 1 : i32
        %add3A_453 = arith.addi %add3A_423, %add3A_452 : i32
        %get3A_454 = arith.index_cast %add3A_453 : i32 to index
        %get3A_455 = arith.constant 0 : index
        %get3A_456 = tpu.vector_load %arg6[%get3A_454, %get3A_455] {strides = array<i32>} : memref<384x64xbf16, #tpu.memory_space<vmem>>, vector<32xbf16>,
        %mul3A_457 = arith.mulf %get3A_456, %pack3A_451 : vector<32xbf16>
        %add3A_458 = arith.constant 1 : i32
        %add3A_459 = arith.addi %add3A_423, %add3A_458 : i32
        %swap3A_460 = arith.index_cast %add3A_459 : i32 to index
        %swap3A_461 = arith.constant 0 : index
        %swap3A_462 = tpu.vector_load %arg7[%swap3A_460, %swap3A_461] {strides = array<i32>} : memref<384x64xbf16, #tpu.memory_space<vmem>>, vector<32xbf16>,
        tpu.vector_store %arg7[%swap3A_460, %swap3A_461], %mul3A_457 {strides = array<i32>} : memref<384x64xbf16, #tpu.memory_space<vmem>>, vector<32xbf16>,
        %add3A_463 = arith.constant 1 : i32
        %add3A_464 = arith.addi %add3A_423, %add3A_463 : i32
        %get3A_465 = arith.index_cast %add3A_464 : i32 to index
        %get3A_466 = arith.constant 32 : index
        %get3A_467 = tpu.vector_load %arg6[%get3A_465, %get3A_466] {strides = array<i32>} : memref<384x64xbf16, #tpu.memory_space<vmem>>, vector<32xbf16>,
        %mul3A_468 = arith.mulf %get3A_467, %pack3A_451 : vector<32xbf16>
        %add3A_469 = arith.constant 1 : i32
        %add3A_470 = arith.addi %add3A_423, %add3A_469 : i32
        %swap3A_471 = arith.index_cast %add3A_470 : i32 to index
        %swap3A_472 = arith.constant 32 : index
        %swap3A_473 = tpu.vector_load %arg7[%swap3A_471, %swap3A_472] {strides = array<i32>} : memref<384x64xbf16, #tpu.memory_space<vmem>>, vector<32xbf16>,
        tpu.vector_store %arg7[%swap3A_471, %swap3A_472], %mul3A_468 {strides = array<i32>} : memref<384x64xbf16, #tpu.memory_space<vmem>>, vector<32xbf16>,
        %broadcast_in_dim3A_474 = arith.constant 2 : i32
        %broadcast_in_dim3A_475 = vector.broadcast %broadcast_in_dim3A_474 : i32 to vector<16x1xi32>
        %gather3A_476 = vector.shape_cast %broadcast_in_dim3A_475 : vector<16x1xi32> to vector<16xi32>
        %gather3A_477 = tpu.dynamic_gather %bitcast3A[%gather3A_476] in [0] : vector<16xf32>, vector<16xi32> -> vector<16xf32>
        %pack3A_478 = tpu.pack_subelements %gather3A_477, %gather3A_477 {pack_format = #tpu.pack_format<interleaved>, positions = array<i32: 0, 1>} : vector<16xf32>, vector<16xf32> -> vector<32xbf16>
        %add3A_479 = arith.constant 2 : i32
        %add3A_480 = arith.addi %add3A_423, %add3A_479 : i32
        %get3A_481 = arith.index_cast %add3A_480 : i32 to index
        %get3A_482 = arith.constant 0 : index
        %get3A_483 = tpu.vector_load %arg6[%get3A_481, %get3A_482] {strides = array<i32>} : memref<384x64xbf16, #tpu.memory_space<vmem>>, vector<32xbf16>,
        %mul3A_484 = arith.mulf %get3A_483, %pack3A_478 : vector<32xbf16>
        %add3A_485 = arith.constant 2 : i32
        %add3A_486 = arith.addi %add3A_423, %add3A_485 : i32
        %swap3A_487 = arith.index_cast %add3A_486 : i32 to index
        %swap3A_488 = arith.constant 0 : index
        %swap3A_489 = tpu.vector_load %arg7[%swap3A_487, %swap3A_488] {strides = array<i32>} : memref<384x64xbf16, #tpu.memory_space<vmem>>, vector<32xbf16>,
        tpu.vector_store %arg7[%swap3A_487, %swap3A_488], %mul3A_484 {strides = array<i32>} : memref<384x64xbf16, #tpu.memory_space<vmem>>, vector<32xbf16>,
        %add3A_490 = arith.constant 2 : i32
        %add3A_491 = arith.addi %add3A_423, %add3A_490 : i32
        %get3A_492 = arith.index_cast %add3A_491 : i32 to index
        %get3A_493 = arith.constant 32 : index
        %get3A_494 = tpu.vector_load %arg6[%get3A_492, %get3A_493] {strides = array<i32>} : memref<384x64xbf16, #tpu.memory_space<vmem>>, vector<32xbf16>,
        %mul3A_495 = arith.mulf %get3A_494, %pack3A_478 : vector<32xbf16>
        %add3A_496 = arith.constant 2 : i32
        %add3A_497 = arith.addi %add3A_423, %add3A_496 : i32
        %swap3A_498 = arith.index_cast %add3A_497 : i32 to index
        %swap3A_499 = arith.constant 32 : index
        %swap3A_500 = tpu.vector_load %arg7[%swap3A_498, %swap3A_499] {strides = array<i32>} : memref<384x64xbf16, #tpu.memory_space<vmem>>, vector<32xbf16>,
        tpu.vector_store %arg7[%swap3A_498, %swap3A_499], %mul3A_495 {strides = array<i32>} : memref<384x64xbf16, #tpu.memory_space<vmem>>, vector<32xbf16>,
        %broadcast_in_dim3A_501 = arith.constant 3 : i32
        %broadcast_in_dim3A_502 = vector.broadcast %broadcast_in_dim3A_501 : i32 to vector<16x1xi32>
        %gather3A_503 = vector.shape_cast %broadcast_in_dim3A_502 : vector<16x1xi32> to vector<16xi32>
        %gather3A_504 = tpu.dynamic_gather %bitcast3A[%gather3A_503] in [0] : vector<16xf32>, vector<16xi32> -> vector<16xf32>
        %pack3A_505 = tpu.pack_subelements %gather3A_504, %gather3A_504 {pack_format = #tpu.pack_format<interleaved>, positions = array<i32: 0, 1>} : vector<16xf32>, vector<16xf32> -> vector<32xbf16>
        %add3A_506 = arith.constant 3 : i32
        %add3A_507 = arith.addi %add3A_423, %add3A_506 : i32
        %get3A_508 = arith.index_cast %add3A_507 : i32 to index
        %get3A_509 = arith.constant 0 : index
        %get3A_510 = tpu.vector_load %arg6[%get3A_508, %get3A_509] {strides = array<i32>} : memref<384x64xbf16, #tpu.memory_space<vmem>>, vector<32xbf16>,
        %mul3A_511 = arith.mulf %get3A_510, %pack3A_505 : vector<32xbf16>
        %add3A_512 = arith.constant 3 : i32
        %add3A_513 = arith.addi %add3A_423, %add3A_512 : i32
        %swap3A_514 = arith.index_cast %add3A_513 : i32 to index
        %swap3A_515 = arith.constant 0 : index
        %swap3A_516 = tpu.vector_load %arg7[%swap3A_514, %swap3A_515] {strides = array<i32>} : memref<384x64xbf16, #tpu.memory_space<vmem>>, vector<32xbf16>,
        tpu.vector_store %arg7[%swap3A_514, %swap3A_515], %mul3A_511 {strides = array<i32>} : memref<384x64xbf16, #tpu.memory_space<vmem>>, vector<32xbf16>,
        %add3A_517 = arith.constant 3 : i32
        %add3A_518 = arith.addi %add3A_423, %add3A_517 : i32
        %get3A_519 = arith.index_cast %add3A_518 : i32 to index
        %get3A_520 = arith.constant 32 : index
        %get3A_521 = tpu.vector_load %arg6[%get3A_519, %get3A_520] {strides = array<i32>} : memref<384x64xbf16, #tpu.memory_space<vmem>>, vector<32xbf16>,
        %mul3A_522 = arith.mulf %get3A_521, %pack3A_505 : vector<32xbf16>
        %add3A_523 = arith.constant 3 : i32
        %add3A_524 = arith.addi %add3A_423, %add3A_523 : i32
        %swap3A_525 = arith.index_cast %add3A_524 : i32 to index
        %swap3A_526 = arith.constant 32 : index
        %swap3A_527 = tpu.vector_load %arg7[%swap3A_525, %swap3A_526] {strides = array<i32>} : memref<384x64xbf16, #tpu.memory_space<vmem>>, vector<32xbf16>,
        tpu.vector_store %arg7[%swap3A_525, %swap3A_526], %mul3A_522 {strides = array<i32>} : memref<384x64xbf16, #tpu.memory_space<vmem>>, vector<32xbf16>,
        %broadcast_in_dim3A_528 = arith.constant 4 : i32
        %broadcast_in_dim3A_529 = vector.broadcast %broadcast_in_dim3A_528 : i32 to vector<16x1xi32>
        %gather3A_530 = vector.shape_cast %broadcast_in_dim3A_529 : vector<16x1xi32> to vector<16xi32>
        %gather3A_531 = tpu.dynamic_gather %bitcast3A[%gather3A_530] in [0] : vector<16xf32>, vector<16xi32> -> vector<16xf32>
        %pack3A_532 = tpu.pack_subelements %gather3A_531, %gather3A_531 {pack_format = #tpu.pack_format<interleaved>, positions = array<i32: 0, 1>} : vector<16xf32>, vector<16xf32> -> vector<32xbf16>
        %add3A_533 = arith.constant 4 : i32
        %add3A_534 = arith.addi %add3A_423, %add3A_533 : i32
        %get3A_535 = arith.index_cast %add3A_534 : i32 to index
        %get3A_536 = arith.constant 0 : index
        %get3A_537 = tpu.vector_load %arg6[%get3A_535, %get3A_536] {strides = array<i32>} : memref<384x64xbf16, #tpu.memory_space<vmem>>, vector<32xbf16>,
        %mul3A_538 = arith.mulf %get3A_537, %pack3A_532 : vector<32xbf16>
        %add3A_539 = arith.constant 4 : i32
        %add3A_540 = arith.addi %add3A_423, %add3A_539 : i32
        %swap3A_541 = arith.index_cast %add3A_540 : i32 to index
        %swap3A_542 = arith.constant 0 : index
        %swap3A_543 = tpu.vector_load %arg7[%swap3A_541, %swap3A_542] {strides = array<i32>} : memref<384x64xbf16, #tpu.memory_space<vmem>>, vector<32xbf16>,
        tpu.vector_store %arg7[%swap3A_541, %swap3A_542], %mul3A_538 {strides = array<i32>} : memref<384x64xbf16, #tpu.memory_space<vmem>>, vector<32xbf16>,
        %add3A_544 = arith.constant 4 : i32
        %add3A_545 = arith.addi %add3A_423, %add3A_544 : i32
        %get3A_546 = arith.index_cast %add3A_545 : i32 to index
        %get3A_547 = arith.constant 32 : index
        %get3A_548 = tpu.vector_load %arg6[%get3A_546, %get3A_547] {strides = array<i32>} : memref<384x64xbf16, #tpu.memory_space<vmem>>, vector<32xbf16>,
        %mul3A_549 = arith.mulf %get3A_548, %pack3A_532 : vector<32xbf16>
        %add3A_550 = arith.constant 4 : i32
        %add3A_551 = arith.addi %add3A_423, %add3A_550 : i32
        %swap3A_552 = arith.index_cast %add3A_551 : i32 to index
        %swap3A_553 = arith.constant 32 : index
        %swap3A_554 = tpu.vector_load %arg7[%swap3A_552, %swap3A_553] {strides = array<i32>} : memref<384x64xbf16, #tpu.memory_space<vmem>>, vector<32xbf16>,
        tpu.vector_store %arg7[%swap3A_552, %swap3A_553], %mul3A_549 {strides = array<i32>} : memref<384x64xbf16, #tpu.memory_space<vmem>>, vector<32xbf16>,
        %broadcast_in_dim3A_555 = arith.constant 5 : i32
        %broadcast_in_dim3A_556 = vector.broadcast %broadcast_in_dim3A_555 : i32 to vector<16x1xi32>
        %gather3A_557 = vector.shape_cast %broadcast_in_dim3A_556 : vector<16x1xi32> to vector<16xi32>
        %gather3A_558 = tpu.dynamic_gather %bitcast3A[%gather3A_557] in [0] : vector<16xf32>, vector<16xi32> -> vector<16xf32>
        %pack3A_559 = tpu.pack_subelements %gather3A_558, %gather3A_558 {pack_format = #tpu.pack_format<interleaved>, positions = array<i32: 0, 1>} : vector<16xf32>, vector<16xf32> -> vector<32xbf16>
        %add3A_560 = arith.constant 5 : i32
        %add3A_561 = arith.addi %add3A_423, %add3A_560 : i32
        %get3A_562 = arith.index_cast %add3A_561 : i32 to index
        %get3A_563 = arith.constant 0 : index
        %get3A_564 = tpu.vector_load %arg6[%get3A_562, %get3A_563] {strides = array<i32>} : memref<384x64xbf16, #tpu.memory_space<vmem>>, vector<32xbf16>,
        %mul3A_565 = arith.mulf %get3A_564, %pack3A_559 : vector<32xbf16>
        %add3A_566 = arith.constant 5 : i32
        %add3A_567 = arith.addi %add3A_423, %add3A_566 : i32
        %swap3A_568 = arith.index_cast %add3A_567 : i32 to index
        %swap3A_569 = arith.constant 0 : index
        %swap3A_570 = tpu.vector_load %arg7[%swap3A_568, %swap3A_569] {strides = array<i32>} : memref<384x64xbf16, #tpu.memory_space<vmem>>, vector<32xbf16>,
        tpu.vector_store %arg7[%swap3A_568, %swap3A_569], %mul3A_565 {strides = array<i32>} : memref<384x64xbf16, #tpu.memory_space<vmem>>, vector<32xbf16>,
        %add3A_571 = arith.constant 5 : i32
        %add3A_572 = arith.addi %add3A_423, %add3A_571 : i32
        %get3A_573 = arith.index_cast %add3A_572 : i32 to index
        %get3A_574 = arith.constant 32 : index
        %get3A_575 = tpu.vector_load %arg6[%get3A_573, %get3A_574] {strides = array<i32>} : memref<384x64xbf16, #tpu.memory_space<vmem>>, vector<32xbf16>,
        %mul3A_576 = arith.mulf %get3A_575, %pack3A_559 : vector<32xbf16>
        %add3A_577 = arith.constant 5 : i32
        %add3A_578 = arith.addi %add3A_423, %add3A_577 : i32
        %swap3A_579 = arith.index_cast %add3A_578 : i32 to index
        %swap3A_580 = arith.constant 32 : index
        %swap3A_581 = tpu.vector_load %arg7[%swap3A_579, %swap3A_580] {strides = array<i32>} : memref<384x64xbf16, #tpu.memory_space<vmem>>, vector<32xbf16>,
        tpu.vector_store %arg7[%swap3A_579, %swap3A_580], %mul3A_576 {strides = array<i32>} : memref<384x64xbf16, #tpu.memory_space<vmem>>, vector<32xbf16>,
        %broadcast_in_dim3A_582 = arith.constant 6 : i32
        %broadcast_in_dim3A_583 = vector.broadcast %broadcast_in_dim3A_582 : i32 to vector<16x1xi32>
        %gather3A_584 = vector.shape_cast %broadcast_in_dim3A_583 : vector<16x1xi32> to vector<16xi32>
        %gather3A_585 = tpu.dynamic_gather %bitcast3A[%gather3A_584] in [0] : vector<16xf32>, vector<16xi32> -> vector<16xf32>
        %pack3A_586 = tpu.pack_subelements %gather3A_585, %gather3A_585 {pack_format = #tpu.pack_format<interleaved>, positions = array<i32: 0, 1>} : vector<16xf32>, vector<16xf32> -> vector<32xbf16>
        %add3A_587 = arith.constant 6 : i32
        %add3A_588 = arith.addi %add3A_423, %add3A_587 : i32
        %get3A_589 = arith.index_cast %add3A_588 : i32 to index
        %get3A_590 = arith.constant 0 : index
        %get3A_591 = tpu.vector_load %arg6[%get3A_589, %get3A_590] {strides = array<i32>} : memref<384x64xbf16, #tpu.memory_space<vmem>>, vector<32xbf16>,
        %mul3A_592 = arith.mulf %get3A_591, %pack3A_586 : vector<32xbf16>
        %add3A_593 = arith.constant 6 : i32
        %add3A_594 = arith.addi %add3A_423, %add3A_593 : i32
        %swap3A_595 = arith.index_cast %add3A_594 : i32 to index
        %swap3A_596 = arith.constant 0 : index
        %swap3A_597 = tpu.vector_load %arg7[%swap3A_595, %swap3A_596] {strides = array<i32>} : memref<384x64xbf16, #tpu.memory_space<vmem>>, vector<32xbf16>,
        tpu.vector_store %arg7[%swap3A_595, %swap3A_596], %mul3A_592 {strides = array<i32>} : memref<384x64xbf16, #tpu.memory_space<vmem>>, vector<32xbf16>,
        %add3A_598 = arith.constant 6 : i32
        %add3A_599 = arith.addi %add3A_423, %add3A_598 : i32
        %get3A_600 = arith.index_cast %add3A_599 : i32 to index
        %get3A_601 = arith.constant 32 : index
        %get3A_602 = tpu.vector_load %arg6[%get3A_600, %get3A_601] {strides = array<i32>} : memref<384x64xbf16, #tpu.memory_space<vmem>>, vector<32xbf16>,
        %mul3A_603 = arith.mulf %get3A_602, %pack3A_586 : vector<32xbf16>
        %add3A_604 = arith.constant 6 : i32
        %add3A_605 = arith.addi %add3A_423, %add3A_604 : i32
        %swap3A_606 = arith.index_cast %add3A_605 : i32 to index
        %swap3A_607 = arith.constant 32 : index
        %swap3A_608 = tpu.vector_load %arg7[%swap3A_606, %swap3A_607] {strides = array<i32>} : memref<384x64xbf16, #tpu.memory_space<vmem>>, vector<32xbf16>,
        tpu.vector_store %arg7[%swap3A_606, %swap3A_607], %mul3A_603 {strides = array<i32>} : memref<384x64xbf16, #tpu.memory_space<vmem>>, vector<32xbf16>,
        %broadcast_in_dim3A_609 = arith.constant 7 : i32
        %broadcast_in_dim3A_610 = vector.broadcast %broadcast_in_dim3A_609 : i32 to vector<16x1xi32>
        %gather3A_611 = vector.shape_cast %broadcast_in_dim3A_610 : vector<16x1xi32> to vector<16xi32>
        %gather3A_612 = tpu.dynamic_gather %bitcast3A[%gather3A_611] in [0] : vector<16xf32>, vector<16xi32> -> vector<16xf32>
        %pack3A_613 = tpu.pack_subelements %gather3A_612, %gather3A_612 {pack_format = #tpu.pack_format<interleaved>, positions = array<i32: 0, 1>} : vector<16xf32>, vector<16xf32> -> vector<32xbf16>
        %add3A_614 = arith.constant 7 : i32
        %add3A_615 = arith.addi %add3A_423, %add3A_614 : i32
        %get3A_616 = arith.index_cast %add3A_615 : i32 to index
        %get3A_617 = arith.constant 0 : index
        %get3A_618 = tpu.vector_load %arg6[%get3A_616, %get3A_617] {strides = array<i32>} : memref<384x64xbf16, #tpu.memory_space<vmem>>, vector<32xbf16>,
        %mul3A_619 = arith.mulf %get3A_618, %pack3A_613 : vector<32xbf16>
        %add3A_620 = arith.constant 7 : i32
        %add3A_621 = arith.addi %add3A_423, %add3A_620 : i32
        %swap3A_622 = arith.index_cast %add3A_621 : i32 to index
        %swap3A_623 = arith.constant 0 : index
        %swap3A_624 = tpu.vector_load %arg7[%swap3A_622, %swap3A_623] {strides = array<i32>} : memref<384x64xbf16, #tpu.memory_space<vmem>>, vector<32xbf16>,
        tpu.vector_store %arg7[%swap3A_622, %swap3A_623], %mul3A_619 {strides = array<i32>} : memref<384x64xbf16, #tpu.memory_space<vmem>>, vector<32xbf16>,
        %add3A_625 = arith.constant 7 : i32
        %add3A_626 = arith.addi %add3A_423, %add3A_625 : i32
        %get3A_627 = arith.index_cast %add3A_626 : i32 to index
        %get3A_628 = arith.constant 32 : index
        %get3A_629 = tpu.vector_load %arg6[%get3A_627, %get3A_628] {strides = array<i32>} : memref<384x64xbf16, #tpu.memory_space<vmem>>, vector<32xbf16>,
        %mul3A_630 = arith.mulf %get3A_629, %pack3A_613 : vector<32xbf16>
        %add3A_631 = arith.constant 7 : i32
        %add3A_632 = arith.addi %add3A_423, %add3A_631 : i32
        %swap3A_633 = arith.index_cast %add3A_632 : i32 to index
        %swap3A_634 = arith.constant 32 : index
        %swap3A_635 = tpu.vector_load %arg7[%swap3A_633, %swap3A_634] {strides = array<i32>} : memref<384x64xbf16, #tpu.memory_space<vmem>>, vector<32xbf16>,
        tpu.vector_store %arg7[%swap3A_633, %swap3A_634], %mul3A_630 {strides = array<i32>} : memref<384x64xbf16, #tpu.memory_space<vmem>>, vector<32xbf16>,
        %broadcast_in_dim3A_636 = arith.constant 8 : i32
        %broadcast_in_dim3A_637 = vector.broadcast %broadcast_in_dim3A_636 : i32 to vector<16x1xi32>
        %gather3A_638 = vector.shape_cast %broadcast_in_dim3A_637 : vector<16x1xi32> to vector<16xi32>
        %gather3A_639 = tpu.dynamic_gather %bitcast3A[%gather3A_638] in [0] : vector<16xf32>, vector<16xi32> -> vector<16xf32>
        %pack3A_640 = tpu.pack_subelements %gather3A_639, %gather3A_639 {pack_format = #tpu.pack_format<interleaved>, positions = array<i32: 0, 1>} : vector<16xf32>, vector<16xf32> -> vector<32xbf16>
        %add3A_641 = arith.constant 8 : i32
        %add3A_642 = arith.addi %add3A_423, %add3A_641 : i32
        %get3A_643 = arith.index_cast %add3A_642 : i32 to index
        %get3A_644 = arith.constant 0 : index
        %get3A_645 = tpu.vector_load %arg6[%get3A_643, %get3A_644] {strides = array<i32>} : memref<384x64xbf16, #tpu.memory_space<vmem>>, vector<32xbf16>,
        %mul3A_646 = arith.mulf %get3A_645, %pack3A_640 : vector<32xbf16>
        %add3A_647 = arith.constant 8 : i32
        %add3A_648 = arith.addi %add3A_423, %add3A_647 : i32
        %swap3A_649 = arith.index_cast %add3A_648 : i32 to index
        %swap3A_650 = arith.constant 0 : index
        %swap3A_651 = tpu.vector_load %arg7[%swap3A_649, %swap3A_650] {strides = array<i32>} : memref<384x64xbf16, #tpu.memory_space<vmem>>, vector<32xbf16>,
        tpu.vector_store %arg7[%swap3A_649, %swap3A_650], %mul3A_646 {strides = array<i32>} : memref<384x64xbf16, #tpu.memory_space<vmem>>, vector<32xbf16>,
        %add3A_652 = arith.constant 8 : i32
        %add3A_653 = arith.addi %add3A_423, %add3A_652 : i32
        %get3A_654 = arith.index_cast %add3A_653 : i32 to index
        %get3A_655 = arith.constant 32 : index
        %get3A_656 = tpu.vector_load %arg6[%get3A_654, %get3A_655] {strides = array<i32>} : memref<384x64xbf16, #tpu.memory_space<vmem>>, vector<32xbf16>,
        %mul3A_657 = arith.mulf %get3A_656, %pack3A_640 : vector<32xbf16>
        %add3A_658 = arith.constant 8 : i32
        %add3A_659 = arith.addi %add3A_423, %add3A_658 : i32
        %swap3A_660 = arith.index_cast %add3A_659 : i32 to index
        %swap3A_661 = arith.constant 32 : index
        %swap3A_662 = tpu.vector_load %arg7[%swap3A_660, %swap3A_661] {strides = array<i32>} : memref<384x64xbf16, #tpu.memory_space<vmem>>, vector<32xbf16>,
        tpu.vector_store %arg7[%swap3A_660, %swap3A_661], %mul3A_657 {strides = array<i32>} : memref<384x64xbf16, #tpu.memory_space<vmem>>, vector<32xbf16>,
        %broadcast_in_dim3A_663 = arith.constant 9 : i32
        %broadcast_in_dim3A_664 = vector.broadcast %broadcast_in_dim3A_663 : i32 to vector<16x1xi32>
        %gather3A_665 = vector.shape_cast %broadcast_in_dim3A_664 : vector<16x1xi32> to vector<16xi32>
        %gather3A_666 = tpu.dynamic_gather %bitcast3A[%gather3A_665] in [0] : vector<16xf32>, vector<16xi32> -> vector<16xf32>
        %pack3A_667 = tpu.pack_subelements %gather3A_666, %gather3A_666 {pack_format = #tpu.pack_format<interleaved>, positions = array<i32: 0, 1>} : vector<16xf32>, vector<16xf32> -> vector<32xbf16>
        %add3A_668 = arith.constant 9 : i32
        %add3A_669 = arith.addi %add3A_423, %add3A_668 : i32
        %get3A_670 = arith.index_cast %add3A_669 : i32 to index
        %get3A_671 = arith.constant 0 : index
        %get3A_672 = tpu.vector_load %arg6[%get3A_670, %get3A_671] {strides = array<i32>} : memref<384x64xbf16, #tpu.memory_space<vmem>>, vector<32xbf16>,
        %mul3A_673 = arith.mulf %get3A_672, %pack3A_667 : vector<32xbf16>
        %add3A_674 = arith.constant 9 : i32
        %add3A_675 = arith.addi %add3A_423, %add3A_674 : i32
        %swap3A_676 = arith.index_cast %add3A_675 : i32 to index
        %swap3A_677 = arith.constant 0 : index
        %swap3A_678 = tpu.vector_load %arg7[%swap3A_676, %swap3A_677] {strides = array<i32>} : memref<384x64xbf16, #tpu.memory_space<vmem>>, vector<32xbf16>,
        tpu.vector_store %arg7[%swap3A_676, %swap3A_677], %mul3A_673 {strides = array<i32>} : memref<384x64xbf16, #tpu.memory_space<vmem>>, vector<32xbf16>,
        %add3A_679 = arith.constant 9 : i32
        %add3A_680 = arith.addi %add3A_423, %add3A_679 : i32
        %get3A_681 = arith.index_cast %add3A_680 : i32 to index
        %get3A_682 = arith.constant 32 : index
        %get3A_683 = tpu.vector_load %arg6[%get3A_681, %get3A_682] {strides = array<i32>} : memref<384x64xbf16, #tpu.memory_space<vmem>>, vector<32xbf16>,
        %mul3A_684 = arith.mulf %get3A_683, %pack3A_667 : vector<32xbf16>
        %add3A_685 = arith.constant 9 : i32
        %add3A_686 = arith.addi %add3A_423, %add3A_685 : i32
        %swap3A_687 = arith.index_cast %add3A_686 : i32 to index
        %swap3A_688 = arith.constant 32 : index
        %swap3A_689 = tpu.vector_load %arg7[%swap3A_687, %swap3A_688] {strides = array<i32>} : memref<384x64xbf16, #tpu.memory_space<vmem>>, vector<32xbf16>,
        tpu.vector_store %arg7[%swap3A_687, %swap3A_688], %mul3A_684 {strides = array<i32>} : memref<384x64xbf16, #tpu.memory_space<vmem>>, vector<32xbf16>,
        %broadcast_in_dim3A_690 = arith.constant 10 : i32
        %broadcast_in_dim3A_691 = vector.broadcast %broadcast_in_dim3A_690 : i32 to vector<16x1xi32>
        %gather3A_692 = vector.shape_cast %broadcast_in_dim3A_691 : vector<16x1xi32> to vector<16xi32>
        %gather3A_693 = tpu.dynamic_gather %bitcast3A[%gather3A_692] in [0] : vector<16xf32>, vector<16xi32> -> vector<16xf32>
        %pack3A_694 = tpu.pack_subelements %gather3A_693, %gather3A_693 {pack_format = #tpu.pack_format<interleaved>, positions = array<i32: 0, 1>} : vector<16xf32>, vector<16xf32> -> vector<32xbf16>
        %add3A_695 = arith.constant 10 : i32
        %add3A_696 = arith.addi %add3A_423, %add3A_695 : i32
        %get3A_697 = arith.index_cast %add3A_696 : i32 to index
        %get3A_698 = arith.constant 0 : index
        %get3A_699 = tpu.vector_load %arg6[%get3A_697, %get3A_698] {strides = array<i32>} : memref<384x64xbf16, #tpu.memory_space<vmem>>, vector<32xbf16>,
        %mul3A_700 = arith.mulf %get3A_699, %pack3A_694 : vector<32xbf16>
        %add3A_701 = arith.constant 10 : i32
        %add3A_702 = arith.addi %add3A_423, %add3A_701 : i32
        %swap3A_703 = arith.index_cast %add3A_702 : i32 to index
        %swap3A_704 = arith.constant 0 : index
        %swap3A_705 = tpu.vector_load %arg7[%swap3A_703, %swap3A_704] {strides = array<i32>} : memref<384x64xbf16, #tpu.memory_space<vmem>>, vector<32xbf16>,
        tpu.vector_store %arg7[%swap3A_703, %swap3A_704], %mul3A_700 {strides = array<i32>} : memref<384x64xbf16, #tpu.memory_space<vmem>>, vector<32xbf16>,
        %add3A_706 = arith.constant 10 : i32
        %add3A_707 = arith.addi %add3A_423, %add3A_706 : i32
        %get3A_708 = arith.index_cast %add3A_707 : i32 to index
        %get3A_709 = arith.constant 32 : index
        %get3A_710 = tpu.vector_load %arg6[%get3A_708, %get3A_709] {strides = array<i32>} : memref<384x64xbf16, #tpu.memory_space<vmem>>, vector<32xbf16>,
        %mul3A_711 = arith.mulf %get3A_710, %pack3A_694 : vector<32xbf16>
        %add3A_712 = arith.constant 10 : i32
        %add3A_713 = arith.addi %add3A_423, %add3A_712 : i32
        %swap3A_714 = arith.index_cast %add3A_713 : i32 to index
        %swap3A_715 = arith.constant 32 : index
        %swap3A_716 = tpu.vector_load %arg7[%swap3A_714, %swap3A_715] {strides = array<i32>} : memref<384x64xbf16, #tpu.memory_space<vmem>>, vector<32xbf16>,
        tpu.vector_store %arg7[%swap3A_714, %swap3A_715], %mul3A_711 {strides = array<i32>} : memref<384x64xbf16, #tpu.memory_space<vmem>>, vector<32xbf16>,
        %broadcast_in_dim3A_717 = arith.constant 11 : i32
        %broadcast_in_dim3A_718 = vector.broadcast %broadcast_in_dim3A_717 : i32 to vector<16x1xi32>
        %gather3A_719 = vector.shape_cast %broadcast_in_dim3A_718 : vector<16x1xi32> to vector<16xi32>
        %gather3A_720 = tpu.dynamic_gather %bitcast3A[%gather3A_719] in [0] : vector<16xf32>, vector<16xi32> -> vector<16xf32>
        %pack3A_721 = tpu.pack_subelements %gather3A_720, %gather3A_720 {pack_format = #tpu.pack_format<interleaved>, positions = array<i32: 0, 1>} : vector<16xf32>, vector<16xf32> -> vector<32xbf16>
        %add3A_722 = arith.constant 11 : i32
        %add3A_723 = arith.addi %add3A_423, %add3A_722 : i32
        %get3A_724 = arith.index_cast %add3A_723 : i32 to index
        %get3A_725 = arith.constant 0 : index
        %get3A_726 = tpu.vector_load %arg6[%get3A_724, %get3A_725] {strides = array<i32>} : memref<384x64xbf16, #tpu.memory_space<vmem>>, vector<32xbf16>,
        %mul3A_727 = arith.mulf %get3A_726, %pack3A_721 : vector<32xbf16>
        %add3A_728 = arith.constant 11 : i32
        %add3A_729 = arith.addi %add3A_423, %add3A_728 : i32
        %swap3A_730 = arith.index_cast %add3A_729 : i32 to index
        %swap3A_731 = arith.constant 0 : index
        %swap3A_732 = tpu.vector_load %arg7[%swap3A_730, %swap3A_731] {strides = array<i32>} : memref<384x64xbf16, #tpu.memory_space<vmem>>, vector<32xbf16>,
        tpu.vector_store %arg7[%swap3A_730, %swap3A_731], %mul3A_727 {strides = array<i32>} : memref<384x64xbf16, #tpu.memory_space<vmem>>, vector<32xbf16>,
        %add3A_733 = arith.constant 11 : i32
        %add3A_734 = arith.addi %add3A_423, %add3A_733 : i32
        %get3A_735 = arith.index_cast %add3A_734 : i32 to index
        %get3A_736 = arith.constant 32 : index
        %get3A_737 = tpu.vector_load %arg6[%get3A_735, %get3A_736] {strides = array<i32>} : memref<384x64xbf16, #tpu.memory_space<vmem>>, vector<32xbf16>,
        %mul3A_738 = arith.mulf %get3A_737, %pack3A_721 : vector<32xbf16>
        %add3A_739 = arith.constant 11 : i32
        %add3A_740 = arith.addi %add3A_423, %add3A_739 : i32
        %swap3A_741 = arith.index_cast %add3A_740 : i32 to index
        %swap3A_742 = arith.constant 32 : index
        %swap3A_743 = tpu.vector_load %arg7[%swap3A_741, %swap3A_742] {strides = array<i32>} : memref<384x64xbf16, #tpu.memory_space<vmem>>, vector<32xbf16>,
        tpu.vector_store %arg7[%swap3A_741, %swap3A_742], %mul3A_738 {strides = array<i32>} : memref<384x64xbf16, #tpu.memory_space<vmem>>, vector<32xbf16>,
        %broadcast_in_dim3A_744 = arith.constant 12 : i32
        %broadcast_in_dim3A_745 = vector.broadcast %broadcast_in_dim3A_744 : i32 to vector<16x1xi32>
        %gather3A_746 = vector.shape_cast %broadcast_in_dim3A_745 : vector<16x1xi32> to vector<16xi32>
        %gather3A_747 = tpu.dynamic_gather %bitcast3A[%gather3A_746] in [0] : vector<16xf32>, vector<16xi32> -> vector<16xf32>
        %pack3A_748 = tpu.pack_subelements %gather3A_747, %gather3A_747 {pack_format = #tpu.pack_format<interleaved>, positions = array<i32: 0, 1>} : vector<16xf32>, vector<16xf32> -> vector<32xbf16>
        %add3A_749 = arith.constant 12 : i32
        %add3A_750 = arith.addi %add3A_423, %add3A_749 : i32
        %get3A_751 = arith.index_cast %add3A_750 : i32 to index
        %get3A_752 = arith.constant 0 : index
        %get3A_753 = tpu.vector_load %arg6[%get3A_751, %get3A_752] {strides = array<i32>} : memref<384x64xbf16, #tpu.memory_space<vmem>>, vector<32xbf16>,
        %mul3A_754 = arith.mulf %get3A_753, %pack3A_748 : vector<32xbf16>
        %add3A_755 = arith.constant 12 : i32
        %add3A_756 = arith.addi %add3A_423, %add3A_755 : i32
        %swap3A_757 = arith.index_cast %add3A_756 : i32 to index
        %swap3A_758 = arith.constant 0 : index
        %swap3A_759 = tpu.vector_load %arg7[%swap3A_757, %swap3A_758] {strides = array<i32>} : memref<384x64xbf16, #tpu.memory_space<vmem>>, vector<32xbf16>,
        tpu.vector_store %arg7[%swap3A_757, %swap3A_758], %mul3A_754 {strides = array<i32>} : memref<384x64xbf16, #tpu.memory_space<vmem>>, vector<32xbf16>,
        %add3A_760 = arith.constant 12 : i32
        %add3A_761 = arith.addi %add3A_423, %add3A_760 : i32
        %get3A_762 = arith.index_cast %add3A_761 : i32 to index
        %get3A_763 = arith.constant 32 : index
        %get3A_764 = tpu.vector_load %arg6[%get3A_762, %get3A_763] {strides = array<i32>} : memref<384x64xbf16, #tpu.memory_space<vmem>>, vector<32xbf16>,
        %mul3A_765 = arith.mulf %get3A_764, %pack3A_748 : vector<32xbf16>
        %add3A_766 = arith.constant 12 : i32
        %add3A_767 = arith.addi %add3A_423, %add3A_766 : i32
        %swap3A_768 = arith.index_cast %add3A_767 : i32 to index
        %swap3A_769 = arith.constant 32 : index
        %swap3A_770 = tpu.vector_load %arg7[%swap3A_768, %swap3A_769] {strides = array<i32>} : memref<384x64xbf16, #tpu.memory_space<vmem>>, vector<32xbf16>,
        tpu.vector_store %arg7[%swap3A_768, %swap3A_769], %mul3A_765 {strides = array<i32>} : memref<384x64xbf16, #tpu.memory_space<vmem>>, vector<32xbf16>,
        %broadcast_in_dim3A_771 = arith.constant 13 : i32
        %broadcast_in_dim3A_772 = vector.broadcast %broadcast_in_dim3A_771 : i32 to vector<16x1xi32>
        %gather3A_773 = vector.shape_cast %broadcast_in_dim3A_772 : vector<16x1xi32> to vector<16xi32>
        %gather3A_774 = tpu.dynamic_gather %bitcast3A[%gather3A_773] in [0] : vector<16xf32>, vector<16xi32> -> vector<16xf32>
        %pack3A_775 = tpu.pack_subelements %gather3A_774, %gather3A_774 {pack_format = #tpu.pack_format<interleaved>, positions = array<i32: 0, 1>} : vector<16xf32>, vector<16xf32> -> vector<32xbf16>
        %add3A_776 = arith.constant 13 : i32
        %add3A_777 = arith.addi %add3A_423, %add3A_776 : i32
        %get3A_778 = arith.index_cast %add3A_777 : i32 to index
        %get3A_779 = arith.constant 0 : index
        %get3A_780 = tpu.vector_load %arg6[%get3A_778, %get3A_779] {strides = array<i32>} : memref<384x64xbf16, #tpu.memory_space<vmem>>, vector<32xbf16>,
        %mul3A_781 = arith.mulf %get3A_780, %pack3A_775 : vector<32xbf16>
        %add3A_782 = arith.constant 13 : i32
        %add3A_783 = arith.addi %add3A_423, %add3A_782 : i32
        %swap3A_784 = arith.index_cast %add3A_783 : i32 to index
        %swap3A_785 = arith.constant 0 : index
        %swap3A_786 = tpu.vector_load %arg7[%swap3A_784, %swap3A_785] {strides = array<i32>} : memref<384x64xbf16, #tpu.memory_space<vmem>>, vector<32xbf16>,
        tpu.vector_store %arg7[%swap3A_784, %swap3A_785], %mul3A_781 {strides = array<i32>} : memref<384x64xbf16, #tpu.memory_space<vmem>>, vector<32xbf16>,
        %add3A_787 = arith.constant 13 : i32
        %add3A_788 = arith.addi %add3A_423, %add3A_787 : i32
        %get3A_789 = arith.index_cast %add3A_788 : i32 to index
        %get3A_790 = arith.constant 32 : index
        %get3A_791 = tpu.vector_load %arg6[%get3A_789, %get3A_790] {strides = array<i32>} : memref<384x64xbf16, #tpu.memory_space<vmem>>, vector<32xbf16>,
        %mul3A_792 = arith.mulf %get3A_791, %pack3A_775 : vector<32xbf16>
        %add3A_793 = arith.constant 13 : i32
        %add3A_794 = arith.addi %add3A_423, %add3A_793 : i32
        %swap3A_795 = arith.index_cast %add3A_794 : i32 to index
        %swap3A_796 = arith.constant 32 : index
        %swap3A_797 = tpu.vector_load %arg7[%swap3A_795, %swap3A_796] {strides = array<i32>} : memref<384x64xbf16, #tpu.memory_space<vmem>>, vector<32xbf16>,
        tpu.vector_store %arg7[%swap3A_795, %swap3A_796], %mul3A_792 {strides = array<i32>} : memref<384x64xbf16, #tpu.memory_space<vmem>>, vector<32xbf16>,
        %broadcast_in_dim3A_798 = arith.constant 14 : i32
        %broadcast_in_dim3A_799 = vector.broadcast %broadcast_in_dim3A_798 : i32 to vector<16x1xi32>
        %gather3A_800 = vector.shape_cast %broadcast_in_dim3A_799 : vector<16x1xi32> to vector<16xi32>
        %gather3A_801 = tpu.dynamic_gather %bitcast3A[%gather3A_800] in [0] : vector<16xf32>, vector<16xi32> -> vector<16xf32>
        %pack3A_802 = tpu.pack_subelements %gather3A_801, %gather3A_801 {pack_format = #tpu.pack_format<interleaved>, positions = array<i32: 0, 1>} : vector<16xf32>, vector<16xf32> -> vector<32xbf16>
        %add3A_803 = arith.constant 14 : i32
        %add3A_804 = arith.addi %add3A_423, %add3A_803 : i32
        %get3A_805 = arith.index_cast %add3A_804 : i32 to index
        %get3A_806 = arith.constant 0 : index
        %get3A_807 = tpu.vector_load %arg6[%get3A_805, %get3A_806] {strides = array<i32>} : memref<384x64xbf16, #tpu.memory_space<vmem>>, vector<32xbf16>,
        %mul3A_808 = arith.mulf %get3A_807, %pack3A_802 : vector<32xbf16>
        %add3A_809 = arith.constant 14 : i32
        %add3A_810 = arith.addi %add3A_423, %add3A_809 : i32
        %swap3A_811 = arith.index_cast %add3A_810 : i32 to index
        %swap3A_812 = arith.constant 0 : index
        %swap3A_813 = tpu.vector_load %arg7[%swap3A_811, %swap3A_812] {strides = array<i32>} : memref<384x64xbf16, #tpu.memory_space<vmem>>, vector<32xbf16>,
        tpu.vector_store %arg7[%swap3A_811, %swap3A_812], %mul3A_808 {strides = array<i32>} : memref<384x64xbf16, #tpu.memory_space<vmem>>, vector<32xbf16>,
        %add3A_814 = arith.constant 14 : i32
        %add3A_815 = arith.addi %add3A_423, %add3A_814 : i32
        %get3A_816 = arith.index_cast %add3A_815 : i32 to index
        %get3A_817 = arith.constant 32 : index
        %get3A_818 = tpu.vector_load %arg6[%get3A_816, %get3A_817] {strides = array<i32>} : memref<384x64xbf16, #tpu.memory_space<vmem>>, vector<32xbf16>,
        %mul3A_819 = arith.mulf %get3A_818, %pack3A_802 : vector<32xbf16>
        %add3A_820 = arith.constant 14 : i32
        %add3A_821 = arith.addi %add3A_423, %add3A_820 : i32
        %swap3A_822 = arith.index_cast %add3A_821 : i32 to index
        %swap3A_823 = arith.constant 32 : index
        %swap3A_824 = tpu.vector_load %arg7[%swap3A_822, %swap3A_823] {strides = array<i32>} : memref<384x64xbf16, #tpu.memory_space<vmem>>, vector<32xbf16>,
        tpu.vector_store %arg7[%swap3A_822, %swap3A_823], %mul3A_819 {strides = array<i32>} : memref<384x64xbf16, #tpu.memory_space<vmem>>, vector<32xbf16>,
        %broadcast_in_dim3A_825 = arith.constant 15 : i32
        %broadcast_in_dim3A_826 = vector.broadcast %broadcast_in_dim3A_825 : i32 to vector<16x1xi32>
        %gather3A_827 = vector.shape_cast %broadcast_in_dim3A_826 : vector<16x1xi32> to vector<16xi32>
        %gather3A_828 = tpu.dynamic_gather %bitcast3A[%gather3A_827] in [0] : vector<16xf32>, vector<16xi32> -> vector<16xf32>
        %pack3A_829 = tpu.pack_subelements %gather3A_828, %gather3A_828 {pack_format = #tpu.pack_format<interleaved>, positions = array<i32: 0, 1>} : vector<16xf32>, vector<16xf32> -> vector<32xbf16>
        %add3A_830 = arith.constant 15 : i32
        %add3A_831 = arith.addi %add3A_423, %add3A_830 : i32
        %get3A_832 = arith.index_cast %add3A_831 : i32 to index
        %get3A_833 = arith.constant 0 : index
        %get3A_834 = tpu.vector_load %arg6[%get3A_832, %get3A_833] {strides = array<i32>} : memref<384x64xbf16, #tpu.memory_space<vmem>>, vector<32xbf16>,
        %mul3A_835 = arith.mulf %get3A_834, %pack3A_829 : vector<32xbf16>
        %add3A_836 = arith.constant 15 : i32
        %add3A_837 = arith.addi %add3A_423, %add3A_836 : i32
        %swap3A_838 = arith.index_cast %add3A_837 : i32 to index
        %swap3A_839 = arith.constant 0 : index
        %swap3A_840 = tpu.vector_load %arg7[%swap3A_838, %swap3A_839] {strides = array<i32>} : memref<384x64xbf16, #tpu.memory_space<vmem>>, vector<32xbf16>,
        tpu.vector_store %arg7[%swap3A_838, %swap3A_839], %mul3A_835 {strides = array<i32>} : memref<384x64xbf16, #tpu.memory_space<vmem>>, vector<32xbf16>,
        %add3A_841 = arith.constant 15 : i32
        %add3A_842 = arith.addi %add3A_423, %add3A_841 : i32
        %get3A_843 = arith.index_cast %add3A_842 : i32 to index
        %get3A_844 = arith.constant 32 : index
        %get3A_845 = tpu.vector_load %arg6[%get3A_843, %get3A_844] {strides = array<i32>} : memref<384x64xbf16, #tpu.memory_space<vmem>>, vector<32xbf16>,
        %mul3A_846 = arith.mulf %get3A_845, %pack3A_829 : vector<32xbf16>
        %add3A_847 = arith.constant 15 : i32
        %add3A_848 = arith.addi %add3A_423, %add3A_847 : i32
        %swap3A_849 = arith.index_cast %add3A_848 : i32 to index
        %swap3A_850 = arith.constant 32 : index
        %swap3A_851 = tpu.vector_load %arg7[%swap3A_849, %swap3A_850] {strides = array<i32>} : memref<384x64xbf16, #tpu.memory_space<vmem>>, vector<32xbf16>,
        tpu.vector_store %arg7[%swap3A_849, %swap3A_850], %mul3A_846 {strides = array<i32>} : memref<384x64xbf16, #tpu.memory_space<vmem>>, vector<32xbf16>,
      }
      %scan3A_351 = arith.constant 8 : i32
      %dma_start3A_352 = arith.constant 13 : i32
      %dma_start3A_353 = arith.constant 128 : i32
      %dma_start3A_354 = arith.constant 0 : i32
      %dma_start3A_355 = tpu.memref_slice %arg7[%dma_start3A_353, %dma_start3A_354] : memref<384x64xbf16, #tpu.memory_space<vmem>> -> memref<128x64xbf16, #tpu.memory_space<vmem>>
      %dma_start3A_356 = arith.constant 0 : i32
      %dma_start3A_357 = tpu.memref_slice %arg5[%dma_start3A_352, %dma_start3A_356] : memref<18x128xi32, #tpu.memory_space<vmem>> -> memref<1x128xi32, #tpu.memory_space<vmem>>
      %dma_start3A_358 = tpu.memref_squeeze %dma_start3A_357 : memref<1x128xi32, #tpu.memory_space<vmem>> -> memref<128xi32, #tpu.memory_space<vmem>>
      %dma_start3A_359 = arith.constant 0 : i32
      %dma_start3A_360 = arith.constant 0 : i32
      %dma_start3A_361 = tpu.memref_slice %arg9[%dma_start3A_359, %dma_start3A_360] : memref<10000x64xbf16, #tpu.memory_space<vmem_shared>> -> memref<10000x64xbf16, #tpu.memory_space<vmem_shared>>
      tpu.enqueue_indirect_dma source(%dma_start3A_355 : memref<128x64xbf16, #tpu.memory_space<vmem>>) target(%dma_start3A_361 : memref<10000x64xbf16, #tpu.memory_space<vmem_shared>>) offsets(%dma_start3A_358 : memref<128xi32, #tpu.memory_space<vmem>>) semaphore(%arg15 : memref<!tpu.dma_semaphore, #tpu.memory_space<semaphore_mem>>) {add = true}
      %mul3A_362 = arith.constant 6 : i32
      %mul3A_363 = arith.muli %add3A_125, %mul3A_362 : i32
      %add3A_364 = arith.constant 5 : i32
      %add3A_365 = arith.addi %mul3A_363, %add3A_364 : i32
      %ge3A_366 = arith.constant 2 : i32
      %ge3A_367 = arith.cmpi sge, %add3A_365, %ge3A_366 : i32
      %convert_element_type3A_368 = arith.extui %ge3A_367 : i1 to i32
      %cond3A_369 = arith.constant 0 : i32
      %cond3A_370 = arith.cmpi ne, %convert_element_type3A_368, %cond3A_369 : i32
      scf.if %cond3A_370 {
        %sub3A = arith.constant 2 : i32
        %sub3A_410 = arith.subi %add3A_365, %sub3A : i32
        %dma_wait3A_411 = arith.constant 10 : i32
        %dma_wait3A_412 = arith.constant 0 : i32
        %dma_wait3A_413 = arith.constant 0 : i32
        %dma_wait3A_414 = tpu.memref_slice %arg7[%dma_wait3A_412, %dma_wait3A_413] : memref<384x64xbf16, #tpu.memory_space<vmem>> -> memref<128x64xbf16, #tpu.memory_space<vmem>>
        %dma_wait3A_415 = arith.constant 0 : i32
        %dma_wait3A_416 = tpu.memref_slice %arg5[%dma_wait3A_411, %dma_wait3A_415] : memref<18x128xi32, #tpu.memory_space<vmem>> -> memref<1x128xi32, #tpu.memory_space<vmem>>
        %dma_wait3A_417 = tpu.memref_squeeze %dma_wait3A_416 : memref<1x128xi32, #tpu.memory_space<vmem>> -> memref<128xi32, #tpu.memory_space<vmem>>
        %dma_wait3A_418 = arith.constant 0 : i32
        %dma_wait3A_419 = arith.constant 0 : i32
        %dma_wait3A_420 = tpu.memref_slice %arg9[%dma_wait3A_418, %dma_wait3A_419] : memref<10000x64xbf16, #tpu.memory_space<vmem_shared>> -> memref<10000x64xbf16, #tpu.memory_space<vmem_shared>>
        tpu.wait_indirect_dma semaphore(%arg14 : memref<!tpu.dma_semaphore, #tpu.memory_space<semaphore_mem>>) src(%dma_wait3A_414 : memref<128x64xbf16, #tpu.memory_space<vmem>>) dst(%dma_wait3A_420 : memref<10000x64xbf16, #tpu.memory_space<vmem_shared>>)
      } else {
      }
      %add3A_371 = arith.constant 2 : i32
      %add3A_372 = arith.addi %add3A_365, %add3A_371 : i32
      %lt3A_373 = arith.constant 162 : i32
      %lt3A_374 = arith.cmpi slt, %add3A_372, %lt3A_373 : i32
      %convert_element_type3A_375 = arith.extui %lt3A_374 : i1 to i32
      %cond3A_376 = arith.constant 0 : i32
      %cond3A_377 = arith.cmpi ne, %convert_element_type3A_375, %cond3A_376 : i32
      scf.if %cond3A_377 {
        %add3A_410 = arith.constant 2 : i32
        %add3A_411 = arith.addi %add3A_365, %add3A_410 : i32
        %add3A_412 = arith.addi %mul3A_42, %add3A_411 : i32
        %mul3A_413 = arith.constant 3 : i32
        %mul3A_414 = arith.muli %add3A_412, %mul3A_413 : i32
        %dma_start3A_415 = arith.constant 3 : i32
        %dma_start3A_416 = arith.constant 0 : i32
        %dma_start3A_417 = tpu.memref_slice %arg5[%dma_start3A_415, %dma_start3A_416] : memref<18x128xi32, #tpu.memory_space<vmem>> -> memref<3x128xi32, #tpu.memory_space<vmem>>
        %dma_start3A_418 = arith.constant 0 : i32
        %dma_start3A_419 = tpu.memref_slice %arg3[%mul3A_414, %dma_start3A_418] : memref<7776x128xi32, #tpu.memory_space<hbm>> -> memref<3x128xi32, #tpu.memory_space<hbm>>
        %dma_start3A_420 = arith.constant 3 : i32
        %dma_start3A_421 = arith.constant 0 : i32
        %dma_start3A_422 = tpu.memref_slice %arg5[%dma_start3A_420, %dma_start3A_421] : memref<18x128xi32, #tpu.memory_space<vmem>> -> memref<3x128xi32, #tpu.memory_space<vmem>>
        %dma_start3A_423 = arith.constant 0 : i32
        %dma_start3A_424 = tpu.memref_slice %arg3[%mul3A_414, %dma_start3A_423] : memref<7776x128xi32, #tpu.memory_space<hbm>> -> memref<3x128xi32, #tpu.memory_space<hbm>>
        tpu.enqueue_dma source(%dma_start3A_424 : memref<3x128xi32, #tpu.memory_space<hbm>>) target(%dma_start3A_422 : memref<3x128xi32, #tpu.memory_space<vmem>>) target_semaphore(%arg18 : memref<!tpu.dma_semaphore, #tpu.memory_space<semaphore_mem>>)
      } else {
      }
      %add3A_378 = arith.constant 1 : i32
      %add3A_379 = arith.addi %add3A_365, %add3A_378 : i32
      %lt3A_380 = arith.constant 162 : i32
      %lt3A_381 = arith.cmpi slt, %add3A_379, %lt3A_380 : i32
      %convert_element_type3A_382 = arith.extui %lt3A_381 : i1 to i32
      %cond3A_383 = arith.constant 0 : i32
      %cond3A_384 = arith.cmpi ne, %convert_element_type3A_382, %cond3A_383 : i32
      scf.if %cond3A_384 {
        %add3A_410 = arith.constant 1 : i32
        %add3A_411 = arith.addi %add3A_365, %add3A_410 : i32
        %add3A_412 = arith.addi %mul3A_42, %add3A_411 : i32
        %mul3A_413 = arith.constant 3 : i32
        %mul3A_414 = arith.muli %add3A_412, %mul3A_413 : i32
        %dma_wait3A_415 = arith.constant 0 : i32
        %dma_wait3A_416 = arith.constant 0 : i32
        %dma_wait3A_417 = tpu.memref_slice %arg5[%dma_wait3A_415, %dma_wait3A_416] : memref<18x128xi32, #tpu.memory_space<vmem>> -> memref<3x128xi32, #tpu.memory_space<vmem>>
        %dma_wait3A_418 = arith.constant 0 : i32
        %dma_wait3A_419 = tpu.memref_slice %arg3[%mul3A_414, %dma_wait3A_418] : memref<7776x128xi32, #tpu.memory_space<hbm>> -> memref<3x128xi32, #tpu.memory_space<hbm>>
        %dma_wait3A_420 = arith.constant 0 : i32
        %dma_wait3A_421 = arith.constant 0 : i32
        %dma_wait3A_422 = tpu.memref_slice %arg5[%dma_wait3A_420, %dma_wait3A_421] : memref<18x128xi32, #tpu.memory_space<vmem>> -> memref<3x128xi32, #tpu.memory_space<vmem>>
        %dma_wait3A_423 = arith.constant 0 : i32
        %dma_wait3A_424 = tpu.memref_slice %arg3[%mul3A_414, %dma_wait3A_423] : memref<7776x128xi32, #tpu.memory_space<hbm>> -> memref<3x128xi32, #tpu.memory_space<hbm>>
        tpu.wait_dma2 semaphore(%arg17 : memref<!tpu.dma_semaphore, #tpu.memory_space<semaphore_mem>>) src(%dma_wait3A_424 : memref<3x128xi32, #tpu.memory_space<hbm>>) dst(%dma_wait3A_422 : memref<3x128xi32, #tpu.memory_space<vmem>>)
        %add3A_425 = arith.constant 1 : i32
        %add3A_426 = arith.addi %add3A_365, %add3A_425 : i32
        %dma_start3A_427 = arith.constant 0 : i32
        %dma_start3A_428 = arith.constant 0 : i32
        %dma_start3A_429 = arith.constant 0 : i32
        %dma_start3A_430 = tpu.memref_slice %arg6[%dma_start3A_428, %dma_start3A_429] : memref<384x64xbf16, #tpu.memory_space<vmem>> -> memref<128x64xbf16, #tpu.memory_space<vmem>>
        %dma_start3A_431 = arith.constant 0 : i32
        %dma_start3A_432 = tpu.memref_slice %arg5[%dma_start3A_427, %dma_start3A_431] : memref<18x128xi32, #tpu.memory_space<vmem>> -> memref<1x128xi32, #tpu.memory_space<vmem>>
        %dma_start3A_433 = tpu.memref_squeeze %dma_start3A_432 : memref<1x128xi32, #tpu.memory_space<vmem>> -> memref<128xi32, #tpu.memory_space<vmem>>
        %dma_start3A_434 = arith.constant 0 : i32
        %dma_start3A_435 = arith.constant 0 : i32
        %dma_start3A_436 = tpu.memref_slice %arg10[%dma_start3A_434, %dma_start3A_435] : memref<10000x64xbf16, #tpu.memory_space<vmem_shared>> -> memref<10000x64xbf16, #tpu.memory_space<vmem_shared>>
        tpu.enqueue_indirect_dma source(%dma_start3A_436 : memref<10000x64xbf16, #tpu.memory_space<vmem_shared>>) target(%dma_start3A_430 : memref<128x64xbf16, #tpu.memory_space<vmem>>) offsets(%dma_start3A_433 : memref<128xi32, #tpu.memory_space<vmem>>) semaphore(%arg11 : memref<!tpu.dma_semaphore, #tpu.memory_space<semaphore_mem>>)
      } else {
      }
      %dma_wait3A_385 = arith.constant 15 : i32
      %dma_wait3A_386 = arith.constant 256 : i32
      %dma_wait3A_387 = arith.constant 0 : i32
      %dma_wait3A_388 = tpu.memref_slice %arg6[%dma_wait3A_386, %dma_wait3A_387] : memref<384x64xbf16, #tpu.memory_space<vmem>> -> memref<128x64xbf16, #tpu.memory_space<vmem>>
      %dma_wait3A_389 = arith.constant 0 : i32
      %dma_wait3A_390 = tpu.memref_slice %arg5[%dma_wait3A_385, %dma_wait3A_389] : memref<18x128xi32, #tpu.memory_space<vmem>> -> memref<1x128xi32, #tpu.memory_space<vmem>>
      %dma_wait3A_391 = tpu.memref_squeeze %dma_wait3A_390 : memref<1x128xi32, #tpu.memory_space<vmem>> -> memref<128xi32, #tpu.memory_space<vmem>>
      %dma_wait3A_392 = arith.constant 0 : i32
      %dma_wait3A_393 = arith.constant 0 : i32
      %dma_wait3A_394 = tpu.memref_slice %arg10[%dma_wait3A_392, %dma_wait3A_393] : memref<10000x64xbf16, #tpu.memory_space<vmem_shared>> -> memref<10000x64xbf16, #tpu.memory_space<vmem_shared>>
      tpu.wait_indirect_dma semaphore(%arg13 : memref<!tpu.dma_semaphore, #tpu.memory_space<semaphore_mem>>) src(%dma_wait3A_394 : memref<10000x64xbf16, #tpu.memory_space<vmem_shared>>) dst(%dma_wait3A_388 : memref<128x64xbf16, #tpu.memory_space<vmem>>)
      %scan3A_395 = arith.constant 0 : i32
      %scan3A_396 = arith.constant 8 : i32
      %scan3A_397 = arith.addi %scan3A_395, %scan3A_396 : i32
      %scan3A_398 = arith.constant 1 : i32
      scf.for %scan3A_410 = %scan3A_395 to %scan3A_397 step %scan3A_398  : i32 {
        %mul3A_411 = arith.constant 1 : i32
        %mul3A_412 = arith.muli %scan3A_410, %mul3A_411 : i32
        %add3A_413 = arith.constant 0 : i32
        %add3A_414 = arith.addi %add3A_413, %mul3A_412 : i32
        %mul3A_415 = arith.constant 16 : i32
        %mul3A_416 = arith.muli %add3A_414, %mul3A_415 : i32
        %get3A = arith.constant 17 : i32
        %get3A_417 = arith.index_cast %get3A : i32 to index
        %get3A_418 = arith.index_cast %mul3A_416 : i32 to index
        %get3A_419 = tpu.vector_load %arg5[%get3A_417, %get3A_418] {strides = array<i32>} : memref<18x128xi32, #tpu.memory_space<vmem>>, vector<16xi32>,
        %bitcast3A = vector.bitcast %get3A_419 : vector<16xi32> to vector<16xf32>
        %mul3A_420 = arith.constant 16 : i32
        %mul3A_421 = arith.muli %add3A_414, %mul3A_420 : i32
        %add3A_422 = arith.constant 256 : i32
        %add3A_423 = arith.addi %add3A_422, %mul3A_421 : i32
        %broadcast_in_dim3A = arith.constant 0 : i32
        %broadcast_in_dim3A_424 = vector.broadcast %broadcast_in_dim3A : i32 to vector<16x1xi32>
        %gather3A = vector.shape_cast %broadcast_in_dim3A_424 : vector<16x1xi32> to vector<16xi32>
        %gather3A_425 = tpu.dynamic_gather %bitcast3A[%gather3A] in [0] : vector<16xf32>, vector<16xi32> -> vector<16xf32>
        %pack3A = tpu.pack_subelements %gather3A_425, %gather3A_425 {pack_format = #tpu.pack_format<interleaved>, positions = array<i32: 0, 1>} : vector<16xf32>, vector<16xf32> -> vector<32xbf16>
        %add3A_426 = arith.constant 0 : i32
        %add3A_427 = arith.addi %add3A_423, %add3A_426 : i32
        %get3A_428 = arith.index_cast %add3A_427 : i32 to index
        %get3A_429 = arith.constant 0 : index
        %get3A_430 = tpu.vector_load %arg6[%get3A_428, %get3A_429] {strides = array<i32>} : memref<384x64xbf16, #tpu.memory_space<vmem>>, vector<32xbf16>,
        %mul3A_431 = arith.mulf %get3A_430, %pack3A : vector<32xbf16>
        %add3A_432 = arith.constant 0 : i32
        %add3A_433 = arith.addi %add3A_423, %add3A_432 : i32
        %swap3A = arith.index_cast %add3A_433 : i32 to index
        %swap3A_434 = arith.constant 0 : index
        %swap3A_435 = tpu.vector_load %arg7[%swap3A, %swap3A_434] {strides = array<i32>} : memref<384x64xbf16, #tpu.memory_space<vmem>>, vector<32xbf16>,
        tpu.vector_store %arg7[%swap3A, %swap3A_434], %mul3A_431 {strides = array<i32>} : memref<384x64xbf16, #tpu.memory_space<vmem>>, vector<32xbf16>,
        %add3A_436 = arith.constant 0 : i32
        %add3A_437 = arith.addi %add3A_423, %add3A_436 : i32
        %get3A_438 = arith.index_cast %add3A_437 : i32 to index
        %get3A_439 = arith.constant 32 : index
        %get3A_440 = tpu.vector_load %arg6[%get3A_438, %get3A_439] {strides = array<i32>} : memref<384x64xbf16, #tpu.memory_space<vmem>>, vector<32xbf16>,
        %mul3A_441 = arith.mulf %get3A_440, %pack3A : vector<32xbf16>
        %add3A_442 = arith.constant 0 : i32
        %add3A_443 = arith.addi %add3A_423, %add3A_442 : i32
        %swap3A_444 = arith.index_cast %add3A_443 : i32 to index
        %swap3A_445 = arith.constant 32 : index
        %swap3A_446 = tpu.vector_load %arg7[%swap3A_444, %swap3A_445] {strides = array<i32>} : memref<384x64xbf16, #tpu.memory_space<vmem>>, vector<32xbf16>,
        tpu.vector_store %arg7[%swap3A_444, %swap3A_445], %mul3A_441 {strides = array<i32>} : memref<384x64xbf16, #tpu.memory_space<vmem>>, vector<32xbf16>,
        %broadcast_in_dim3A_447 = arith.constant 1 : i32
        %broadcast_in_dim3A_448 = vector.broadcast %broadcast_in_dim3A_447 : i32 to vector<16x1xi32>
        %gather3A_449 = vector.shape_cast %broadcast_in_dim3A_448 : vector<16x1xi32> to vector<16xi32>
        %gather3A_450 = tpu.dynamic_gather %bitcast3A[%gather3A_449] in [0] : vector<16xf32>, vector<16xi32> -> vector<16xf32>
        %pack3A_451 = tpu.pack_subelements %gather3A_450, %gather3A_450 {pack_format = #tpu.pack_format<interleaved>, positions = array<i32: 0, 1>} : vector<16xf32>, vector<16xf32> -> vector<32xbf16>
        %add3A_452 = arith.constant 1 : i32
        %add3A_453 = arith.addi %add3A_423, %add3A_452 : i32
        %get3A_454 = arith.index_cast %add3A_453 : i32 to index
        %get3A_455 = arith.constant 0 : index
        %get3A_456 = tpu.vector_load %arg6[%get3A_454, %get3A_455] {strides = array<i32>} : memref<384x64xbf16, #tpu.memory_space<vmem>>, vector<32xbf16>,
        %mul3A_457 = arith.mulf %get3A_456, %pack3A_451 : vector<32xbf16>
        %add3A_458 = arith.constant 1 : i32
        %add3A_459 = arith.addi %add3A_423, %add3A_458 : i32
        %swap3A_460 = arith.index_cast %add3A_459 : i32 to index
        %swap3A_461 = arith.constant 0 : index
        %swap3A_462 = tpu.vector_load %arg7[%swap3A_460, %swap3A_461] {strides = array<i32>} : memref<384x64xbf16, #tpu.memory_space<vmem>>, vector<32xbf16>,
        tpu.vector_store %arg7[%swap3A_460, %swap3A_461], %mul3A_457 {strides = array<i32>} : memref<384x64xbf16, #tpu.memory_space<vmem>>, vector<32xbf16>,
        %add3A_463 = arith.constant 1 : i32
        %add3A_464 = arith.addi %add3A_423, %add3A_463 : i32
        %get3A_465 = arith.index_cast %add3A_464 : i32 to index
        %get3A_466 = arith.constant 32 : index
        %get3A_467 = tpu.vector_load %arg6[%get3A_465, %get3A_466] {strides = array<i32>} : memref<384x64xbf16, #tpu.memory_space<vmem>>, vector<32xbf16>,
        %mul3A_468 = arith.mulf %get3A_467, %pack3A_451 : vector<32xbf16>
        %add3A_469 = arith.constant 1 : i32
        %add3A_470 = arith.addi %add3A_423, %add3A_469 : i32
        %swap3A_471 = arith.index_cast %add3A_470 : i32 to index
        %swap3A_472 = arith.constant 32 : index
        %swap3A_473 = tpu.vector_load %arg7[%swap3A_471, %swap3A_472] {strides = array<i32>} : memref<384x64xbf16, #tpu.memory_space<vmem>>, vector<32xbf16>,
        tpu.vector_store %arg7[%swap3A_471, %swap3A_472], %mul3A_468 {strides = array<i32>} : memref<384x64xbf16, #tpu.memory_space<vmem>>, vector<32xbf16>,
        %broadcast_in_dim3A_474 = arith.constant 2 : i32
        %broadcast_in_dim3A_475 = vector.broadcast %broadcast_in_dim3A_474 : i32 to vector<16x1xi32>
        %gather3A_476 = vector.shape_cast %broadcast_in_dim3A_475 : vector<16x1xi32> to vector<16xi32>
        %gather3A_477 = tpu.dynamic_gather %bitcast3A[%gather3A_476] in [0] : vector<16xf32>, vector<16xi32> -> vector<16xf32>
        %pack3A_478 = tpu.pack_subelements %gather3A_477, %gather3A_477 {pack_format = #tpu.pack_format<interleaved>, positions = array<i32: 0, 1>} : vector<16xf32>, vector<16xf32> -> vector<32xbf16>
        %add3A_479 = arith.constant 2 : i32
        %add3A_480 = arith.addi %add3A_423, %add3A_479 : i32
        %get3A_481 = arith.index_cast %add3A_480 : i32 to index
        %get3A_482 = arith.constant 0 : index
        %get3A_483 = tpu.vector_load %arg6[%get3A_481, %get3A_482] {strides = array<i32>} : memref<384x64xbf16, #tpu.memory_space<vmem>>, vector<32xbf16>,
        %mul3A_484 = arith.mulf %get3A_483, %pack3A_478 : vector<32xbf16>
        %add3A_485 = arith.constant 2 : i32
        %add3A_486 = arith.addi %add3A_423, %add3A_485 : i32
        %swap3A_487 = arith.index_cast %add3A_486 : i32 to index
        %swap3A_488 = arith.constant 0 : index
        %swap3A_489 = tpu.vector_load %arg7[%swap3A_487, %swap3A_488] {strides = array<i32>} : memref<384x64xbf16, #tpu.memory_space<vmem>>, vector<32xbf16>,
        tpu.vector_store %arg7[%swap3A_487, %swap3A_488], %mul3A_484 {strides = array<i32>} : memref<384x64xbf16, #tpu.memory_space<vmem>>, vector<32xbf16>,
        %add3A_490 = arith.constant 2 : i32
        %add3A_491 = arith.addi %add3A_423, %add3A_490 : i32
        %get3A_492 = arith.index_cast %add3A_491 : i32 to index
        %get3A_493 = arith.constant 32 : index
        %get3A_494 = tpu.vector_load %arg6[%get3A_492, %get3A_493] {strides = array<i32>} : memref<384x64xbf16, #tpu.memory_space<vmem>>, vector<32xbf16>,
        %mul3A_495 = arith.mulf %get3A_494, %pack3A_478 : vector<32xbf16>
        %add3A_496 = arith.constant 2 : i32
        %add3A_497 = arith.addi %add3A_423, %add3A_496 : i32
        %swap3A_498 = arith.index_cast %add3A_497 : i32 to index
        %swap3A_499 = arith.constant 32 : index
        %swap3A_500 = tpu.vector_load %arg7[%swap3A_498, %swap3A_499] {strides = array<i32>} : memref<384x64xbf16, #tpu.memory_space<vmem>>, vector<32xbf16>,
        tpu.vector_store %arg7[%swap3A_498, %swap3A_499], %mul3A_495 {strides = array<i32>} : memref<384x64xbf16, #tpu.memory_space<vmem>>, vector<32xbf16>,
        %broadcast_in_dim3A_501 = arith.constant 3 : i32
        %broadcast_in_dim3A_502 = vector.broadcast %broadcast_in_dim3A_501 : i32 to vector<16x1xi32>
        %gather3A_503 = vector.shape_cast %broadcast_in_dim3A_502 : vector<16x1xi32> to vector<16xi32>
        %gather3A_504 = tpu.dynamic_gather %bitcast3A[%gather3A_503] in [0] : vector<16xf32>, vector<16xi32> -> vector<16xf32>
        %pack3A_505 = tpu.pack_subelements %gather3A_504, %gather3A_504 {pack_format = #tpu.pack_format<interleaved>, positions = array<i32: 0, 1>} : vector<16xf32>, vector<16xf32> -> vector<32xbf16>
        %add3A_506 = arith.constant 3 : i32
        %add3A_507 = arith.addi %add3A_423, %add3A_506 : i32
        %get3A_508 = arith.index_cast %add3A_507 : i32 to index
        %get3A_509 = arith.constant 0 : index
        %get3A_510 = tpu.vector_load %arg6[%get3A_508, %get3A_509] {strides = array<i32>} : memref<384x64xbf16, #tpu.memory_space<vmem>>, vector<32xbf16>,
        %mul3A_511 = arith.mulf %get3A_510, %pack3A_505 : vector<32xbf16>
        %add3A_512 = arith.constant 3 : i32
        %add3A_513 = arith.addi %add3A_423, %add3A_512 : i32
        %swap3A_514 = arith.index_cast %add3A_513 : i32 to index
        %swap3A_515 = arith.constant 0 : index
        %swap3A_516 = tpu.vector_load %arg7[%swap3A_514, %swap3A_515] {strides = array<i32>} : memref<384x64xbf16, #tpu.memory_space<vmem>>, vector<32xbf16>,
        tpu.vector_store %arg7[%swap3A_514, %swap3A_515], %mul3A_511 {strides = array<i32>} : memref<384x64xbf16, #tpu.memory_space<vmem>>, vector<32xbf16>,
        %add3A_517 = arith.constant 3 : i32
        %add3A_518 = arith.addi %add3A_423, %add3A_517 : i32
        %get3A_519 = arith.index_cast %add3A_518 : i32 to index
        %get3A_520 = arith.constant 32 : index
        %get3A_521 = tpu.vector_load %arg6[%get3A_519, %get3A_520] {strides = array<i32>} : memref<384x64xbf16, #tpu.memory_space<vmem>>, vector<32xbf16>,
        %mul3A_522 = arith.mulf %get3A_521, %pack3A_505 : vector<32xbf16>
        %add3A_523 = arith.constant 3 : i32
        %add3A_524 = arith.addi %add3A_423, %add3A_523 : i32
        %swap3A_525 = arith.index_cast %add3A_524 : i32 to index
        %swap3A_526 = arith.constant 32 : index
        %swap3A_527 = tpu.vector_load %arg7[%swap3A_525, %swap3A_526] {strides = array<i32>} : memref<384x64xbf16, #tpu.memory_space<vmem>>, vector<32xbf16>,
        tpu.vector_store %arg7[%swap3A_525, %swap3A_526], %mul3A_522 {strides = array<i32>} : memref<384x64xbf16, #tpu.memory_space<vmem>>, vector<32xbf16>,
        %broadcast_in_dim3A_528 = arith.constant 4 : i32
        %broadcast_in_dim3A_529 = vector.broadcast %broadcast_in_dim3A_528 : i32 to vector<16x1xi32>
        %gather3A_530 = vector.shape_cast %broadcast_in_dim3A_529 : vector<16x1xi32> to vector<16xi32>
        %gather3A_531 = tpu.dynamic_gather %bitcast3A[%gather3A_530] in [0] : vector<16xf32>, vector<16xi32> -> vector<16xf32>
        %pack3A_532 = tpu.pack_subelements %gather3A_531, %gather3A_531 {pack_format = #tpu.pack_format<interleaved>, positions = array<i32: 0, 1>} : vector<16xf32>, vector<16xf32> -> vector<32xbf16>
        %add3A_533 = arith.constant 4 : i32
        %add3A_534 = arith.addi %add3A_423, %add3A_533 : i32
        %get3A_535 = arith.index_cast %add3A_534 : i32 to index
        %get3A_536 = arith.constant 0 : index
        %get3A_537 = tpu.vector_load %arg6[%get3A_535, %get3A_536] {strides = array<i32>} : memref<384x64xbf16, #tpu.memory_space<vmem>>, vector<32xbf16>,
        %mul3A_538 = arith.mulf %get3A_537, %pack3A_532 : vector<32xbf16>
        %add3A_539 = arith.constant 4 : i32
        %add3A_540 = arith.addi %add3A_423, %add3A_539 : i32
        %swap3A_541 = arith.index_cast %add3A_540 : i32 to index
        %swap3A_542 = arith.constant 0 : index
        %swap3A_543 = tpu.vector_load %arg7[%swap3A_541, %swap3A_542] {strides = array<i32>} : memref<384x64xbf16, #tpu.memory_space<vmem>>, vector<32xbf16>,
        tpu.vector_store %arg7[%swap3A_541, %swap3A_542], %mul3A_538 {strides = array<i32>} : memref<384x64xbf16, #tpu.memory_space<vmem>>, vector<32xbf16>,
        %add3A_544 = arith.constant 4 : i32
        %add3A_545 = arith.addi %add3A_423, %add3A_544 : i32
        %get3A_546 = arith.index_cast %add3A_545 : i32 to index
        %get3A_547 = arith.constant 32 : index
        %get3A_548 = tpu.vector_load %arg6[%get3A_546, %get3A_547] {strides = array<i32>} : memref<384x64xbf16, #tpu.memory_space<vmem>>, vector<32xbf16>,
        %mul3A_549 = arith.mulf %get3A_548, %pack3A_532 : vector<32xbf16>
        %add3A_550 = arith.constant 4 : i32
        %add3A_551 = arith.addi %add3A_423, %add3A_550 : i32
        %swap3A_552 = arith.index_cast %add3A_551 : i32 to index
        %swap3A_553 = arith.constant 32 : index
        %swap3A_554 = tpu.vector_load %arg7[%swap3A_552, %swap3A_553] {strides = array<i32>} : memref<384x64xbf16, #tpu.memory_space<vmem>>, vector<32xbf16>,
        tpu.vector_store %arg7[%swap3A_552, %swap3A_553], %mul3A_549 {strides = array<i32>} : memref<384x64xbf16, #tpu.memory_space<vmem>>, vector<32xbf16>,
        %broadcast_in_dim3A_555 = arith.constant 5 : i32
        %broadcast_in_dim3A_556 = vector.broadcast %broadcast_in_dim3A_555 : i32 to vector<16x1xi32>
        %gather3A_557 = vector.shape_cast %broadcast_in_dim3A_556 : vector<16x1xi32> to vector<16xi32>
        %gather3A_558 = tpu.dynamic_gather %bitcast3A[%gather3A_557] in [0] : vector<16xf32>, vector<16xi32> -> vector<16xf32>
        %pack3A_559 = tpu.pack_subelements %gather3A_558, %gather3A_558 {pack_format = #tpu.pack_format<interleaved>, positions = array<i32: 0, 1>} : vector<16xf32>, vector<16xf32> -> vector<32xbf16>
        %add3A_560 = arith.constant 5 : i32
        %add3A_561 = arith.addi %add3A_423, %add3A_560 : i32
        %get3A_562 = arith.index_cast %add3A_561 : i32 to index
        %get3A_563 = arith.constant 0 : index
        %get3A_564 = tpu.vector_load %arg6[%get3A_562, %get3A_563] {strides = array<i32>} : memref<384x64xbf16, #tpu.memory_space<vmem>>, vector<32xbf16>,
        %mul3A_565 = arith.mulf %get3A_564, %pack3A_559 : vector<32xbf16>
        %add3A_566 = arith.constant 5 : i32
        %add3A_567 = arith.addi %add3A_423, %add3A_566 : i32
        %swap3A_568 = arith.index_cast %add3A_567 : i32 to index
        %swap3A_569 = arith.constant 0 : index
        %swap3A_570 = tpu.vector_load %arg7[%swap3A_568, %swap3A_569] {strides = array<i32>} : memref<384x64xbf16, #tpu.memory_space<vmem>>, vector<32xbf16>,
        tpu.vector_store %arg7[%swap3A_568, %swap3A_569], %mul3A_565 {strides = array<i32>} : memref<384x64xbf16, #tpu.memory_space<vmem>>, vector<32xbf16>,
        %add3A_571 = arith.constant 5 : i32
        %add3A_572 = arith.addi %add3A_423, %add3A_571 : i32
        %get3A_573 = arith.index_cast %add3A_572 : i32 to index
        %get3A_574 = arith.constant 32 : index
        %get3A_575 = tpu.vector_load %arg6[%get3A_573, %get3A_574] {strides = array<i32>} : memref<384x64xbf16, #tpu.memory_space<vmem>>, vector<32xbf16>,
        %mul3A_576 = arith.mulf %get3A_575, %pack3A_559 : vector<32xbf16>
        %add3A_577 = arith.constant 5 : i32
        %add3A_578 = arith.addi %add3A_423, %add3A_577 : i32
        %swap3A_579 = arith.index_cast %add3A_578 : i32 to index
        %swap3A_580 = arith.constant 32 : index
        %swap3A_581 = tpu.vector_load %arg7[%swap3A_579, %swap3A_580] {strides = array<i32>} : memref<384x64xbf16, #tpu.memory_space<vmem>>, vector<32xbf16>,
        tpu.vector_store %arg7[%swap3A_579, %swap3A_580], %mul3A_576 {strides = array<i32>} : memref<384x64xbf16, #tpu.memory_space<vmem>>, vector<32xbf16>,
        %broadcast_in_dim3A_582 = arith.constant 6 : i32
        %broadcast_in_dim3A_583 = vector.broadcast %broadcast_in_dim3A_582 : i32 to vector<16x1xi32>
        %gather3A_584 = vector.shape_cast %broadcast_in_dim3A_583 : vector<16x1xi32> to vector<16xi32>
        %gather3A_585 = tpu.dynamic_gather %bitcast3A[%gather3A_584] in [0] : vector<16xf32>, vector<16xi32> -> vector<16xf32>
        %pack3A_586 = tpu.pack_subelements %gather3A_585, %gather3A_585 {pack_format = #tpu.pack_format<interleaved>, positions = array<i32: 0, 1>} : vector<16xf32>, vector<16xf32> -> vector<32xbf16>
        %add3A_587 = arith.constant 6 : i32
        %add3A_588 = arith.addi %add3A_423, %add3A_587 : i32
        %get3A_589 = arith.index_cast %add3A_588 : i32 to index
        %get3A_590 = arith.constant 0 : index
        %get3A_591 = tpu.vector_load %arg6[%get3A_589, %get3A_590] {strides = array<i32>} : memref<384x64xbf16, #tpu.memory_space<vmem>>, vector<32xbf16>,
        %mul3A_592 = arith.mulf %get3A_591, %pack3A_586 : vector<32xbf16>
        %add3A_593 = arith.constant 6 : i32
        %add3A_594 = arith.addi %add3A_423, %add3A_593 : i32
        %swap3A_595 = arith.index_cast %add3A_594 : i32 to index
        %swap3A_596 = arith.constant 0 : index
        %swap3A_597 = tpu.vector_load %arg7[%swap3A_595, %swap3A_596] {strides = array<i32>} : memref<384x64xbf16, #tpu.memory_space<vmem>>, vector<32xbf16>,
        tpu.vector_store %arg7[%swap3A_595, %swap3A_596], %mul3A_592 {strides = array<i32>} : memref<384x64xbf16, #tpu.memory_space<vmem>>, vector<32xbf16>,
        %add3A_598 = arith.constant 6 : i32
        %add3A_599 = arith.addi %add3A_423, %add3A_598 : i32
        %get3A_600 = arith.index_cast %add3A_599 : i32 to index
        %get3A_601 = arith.constant 32 : index
        %get3A_602 = tpu.vector_load %arg6[%get3A_600, %get3A_601] {strides = array<i32>} : memref<384x64xbf16, #tpu.memory_space<vmem>>, vector<32xbf16>,
        %mul3A_603 = arith.mulf %get3A_602, %pack3A_586 : vector<32xbf16>
        %add3A_604 = arith.constant 6 : i32
        %add3A_605 = arith.addi %add3A_423, %add3A_604 : i32
        %swap3A_606 = arith.index_cast %add3A_605 : i32 to index
        %swap3A_607 = arith.constant 32 : index
        %swap3A_608 = tpu.vector_load %arg7[%swap3A_606, %swap3A_607] {strides = array<i32>} : memref<384x64xbf16, #tpu.memory_space<vmem>>, vector<32xbf16>,
        tpu.vector_store %arg7[%swap3A_606, %swap3A_607], %mul3A_603 {strides = array<i32>} : memref<384x64xbf16, #tpu.memory_space<vmem>>, vector<32xbf16>,
        %broadcast_in_dim3A_609 = arith.constant 7 : i32
        %broadcast_in_dim3A_610 = vector.broadcast %broadcast_in_dim3A_609 : i32 to vector<16x1xi32>
        %gather3A_611 = vector.shape_cast %broadcast_in_dim3A_610 : vector<16x1xi32> to vector<16xi32>
        %gather3A_612 = tpu.dynamic_gather %bitcast3A[%gather3A_611] in [0] : vector<16xf32>, vector<16xi32> -> vector<16xf32>
        %pack3A_613 = tpu.pack_subelements %gather3A_612, %gather3A_612 {pack_format = #tpu.pack_format<interleaved>, positions = array<i32: 0, 1>} : vector<16xf32>, vector<16xf32> -> vector<32xbf16>
        %add3A_614 = arith.constant 7 : i32
        %add3A_615 = arith.addi %add3A_423, %add3A_614 : i32
        %get3A_616 = arith.index_cast %add3A_615 : i32 to index
        %get3A_617 = arith.constant 0 : index
        %get3A_618 = tpu.vector_load %arg6[%get3A_616, %get3A_617] {strides = array<i32>} : memref<384x64xbf16, #tpu.memory_space<vmem>>, vector<32xbf16>,
        %mul3A_619 = arith.mulf %get3A_618, %pack3A_613 : vector<32xbf16>
        %add3A_620 = arith.constant 7 : i32
        %add3A_621 = arith.addi %add3A_423, %add3A_620 : i32
        %swap3A_622 = arith.index_cast %add3A_621 : i32 to index
        %swap3A_623 = arith.constant 0 : index
        %swap3A_624 = tpu.vector_load %arg7[%swap3A_622, %swap3A_623] {strides = array<i32>} : memref<384x64xbf16, #tpu.memory_space<vmem>>, vector<32xbf16>,
        tpu.vector_store %arg7[%swap3A_622, %swap3A_623], %mul3A_619 {strides = array<i32>} : memref<384x64xbf16, #tpu.memory_space<vmem>>, vector<32xbf16>,
        %add3A_625 = arith.constant 7 : i32
        %add3A_626 = arith.addi %add3A_423, %add3A_625 : i32
        %get3A_627 = arith.index_cast %add3A_626 : i32 to index
        %get3A_628 = arith.constant 32 : index
        %get3A_629 = tpu.vector_load %arg6[%get3A_627, %get3A_628] {strides = array<i32>} : memref<384x64xbf16, #tpu.memory_space<vmem>>, vector<32xbf16>,
        %mul3A_630 = arith.mulf %get3A_629, %pack3A_613 : vector<32xbf16>
        %add3A_631 = arith.constant 7 : i32
        %add3A_632 = arith.addi %add3A_423, %add3A_631 : i32
        %swap3A_633 = arith.index_cast %add3A_632 : i32 to index
        %swap3A_634 = arith.constant 32 : index
        %swap3A_635 = tpu.vector_load %arg7[%swap3A_633, %swap3A_634] {strides = array<i32>} : memref<384x64xbf16, #tpu.memory_space<vmem>>, vector<32xbf16>,
        tpu.vector_store %arg7[%swap3A_633, %swap3A_634], %mul3A_630 {strides = array<i32>} : memref<384x64xbf16, #tpu.memory_space<vmem>>, vector<32xbf16>,
        %broadcast_in_dim3A_636 = arith.constant 8 : i32
        %broadcast_in_dim3A_637 = vector.broadcast %broadcast_in_dim3A_636 : i32 to vector<16x1xi32>
        %gather3A_638 = vector.shape_cast %broadcast_in_dim3A_637 : vector<16x1xi32> to vector<16xi32>
        %gather3A_639 = tpu.dynamic_gather %bitcast3A[%gather3A_638] in [0] : vector<16xf32>, vector<16xi32> -> vector<16xf32>
        %pack3A_640 = tpu.pack_subelements %gather3A_639, %gather3A_639 {pack_format = #tpu.pack_format<interleaved>, positions = array<i32: 0, 1>} : vector<16xf32>, vector<16xf32> -> vector<32xbf16>
        %add3A_641 = arith.constant 8 : i32
        %add3A_642 = arith.addi %add3A_423, %add3A_641 : i32
        %get3A_643 = arith.index_cast %add3A_642 : i32 to index
        %get3A_644 = arith.constant 0 : index
        %get3A_645 = tpu.vector_load %arg6[%get3A_643, %get3A_644] {strides = array<i32>} : memref<384x64xbf16, #tpu.memory_space<vmem>>, vector<32xbf16>,
        %mul3A_646 = arith.mulf %get3A_645, %pack3A_640 : vector<32xbf16>
        %add3A_647 = arith.constant 8 : i32
        %add3A_648 = arith.addi %add3A_423, %add3A_647 : i32
        %swap3A_649 = arith.index_cast %add3A_648 : i32 to index
        %swap3A_650 = arith.constant 0 : index
        %swap3A_651 = tpu.vector_load %arg7[%swap3A_649, %swap3A_650] {strides = array<i32>} : memref<384x64xbf16, #tpu.memory_space<vmem>>, vector<32xbf16>,
        tpu.vector_store %arg7[%swap3A_649, %swap3A_650], %mul3A_646 {strides = array<i32>} : memref<384x64xbf16, #tpu.memory_space<vmem>>, vector<32xbf16>,
        %add3A_652 = arith.constant 8 : i32
        %add3A_653 = arith.addi %add3A_423, %add3A_652 : i32
        %get3A_654 = arith.index_cast %add3A_653 : i32 to index
        %get3A_655 = arith.constant 32 : index
        %get3A_656 = tpu.vector_load %arg6[%get3A_654, %get3A_655] {strides = array<i32>} : memref<384x64xbf16, #tpu.memory_space<vmem>>, vector<32xbf16>,
        %mul3A_657 = arith.mulf %get3A_656, %pack3A_640 : vector<32xbf16>
        %add3A_658 = arith.constant 8 : i32
        %add3A_659 = arith.addi %add3A_423, %add3A_658 : i32
        %swap3A_660 = arith.index_cast %add3A_659 : i32 to index
        %swap3A_661 = arith.constant 32 : index
        %swap3A_662 = tpu.vector_load %arg7[%swap3A_660, %swap3A_661] {strides = array<i32>} : memref<384x64xbf16, #tpu.memory_space<vmem>>, vector<32xbf16>,
        tpu.vector_store %arg7[%swap3A_660, %swap3A_661], %mul3A_657 {strides = array<i32>} : memref<384x64xbf16, #tpu.memory_space<vmem>>, vector<32xbf16>,
        %broadcast_in_dim3A_663 = arith.constant 9 : i32
        %broadcast_in_dim3A_664 = vector.broadcast %broadcast_in_dim3A_663 : i32 to vector<16x1xi32>
        %gather3A_665 = vector.shape_cast %broadcast_in_dim3A_664 : vector<16x1xi32> to vector<16xi32>
        %gather3A_666 = tpu.dynamic_gather %bitcast3A[%gather3A_665] in [0] : vector<16xf32>, vector<16xi32> -> vector<16xf32>
        %pack3A_667 = tpu.pack_subelements %gather3A_666, %gather3A_666 {pack_format = #tpu.pack_format<interleaved>, positions = array<i32: 0, 1>} : vector<16xf32>, vector<16xf32> -> vector<32xbf16>
        %add3A_668 = arith.constant 9 : i32
        %add3A_669 = arith.addi %add3A_423, %add3A_668 : i32
        %get3A_670 = arith.index_cast %add3A_669 : i32 to index
        %get3A_671 = arith.constant 0 : index
        %get3A_672 = tpu.vector_load %arg6[%get3A_670, %get3A_671] {strides = array<i32>} : memref<384x64xbf16, #tpu.memory_space<vmem>>, vector<32xbf16>,
        %mul3A_673 = arith.mulf %get3A_672, %pack3A_667 : vector<32xbf16>
        %add3A_674 = arith.constant 9 : i32
        %add3A_675 = arith.addi %add3A_423, %add3A_674 : i32
        %swap3A_676 = arith.index_cast %add3A_675 : i32 to index
        %swap3A_677 = arith.constant 0 : index
        %swap3A_678 = tpu.vector_load %arg7[%swap3A_676, %swap3A_677] {strides = array<i32>} : memref<384x64xbf16, #tpu.memory_space<vmem>>, vector<32xbf16>,
        tpu.vector_store %arg7[%swap3A_676, %swap3A_677], %mul3A_673 {strides = array<i32>} : memref<384x64xbf16, #tpu.memory_space<vmem>>, vector<32xbf16>,
        %add3A_679 = arith.constant 9 : i32
        %add3A_680 = arith.addi %add3A_423, %add3A_679 : i32
        %get3A_681 = arith.index_cast %add3A_680 : i32 to index
        %get3A_682 = arith.constant 32 : index
        %get3A_683 = tpu.vector_load %arg6[%get3A_681, %get3A_682] {strides = array<i32>} : memref<384x64xbf16, #tpu.memory_space<vmem>>, vector<32xbf16>,
        %mul3A_684 = arith.mulf %get3A_683, %pack3A_667 : vector<32xbf16>
        %add3A_685 = arith.constant 9 : i32
        %add3A_686 = arith.addi %add3A_423, %add3A_685 : i32
        %swap3A_687 = arith.index_cast %add3A_686 : i32 to index
        %swap3A_688 = arith.constant 32 : index
        %swap3A_689 = tpu.vector_load %arg7[%swap3A_687, %swap3A_688] {strides = array<i32>} : memref<384x64xbf16, #tpu.memory_space<vmem>>, vector<32xbf16>,
        tpu.vector_store %arg7[%swap3A_687, %swap3A_688], %mul3A_684 {strides = array<i32>} : memref<384x64xbf16, #tpu.memory_space<vmem>>, vector<32xbf16>,
        %broadcast_in_dim3A_690 = arith.constant 10 : i32
        %broadcast_in_dim3A_691 = vector.broadcast %broadcast_in_dim3A_690 : i32 to vector<16x1xi32>
        %gather3A_692 = vector.shape_cast %broadcast_in_dim3A_691 : vector<16x1xi32> to vector<16xi32>
        %gather3A_693 = tpu.dynamic_gather %bitcast3A[%gather3A_692] in [0] : vector<16xf32>, vector<16xi32> -> vector<16xf32>
        %pack3A_694 = tpu.pack_subelements %gather3A_693, %gather3A_693 {pack_format = #tpu.pack_format<interleaved>, positions = array<i32: 0, 1>} : vector<16xf32>, vector<16xf32> -> vector<32xbf16>
        %add3A_695 = arith.constant 10 : i32
        %add3A_696 = arith.addi %add3A_423, %add3A_695 : i32
        %get3A_697 = arith.index_cast %add3A_696 : i32 to index
        %get3A_698 = arith.constant 0 : index
        %get3A_699 = tpu.vector_load %arg6[%get3A_697, %get3A_698] {strides = array<i32>} : memref<384x64xbf16, #tpu.memory_space<vmem>>, vector<32xbf16>,
        %mul3A_700 = arith.mulf %get3A_699, %pack3A_694 : vector<32xbf16>
        %add3A_701 = arith.constant 10 : i32
        %add3A_702 = arith.addi %add3A_423, %add3A_701 : i32
        %swap3A_703 = arith.index_cast %add3A_702 : i32 to index
        %swap3A_704 = arith.constant 0 : index
        %swap3A_705 = tpu.vector_load %arg7[%swap3A_703, %swap3A_704] {strides = array<i32>} : memref<384x64xbf16, #tpu.memory_space<vmem>>, vector<32xbf16>,
        tpu.vector_store %arg7[%swap3A_703, %swap3A_704], %mul3A_700 {strides = array<i32>} : memref<384x64xbf16, #tpu.memory_space<vmem>>, vector<32xbf16>,
        %add3A_706 = arith.constant 10 : i32
        %add3A_707 = arith.addi %add3A_423, %add3A_706 : i32
        %get3A_708 = arith.index_cast %add3A_707 : i32 to index
        %get3A_709 = arith.constant 32 : index
        %get3A_710 = tpu.vector_load %arg6[%get3A_708, %get3A_709] {strides = array<i32>} : memref<384x64xbf16, #tpu.memory_space<vmem>>, vector<32xbf16>,
        %mul3A_711 = arith.mulf %get3A_710, %pack3A_694 : vector<32xbf16>
        %add3A_712 = arith.constant 10 : i32
        %add3A_713 = arith.addi %add3A_423, %add3A_712 : i32
        %swap3A_714 = arith.index_cast %add3A_713 : i32 to index
        %swap3A_715 = arith.constant 32 : index
        %swap3A_716 = tpu.vector_load %arg7[%swap3A_714, %swap3A_715] {strides = array<i32>} : memref<384x64xbf16, #tpu.memory_space<vmem>>, vector<32xbf16>,
        tpu.vector_store %arg7[%swap3A_714, %swap3A_715], %mul3A_711 {strides = array<i32>} : memref<384x64xbf16, #tpu.memory_space<vmem>>, vector<32xbf16>,
        %broadcast_in_dim3A_717 = arith.constant 11 : i32
        %broadcast_in_dim3A_718 = vector.broadcast %broadcast_in_dim3A_717 : i32 to vector<16x1xi32>
        %gather3A_719 = vector.shape_cast %broadcast_in_dim3A_718 : vector<16x1xi32> to vector<16xi32>
        %gather3A_720 = tpu.dynamic_gather %bitcast3A[%gather3A_719] in [0] : vector<16xf32>, vector<16xi32> -> vector<16xf32>
        %pack3A_721 = tpu.pack_subelements %gather3A_720, %gather3A_720 {pack_format = #tpu.pack_format<interleaved>, positions = array<i32: 0, 1>} : vector<16xf32>, vector<16xf32> -> vector<32xbf16>
        %add3A_722 = arith.constant 11 : i32
        %add3A_723 = arith.addi %add3A_423, %add3A_722 : i32
        %get3A_724 = arith.index_cast %add3A_723 : i32 to index
        %get3A_725 = arith.constant 0 : index
        %get3A_726 = tpu.vector_load %arg6[%get3A_724, %get3A_725] {strides = array<i32>} : memref<384x64xbf16, #tpu.memory_space<vmem>>, vector<32xbf16>,
        %mul3A_727 = arith.mulf %get3A_726, %pack3A_721 : vector<32xbf16>
        %add3A_728 = arith.constant 11 : i32
        %add3A_729 = arith.addi %add3A_423, %add3A_728 : i32
        %swap3A_730 = arith.index_cast %add3A_729 : i32 to index
        %swap3A_731 = arith.constant 0 : index
        %swap3A_732 = tpu.vector_load %arg7[%swap3A_730, %swap3A_731] {strides = array<i32>} : memref<384x64xbf16, #tpu.memory_space<vmem>>, vector<32xbf16>,
        tpu.vector_store %arg7[%swap3A_730, %swap3A_731], %mul3A_727 {strides = array<i32>} : memref<384x64xbf16, #tpu.memory_space<vmem>>, vector<32xbf16>,
        %add3A_733 = arith.constant 11 : i32
        %add3A_734 = arith.addi %add3A_423, %add3A_733 : i32
        %get3A_735 = arith.index_cast %add3A_734 : i32 to index
        %get3A_736 = arith.constant 32 : index
        %get3A_737 = tpu.vector_load %arg6[%get3A_735, %get3A_736] {strides = array<i32>} : memref<384x64xbf16, #tpu.memory_space<vmem>>, vector<32xbf16>,
        %mul3A_738 = arith.mulf %get3A_737, %pack3A_721 : vector<32xbf16>
        %add3A_739 = arith.constant 11 : i32
        %add3A_740 = arith.addi %add3A_423, %add3A_739 : i32
        %swap3A_741 = arith.index_cast %add3A_740 : i32 to index
        %swap3A_742 = arith.constant 32 : index
        %swap3A_743 = tpu.vector_load %arg7[%swap3A_741, %swap3A_742] {strides = array<i32>} : memref<384x64xbf16, #tpu.memory_space<vmem>>, vector<32xbf16>,
        tpu.vector_store %arg7[%swap3A_741, %swap3A_742], %mul3A_738 {strides = array<i32>} : memref<384x64xbf16, #tpu.memory_space<vmem>>, vector<32xbf16>,
        %broadcast_in_dim3A_744 = arith.constant 12 : i32
        %broadcast_in_dim3A_745 = vector.broadcast %broadcast_in_dim3A_744 : i32 to vector<16x1xi32>
        %gather3A_746 = vector.shape_cast %broadcast_in_dim3A_745 : vector<16x1xi32> to vector<16xi32>
        %gather3A_747 = tpu.dynamic_gather %bitcast3A[%gather3A_746] in [0] : vector<16xf32>, vector<16xi32> -> vector<16xf32>
        %pack3A_748 = tpu.pack_subelements %gather3A_747, %gather3A_747 {pack_format = #tpu.pack_format<interleaved>, positions = array<i32: 0, 1>} : vector<16xf32>, vector<16xf32> -> vector<32xbf16>
        %add3A_749 = arith.constant 12 : i32
        %add3A_750 = arith.addi %add3A_423, %add3A_749 : i32
        %get3A_751 = arith.index_cast %add3A_750 : i32 to index
        %get3A_752 = arith.constant 0 : index
        %get3A_753 = tpu.vector_load %arg6[%get3A_751, %get3A_752] {strides = array<i32>} : memref<384x64xbf16, #tpu.memory_space<vmem>>, vector<32xbf16>,
        %mul3A_754 = arith.mulf %get3A_753, %pack3A_748 : vector<32xbf16>
        %add3A_755 = arith.constant 12 : i32
        %add3A_756 = arith.addi %add3A_423, %add3A_755 : i32
        %swap3A_757 = arith.index_cast %add3A_756 : i32 to index
        %swap3A_758 = arith.constant 0 : index
        %swap3A_759 = tpu.vector_load %arg7[%swap3A_757, %swap3A_758] {strides = array<i32>} : memref<384x64xbf16, #tpu.memory_space<vmem>>, vector<32xbf16>,
        tpu.vector_store %arg7[%swap3A_757, %swap3A_758], %mul3A_754 {strides = array<i32>} : memref<384x64xbf16, #tpu.memory_space<vmem>>, vector<32xbf16>,
        %add3A_760 = arith.constant 12 : i32
        %add3A_761 = arith.addi %add3A_423, %add3A_760 : i32
        %get3A_762 = arith.index_cast %add3A_761 : i32 to index
        %get3A_763 = arith.constant 32 : index
        %get3A_764 = tpu.vector_load %arg6[%get3A_762, %get3A_763] {strides = array<i32>} : memref<384x64xbf16, #tpu.memory_space<vmem>>, vector<32xbf16>,
        %mul3A_765 = arith.mulf %get3A_764, %pack3A_748 : vector<32xbf16>
        %add3A_766 = arith.constant 12 : i32
        %add3A_767 = arith.addi %add3A_423, %add3A_766 : i32
        %swap3A_768 = arith.index_cast %add3A_767 : i32 to index
        %swap3A_769 = arith.constant 32 : index
        %swap3A_770 = tpu.vector_load %arg7[%swap3A_768, %swap3A_769] {strides = array<i32>} : memref<384x64xbf16, #tpu.memory_space<vmem>>, vector<32xbf16>,
        tpu.vector_store %arg7[%swap3A_768, %swap3A_769], %mul3A_765 {strides = array<i32>} : memref<384x64xbf16, #tpu.memory_space<vmem>>, vector<32xbf16>,
        %broadcast_in_dim3A_771 = arith.constant 13 : i32
        %broadcast_in_dim3A_772 = vector.broadcast %broadcast_in_dim3A_771 : i32 to vector<16x1xi32>
        %gather3A_773 = vector.shape_cast %broadcast_in_dim3A_772 : vector<16x1xi32> to vector<16xi32>
        %gather3A_774 = tpu.dynamic_gather %bitcast3A[%gather3A_773] in [0] : vector<16xf32>, vector<16xi32> -> vector<16xf32>
        %pack3A_775 = tpu.pack_subelements %gather3A_774, %gather3A_774 {pack_format = #tpu.pack_format<interleaved>, positions = array<i32: 0, 1>} : vector<16xf32>, vector<16xf32> -> vector<32xbf16>
        %add3A_776 = arith.constant 13 : i32
        %add3A_777 = arith.addi %add3A_423, %add3A_776 : i32
        %get3A_778 = arith.index_cast %add3A_777 : i32 to index
        %get3A_779 = arith.constant 0 : index
        %get3A_780 = tpu.vector_load %arg6[%get3A_778, %get3A_779] {strides = array<i32>} : memref<384x64xbf16, #tpu.memory_space<vmem>>, vector<32xbf16>,
        %mul3A_781 = arith.mulf %get3A_780, %pack3A_775 : vector<32xbf16>
        %add3A_782 = arith.constant 13 : i32
        %add3A_783 = arith.addi %add3A_423, %add3A_782 : i32
        %swap3A_784 = arith.index_cast %add3A_783 : i32 to index
        %swap3A_785 = arith.constant 0 : index
        %swap3A_786 = tpu.vector_load %arg7[%swap3A_784, %swap3A_785] {strides = array<i32>} : memref<384x64xbf16, #tpu.memory_space<vmem>>, vector<32xbf16>,
        tpu.vector_store %arg7[%swap3A_784, %swap3A_785], %mul3A_781 {strides = array<i32>} : memref<384x64xbf16, #tpu.memory_space<vmem>>, vector<32xbf16>,
        %add3A_787 = arith.constant 13 : i32
        %add3A_788 = arith.addi %add3A_423, %add3A_787 : i32
        %get3A_789 = arith.index_cast %add3A_788 : i32 to index
        %get3A_790 = arith.constant 32 : index
        %get3A_791 = tpu.vector_load %arg6[%get3A_789, %get3A_790] {strides = array<i32>} : memref<384x64xbf16, #tpu.memory_space<vmem>>, vector<32xbf16>,
        %mul3A_792 = arith.mulf %get3A_791, %pack3A_775 : vector<32xbf16>
        %add3A_793 = arith.constant 13 : i32
        %add3A_794 = arith.addi %add3A_423, %add3A_793 : i32
        %swap3A_795 = arith.index_cast %add3A_794 : i32 to index
        %swap3A_796 = arith.constant 32 : index
        %swap3A_797 = tpu.vector_load %arg7[%swap3A_795, %swap3A_796] {strides = array<i32>} : memref<384x64xbf16, #tpu.memory_space<vmem>>, vector<32xbf16>,
        tpu.vector_store %arg7[%swap3A_795, %swap3A_796], %mul3A_792 {strides = array<i32>} : memref<384x64xbf16, #tpu.memory_space<vmem>>, vector<32xbf16>,
        %broadcast_in_dim3A_798 = arith.constant 14 : i32
        %broadcast_in_dim3A_799 = vector.broadcast %broadcast_in_dim3A_798 : i32 to vector<16x1xi32>
        %gather3A_800 = vector.shape_cast %broadcast_in_dim3A_799 : vector<16x1xi32> to vector<16xi32>
        %gather3A_801 = tpu.dynamic_gather %bitcast3A[%gather3A_800] in [0] : vector<16xf32>, vector<16xi32> -> vector<16xf32>
        %pack3A_802 = tpu.pack_subelements %gather3A_801, %gather3A_801 {pack_format = #tpu.pack_format<interleaved>, positions = array<i32: 0, 1>} : vector<16xf32>, vector<16xf32> -> vector<32xbf16>
        %add3A_803 = arith.constant 14 : i32
        %add3A_804 = arith.addi %add3A_423, %add3A_803 : i32
        %get3A_805 = arith.index_cast %add3A_804 : i32 to index
        %get3A_806 = arith.constant 0 : index
        %get3A_807 = tpu.vector_load %arg6[%get3A_805, %get3A_806] {strides = array<i32>} : memref<384x64xbf16, #tpu.memory_space<vmem>>, vector<32xbf16>,
        %mul3A_808 = arith.mulf %get3A_807, %pack3A_802 : vector<32xbf16>
        %add3A_809 = arith.constant 14 : i32
        %add3A_810 = arith.addi %add3A_423, %add3A_809 : i32
        %swap3A_811 = arith.index_cast %add3A_810 : i32 to index
        %swap3A_812 = arith.constant 0 : index
        %swap3A_813 = tpu.vector_load %arg7[%swap3A_811, %swap3A_812] {strides = array<i32>} : memref<384x64xbf16, #tpu.memory_space<vmem>>, vector<32xbf16>,
        tpu.vector_store %arg7[%swap3A_811, %swap3A_812], %mul3A_808 {strides = array<i32>} : memref<384x64xbf16, #tpu.memory_space<vmem>>, vector<32xbf16>,
        %add3A_814 = arith.constant 14 : i32
        %add3A_815 = arith.addi %add3A_423, %add3A_814 : i32
        %get3A_816 = arith.index_cast %add3A_815 : i32 to index
        %get3A_817 = arith.constant 32 : index
        %get3A_818 = tpu.vector_load %arg6[%get3A_816, %get3A_817] {strides = array<i32>} : memref<384x64xbf16, #tpu.memory_space<vmem>>, vector<32xbf16>,
        %mul3A_819 = arith.mulf %get3A_818, %pack3A_802 : vector<32xbf16>
        %add3A_820 = arith.constant 14 : i32
        %add3A_821 = arith.addi %add3A_423, %add3A_820 : i32
        %swap3A_822 = arith.index_cast %add3A_821 : i32 to index
        %swap3A_823 = arith.constant 32 : index
        %swap3A_824 = tpu.vector_load %arg7[%swap3A_822, %swap3A_823] {strides = array<i32>} : memref<384x64xbf16, #tpu.memory_space<vmem>>, vector<32xbf16>,
        tpu.vector_store %arg7[%swap3A_822, %swap3A_823], %mul3A_819 {strides = array<i32>} : memref<384x64xbf16, #tpu.memory_space<vmem>>, vector<32xbf16>,
        %broadcast_in_dim3A_825 = arith.constant 15 : i32
        %broadcast_in_dim3A_826 = vector.broadcast %broadcast_in_dim3A_825 : i32 to vector<16x1xi32>
        %gather3A_827 = vector.shape_cast %broadcast_in_dim3A_826 : vector<16x1xi32> to vector<16xi32>
        %gather3A_828 = tpu.dynamic_gather %bitcast3A[%gather3A_827] in [0] : vector<16xf32>, vector<16xi32> -> vector<16xf32>
        %pack3A_829 = tpu.pack_subelements %gather3A_828, %gather3A_828 {pack_format = #tpu.pack_format<interleaved>, positions = array<i32: 0, 1>} : vector<16xf32>, vector<16xf32> -> vector<32xbf16>
        %add3A_830 = arith.constant 15 : i32
        %add3A_831 = arith.addi %add3A_423, %add3A_830 : i32
        %get3A_832 = arith.index_cast %add3A_831 : i32 to index
        %get3A_833 = arith.constant 0 : index
        %get3A_834 = tpu.vector_load %arg6[%get3A_832, %get3A_833] {strides = array<i32>} : memref<384x64xbf16, #tpu.memory_space<vmem>>, vector<32xbf16>,
        %mul3A_835 = arith.mulf %get3A_834, %pack3A_829 : vector<32xbf16>
        %add3A_836 = arith.constant 15 : i32
        %add3A_837 = arith.addi %add3A_423, %add3A_836 : i32
        %swap3A_838 = arith.index_cast %add3A_837 : i32 to index
        %swap3A_839 = arith.constant 0 : index
        %swap3A_840 = tpu.vector_load %arg7[%swap3A_838, %swap3A_839] {strides = array<i32>} : memref<384x64xbf16, #tpu.memory_space<vmem>>, vector<32xbf16>,
        tpu.vector_store %arg7[%swap3A_838, %swap3A_839], %mul3A_835 {strides = array<i32>} : memref<384x64xbf16, #tpu.memory_space<vmem>>, vector<32xbf16>,
        %add3A_841 = arith.constant 15 : i32
        %add3A_842 = arith.addi %add3A_423, %add3A_841 : i32
        %get3A_843 = arith.index_cast %add3A_842 : i32 to index
        %get3A_844 = arith.constant 32 : index
        %get3A_845 = tpu.vector_load %arg6[%get3A_843, %get3A_844] {strides = array<i32>} : memref<384x64xbf16, #tpu.memory_space<vmem>>, vector<32xbf16>,
        %mul3A_846 = arith.mulf %get3A_845, %pack3A_829 : vector<32xbf16>
        %add3A_847 = arith.constant 15 : i32
        %add3A_848 = arith.addi %add3A_423, %add3A_847 : i32
        %swap3A_849 = arith.index_cast %add3A_848 : i32 to index
        %swap3A_850 = arith.constant 32 : index
        %swap3A_851 = tpu.vector_load %arg7[%swap3A_849, %swap3A_850] {strides = array<i32>} : memref<384x64xbf16, #tpu.memory_space<vmem>>, vector<32xbf16>,
        tpu.vector_store %arg7[%swap3A_849, %swap3A_850], %mul3A_846 {strides = array<i32>} : memref<384x64xbf16, #tpu.memory_space<vmem>>, vector<32xbf16>,
      }
      %scan3A_399 = arith.constant 8 : i32
      %dma_start3A_400 = arith.constant 16 : i32
      %dma_start3A_401 = arith.constant 256 : i32
      %dma_start3A_402 = arith.constant 0 : i32
      %dma_start3A_403 = tpu.memref_slice %arg7[%dma_start3A_401, %dma_start3A_402] : memref<384x64xbf16, #tpu.memory_space<vmem>> -> memref<128x64xbf16, #tpu.memory_space<vmem>>
      %dma_start3A_404 = arith.constant 0 : i32
      %dma_start3A_405 = tpu.memref_slice %arg5[%dma_start3A_400, %dma_start3A_404] : memref<18x128xi32, #tpu.memory_space<vmem>> -> memref<1x128xi32, #tpu.memory_space<vmem>>
      %dma_start3A_406 = tpu.memref_squeeze %dma_start3A_405 : memref<1x128xi32, #tpu.memory_space<vmem>> -> memref<128xi32, #tpu.memory_space<vmem>>
      %dma_start3A_407 = arith.constant 0 : i32
      %dma_start3A_408 = arith.constant 0 : i32
      %dma_start3A_409 = tpu.memref_slice %arg9[%dma_start3A_407, %dma_start3A_408] : memref<10000x64xbf16, #tpu.memory_space<vmem_shared>> -> memref<10000x64xbf16, #tpu.memory_space<vmem_shared>>
      tpu.enqueue_indirect_dma source(%dma_start3A_403 : memref<128x64xbf16, #tpu.memory_space<vmem>>) target(%dma_start3A_409 : memref<10000x64xbf16, #tpu.memory_space<vmem_shared>>) offsets(%dma_start3A_406 : memref<128xi32, #tpu.memory_space<vmem>>) semaphore(%arg16 : memref<!tpu.dma_semaphore, #tpu.memory_space<semaphore_mem>>) {add = true}
    }
    %scan3A_97 = arith.constant 27 : i32
    %dma_wait3A_98 = arith.constant 13 : i32
    %dma_wait3A_99 = arith.constant 128 : i32
    %dma_wait3A_100 = arith.constant 0 : i32
    %dma_wait3A_101 = tpu.memref_slice %arg7[%dma_wait3A_99, %dma_wait3A_100] : memref<384x64xbf16, #tpu.memory_space<vmem>> -> memref<128x64xbf16, #tpu.memory_space<vmem>>
    %dma_wait3A_102 = arith.constant 0 : i32
    %dma_wait3A_103 = tpu.memref_slice %arg5[%dma_wait3A_98, %dma_wait3A_102] : memref<18x128xi32, #tpu.memory_space<vmem>> -> memref<1x128xi32, #tpu.memory_space<vmem>>
    %dma_wait3A_104 = tpu.memref_squeeze %dma_wait3A_103 : memref<1x128xi32, #tpu.memory_space<vmem>> -> memref<128xi32, #tpu.memory_space<vmem>>
    %dma_wait3A_105 = arith.constant 0 : i32
    %dma_wait3A_106 = arith.constant 0 : i32
    %dma_wait3A_107 = tpu.memref_slice %arg9[%dma_wait3A_105, %dma_wait3A_106] : memref<10000x64xbf16, #tpu.memory_space<vmem_shared>> -> memref<10000x64xbf16, #tpu.memory_space<vmem_shared>>
    tpu.wait_indirect_dma semaphore(%arg15 : memref<!tpu.dma_semaphore, #tpu.memory_space<semaphore_mem>>) src(%dma_wait3A_101 : memref<128x64xbf16, #tpu.memory_space<vmem>>) dst(%dma_wait3A_107 : memref<10000x64xbf16, #tpu.memory_space<vmem_shared>>)
    %dma_wait3A_108 = arith.constant 16 : i32
    %dma_wait3A_109 = arith.constant 256 : i32
    %dma_wait3A_110 = arith.constant 0 : i32
    %dma_wait3A_111 = tpu.memref_slice %arg7[%dma_wait3A_109, %dma_wait3A_110] : memref<384x64xbf16, #tpu.memory_space<vmem>> -> memref<128x64xbf16, #tpu.memory_space<vmem>>
    %dma_wait3A_112 = arith.constant 0 : i32
    %dma_wait3A_113 = tpu.memref_slice %arg5[%dma_wait3A_108, %dma_wait3A_112] : memref<18x128xi32, #tpu.memory_space<vmem>> -> memref<1x128xi32, #tpu.memory_space<vmem>>
    %dma_wait3A_114 = tpu.memref_squeeze %dma_wait3A_113 : memref<1x128xi32, #tpu.memory_space<vmem>> -> memref<128xi32, #tpu.memory_space<vmem>>
    %dma_wait3A_115 = arith.constant 0 : i32
    %dma_wait3A_116 = arith.constant 0 : i32
    %dma_wait3A_117 = tpu.memref_slice %arg9[%dma_wait3A_115, %dma_wait3A_116] : memref<10000x64xbf16, #tpu.memory_space<vmem_shared>> -> memref<10000x64xbf16, #tpu.memory_space<vmem_shared>>
    tpu.wait_indirect_dma semaphore(%arg16 : memref<!tpu.dma_semaphore, #tpu.memory_space<semaphore_mem>>) src(%dma_wait3A_111 : memref<128x64xbf16, #tpu.memory_space<vmem>>) dst(%dma_wait3A_117 : memref<10000x64xbf16, #tpu.memory_space<vmem_shared>>)
    %barrier3A_118 = arith.constant 0 : index
    tpu.barrier barrier_id(%barrier3A_118)
    %mul3A_119 = arith.constant 625 : i32
    %mul3A_120 = arith.muli %arg1, %mul3A_119 : i32
    "tpu.region"() ({
      %run_scoped3A = tpu.sem_alloc : memref<!tpu.dma_semaphore, #tpu.memory_space<semaphore_mem>>
      %dma_start3A_121 = arith.constant 0 : i32
      %dma_start3A_122 = tpu.memref_slice %arg4[%arg0, %mul3A_120, %dma_start3A_121] : memref<2x10000x64xbf16, #tpu.memory_space<hbm>> -> memref<1x625x64xbf16, #tpu.memory_space<hbm>>
      %dma_start3A_123 = tpu.memref_squeeze %dma_start3A_122 : memref<1x625x64xbf16, #tpu.memory_space<hbm>> -> memref<625x64xbf16, #tpu.memory_space<hbm>>
      %dma_start3A_124 = arith.constant 0 : i32
      %dma_start3A_125 = tpu.memref_slice %arg9[%mul3A_120, %dma_start3A_124] : memref<10000x64xbf16, #tpu.memory_space<vmem_shared>> -> memref<625x64xbf16, #tpu.memory_space<vmem_shared>>
      tpu.enqueue_dma source(%dma_start3A_125 : memref<625x64xbf16, #tpu.memory_space<vmem_shared>>) target(%dma_start3A_123 : memref<625x64xbf16, #tpu.memory_space<hbm>>) target_semaphore(%run_scoped3A : memref<!tpu.dma_semaphore, #tpu.memory_space<semaphore_mem>>)
      %dma_wait3A_126 = arith.constant 0 : i32
      %dma_wait3A_127 = tpu.memref_slice %arg4[%arg0, %mul3A_120, %dma_wait3A_126] : memref<2x10000x64xbf16, #tpu.memory_space<hbm>> -> memref<1x625x64xbf16, #tpu.memory_space<hbm>>
      %dma_wait3A_128 = tpu.memref_squeeze %dma_wait3A_127 : memref<1x625x64xbf16, #tpu.memory_space<hbm>> -> memref<625x64xbf16, #tpu.memory_space<hbm>>
      %dma_wait3A_129 = arith.constant 0 : i32
      %dma_wait3A_130 = tpu.memref_slice %arg9[%mul3A_120, %dma_wait3A_129] : memref<10000x64xbf16, #tpu.memory_space<vmem_shared>> -> memref<625x64xbf16, #tpu.memory_space<vmem_shared>>
      tpu.wait_dma2 semaphore(%run_scoped3A : memref<!tpu.dma_semaphore, #tpu.memory_space<semaphore_mem>>) src(%dma_wait3A_130 : memref<625x64xbf16, #tpu.memory_space<vmem_shared>>) dst(%dma_wait3A_128 : memref<625x64xbf16, #tpu.memory_space<hbm>>)
      tpu.yield
    }) : () -> ()
    return
  }
}

module attributes {stable_mosaic.version = 14 : i64} {
  func.func @_matmul_body(%arg0: i32, %arg1: memref<2000x128xf32, #tpu.memory_space<vmem>>, %arg2: memref<128x128xf32, #tpu.memory_space<vmem>>, %arg3: memref<1x128xf32, #tpu.memory_space<vmem>>, %arg4: memref<2x2000x64xbf16, #tpu.memory_space<vmem>>) attributes {dimension_semantics = [#tpu.dimension_semantics<arbitrary>], iteration_bounds = array<i64: 5>, scalar_prefetch = 0 : i64, scratch_operands = 0 : i64, tpu.core_type = #tpu.core_type<tc>, window_params = [{transform_indices = @transform_0, window_bounds = array<i64: 2000, 128>}, {pipeline_mode = #tpu.pipeline_mode<synchronous>, transform_indices = @transform_1, window_bounds = array<i64: 128, 128>}, {pipeline_mode = #tpu.pipeline_mode<synchronous>, transform_indices = @transform_2, window_bounds = array<i64: 1, 128>}, {transform_indices = @transform_3, window_bounds = array<i64: 2, 2000, 64>}]} {
    %get3A = arith.constant 0 : index
    %get3A_0 = arith.constant 0 : index
    %get3A_1 = vector.load %arg1[%get3A, %get3A_0] : memref<2000x128xf32, #tpu.memory_space<vmem>>, vector<2000x128xf32>
    %get3A_2 = arith.constant 0 : index
    %get3A_3 = arith.constant 0 : index
    %get3A_4 = vector.load %arg2[%get3A_2, %get3A_3] : memref<128x128xf32, #tpu.memory_space<vmem>>, vector<128x128xf32>
    %dot_general3A = arith.constant dense<0.000000e+00> : vector<2000x128xf32>
    %dot_general3A_5 = tpu.matmul %get3A_1, %get3A_4, %dot_general3A {dimension_numbers = #tpu.dot_dimension_numbers<[1], [0], [0], [1], [0, 0, 1, 1], [], []>, transpose_lhs_hint = false} : vector<2000x128xf32>, vector<128x128xf32>, vector<2000x128xf32> -> vector<2000x128xf32>
    %get3A_6 = arith.constant 0 : index
    %get3A_7 = arith.constant 0 : index
    %get3A_8 = vector.load %arg3[%get3A_6, %get3A_7] : memref<1x128xf32, #tpu.memory_space<vmem>>, vector<1x128xf32>
    %add3A = vector.broadcast %get3A_8 : vector<1x128xf32> to vector<2000x128xf32>
    %add3A_9 = arith.addf %dot_general3A_5, %add3A : vector<2000x128xf32>
    %slice3A = vector.extract_strided_slice %add3A_9 {offsets = [0, 0], sizes = [2000, 64], strides = [1, 1]} : vector<2000x128xf32> to vector<2000x64xf32>
    %convert_element_type3A = arith.truncf %slice3A : vector<2000x64xf32> to vector<2000x64xbf16>
    %swap3A = arith.constant 0 : index
    %swap3A_10 = arith.constant 0 : index
    %swap3A_11 = arith.constant 0 : index
    %swap3A_12 = vector.load %arg4[%swap3A, %swap3A_10, %swap3A_11] : memref<2x2000x64xbf16, #tpu.memory_space<vmem>>, vector<1x2000x64xbf16>
    %swap3A_13 = vector.shape_cast %swap3A_12 : vector<1x2000x64xbf16> to vector<2000x64xbf16>
    %swap3A_14 = vector.shape_cast %convert_element_type3A : vector<2000x64xbf16> to vector<1x2000x64xbf16>
    tpu.vector_store %arg4[%swap3A, %swap3A_10, %swap3A_11], %swap3A_14 {strides = array<i32>} : memref<2x2000x64xbf16, #tpu.memory_space<vmem>>, vector<1x2000x64xbf16>,
    %slice3A_15 = vector.extract_strided_slice %add3A_9 {offsets = [0, 64], sizes = [2000, 64], strides = [1, 1]} : vector<2000x128xf32> to vector<2000x64xf32>
    %convert_element_type3A_16 = arith.truncf %slice3A_15 : vector<2000x64xf32> to vector<2000x64xbf16>
    %swap3A_17 = arith.constant 1 : index
    %swap3A_18 = arith.constant 0 : index
    %swap3A_19 = arith.constant 0 : index
    %swap3A_20 = vector.load %arg4[%swap3A_17, %swap3A_18, %swap3A_19] : memref<2x2000x64xbf16, #tpu.memory_space<vmem>>, vector<1x2000x64xbf16>
    %swap3A_21 = vector.shape_cast %swap3A_20 : vector<1x2000x64xbf16> to vector<2000x64xbf16>
    %swap3A_22 = vector.shape_cast %convert_element_type3A_16 : vector<2000x64xbf16> to vector<1x2000x64xbf16>
    tpu.vector_store %arg4[%swap3A_17, %swap3A_18, %swap3A_19], %swap3A_22 {strides = array<i32>} : memref<2x2000x64xbf16, #tpu.memory_space<vmem>>, vector<1x2000x64xbf16>,
    return
  }
  func.func @transform_0(%arg0: i32) -> (i32, i32) {
    %c0_i32 = arith.constant 0 : i32
    %c0_i32_0 = arith.constant 0 : i32
    return %arg0, %c0_i32 : i32, i32
  }
  func.func @transform_1(%arg0: i32) -> (i32, i32) {
    %c0_i32 = arith.constant 0 : i32
    %c0_i32_0 = arith.constant 0 : i32
    %c0_i32_1 = arith.constant 0 : i32
    return %c0_i32, %c0_i32_0 : i32, i32
  }
  func.func @transform_2(%arg0: i32) -> (i32, i32) {
    %c0_i32 = arith.constant 0 : i32
    %c0_i32_0 = arith.constant 0 : i32
    %c0_i32_1 = arith.constant 0 : i32
    return %c0_i32, %c0_i32_0 : i32, i32
  }
  func.func @transform_3(%arg0: i32) -> (i32, i32, i32) {
    %c0_i32 = arith.constant 0 : i32
    %c0_i32_0 = arith.constant 0 : i32
    %c0_i32_1 = arith.constant 0 : i32
    return %c0_i32, %arg0, %c0_i32_0 : i32, i32, i32
  }
}

module attributes {stable_mosaic.version = 14 : i64} {
  func.func @_cat_body(%arg0: i32, %arg1: memref<2x2000x64xbf16, #tpu.memory_space<vmem>>, %arg2: memref<64x64xbf16, #tpu.memory_space<vmem>>, %arg3: memref<2000x128xf32, #tpu.memory_space<vmem>>) attributes {dimension_semantics = [#tpu.dimension_semantics<arbitrary>], iteration_bounds = array<i64: 5>, scalar_prefetch = 0 : i64, scratch_operands = 0 : i64, tpu.core_type = #tpu.core_type<tc>, window_params = [{transform_indices = @transform_0, window_bounds = array<i64: 2, 2000, 64>}, {pipeline_mode = #tpu.pipeline_mode<synchronous>, transform_indices = @transform_1, window_bounds = array<i64: 64, 64>}, {transform_indices = @transform_2, window_bounds = array<i64: 2000, 128>}]} {
    %get3A = arith.constant 0 : index
    %get3A_0 = arith.constant 0 : index
    %get3A_1 = arith.constant 0 : index
    %get3A_2 = vector.load %arg1[%get3A, %get3A_0, %get3A_1] : memref<2x2000x64xbf16, #tpu.memory_space<vmem>>, vector<1x2000x64xbf16>
    %get3A_3 = vector.shape_cast %get3A_2 : vector<1x2000x64xbf16> to vector<2000x64xbf16>
    %get3A_4 = arith.constant 0 : index
    %get3A_5 = arith.constant 0 : index
    %get3A_6 = vector.load %arg2[%get3A_4, %get3A_5] : memref<64x64xbf16, #tpu.memory_space<vmem>>, vector<64x64xbf16>
    %dot_general3A = arith.constant dense<0.000000e+00> : vector<2000x64xf32>
    %dot_general3A_7 = tpu.matmul %get3A_3, %get3A_6, %dot_general3A {dimension_numbers = #tpu.dot_dimension_numbers<[1], [0], [0], [1], [0, 0, 1, 1], [], []>, transpose_lhs_hint = false} : vector<2000x64xbf16>, vector<64x64xbf16>, vector<2000x64xf32> -> vector<2000x64xf32>
    %swap3A = arith.constant 0 : index
    %swap3A_8 = arith.constant 0 : index
    %swap3A_9 = vector.load %arg3[%swap3A, %swap3A_8] : memref<2000x128xf32, #tpu.memory_space<vmem>>, vector<2000x64xf32>
    tpu.vector_store %arg3[%swap3A, %swap3A_8], %dot_general3A_7 {strides = array<i32>} : memref<2000x128xf32, #tpu.memory_space<vmem>>, vector<2000x64xf32>,
    %get3A_10 = arith.constant 1 : index
    %get3A_11 = arith.constant 0 : index
    %get3A_12 = arith.constant 0 : index
    %get3A_13 = vector.load %arg1[%get3A_10, %get3A_11, %get3A_12] : memref<2x2000x64xbf16, #tpu.memory_space<vmem>>, vector<1x2000x64xbf16>
    %get3A_14 = vector.shape_cast %get3A_13 : vector<1x2000x64xbf16> to vector<2000x64xbf16>
    %get3A_15 = arith.constant 0 : index
    %get3A_16 = arith.constant 0 : index
    %get3A_17 = vector.load %arg2[%get3A_15, %get3A_16] : memref<64x64xbf16, #tpu.memory_space<vmem>>, vector<64x64xbf16>
    %dot_general3A_18 = arith.constant dense<0.000000e+00> : vector<2000x64xf32>
    %dot_general3A_19 = tpu.matmul %get3A_14, %get3A_17, %dot_general3A_18 {dimension_numbers = #tpu.dot_dimension_numbers<[1], [0], [0], [1], [0, 0, 1, 1], [], []>, transpose_lhs_hint = false} : vector<2000x64xbf16>, vector<64x64xbf16>, vector<2000x64xf32> -> vector<2000x64xf32>
    %swap3A_20 = arith.constant 0 : index
    %swap3A_21 = arith.constant 64 : index
    %swap3A_22 = vector.load %arg3[%swap3A_20, %swap3A_21] : memref<2000x128xf32, #tpu.memory_space<vmem>>, vector<2000x64xf32>
    tpu.vector_store %arg3[%swap3A_20, %swap3A_21], %dot_general3A_19 {strides = array<i32>} : memref<2000x128xf32, #tpu.memory_space<vmem>>, vector<2000x64xf32>,
    return
  }
  func.func @transform_0(%arg0: i32) -> (i32, i32, i32) {
    %c0_i32 = arith.constant 0 : i32
    %c0_i32_0 = arith.constant 0 : i32
    %c0_i32_1 = arith.constant 0 : i32
    return %c0_i32, %arg0, %c0_i32_0 : i32, i32, i32
  }
  func.func @transform_1(%arg0: i32) -> (i32, i32) {
    %c0_i32 = arith.constant 0 : i32
    %c0_i32_0 = arith.constant 0 : i32
    %c0_i32_1 = arith.constant 0 : i32
    return %c0_i32, %c0_i32_0 : i32, i32
  }
  func.func @transform_2(%arg0: i32) -> (i32, i32) {
    %c0_i32 = arith.constant 0 : i32
    %c0_i32_0 = arith.constant 0 : i32
    return %arg0, %c0_i32 : i32, i32
  }
}

</mosaic_0001>

<sc_bundles>
// kernel: kernel.5.cloned.1.call-start
scs
__scs_entry_jumppad:
0x0: {  	(pc) =	sbr.rel $0x88, $3  }
0x1: {  	(tag) =	ssettag $0x0;
	lr =	simm.s32 $0x1  }
0x2: {  	[smem:$0x3F9C] =	sst lr;
	_ =	strace $0xD0000000  }
0x3: {  	_ = 	snop  }
0x4: {  	_ = 	snop  }
0x5: {  	_ = 	snop  }
0x6: {  	_ = 	snop  }
0x7: {  	_ = 	snop  }
__scs_overlays_trampoline_lowered:
0x8: {  	[smem:$0x3FAB] =	sst s0  }
0x9: {  	[smem:$0x3FAC] =	sst s1  }
0xa: {  	[smem:$0x3FAD] =	sst s2  }
0xb: {  	[smem:$0x3FAE] =	sst s3  }
0xc: {  	[smem:$0x3FAF] =	sst s4  }
0xd: {  	[smem:$0x3FB0] =	sst s5  }
0xe: {  	[smem:$0x3FB1] =	sst s6  }
0xf: {  	[smem:$0x3FB2] =	sst s7  }
0x10: {  	[smem:$0x3FB3] =	sst s8  }
0x11: {  	[smem:$0x3FB4] =	sst s9;
	s0 =	simm.s32 @!p0 $0x0  }
0x12: {  	s1 =	sld [smem:$0x3F9A];
	s0 =	simm.s32 @p0 $0x1  }
0x13: {  	[smem:$0x3FB5] =	sst s0;
	s0 =	simm.s32 @!p1 $0x0  }
0x14: {  	s2 =	sld [smem:$0x3F99];
	s0 =	simm.s32 @p1 $0x1  }
0x15: {  	[smem:$0x3FB6] =	sst s0;
	s0 =	simm.s32 @!p2 $0x0  }
0x16: {  	s3 =	sld [smem:$0x3FDB];
	s0 =	simm.s32 @p2 $0x1  }
0x17: {  	s4 =	simm.s32 $0x1BF5;
	[smem:$0x3FB8] =	sst s0  }
0x18: {  	s0 =	sld [smem:$0x3F9B];
	_ =	swait.ge [sflag:s4], $0x0  }
0x19: {  	s7 =	sld [smem:$0x3F9C]  }
0x1a: {  	s8 =	sadd.s32 $0xFFFFE003, lr  }
0x1b: {  	s9 =	sadd.s32 $0xFFFFFEF7, lr;
	s5 =	simm.s32 $0xFFFFFFFF;
	p2 =	slt.u32 s8, $0xFFFFF086  }
0x1c: {  	p1 =	slt.u32 s9, $0xF7A;
	s5 =	simm.s32 @!p2 $0x0  }
0x1d: {  	s5 =	simm.s32 @p1 $0x1;
	p0 =	seq.s32 s7, s2  }
0x1e: {  	s7 =	smul.u32 @!p0 $0xF7A, s2;
	p2 =	seq.s32 @!p0 s5, $0x0  }
0x1f: {  	s9 =	smul.u32 $0xF7A, s1;
	s8 =	simm.s32 @!p0 $0x1BF5;
	p2 =	por !p2, p0  }
0x20: {  	[sflag:s8] =	ssyncset.s32 @!p0 $0xFFFFF086;
	s6 =	sadd.s32 @!p0 s3, s7;
	s7 =	simm.s32 @!p0 $0x108  }
0x21: {  	s3 =	sadd.s32 s3, s9;
	s6 =	sadd.s32 @!p0 $0x88, s6;
	s7 =	simm.s32 @p2 $0x1082  }
0x22: {  	[simem:s7], [sflag:s8] =	dma.local @!p0 [hbm:s6], $0xF7A  }
0x23: {  	s9 =	sor.u32 $0xD0000000, s2;
	s6 =	simm.s32 $0x108;
	_ =	swait.ge @!p0 [sflag:s8], $0x0  }
0x24: {  	s3 =	sadd.s32 $0x88, s3;
	s6 =	simm.s32 @!p1 $0x1082;
	[sflag:s4] =	ssyncset.s32 $0xFFFFF086  }
0x25: {  	[simem:s6], [sflag:s4] =	dma.local [hbm:s3], $0xF7A  }
0x26: {  	[smem:$0x3F9C] =	sst s1;
	(tag) =	ssettag s2;
	_ =	strace s9  }
0x27: {  	s1 =	sld [smem:$0x3FAC]  }
0x28: {  	s2 =	sld [smem:$0x3FAD]  }
0x29: {  	s4 =	sld [smem:$0x3FAF]  }
0x2a: {  	p0 =	seq.s32 s5, $0x0;
	s5 =	sld [smem:$0x3FB0]  }
0x2b: {  	s6 =	sld [smem:$0x3FB1]  }
0x2c: {  	s7 =	sld [smem:$0x3FB2]  }
0x2d: {  	s3 =	simm.s32 $0x108;
	s8 =	sld [smem:$0x3FB3]  }
0x2e: {  	s3 =	simm.s32 @!p0 $0x1082;
	s9 =	sld [smem:$0x3FB4]  }
0x2f: {  	lr =	sadd.s32 s0, s3;
	s0 =	sld [smem:$0x3FAB]  }
0x30: {  	s3 =	sld [smem:$0x3FAE]  }
0x31: {  	[smem:$0x3FB7] =	sst s10  }
0x32: {  	s10 =	sld [smem:$0x3FB5];
	_ =	sdelay $0x3  }
0x33: {  	p0 =	seq.s32 s10, $0x1;
	s10 =	sld [smem:$0x3FB7];
	_ =	sdelay $0x3  }
0x34: {  	[smem:$0x3FB7] =	sst s10  }
0x35: {  	s10 =	sld [smem:$0x3FB6];
	_ =	sdelay $0x3  }
0x36: {  	p1 =	seq.s32 s10, $0x1;
	s10 =	sld [smem:$0x3FB7];
	_ =	sdelay $0x3  }
0x37: {  	[smem:$0x3FB7] =	sst s10  }
0x38: {  	s10 =	sld [smem:$0x3FB8]  }
0x39: {  	_ = 	snop;
	(pc) =	sbr.ind lr, $3  }
0x3a: {  	_ = 	snop  }
0x3b: {  	_ = 	snop  }
0x3c: {  	p2 =	seq.s32 s10, $0x1;
	s10 =	sld [smem:$0x3FB7]  }
0x3d: {  	_ =	shalt  }
0x3e: {  	_ =	shalt  }
0x3f: {  	_ =	shalt  }
0x40: {  	_ =	shalt  }
0x41: {  	_ =	shalt  }
0x42: {  	_ =	shalt  }
0x43: {  	_ =	shalt  }
0x44: {  	_ =	shalt  }
0x45: {  	_ =	shalt  }
0x46: {  	_ =	shalt  }
0x47: {  	_ =	shalt  }
0x48: {  	_ =	shalt  }
0x49: {  	_ =	shalt  }
0x4a: {  	_ =	shalt  }
0x4b: {  	_ =	shalt  }
0x4c: {  	_ =	shalt  }
0x4d: {  	_ =	shalt  }
0x4e: {  	_ =	shalt  }
0x4f: {  	_ =	shalt  }
0x50: {  	_ =	shalt  }
0x51: {  	_ =	shalt  }
0x52: {  	_ =	shalt  }
0x53: {  	_ =	shalt  }
0x54: {  	_ =	shalt  }
0x55: {  	_ =	shalt  }
0x56: {  	_ =	shalt  }
0x57: {  	_ =	shalt  }
0x58: {  	_ =	shalt  }
0x59: {  	_ =	shalt  }
0x5a: {  	_ =	shalt  }
0x5b: {  	_ =	shalt  }
0x5c: {  	_ =	shalt  }
0x5d: {  	_ =	shalt  }
0x5e: {  	_ =	shalt  }
0x5f: {  	_ =	shalt  }
0x60: {  	_ =	shalt  }
0x61: {  	_ =	shalt  }
0x62: {  	_ =	shalt  }
0x63: {  	_ =	shalt  }
0x64: {  	_ =	shalt  }
0x65: {  	_ =	shalt  }
0x66: {  	_ =	shalt  }
0x67: {  	_ =	shalt  }
0x68: {  	_ =	shalt  }
0x69: {  	_ =	shalt  }
0x6a: {  	_ =	shalt  }
0x6b: {  	_ =	shalt  }
0x6c: {  	_ =	shalt  }
0x6d: {  	_ =	shalt  }
0x6e: {  	_ =	shalt  }
0x6f: {  	_ =	shalt  }
0x70: {  	_ =	shalt  }
0x71: {  	_ =	shalt  }
0x72: {  	_ =	shalt  }
0x73: {  	_ =	shalt  }
0x74: {  	_ =	shalt  }
0x75: {  	_ =	shalt  }
0x76: {  	_ =	shalt  }
0x77: {  	_ =	shalt  }
0x78: {  	_ =	shalt  }
0x79: {  	_ =	shalt  }
0x7a: {  	_ =	shalt  }
0x7b: {  	_ =	shalt  }
0x7c: {  	_ =	shalt  }
0x7d: {  	_ =	shalt  }
0x7e: {  	_ =	shalt  }
0x7f: {  	_ =	shalt  }
0x80: {  	_ =	shalt  }
0x81: {  	_ =	shalt  }
0x82: {  	_ =	shalt  }
0x83: {  	_ =	shalt  }
0x84: {  	_ =	shalt  }
0x85: {  	_ =	shalt  }
0x86: {  	_ =	shalt  }
0x87: {  	_ =	shalt  }
.Lfunc_end0:
.L_simem_size_0:
called_computation_lowered:
.L_overlay_start_0:
0x88: {  	s2 =	sld [smem:$0x3FD9]  }
0x89: {  	s3 =	sld [smem:$0x3FFE];
	_ =	sdelay $0x1  }
0x8a: {  	s1 =	srdreg.scid  }
0x8b: {  	s0 =	sand.u32 $0x1, s1  }
0x8c: {  	s17 =	sshll.u32 s0, $0xA;
	s2 =	sadd.s32 s3, s2  }
0x8d: {  	s2 =	sadd.s32 s2, s17  }
0x8e: {  	[smem:$0x3FC3] =	sst s2  }
0x8f: {  	_ = 	snop  }
0x90: {  	s2 =	sld [smem:$0x3FD0];
	(tm) =	ssettm $0x1  }
0x91: {  	s18 =	sld [smem:$0x3FFB];
	_ =	sdelay $0x3  }
0x92: {  	_ =	strace s18  }
0x93: {  	s3 =	sld [smem:$0x3FFC];
	_ =	sdelay $0x3  }
0x94: {  	_ =	strace s3  }
0x95: {  	s3 =	sld [smem:$0x3FFD];
	_ =	sdelay $0x3  }
0x96: {  	_ =	strace s3  }
0x97: {  	_ =	strace $0x8FFFFFFF  }
0x98: {  	s19 =	sld [smem:$0x3FDB];
	_ =	sdelay $0x1  }
0x99: {  	s4 =	simm.s32 $_scs_section_size  }
0x9a: {  	s5 =	simm.s32 $_size__tile_overlayer_lowered;
	s6 =	simm.s32 $_tile_overlayer_lowered  }
0x9b: {  	s22 =	simm.s32 $0x1BFF;
	s21 =	sshll.u32 s6, $0x1;
	s3 =	sadd.s32 s4, s19  }
0x9c: {  	s7 =	simm.s32 $0x0;
	s20 =	sshll.u32 s5, $0x1;
	s5 =	sadd.s32 s21, s3  }
0x9d: {  	[timem:s7], [sflag:s22] =	dma.local [hbm:s5], s20  }
0x9e: {  	_ =	swait.ge [sflag:s22], s20  }
0x9f: {  	s4 =	ssub.s32 $0x0, s20;
	[sflag:s22] =	ssyncset.done $0x0  }
0xa0: {  	[sflag:s22] =	ssyncadd.s32 s4;
	_ =	sdelay $0x1  }
0xa1: {  	s23 =	simm.s32 $0x1B8B  }
0xa2: {  	_ =	swait.ge [sflag:s23], $0x1  }
0xa3: {  	[sflag:s23] =	ssyncset.done $0x0  }
0xa4: {  	s25 =	simm.s32 $0x1B8E;
	s24 =	sld [smem:$0x3FFE];
	[sflag:s23] =	ssyncadd.s32 $0xFFFFFFFF  }
0xa5: {  	s26 =	simm.s32 $execute0_lowered;
	[smem:$0x3FD2] =	sst s25  }
0xa6: {  	s5 =	sshll.u32 s26, $0x1;
	_ =	strace $0x80000046;
	[dreg:$0x1] =	wrdreg $0xFFFFFFFF  }
0xa7: {  	s28 =	simm.s32 $_size_execute0_lowered;
	s3 =	sadd.s32 s3, s5;
	[dreg:$0x0] =	wrdreg $0x0  }
0xa8: {  	s5 =	sshll.u32 s28, $0x1;
	[dreg:$0x2] =	wrdreg s3  }
0xa9: {  	[dreg:$0x3] =	wrdreg s5  }
0xaa: {  	[dreg:$0x4] =	wrdreg $0xC0  }
0xab: {  	_ =	task [dreg:s7], $0x5FFFF  }
0xac: {  	[dreg:$0x1] =	wrdreg $0xFFFFFFFF  }
0xad: {  	[dreg:$0x0] =	wrdreg $0x60  }
0xae: {  	[dreg:$0x2] =	wrdreg s24  }
0xaf: {  	[dreg:$0x3] =	wrdreg s2  }
0xb0: {  	[dreg:$0x4] =	wrdreg $0x73000  }
0xb1: {  	[dreg:$0x5] =	wrdreg $0xC1200  }
0xb2: {  	[dreg:$0x6] =	wrdreg $0x9  }
0xb3: {  	_ =	task.clear_ibuf [dreg:s7], $0x7FFFF;
	_ =	strace $0x90000046  }
0xb4: {  	s29 =	simm.s32 $0x9;
	_ =	strace $0x80000048  }
0xb5: {  	_ =	swait.ge [sflag:s29], $0x1  }
0xb6: {  	[sflag:s29] =	ssyncadd.s32 $0xFFFFFFFF  }
0xb7: {  	_ =	strace $0x90000048  }
0xb8: {  	_ =	sfence  }
0xb9: {  	s30 =	sld [smem:$0x0];
	_ =	sdelay $0x2  }
0xba: {  	s31 =	sshll.u32 s1, $0xD;
	s1 =	sshrl.u32 s1, $0x2  }
0xbb: {  	s3 =	sand.u32 $0x4000, s31;
	s1 =	sadd.s32 s1, s30  }
0xbc: {  	s0 =	sor.u32 s3, s0;
	s1 =	sshll.u32 s1, $0x11  }
0xbd: {  	s0 =	sor.u32 s1, s0  }
0xbe: {  	s0 =	sadd.s32 $0x8F2B, s0  }
0xbf: {  	[sflag:s0] =	ssyncadd.remote.s32 $0x1  }
0xc0: {  	_ =	sfence.sel $0xFFFF  }
0xc1: {  	[dreg:$0x0] =	wrdreg $0xFFFFFFFF;
	(pc) =	sbr.abs _section_cstart, $3  }
0xc2: {  	[dreg:$0x1] =	wrdreg $0xFFFFFFFF  }
0xc3: {  	_ =	task.clear_ibuf [dreg:s7], $0x2FFFF;
	_ =	strace $0x9FFFFFFF  }
0xc4: {  	(tm) =	ssettm $0x7FFFFFFF  }
0xc5: {  	_ =	shalt  }
tec
execute0_lowered:
.L_overlay_start_1:
0x0: {  	(tag) =	ssettag $0x1  }
0x1: {  	s0 =	rddreg [dreg:$0x0]  }
0x2: {  	s1 =	rddreg [dreg:$0x1];
	s10 =	stileid.u32  }
0x3: {  	s2 =	srdreg.scid;
	s6 =	smul.u32 $0x9C4, s10  }
0x4: {  	s3 =	rddreg [dreg:$0x2];
	s7 =	smul.u32 $0x9C40, s10  }
0x5: {  	s4 =	rddreg [dreg:$0x3];
	s23 =	smul.u32 $0x13880, s10  }
0x6: {  	s17 =	simm.s32 $0x0;
	s31 =	simm.s32 $0x80;
	s13 =	smul.u32 $0xF300, s10  }
0x7: {  	s30 =	simm.s32 $0x3;
	s28 =	simm.s32 $0x780;
	s15 =	smul.u32 $0xA2, s10  }
0x8: {  	s29 =	simm.s32 $0xC;
	s2 =	sand.u32 $0x1, s2;
	s16 =	smul.u32 $0x1E60, s10  }
0x9: {  	[smem:$0x7FF] =	sst s17;
	s10 =	simm.s32 $0x3900;
	s5 =	smul.u32 $0x9C40, s2  }
0xa: {  	s8 =	smul.u32 $0x9C400, s2;
	_ =	strace $0x80000047;
	s2 =	ssub.s32 $0x2, s2  }
0xb: {  	s24 =	sshrl.u32 s2, $0x1;
	s25 =	sshrl.u32 s7, $0x1;
	s20 =	sadd.s32 $0x2, s15  }
0xc: {  	s21 =	sadd.s32 $0x3, s15;
	s5 =	sadd.s32 s6, s5;
	s22 =	sadd.s32 s7, s8  }
0xd: {  	s8 =	sshrl.u32 s23, $0x2;
	s2 =	ssub.s32 s2, s24;
	[dreg:$0x11] =	wrdreg s20  }
0xe: {  	s19 =	sadd.s32 s25, s3;
	[dreg:$0x12] =	wrdreg s21;
	s23 =	sadd.s32 $0x5, s15  }
0xf: {  	s24 =	sadd.s32 $0x6, s15;
	s20 =	simm.s32 $0xD;
	[dreg:$0x14] =	wrdreg s23  }
0x10: {  	s5 =	sadd.s32 s5, s0;
	s6 =	sshrl.u32 s22, $0x4;
	[dreg:$0x15] =	wrdreg s24  }
0x11: {  	s26 =	sadd.s32 s8, s3;
	s22 =	sadd.s32 $0x4, s15;
	[dreg:$0x6] =	wrdreg s19  }
0x12: {  	s23 =	simm.s32 $0x4;
	s8 =	sadd.s32 $0xA00, s26;
	[dreg:$0x13] =	wrdreg s22  }
0x13: {  	s24 =	simm.s32 $0x600;
	s9 =	sadd.s32 $0x1400, s26;
	[dreg:$0x7] =	wrdreg s8  }
0x14: {  	s0 =	sadd.s32 s6, s0;
	s11 =	sadd.s32 $0x1E00, s26;
	[dreg:$0x8] =	wrdreg s9  }
0x15: {  	s12 =	sadd.s32 $0x2800, s26;
	s14 =	sadd.s32 $0x3C00, s26;
	[dreg:$0x9] =	wrdreg s11  }
0x16: {  	s7 =	sadd.s32 $0x4600, s26;
	s6 =	sadd.s32 s25, s4;
	[dreg:$0xa] =	wrdreg s12  }
0x17: {  	s5 =	sadd.s32 $0xA00, s5;
	s22 =	sadd.s32 $0x7, s15;
	[dreg:$0xc] =	wrdreg s14  }
0x18: {  	s25 =	smax.u32 s2, $0x1;
	s15 =	simm.s32 $0xB;
	[dreg:$0xd] =	wrdreg s7  }
0x19: {  	s9 =	sadd.s32 $0x3200, s26;
	s8 =	sshrl.u32 s13, $0x3;
	[dreg:$0xe] =	wrdreg s5  }
0x1a: {  	s7 =	sadd.s32 s1, s16;
	s0 =	sadd.s32 $0x14400, s0;
	[dreg:$0x17] =	wrdreg s25  }
0x1b: {  	s26 =	sshrl.u32 s6, $0x3;
	s11 =	simm.s32 $0x480;
	s12 =	simm.s32 $0x9  }
0x1c: {  	v0 =	vimm.bf16 $0.0e+00;
	v1 =	vimm.s32 $0x0;
	s13 =	simm.s32 $0x2900;
	s14 =	simm.s32 $0x2;
	[dreg:$0xb] =	wrdreg s9  }
0x1d: {  	v2 =	vimm.s32 $0x1;
	v3 =	vimm.s32 $0x2;
	v4 =	vimm.s32 $0x3;
	s16 =	simm.s32 $0x4900;
	s25 =	simm.s32 $0xA;
	[dreg:$0xf] =	wrdreg s7  }
0x1e: {  	v5 =	vimm.s32 $0x4;
	v6 =	vimm.s32 $0x5;
	v7 =	vimm.s32 $0x6;
	s6 =	simm.s32 $0x6;
	s18 =	sadd.s32 s1, s8;
	[dreg:$0x16] =	wrdreg s0  }
0x1f: {  	v8 =	vimm.s32 $0x7;
	v9 =	vimm.s32 $0x8;
	v10 =	vimm.s32 $0x9;
	[dreg:$0x18] =	wrdreg s26;
	s0 =	simm.s32 $0x300;
	s7 =	simm.s32 $0x8  }
0x20: {  	v11 =	vimm.s32 $0xA;
	v12 =	vimm.s32 $0xB;
	v13 =	vimm.s32 $0xC;
	s8 =	simm.s32 $0x1900;
	s9 =	simm.s32 $0x1;
	s5 =	sadd.s32 $0x30, s18  }
0x21: {  	v14 =	vimm.s32 $0xD;
	v15 =	vimm.s32 $0xE;
	v16 =	vimm.s32 $0xF;
	s26 =	simm.s32 $0x5900;
	[dreg:$0x10] =	wrdreg s5;
	s5 =	simm.s32 $0x5  }
.LBB2_1:
0x22: {  	[dreg:$0x5] =	wrdreg s17;
	s2 =	simm.s32 $0x80;
	s17 =	simm.s32 $0x0  }
.LBB2_2:
0x23: {  	p0 =	sne.s32 s2, $0x2780;
	[tilespmem:s17+$0x6900] =	vst v0;
	s18 =	smov.u32 s2;
	s2 =	sadd.s32 $0x80, s2  }
.Ltmp0:
0x24: {  	[tilespmem:s17+$0x6910] =	vst v0;
	(pc) =	sbr.rel @p0 .LBB2_2-.Ltmp0, $2  }
0x25: {  	_ =	sdelay $0x2  }
0x26: {  	s17 =	sshra.s32 s18, $0x2  }
0x27: {  	[tilespmem:s17+$0x6900] =	vst v0  }
0x28: {  	[tilespmem:s17+$0x6910] =	vst v0;
	s17 =	simm.s32 $0x6900  }
0x29: {  	[spmem:s19] =	stream.linear.scatter [tilespmem:s17], [sflag:$0xD], $0xA00, $0x38;
	[tilespmem:$0x10F40] =	vst v63  }
0x2a: {  	_ =	swait.ge [sflag:s20], $0xA00  }
0x2b: {  	[sflag:s20] =	ssyncset.done $0x0  }
0x2c: {  	s2 =	rddreg [dreg:$0x7];
	[sflag:s20] =	ssyncadd.s32 $0xFFFFF600  }
0x2d: {  	[spmem:s2] =	stream.linear.scatter [tilespmem:s17], [sflag:$0xD], $0xA00, $0x38;
	[tilespmem:$0x10F40] =	vst v63  }
0x2e: {  	_ =	swait.ge [sflag:s20], $0xA00  }
0x2f: {  	[sflag:s20] =	ssyncset.done $0x0  }
0x30: {  	s21 =	rddreg [dreg:$0x8];
	[sflag:s20] =	ssyncadd.s32 $0xFFFFF600  }
0x31: {  	[spmem:s21] =	stream.linear.scatter [tilespmem:s17], [sflag:$0xD], $0xA00, $0x38;
	[tilespmem:$0x10F40] =	vst v63  }
0x32: {  	_ =	swait.ge [sflag:s20], $0xA00  }
0x33: {  	[sflag:s20] =	ssyncset.done $0x0  }
0x34: {  	s18 =	rddreg [dreg:$0x9];
	[sflag:s20] =	ssyncadd.s32 $0xFFFFF600  }
0x35: {  	[spmem:s18] =	stream.linear.scatter [tilespmem:s17], [sflag:$0xD], $0xA00, $0x38;
	[tilespmem:$0x10F40] =	vst v63  }
0x36: {  	_ =	swait.ge [sflag:s20], $0xA00  }
0x37: {  	[sflag:s20] =	ssyncset.done $0x0  }
0x38: {  	s19 =	rddreg [dreg:$0xa];
	[sflag:s20] =	ssyncadd.s32 $0xFFFFF600  }
0x39: {  	[spmem:s19] =	stream.linear.scatter [tilespmem:s17], [sflag:$0xD], $0xA00, $0x38;
	[tilespmem:$0x10F40] =	vst v63  }
0x3a: {  	_ =	swait.ge [sflag:s20], $0xA00  }
0x3b: {  	[sflag:s20] =	ssyncset.done $0x0  }
0x3c: {  	s21 =	rddreg [dreg:$0xb];
	[sflag:s20] =	ssyncadd.s32 $0xFFFFF600  }
0x3d: {  	[spmem:s21] =	stream.linear.scatter [tilespmem:s17], [sflag:$0xD], $0xA00, $0x38;
	[tilespmem:$0x10F40] =	vst v63  }
0x3e: {  	_ =	swait.ge [sflag:s20], $0xA00  }
0x3f: {  	[sflag:s20] =	ssyncset.done $0x0  }
0x40: {  	s18 =	rddreg [dreg:$0xc];
	[sflag:s20] =	ssyncadd.s32 $0xFFFFF600  }
0x41: {  	[spmem:s18] =	stream.linear.scatter [tilespmem:s17], [sflag:$0xD], $0xA00, $0x38;
	[tilespmem:$0x10F40] =	vst v63  }
0x42: {  	s21 =	stileid.u32;
	_ =	swait.ge [sflag:s20], $0xA00  }
0x43: {  	s2 =	sshll.u32 s21, $0x6;
	[sflag:s20] =	ssyncset.done $0x0  }
0x44: {  	s18 =	sor.u32 $0x1C0D, s2;
	s19 =	rddreg [dreg:$0xd];
	[sflag:s20] =	ssyncadd.s32 $0xFFFFF600  }
0x45: {  	[spmem:s19] =	stream.linear.scatter [tilespmem:s17], [sflag:$0xD], $0x820, $0x38;
	[tilespmem:$0x10F40] =	vst v63  }
0x46: {  	_ =	swait.ge [sflag:s20], $0x820;
	[dreg:$0x19] =	wrdreg s18  }
0x47: {  	[sflag:s20] =	ssyncset.done $0x0;
	s17 =	rddreg [dreg:$0xe]  }
0x48: {  	s19 =	rddreg [dreg:$0x18];
	[sflag:s20] =	ssyncadd.s32 $0xFFFFF7E0  }
0x49: {  	[spmem:s19], [sflag:s18] =	dma.local [hbm:s17], $0x9C4  }
0x4a: {  	_ =	swait.ge [sflag:s20], $0x9C4  }
0x4b: {  	[sflag:s20] =	ssyncset.done $0x0  }
0x4c: {  	[sflag:s20] =	ssyncadd.s32 $0xFFFFF63C  }
0x4d: {  	[bflag:$0x0] =	sbarrier.arrive $0xFFFF  }
0x4e: {  	s18 =	simm.s32 $0x0;
	s21 =	rddreg [dreg:$0xf]  }
0x4f: {  	[tilespmem:s18], [sflag:$0x7] =	stream.linear.gather [hbm4b:s21+s18], $0x180, $0x38;
	[tilespmem:$0x10F40] =	vst v63  }
0x50: {  	s19 =	simm.s32 $0x180;
	s20 =	simm.s32 $0x7;
	s17 =	rddreg [dreg:$0x10]  }
0x51: {  	[tilespmem:s19], [sflag:$0x8] =	stream.linear.gather [hbm4b:s17+s18], $0x180, $0x38;
	[tilespmem:$0x10F40] =	vst v63  }
0x52: {  	_ =	swait.ge [sflag:s20], $0x180  }
0x53: {  	[sflag:s20] =	ssyncset.done $0x0  }
0x54: {  	s2 =	simm.s32 $0x0;
	s21 =	simm.s32 $0x900;
	[sflag:s20] =	ssyncadd.s32 $0xFFFFFE80  }
0x55: {  	[tilespmem:s21], [sflag:$0x1] =	stream.indirect.gather [spmem:s4], $0x20, s18, s31, $0xb8;
	[tilespmem:$0x10F40] =	vst v63  }
.LBB2_4:
0x56: {  	s17 =	smul.u32 $0x6, s2  }
0x57: {  	p0 =	seq.s32 s2, $0x0;
	s19 =	rddreg [dreg:$0x11]  }
0x58: {  	s18 =	simm.s32 @!p0 $0x5;
	s19 =	sadd.s32 s17, s19  }
0x59: {  	_ =	swait.ge @!p0 [sflag:s18], $0x1000;
	s19 =	smul.u32 $0x30, s19  }
0x5a: {  	[sflag:s18] =	ssyncset.done @!p0 $0x0  }
0x5b: {  	s20 =	simm.s32 $0x0;
	[sflag:s18] =	ssyncadd.s32 @!p0 $0xFFFFF000;
	s19 =	sadd.s32 s1, s19  }
0x5c: {  	[tilespmem:s0], [sflag:$0x9] =	stream.linear.gather [hbm4b:s19+s20], $0x180, $0x38;
	[tilespmem:$0x10F40] =	vst v63  }
0x5d: {  	_ =	swait.ge [sflag:s7], $0x180  }
0x5e: {  	[sflag:s7] =	ssyncset.done $0x0  }
0x5f: {  	s21 =	simm.s32 $0x180;
	[sflag:s7] =	ssyncadd.s32 $0xFFFFFE80  }
0x60: {  	[tilespmem:s8], [sflag:$0x2] =	stream.indirect.gather [spmem:s4], $0x20, s21, s31, $0xb8;
	[tilespmem:$0x10F40] =	vst v63  }
0x61: {  	_ =	swait.ge [sflag:s9], $0x1000  }
0x62: {  	[sflag:s9] =	ssyncset.done $0x0  }
0x63: {  	s18 =	simm.s32 $0x0;
	[sflag:s9] =	ssyncadd.s32 $0xFFFFF000  }
0x64: {  	v24 =	vld [tilespmem:s18+$0x900]  }
0x65: {  	v23 =	vld [tilespmem:s18+$0x910]  }
0x66: {  	v22 =	vld [tilespmem:s18+$0x920]  }
0x67: {  	v21 =	vld [tilespmem:s18+$0x930]  }
0x68: {  	v20 =	vld [tilespmem:s18+$0x940]  }
0x69: {  	v19 =	vld [tilespmem:s18+$0x950]  }
0x6a: {  	s19 =	simm.s32 $0x100;
	v18 =	vld [tilespmem:s18+$0x960]  }
0x6b: {  	s20 =	simm.s32 $0x800;
	v17 =	vld [tilespmem:s19+$0x0]  }
.LBB2_5:
0x6c: {  	p1 =	sne.s32 s20, $0x3800;
	v25 =	vld [tilespmem:s18+$0x970]  }
0x6d: {  	v26 =	vld [tilespmem:s18+$0x980]  }
0x6e: {  	v27 =	vld [tilespmem:s18+$0x990]  }
0x6f: {  	v28 =	vld [tilespmem:s18+$0x9A0]  }
0x70: {  	v29 =	vperm.xlane v17, v1;
	v30 =	vperm.xlane v17, v2;
	v31 =	vld [tilespmem:s18+$0x9B0]  }
0x71: {  	v32 =	vperm.xlane v17, v3;
	v33 =	vperm.xlane v17, v4;
	v34 =	vld [tilespmem:s18+$0x9C0]  }
0x72: {  	v35 =	vperm.xlane v17, v5;
	v29 =	vpack.i.f32.bf16 v29, v29;
	v30 =	vpack.i.f32.bf16 v30, v30;
	v36 =	vld [tilespmem:s18+$0x9D0]  }
0x73: {  	v24 =	vmul.bf16 v24, v29;
	v23 =	vmul.bf16 v23, v29;
	v29 =	vpack.i.f32.bf16 v32, v32;
	v32 =	vld [tilespmem:s18+$0x9E0]  }
0x74: {  	v22 =	vmul.bf16 v22, v30;
	v21 =	vmul.bf16 v21, v30;
	v30 =	vpack.i.f32.bf16 v33, v33;
	v33 =	vld [tilespmem:s18+$0x9F0]  }
0x75: {  	v20 =	vmul.bf16 v20, v29;
	v19 =	vmul.bf16 v19, v29;
	[tilespmem:s18+$0x3900] =	vst v24;
	v24 =	vpack.i.f32.bf16 v35, v35;
	v29 =	vld [tilespmem:s18+$0xA00]  }
0x76: {  	v18 =	vmul.bf16 v18, v30;
	[tilespmem:s18+$0x3910] =	vst v23;
	v23 =	vmul.bf16 v25, v30;
	v25 =	vld [tilespmem:s18+$0xA10]  }
0x77: {  	[tilespmem:s18+$0x3920] =	vst v22;
	v22 =	vmul.bf16 v26, v24;
	v24 =	vmul.bf16 v27, v24;
	v26 =	vld [tilespmem:s18+$0xA20]  }
0x78: {  	v27 =	vperm.xlane v17, v7;
	[tilespmem:s18+$0x3930] =	vst v21;
	v21 =	vperm.xlane v17, v6;
	v30 =	vld [tilespmem:s18+$0xA30]  }
0x79: {  	v35 =	vperm.xlane v17, v9;
	[tilespmem:s18+$0x3940] =	vst v20;
	v20 =	vperm.xlane v17, v8;
	v37 =	vld [tilespmem:s18+$0xA40]  }
0x7a: {  	[tilespmem:s18+$0x3950] =	vst v19;
	v19 =	vpack.i.f32.bf16 v21, v21;
	v21 =	vpack.i.f32.bf16 v27, v27;
	v27 =	vperm.xlane v17, v10;
	v38 =	vld [tilespmem:s18+$0xA50]  }
0x7b: {  	[tilespmem:s18+$0x3960] =	vst v18;
	v18 =	vmul.bf16 v28, v19;
	v19 =	vmul.bf16 v31, v19;
	v20 =	vpack.i.f32.bf16 v20, v20;
	v28 =	vld [tilespmem:s18+$0xA60]  }
0x7c: {  	v31 =	vpack.i.f32.bf16 v35, v35;
	[tilespmem:s18+$0x3970] =	vst v23;
	v23 =	vmul.bf16 v34, v21;
	v21 =	vmul.bf16 v36, v21;
	v34 =	vld [tilespmem:s18+$0xA70]  }
0x7d: {  	v27 =	vpack.i.f32.bf16 v27, v27;
	[tilespmem:s18+$0x3980] =	vst v22;
	v22 =	vmul.bf16 v32, v20;
	v20 =	vmul.bf16 v33, v20;
	v32 =	vld [tilespmem:s18+$0xA80]  }
0x7e: {  	v25 =	vmul.bf16 v25, v31;
	[tilespmem:s18+$0x3990] =	vst v24;
	v24 =	vmul.bf16 v29, v31;
	v29 =	vld [tilespmem:s18+$0xA90]  }
0x7f: {  	[tilespmem:s18+$0x39A0] =	vst v18;
	v18 =	vmul.bf16 v26, v27;
	v26 =	vmul.bf16 v30, v27;
	v27 =	vld [tilespmem:s18+$0xAA0]  }
0x80: {  	v30 =	vperm.xlane v17, v12;
	[tilespmem:s18+$0x39B0] =	vst v19;
	v19 =	vperm.xlane v17, v11;
	v31 =	vld [tilespmem:s18+$0xAB0]  }
0x81: {  	v33 =	vperm.xlane v17, v14;
	[tilespmem:s18+$0x39C0] =	vst v23;
	v23 =	vperm.xlane v17, v13;
	v35 =	vld [tilespmem:s18+$0xAC0]  }
0x82: {  	[tilespmem:s18+$0x39D0] =	vst v21;
	v19 =	vpack.i.f32.bf16 v19, v19;
	v21 =	vpack.i.f32.bf16 v30, v30;
	v30 =	vperm.xlane v17, v15;
	v36 =	vld [tilespmem:s18+$0xAD0]  }
0x83: {  	[tilespmem:s18+$0x39E0] =	vst v22;
	v22 =	vmul.bf16 v37, v19;
	v19 =	vmul.bf16 v38, v19;
	v23 =	vpack.i.f32.bf16 v23, v23  }
0x84: {  	[tilespmem:s18+$0x39F0] =	vst v20;
	v20 =	vmul.bf16 v28, v21;
	v21 =	vmul.bf16 v34, v21;
	v28 =	vpack.i.f32.bf16 v33, v33  }
0x85: {  	[tilespmem:s18+$0x3A00] =	vst v24;
	v24 =	vmul.bf16 v32, v23;
	v23 =	vmul.bf16 v29, v23;
	v29 =	vpack.i.f32.bf16 v30, v30;
	v30 =	vld [tilespmem:s18+$0xAE0]  }
0x86: {  	[tilespmem:s18+$0x3A10] =	vst v25;
	v25 =	vmul.bf16 v27, v28;
	v27 =	vmul.bf16 v31, v28;
	v28 =	vld [tilespmem:s18+$0xAF0]  }
0x87: {  	[tilespmem:s18+$0x3A20] =	vst v18;
	v18 =	vmul.bf16 v35, v29;
	v29 =	vmul.bf16 v36, v29  }
0x88: {  	v17 =	vperm.xlane v17, v16;
	[tilespmem:s18+$0x3A30] =	vst v26  }
0x89: {  	[tilespmem:s18+$0x3A40] =	vst v22  }
0x8a: {  	v17 =	vpack.i.f32.bf16 v17, v17;
	[tilespmem:s18+$0x3A50] =	vst v19  }
0x8b: {  	v26 =	vmul.bf16 v30, v17;
	[tilespmem:s18+$0x3A60] =	vst v20;
	v17 =	vmul.bf16 v28, v17  }
0x8c: {  	[tilespmem:s18+$0x3A70] =	vst v21  }
0x8d: {  	s21 =	sshra.s32 s20, $0x2;
	[tilespmem:s18+$0x3A80] =	vst v24  }
0x8e: {  	v24 =	vld [tilespmem:s21+$0x900];
	[tilespmem:s18+$0x3A90] =	vst v23  }
0x8f: {  	v23 =	vld [tilespmem:s21+$0x910];
	[tilespmem:s18+$0x3AA0] =	vst v25  }
0x90: {  	v22 =	vld [tilespmem:s21+$0x920];
	[tilespmem:s18+$0x3AB0] =	vst v27  }
.Ltmp1:
0x91: {  	v21 =	vld [tilespmem:s21+$0x930];
	[tilespmem:s18+$0x3AC0] =	vst v18;
	(pc) =	sbr.rel @p1 .LBB2_5-.Ltmp1, $4  }
0x92: {  	v20 =	vld [tilespmem:s21+$0x940];
	[tilespmem:s18+$0x3AD0] =	vst v29  }
0x93: {  	v19 =	vld [tilespmem:s21+$0x950];
	[tilespmem:s18+$0x3AE0] =	vst v26  }
0x94: {  	s19 =	sadd.s32 $0x10, s19;
	v18 =	vld [tilespmem:s21+$0x960];
	[tilespmem:s18+$0x3AF0] =	vst v17;
	s18 =	smov.u32 s21  }
0x95: {  	s20 =	sadd.s32 $0x800, s20;
	v17 =	vld [tilespmem:s19+$0x0]  }
0x96: {  	_ =	sdelay $0x3  }
0x97: {  	v29 =	vperm.xlane v17, v1;
	_ =	sdelay $0x1  }
0x98: {  	v29 =	vpack.i.f32.bf16 v29, v29  }
0x99: {  	v34 =	vperm.xlane v17, v2;
	v24 =	vmul.bf16 v24, v29  }
0x9a: {  	v23 =	vmul.bf16 v23, v29  }
0x9b: {  	[tilespmem:s18+$0x3900] =	vst v24;
	v24 =	vpack.i.f32.bf16 v34, v34  }
0x9c: {  	[tilespmem:s18+$0x3910] =	vst v23;
	v23 =	vperm.xlane v17, v3;
	v22 =	vmul.bf16 v22, v24  }
0x9d: {  	v25 =	vld [tilespmem:s18+$0x970];
	v21 =	vmul.bf16 v21, v24  }
0x9e: {  	[tilespmem:s18+$0x3920] =	vst v22;
	v22 =	vpack.i.f32.bf16 v23, v23  }
0x9f: {  	[tilespmem:s18+$0x3930] =	vst v21;
	v21 =	vperm.xlane v17, v4;
	v20 =	vmul.bf16 v20, v22  }
0xa0: {  	v26 =	vld [tilespmem:s18+$0x980]  }
0xa1: {  	v27 =	vld [tilespmem:s18+$0x990];
	v19 =	vmul.bf16 v19, v22;
	[tilespmem:s18+$0x3940] =	vst v20;
	v20 =	vpack.i.f32.bf16 v21, v21  }
0xa2: {  	v28 =	vld [tilespmem:s18+$0x9A0];
	v18 =	vmul.bf16 v18, v20;
	v20 =	vmul.bf16 v25, v20  }
0xa3: {  	v30 =	vld [tilespmem:s18+$0x9B0];
	[tilespmem:s18+$0x3950] =	vst v19;
	v19 =	vperm.xlane v17, v5  }
0xa4: {  	[tilespmem:s18+$0x3970] =	vst v20;
	v20 =	vperm.xlane v17, v6  }
0xa5: {  	[tilespmem:s18+$0x3960] =	vst v18;
	v18 =	vpack.i.f32.bf16 v19, v19  }
0xa6: {  	v31 =	vld [tilespmem:s18+$0x9C0];
	v25 =	vmul.bf16 v26, v18;
	v18 =	vmul.bf16 v27, v18;
	v20 =	vpack.i.f32.bf16 v20, v20  }
0xa7: {  	v32 =	vld [tilespmem:s18+$0x9D0];
	v27 =	vmul.bf16 v28, v20  }
0xa8: {  	v33 =	vld [tilespmem:s18+$0x9E0];
	[tilespmem:s18+$0x3990] =	vst v18;
	v18 =	vperm.xlane v17, v7;
	v20 =	vmul.bf16 v30, v20  }
0xa9: {  	v35 =	vld [tilespmem:s18+$0x9F0]  }
0xaa: {  	v52 =	vld [tilespmem:s18+$0xA00];
	v18 =	vpack.i.f32.bf16 v18, v18;
	[tilespmem:s18+$0x39B0] =	vst v20;
	v20 =	vperm.xlane v17, v8  }
0xab: {  	v53 =	vld [tilespmem:s18+$0xA10];
	[tilespmem:s18+$0x3980] =	vst v25;
	v55 =	vmul.bf16 v31, v18  }
0xac: {  	v57 =	vperm.xlane v17, v9;
	v23 =	vld [tilespmem:s18+$0xA20];
	[tilespmem:s18+$0x39A0] =	vst v27;
	v18 =	vmul.bf16 v32, v18;
	v20 =	vpack.i.f32.bf16 v20, v20  }
0xad: {  	v24 =	vld [tilespmem:s18+$0xA30];
	[tilespmem:s18+$0x39C0] =	vst v55;
	v33 =	vmul.bf16 v33, v20  }
0xae: {  	v60 =	vperm.xlane v17, v10;
	v21 =	vld [tilespmem:s18+$0xA40];
	[tilespmem:s18+$0x39D0] =	vst v18;
	v18 =	vpack.i.f32.bf16 v57, v57;
	v20 =	vmul.bf16 v35, v20  }
0xaf: {  	v22 =	vld [tilespmem:s18+$0xA50];
	v29 =	vmul.bf16 v52, v18;
	[tilespmem:s18+$0x39E0] =	vst v33  }
0xb0: {  	v61 =	vperm.xlane v17, v11;
	v19 =	vld [tilespmem:s18+$0xA60];
	v18 =	vmul.bf16 v53, v18;
	[tilespmem:s18+$0x39F0] =	vst v20;
	v20 =	vpack.i.f32.bf16 v60, v60  }
0xb1: {  	v26 =	vld [tilespmem:s18+$0xA70];
	[tilespmem:s18+$0x3A00] =	vst v29;
	v23 =	vmul.bf16 v23, v20  }
0xb2: {  	v25 =	vld [tilespmem:s18+$0xA80];
	[tilespmem:s18+$0x3A10] =	vst v18;
	v18 =	vmul.bf16 v24, v20;
	v20 =	vperm.xlane v17, v12;
	v24 =	vpack.i.f32.bf16 v61, v61  }
0xb3: {  	v54 =	vld [tilespmem:s18+$0xA90];
	v21 =	vmul.bf16 v21, v24;
	[tilespmem:s18+$0x3A20] =	vst v23  }
0xb4: {  	v27 =	vld [tilespmem:s18+$0xAA0];
	v22 =	vmul.bf16 v22, v24;
	v23 =	vperm.xlane v17, v13;
	v20 =	vpack.i.f32.bf16 v20, v20;
	[tilespmem:s18+$0x3A30] =	vst v18  }
0xb5: {  	v56 =	vld [tilespmem:s18+$0xAB0];
	v18 =	vmul.bf16 v19, v20;
	[tilespmem:s18+$0x3A40] =	vst v21  }
0xb6: {  	v58 =	vld [tilespmem:s18+$0xAC0];
	v19 =	vperm.xlane v17, v14;
	v20 =	vmul.bf16 v26, v20;
	[tilespmem:s18+$0x3A50] =	vst v22;
	v21 =	vpack.i.f32.bf16 v23, v23  }
0xb7: {  	v59 =	vld [tilespmem:s18+$0xAD0];
	v22 =	vmul.bf16 v25, v21;
	[tilespmem:s18+$0x3A60] =	vst v18  }
0xb8: {  	v62 =	vld [tilespmem:s18+$0xAE0];
	v18 =	vperm.xlane v17, v15;
	v19 =	vpack.i.f32.bf16 v19, v19;
	v21 =	vmul.bf16 v54, v21;
	[tilespmem:s18+$0x3A70] =	vst v20  }
0xb9: {  	v63 =	vld [tilespmem:s18+$0xAF0];
	v20 =	vmul.bf16 v27, v19;
	[tilespmem:s18+$0x3A80] =	vst v22  }
0xba: {  	v17 =	vperm.xlane v17, v16;
	v19 =	vmul.bf16 v56, v19;
	v18 =	vpack.i.f32.bf16 v18, v18;
	[tilespmem:s18+$0x3A90] =	vst v21  }
0xbb: {  	v21 =	vmul.bf16 v58, v18;
	[tilespmem:s18+$0x3AA0] =	vst v20  }
0xbc: {  	v17 =	vpack.i.f32.bf16 v17, v17;
	v18 =	vmul.bf16 v59, v18;
	[tilespmem:s18+$0x3AB0] =	vst v19  }
0xbd: {  	v19 =	vmul.bf16 v62, v17;
	[tilespmem:s18+$0x3AC0] =	vst v21  }
0xbe: {  	v17 =	vmul.bf16 v63, v17;
	[tilespmem:s18+$0x3AD0] =	vst v18  }
0xbf: {  	s19 =	rddreg [dreg:$0x12];
	[tilespmem:s18+$0x3AE0] =	vst v19  }
0xc0: {  	s19 =	sadd.s32 s17, s19;
	[tilespmem:s18+$0x3AF0] =	vst v17;
	s18 =	simm.s32 @!p0 $0x6  }
0xc1: {  	[spmem:s3] =	stream.indirect.scatter.add.bf16 [tilespmem:s10], [sflag:$0x4], $0x20, s31, s31, $0xb8;
	[tilespmem:$0x10F40] =	vst v63  }
0xc2: {  	s19 =	smul.u32 $0x30, s19;
	_ =	swait.ge @!p0 [sflag:s18], $0x1000  }
0xc3: {  	[sflag:s18] =	ssyncset.done @!p0 $0x0  }
0xc4: {  	s21 =	simm.s32 $0x0;
	s20 =	sadd.s32 s1, s19;
	[sflag:s18] =	ssyncadd.s32 @!p0 $0xFFFFF000  }
0xc5: {  	[tilespmem:s11], [sflag:$0xA] =	stream.linear.gather [hbm4b:s20+s21], $0x180, $0x38;
	[tilespmem:$0x10F40] =	vst v63  }
0xc6: {  	_ =	swait.ge [sflag:s12], $0x180  }
0xc7: {  	[sflag:s12] =	ssyncset.done $0x0  }
0xc8: {  	[sflag:s12] =	ssyncadd.s32 $0xFFFFFE80  }
0xc9: {  	[tilespmem:s13], [sflag:$0x3] =	stream.indirect.gather [spmem:s4], $0x20, s0, s31, $0xb8;
	[tilespmem:$0x10F40] =	vst v63  }
0xca: {  	_ =	swait.ge [sflag:s14], $0x1000  }
0xcb: {  	[sflag:s14] =	ssyncset.done $0x0  }
0xcc: {  	s18 =	simm.s32 $0x0;
	[sflag:s14] =	ssyncadd.s32 $0xFFFFF000  }
0xcd: {  	v24 =	vld [tilespmem:s18+$0x1900]  }
0xce: {  	v23 =	vld [tilespmem:s18+$0x1910]  }
0xcf: {  	v22 =	vld [tilespmem:s18+$0x1920]  }
0xd0: {  	v21 =	vld [tilespmem:s18+$0x1930]  }
0xd1: {  	v20 =	vld [tilespmem:s18+$0x1940]  }
0xd2: {  	v19 =	vld [tilespmem:s18+$0x1950]  }
0xd3: {  	s19 =	simm.s32 $0x280;
	v18 =	vld [tilespmem:s18+$0x1960]  }
0xd4: {  	s20 =	simm.s32 $0x800;
	v17 =	vld [tilespmem:s19+$0x0]  }
.LBB2_7:
0xd5: {  	p0 =	sne.s32 s20, $0x3800;
	v25 =	vld [tilespmem:s18+$0x1970]  }
0xd6: {  	v26 =	vld [tilespmem:s18+$0x1980]  }
0xd7: {  	v27 =	vld [tilespmem:s18+$0x1990]  }
0xd8: {  	v28 =	vld [tilespmem:s18+$0x19A0]  }
0xd9: {  	v29 =	vperm.xlane v17, v1;
	v30 =	vperm.xlane v17, v2;
	v31 =	vld [tilespmem:s18+$0x19B0]  }
0xda: {  	v32 =	vperm.xlane v17, v3;
	v33 =	vperm.xlane v17, v4;
	v34 =	vld [tilespmem:s18+$0x19C0]  }
0xdb: {  	v35 =	vperm.xlane v17, v5;
	v29 =	vpack.i.f32.bf16 v29, v29;
	v30 =	vpack.i.f32.bf16 v30, v30;
	v36 =	vld [tilespmem:s18+$0x19D0]  }
0xdc: {  	v24 =	vmul.bf16 v24, v29;
	v23 =	vmul.bf16 v23, v29;
	v29 =	vpack.i.f32.bf16 v32, v32;
	v32 =	vld [tilespmem:s18+$0x19E0]  }
0xdd: {  	v22 =	vmul.bf16 v22, v30;
	v21 =	vmul.bf16 v21, v30;
	v30 =	vpack.i.f32.bf16 v33, v33;
	v33 =	vld [tilespmem:s18+$0x19F0]  }
0xde: {  	v20 =	vmul.bf16 v20, v29;
	v19 =	vmul.bf16 v19, v29;
	[tilespmem:s18+$0x4900] =	vst v24;
	v24 =	vpack.i.f32.bf16 v35, v35;
	v29 =	vld [tilespmem:s18+$0x1A00]  }
0xdf: {  	v18 =	vmul.bf16 v18, v30;
	[tilespmem:s18+$0x4910] =	vst v23;
	v23 =	vmul.bf16 v25, v30;
	v25 =	vld [tilespmem:s18+$0x1A10]  }
0xe0: {  	[tilespmem:s18+$0x4920] =	vst v22;
	v22 =	vmul.bf16 v26, v24;
	v24 =	vmul.bf16 v27, v24;
	v26 =	vld [tilespmem:s18+$0x1A20]  }
0xe1: {  	v27 =	vperm.xlane v17, v7;
	[tilespmem:s18+$0x4930] =	vst v21;
	v21 =	vperm.xlane v17, v6;
	v30 =	vld [tilespmem:s18+$0x1A30]  }
0xe2: {  	v35 =	vperm.xlane v17, v9;
	[tilespmem:s18+$0x4940] =	vst v20;
	v20 =	vperm.xlane v17, v8;
	v37 =	vld [tilespmem:s18+$0x1A40]  }
0xe3: {  	[tilespmem:s18+$0x4950] =	vst v19;
	v19 =	vpack.i.f32.bf16 v21, v21;
	v21 =	vpack.i.f32.bf16 v27, v27;
	v27 =	vperm.xlane v17, v10;
	v38 =	vld [tilespmem:s18+$0x1A50]  }
0xe4: {  	[tilespmem:s18+$0x4960] =	vst v18;
	v18 =	vmul.bf16 v28, v19;
	v19 =	vmul.bf16 v31, v19;
	v20 =	vpack.i.f32.bf16 v20, v20;
	v28 =	vld [tilespmem:s18+$0x1A60]  }
0xe5: {  	v31 =	vpack.i.f32.bf16 v35, v35;
	[tilespmem:s18+$0x4970] =	vst v23;
	v23 =	vmul.bf16 v34, v21;
	v21 =	vmul.bf16 v36, v21;
	v34 =	vld [tilespmem:s18+$0x1A70]  }
0xe6: {  	v27 =	vpack.i.f32.bf16 v27, v27;
	[tilespmem:s18+$0x4980] =	vst v22;
	v22 =	vmul.bf16 v32, v20;
	v20 =	vmul.bf16 v33, v20;
	v32 =	vld [tilespmem:s18+$0x1A80]  }
0xe7: {  	v25 =	vmul.bf16 v25, v31;
	[tilespmem:s18+$0x4990] =	vst v24;
	v24 =	vmul.bf16 v29, v31;
	v29 =	vld [tilespmem:s18+$0x1A90]  }
0xe8: {  	[tilespmem:s18+$0x49A0] =	vst v18;
	v18 =	vmul.bf16 v26, v27;
	v26 =	vmul.bf16 v30, v27;
	v27 =	vld [tilespmem:s18+$0x1AA0]  }
0xe9: {  	v30 =	vperm.xlane v17, v12;
	[tilespmem:s18+$0x49B0] =	vst v19;
	v19 =	vperm.xlane v17, v11;
	v31 =	vld [tilespmem:s18+$0x1AB0]  }
0xea: {  	v33 =	vperm.xlane v17, v14;
	[tilespmem:s18+$0x49C0] =	vst v23;
	v23 =	vperm.xlane v17, v13;
	v35 =	vld [tilespmem:s18+$0x1AC0]  }
0xeb: {  	[tilespmem:s18+$0x49D0] =	vst v21;
	v19 =	vpack.i.f32.bf16 v19, v19;
	v21 =	vpack.i.f32.bf16 v30, v30;
	v30 =	vperm.xlane v17, v15;
	v36 =	vld [tilespmem:s18+$0x1AD0]  }
0xec: {  	[tilespmem:s18+$0x49E0] =	vst v22;
	v22 =	vmul.bf16 v37, v19;
	v19 =	vmul.bf16 v38, v19;
	v23 =	vpack.i.f32.bf16 v23, v23  }
0xed: {  	[tilespmem:s18+$0x49F0] =	vst v20;
	v20 =	vmul.bf16 v28, v21;
	v21 =	vmul.bf16 v34, v21;
	v28 =	vpack.i.f32.bf16 v33, v33  }
0xee: {  	[tilespmem:s18+$0x4A00] =	vst v24;
	v24 =	vmul.bf16 v32, v23;
	v23 =	vmul.bf16 v29, v23;
	v29 =	vpack.i.f32.bf16 v30, v30;
	v30 =	vld [tilespmem:s18+$0x1AE0]  }
0xef: {  	[tilespmem:s18+$0x4A10] =	vst v25;
	v25 =	vmul.bf16 v27, v28;
	v27 =	vmul.bf16 v31, v28;
	v28 =	vld [tilespmem:s18+$0x1AF0]  }
0xf0: {  	[tilespmem:s18+$0x4A20] =	vst v18;
	v18 =	vmul.bf16 v35, v29;
	v29 =	vmul.bf16 v36, v29  }
0xf1: {  	v17 =	vperm.xlane v17, v16;
	[tilespmem:s18+$0x4A30] =	vst v26  }
0xf2: {  	[tilespmem:s18+$0x4A40] =	vst v22  }
0xf3: {  	v17 =	vpack.i.f32.bf16 v17, v17;
	[tilespmem:s18+$0x4A50] =	vst v19  }
0xf4: {  	v26 =	vmul.bf16 v30, v17;
	[tilespmem:s18+$0x4A60] =	vst v20;
	v17 =	vmul.bf16 v28, v17  }
0xf5: {  	[tilespmem:s18+$0x4A70] =	vst v21  }
0xf6: {  	s21 =	sshra.s32 s20, $0x2;
	[tilespmem:s18+$0x4A80] =	vst v24  }
0xf7: {  	v24 =	vld [tilespmem:s21+$0x1900];
	[tilespmem:s18+$0x4A90] =	vst v23  }
0xf8: {  	v23 =	vld [tilespmem:s21+$0x1910];
	[tilespmem:s18+$0x4AA0] =	vst v25  }
0xf9: {  	v22 =	vld [tilespmem:s21+$0x1920];
	[tilespmem:s18+$0x4AB0] =	vst v27  }
.Ltmp2:
0xfa: {  	v21 =	vld [tilespmem:s21+$0x1930];
	[tilespmem:s18+$0x4AC0] =	vst v18;
	(pc) =	sbr.rel @p0 .LBB2_7-.Ltmp2, $4  }
0xfb: {  	v20 =	vld [tilespmem:s21+$0x1940];
	[tilespmem:s18+$0x4AD0] =	vst v29  }
0xfc: {  	v19 =	vld [tilespmem:s21+$0x1950];
	[tilespmem:s18+$0x4AE0] =	vst v26  }
0xfd: {  	s19 =	sadd.s32 $0x10, s19;
	v18 =	vld [tilespmem:s21+$0x1960];
	[tilespmem:s18+$0x4AF0] =	vst v17;
	s18 =	smov.u32 s21  }
0xfe: {  	s20 =	sadd.s32 $0x800, s20;
	v17 =	vld [tilespmem:s19+$0x0]  }
0xff: {  	_ =	sdelay $0x3  }
0x100: {  	v29 =	vperm.xlane v17, v1;
	_ =	sdelay $0x1  }
0x101: {  	v29 =	vpack.i.f32.bf16 v29, v29  }
0x102: {  	v34 =	vperm.xlane v17, v2;
	v24 =	vmul.bf16 v24, v29  }
0x103: {  	v23 =	vmul.bf16 v23, v29  }
0x104: {  	[tilespmem:s18+$0x4900] =	vst v24;
	v24 =	vpack.i.f32.bf16 v34, v34  }
0x105: {  	[tilespmem:s18+$0x4910] =	vst v23;
	v23 =	vperm.xlane v17, v3;
	v22 =	vmul.bf16 v22, v24  }
0x106: {  	v25 =	vld [tilespmem:s18+$0x1970];
	v21 =	vmul.bf16 v21, v24  }
0x107: {  	[tilespmem:s18+$0x4920] =	vst v22;
	v22 =	vpack.i.f32.bf16 v23, v23  }
0x108: {  	[tilespmem:s18+$0x4930] =	vst v21;
	v21 =	vperm.xlane v17, v4;
	v20 =	vmul.bf16 v20, v22  }
0x109: {  	v26 =	vld [tilespmem:s18+$0x1980]  }
0x10a: {  	v27 =	vld [tilespmem:s18+$0x1990];
	v19 =	vmul.bf16 v19, v22;
	[tilespmem:s18+$0x4940] =	vst v20;
	v20 =	vpack.i.f32.bf16 v21, v21  }
0x10b: {  	v28 =	vld [tilespmem:s18+$0x19A0];
	v18 =	vmul.bf16 v18, v20;
	v20 =	vmul.bf16 v25, v20  }
0x10c: {  	v30 =	vld [tilespmem:s18+$0x19B0];
	[tilespmem:s18+$0x4950] =	vst v19;
	v19 =	vperm.xlane v17, v5  }
0x10d: {  	[tilespmem:s18+$0x4970] =	vst v20;
	v20 =	vperm.xlane v17, v6  }
0x10e: {  	[tilespmem:s18+$0x4960] =	vst v18;
	v18 =	vpack.i.f32.bf16 v19, v19  }
0x10f: {  	v31 =	vld [tilespmem:s18+$0x19C0];
	v25 =	vmul.bf16 v26, v18;
	v18 =	vmul.bf16 v27, v18;
	v20 =	vpack.i.f32.bf16 v20, v20  }
0x110: {  	v32 =	vld [tilespmem:s18+$0x19D0];
	v27 =	vmul.bf16 v28, v20  }
0x111: {  	v33 =	vld [tilespmem:s18+$0x19E0];
	[tilespmem:s18+$0x4990] =	vst v18;
	v18 =	vperm.xlane v17, v7;
	v20 =	vmul.bf16 v30, v20  }
0x112: {  	v35 =	vld [tilespmem:s18+$0x19F0]  }
0x113: {  	v52 =	vld [tilespmem:s18+$0x1A00];
	v18 =	vpack.i.f32.bf16 v18, v18;
	[tilespmem:s18+$0x49B0] =	vst v20;
	v20 =	vperm.xlane v17, v8  }
0x114: {  	v53 =	vld [tilespmem:s18+$0x1A10];
	[tilespmem:s18+$0x4980] =	vst v25;
	v55 =	vmul.bf16 v31, v18  }
0x115: {  	v57 =	vperm.xlane v17, v9;
	v23 =	vld [tilespmem:s18+$0x1A20];
	[tilespmem:s18+$0x49A0] =	vst v27;
	v18 =	vmul.bf16 v32, v18;
	v20 =	vpack.i.f32.bf16 v20, v20  }
0x116: {  	v24 =	vld [tilespmem:s18+$0x1A30];
	[tilespmem:s18+$0x49C0] =	vst v55;
	v33 =	vmul.bf16 v33, v20  }
0x117: {  	v60 =	vperm.xlane v17, v10;
	v21 =	vld [tilespmem:s18+$0x1A40];
	[tilespmem:s18+$0x49D0] =	vst v18;
	v18 =	vpack.i.f32.bf16 v57, v57;
	v20 =	vmul.bf16 v35, v20  }
0x118: {  	v22 =	vld [tilespmem:s18+$0x1A50];
	v29 =	vmul.bf16 v52, v18;
	[tilespmem:s18+$0x49E0] =	vst v33  }
0x119: {  	v61 =	vperm.xlane v17, v11;
	v19 =	vld [tilespmem:s18+$0x1A60];
	v18 =	vmul.bf16 v53, v18;
	[tilespmem:s18+$0x49F0] =	vst v20;
	v20 =	vpack.i.f32.bf16 v60, v60  }
0x11a: {  	v26 =	vld [tilespmem:s18+$0x1A70];
	[tilespmem:s18+$0x4A00] =	vst v29;
	v23 =	vmul.bf16 v23, v20  }
0x11b: {  	v25 =	vld [tilespmem:s18+$0x1A80];
	[tilespmem:s18+$0x4A10] =	vst v18;
	v18 =	vmul.bf16 v24, v20;
	v20 =	vperm.xlane v17, v12;
	v24 =	vpack.i.f32.bf16 v61, v61  }
0x11c: {  	v54 =	vld [tilespmem:s18+$0x1A90];
	v21 =	vmul.bf16 v21, v24;
	[tilespmem:s18+$0x4A20] =	vst v23  }
0x11d: {  	v27 =	vld [tilespmem:s18+$0x1AA0];
	v22 =	vmul.bf16 v22, v24;
	v23 =	vperm.xlane v17, v13;
	v20 =	vpack.i.f32.bf16 v20, v20;
	[tilespmem:s18+$0x4A30] =	vst v18  }
0x11e: {  	v56 =	vld [tilespmem:s18+$0x1AB0];
	v18 =	vmul.bf16 v19, v20;
	[tilespmem:s18+$0x4A40] =	vst v21  }
0x11f: {  	v58 =	vld [tilespmem:s18+$0x1AC0];
	v19 =	vperm.xlane v17, v14;
	v20 =	vmul.bf16 v26, v20;
	[tilespmem:s18+$0x4A50] =	vst v22;
	v21 =	vpack.i.f32.bf16 v23, v23  }
0x120: {  	v59 =	vld [tilespmem:s18+$0x1AD0];
	v22 =	vmul.bf16 v25, v21;
	[tilespmem:s18+$0x4A60] =	vst v18  }
0x121: {  	v62 =	vld [tilespmem:s18+$0x1AE0];
	v18 =	vperm.xlane v17, v15;
	v19 =	vpack.i.f32.bf16 v19, v19;
	v21 =	vmul.bf16 v54, v21;
	[tilespmem:s18+$0x4A70] =	vst v20  }
0x122: {  	v63 =	vld [tilespmem:s18+$0x1AF0];
	v20 =	vmul.bf16 v27, v19;
	[tilespmem:s18+$0x4A80] =	vst v22  }
0x123: {  	v17 =	vperm.xlane v17, v16;
	v19 =	vmul.bf16 v56, v19;
	v18 =	vpack.i.f32.bf16 v18, v18;
	[tilespmem:s18+$0x4A90] =	vst v21  }
0x124: {  	v21 =	vmul.bf16 v58, v18;
	[tilespmem:s18+$0x4AA0] =	vst v20  }
0x125: {  	v17 =	vpack.i.f32.bf16 v17, v17;
	v18 =	vmul.bf16 v59, v18;
	[tilespmem:s18+$0x4AB0] =	vst v19  }
0x126: {  	v19 =	vmul.bf16 v62, v17;
	[tilespmem:s18+$0x4AC0] =	vst v21  }
0x127: {  	v17 =	vmul.bf16 v63, v17;
	[tilespmem:s18+$0x4AD0] =	vst v18  }
0x128: {  	s20 =	rddreg [dreg:$0x13];
	[tilespmem:s18+$0x4AE0] =	vst v19  }
0x129: {  	s19 =	simm.s32 $0x200;
	[tilespmem:s18+$0x4AF0] =	vst v17;
	s18 =	sadd.s32 s17, s20  }
0x12a: {  	[spmem:s3] =	stream.indirect.scatter.add.bf16 [tilespmem:s16], [sflag:$0x5], $0x20, s19, s31, $0xb8;
	[tilespmem:$0x10F40] =	vst v63  }
0x12b: {  	s18 =	smul.u32 $0x30, s18;
	_ =	swait.ge [sflag:s23], $0x1000  }
0x12c: {  	[sflag:s23] =	ssyncset.done $0x0  }
0x12d: {  	s19 =	simm.s32 $0x0;
	s18 =	sadd.s32 s1, s18;
	[sflag:s23] =	ssyncadd.s32 $0xFFFFF000  }
0x12e: {  	[tilespmem:s24], [sflag:$0xB] =	stream.linear.gather [hbm4b:s18+s19], $0x180, $0x38;
	[tilespmem:$0x10F40] =	vst v63  }
0x12f: {  	_ =	swait.ge [sflag:s25], $0x180  }
0x130: {  	[sflag:s25] =	ssyncset.done $0x0  }
0x131: {  	s21 =	simm.s32 $0x900;
	[sflag:s25] =	ssyncadd.s32 $0xFFFFFE80  }
0x132: {  	[tilespmem:s21], [sflag:$0x1] =	stream.indirect.gather [spmem:s4], $0x20, s11, s31, $0xb8;
	[tilespmem:$0x10F40] =	vst v63  }
0x133: {  	_ =	swait.ge [sflag:s30], $0x1000  }
0x134: {  	[sflag:s30] =	ssyncset.done $0x0  }
0x135: {  	s18 =	simm.s32 $0x0;
	[sflag:s30] =	ssyncadd.s32 $0xFFFFF000  }
0x136: {  	v24 =	vld [tilespmem:s18+$0x2900]  }
0x137: {  	v23 =	vld [tilespmem:s18+$0x2910]  }
0x138: {  	v22 =	vld [tilespmem:s18+$0x2920]  }
0x139: {  	v21 =	vld [tilespmem:s18+$0x2930]  }
0x13a: {  	v20 =	vld [tilespmem:s18+$0x2940]  }
0x13b: {  	v19 =	vld [tilespmem:s18+$0x2950]  }
0x13c: {  	s19 =	simm.s32 $0x400;
	v18 =	vld [tilespmem:s18+$0x2960]  }
0x13d: {  	s20 =	simm.s32 $0x800;
	v17 =	vld [tilespmem:s19+$0x0]  }
.LBB2_9:
0x13e: {  	p0 =	sne.s32 s20, $0x3800;
	v25 =	vld [tilespmem:s18+$0x2970]  }
0x13f: {  	v26 =	vld [tilespmem:s18+$0x2980]  }
0x140: {  	v27 =	vld [tilespmem:s18+$0x2990]  }
0x141: {  	v28 =	vld [tilespmem:s18+$0x29A0]  }
0x142: {  	v29 =	vperm.xlane v17, v1;
	v30 =	vperm.xlane v17, v2;
	v31 =	vld [tilespmem:s18+$0x29B0]  }
0x143: {  	v32 =	vperm.xlane v17, v3;
	v33 =	vperm.xlane v17, v4;
	v34 =	vld [tilespmem:s18+$0x29C0]  }
0x144: {  	v35 =	vperm.xlane v17, v5;
	v29 =	vpack.i.f32.bf16 v29, v29;
	v30 =	vpack.i.f32.bf16 v30, v30;
	v36 =	vld [tilespmem:s18+$0x29D0]  }
0x145: {  	v24 =	vmul.bf16 v24, v29;
	v23 =	vmul.bf16 v23, v29;
	v29 =	vpack.i.f32.bf16 v32, v32;
	v32 =	vld [tilespmem:s18+$0x29E0]  }
0x146: {  	v22 =	vmul.bf16 v22, v30;
	v21 =	vmul.bf16 v21, v30;
	v30 =	vpack.i.f32.bf16 v33, v33;
	v33 =	vld [tilespmem:s18+$0x29F0]  }
0x147: {  	v20 =	vmul.bf16 v20, v29;
	v19 =	vmul.bf16 v19, v29;
	[tilespmem:s18+$0x5900] =	vst v24;
	v24 =	vpack.i.f32.bf16 v35, v35;
	v29 =	vld [tilespmem:s18+$0x2A00]  }
0x148: {  	v18 =	vmul.bf16 v18, v30;
	[tilespmem:s18+$0x5910] =	vst v23;
	v23 =	vmul.bf16 v25, v30;
	v25 =	vld [tilespmem:s18+$0x2A10]  }
0x149: {  	[tilespmem:s18+$0x5920] =	vst v22;
	v22 =	vmul.bf16 v26, v24;
	v24 =	vmul.bf16 v27, v24;
	v26 =	vld [tilespmem:s18+$0x2A20]  }
0x14a: {  	v27 =	vperm.xlane v17, v7;
	[tilespmem:s18+$0x5930] =	vst v21;
	v21 =	vperm.xlane v17, v6;
	v30 =	vld [tilespmem:s18+$0x2A30]  }
0x14b: {  	v35 =	vperm.xlane v17, v9;
	[tilespmem:s18+$0x5940] =	vst v20;
	v20 =	vperm.xlane v17, v8;
	v37 =	vld [tilespmem:s18+$0x2A40]  }
0x14c: {  	[tilespmem:s18+$0x5950] =	vst v19;
	v19 =	vpack.i.f32.bf16 v21, v21;
	v21 =	vpack.i.f32.bf16 v27, v27;
	v27 =	vperm.xlane v17, v10;
	v38 =	vld [tilespmem:s18+$0x2A50]  }
0x14d: {  	[tilespmem:s18+$0x5960] =	vst v18;
	v18 =	vmul.bf16 v28, v19;
	v19 =	vmul.bf16 v31, v19;
	v20 =	vpack.i.f32.bf16 v20, v20;
	v28 =	vld [tilespmem:s18+$0x2A60]  }
0x14e: {  	v31 =	vpack.i.f32.bf16 v35, v35;
	[tilespmem:s18+$0x5970] =	vst v23;
	v23 =	vmul.bf16 v34, v21;
	v21 =	vmul.bf16 v36, v21;
	v34 =	vld [tilespmem:s18+$0x2A70]  }
0x14f: {  	v27 =	vpack.i.f32.bf16 v27, v27;
	[tilespmem:s18+$0x5980] =	vst v22;
	v22 =	vmul.bf16 v32, v20;
	v20 =	vmul.bf16 v33, v20;
	v32 =	vld [tilespmem:s18+$0x2A80]  }
0x150: {  	v25 =	vmul.bf16 v25, v31;
	[tilespmem:s18+$0x5990] =	vst v24;
	v24 =	vmul.bf16 v29, v31;
	v29 =	vld [tilespmem:s18+$0x2A90]  }
0x151: {  	[tilespmem:s18+$0x59A0] =	vst v18;
	v18 =	vmul.bf16 v26, v27;
	v26 =	vmul.bf16 v30, v27;
	v27 =	vld [tilespmem:s18+$0x2AA0]  }
0x152: {  	v30 =	vperm.xlane v17, v12;
	[tilespmem:s18+$0x59B0] =	vst v19;
	v19 =	vperm.xlane v17, v11;
	v31 =	vld [tilespmem:s18+$0x2AB0]  }
0x153: {  	v33 =	vperm.xlane v17, v14;
	[tilespmem:s18+$0x59C0] =	vst v23;
	v23 =	vperm.xlane v17, v13;
	v35 =	vld [tilespmem:s18+$0x2AC0]  }
0x154: {  	[tilespmem:s18+$0x59D0] =	vst v21;
	v19 =	vpack.i.f32.bf16 v19, v19;
	v21 =	vpack.i.f32.bf16 v30, v30;
	v30 =	vperm.xlane v17, v15;
	v36 =	vld [tilespmem:s18+$0x2AD0]  }
0x155: {  	[tilespmem:s18+$0x59E0] =	vst v22;
	v22 =	vmul.bf16 v37, v19;
	v19 =	vmul.bf16 v38, v19;
	v23 =	vpack.i.f32.bf16 v23, v23  }
0x156: {  	[tilespmem:s18+$0x59F0] =	vst v20;
	v20 =	vmul.bf16 v28, v21;
	v21 =	vmul.bf16 v34, v21;
	v28 =	vpack.i.f32.bf16 v33, v33  }
0x157: {  	[tilespmem:s18+$0x5A00] =	vst v24;
	v24 =	vmul.bf16 v32, v23;
	v23 =	vmul.bf16 v29, v23;
	v29 =	vpack.i.f32.bf16 v30, v30;
	v30 =	vld [tilespmem:s18+$0x2AE0]  }
0x158: {  	[tilespmem:s18+$0x5A10] =	vst v25;
	v25 =	vmul.bf16 v27, v28;
	v27 =	vmul.bf16 v31, v28;
	v28 =	vld [tilespmem:s18+$0x2AF0]  }
0x159: {  	[tilespmem:s18+$0x5A20] =	vst v18;
	v18 =	vmul.bf16 v35, v29;
	v29 =	vmul.bf16 v36, v29  }
0x15a: {  	v17 =	vperm.xlane v17, v16;
	[tilespmem:s18+$0x5A30] =	vst v26  }
0x15b: {  	[tilespmem:s18+$0x5A40] =	vst v22  }
0x15c: {  	v17 =	vpack.i.f32.bf16 v17, v17;
	[tilespmem:s18+$0x5A50] =	vst v19  }
0x15d: {  	v26 =	vmul.bf16 v30, v17;
	[tilespmem:s18+$0x5A60] =	vst v20;
	v17 =	vmul.bf16 v28, v17  }
0x15e: {  	[tilespmem:s18+$0x5A70] =	vst v21  }
0x15f: {  	s21 =	sshra.s32 s20, $0x2;
	[tilespmem:s18+$0x5A80] =	vst v24  }
0x160: {  	v24 =	vld [tilespmem:s21+$0x2900];
	[tilespmem:s18+$0x5A90] =	vst v23  }
0x161: {  	v23 =	vld [tilespmem:s21+$0x2910];
	[tilespmem:s18+$0x5AA0] =	vst v25  }
0x162: {  	v22 =	vld [tilespmem:s21+$0x2920];
	[tilespmem:s18+$0x5AB0] =	vst v27  }
.Ltmp3:
0x163: {  	v21 =	vld [tilespmem:s21+$0x2930];
	[tilespmem:s18+$0x5AC0] =	vst v18;
	(pc) =	sbr.rel @p0 .LBB2_9-.Ltmp3, $4  }
0x164: {  	v20 =	vld [tilespmem:s21+$0x2940];
	[tilespmem:s18+$0x5AD0] =	vst v29  }
0x165: {  	v19 =	vld [tilespmem:s21+$0x2950];
	[tilespmem:s18+$0x5AE0] =	vst v26  }
0x166: {  	s19 =	sadd.s32 $0x10, s19;
	v18 =	vld [tilespmem:s21+$0x2960];
	[tilespmem:s18+$0x5AF0] =	vst v17;
	s18 =	smov.u32 s21  }
0x167: {  	s20 =	sadd.s32 $0x800, s20;
	v17 =	vld [tilespmem:s19+$0x0]  }
0x168: {  	_ =	sdelay $0x3  }
0x169: {  	v29 =	vperm.xlane v17, v1;
	_ =	sdelay $0x1  }
0x16a: {  	v29 =	vpack.i.f32.bf16 v29, v29  }
0x16b: {  	v34 =	vperm.xlane v17, v2;
	v24 =	vmul.bf16 v24, v29  }
0x16c: {  	v23 =	vmul.bf16 v23, v29  }
0x16d: {  	[tilespmem:s18+$0x5900] =	vst v24;
	v24 =	vpack.i.f32.bf16 v34, v34  }
0x16e: {  	[tilespmem:s18+$0x5910] =	vst v23;
	v23 =	vperm.xlane v17, v3;
	v22 =	vmul.bf16 v22, v24  }
0x16f: {  	v25 =	vld [tilespmem:s18+$0x2970];
	v21 =	vmul.bf16 v21, v24  }
0x170: {  	[tilespmem:s18+$0x5920] =	vst v22;
	v22 =	vpack.i.f32.bf16 v23, v23  }
0x171: {  	[tilespmem:s18+$0x5930] =	vst v21;
	v21 =	vperm.xlane v17, v4;
	v20 =	vmul.bf16 v20, v22  }
0x172: {  	v26 =	vld [tilespmem:s18+$0x2980]  }
0x173: {  	v27 =	vld [tilespmem:s18+$0x2990];
	v19 =	vmul.bf16 v19, v22;
	[tilespmem:s18+$0x5940] =	vst v20;
	v20 =	vpack.i.f32.bf16 v21, v21  }
0x174: {  	v28 =	vld [tilespmem:s18+$0x29A0];
	v18 =	vmul.bf16 v18, v20;
	v20 =	vmul.bf16 v25, v20  }
0x175: {  	v30 =	vld [tilespmem:s18+$0x29B0];
	[tilespmem:s18+$0x5950] =	vst v19;
	v19 =	vperm.xlane v17, v5  }
0x176: {  	[tilespmem:s18+$0x5970] =	vst v20;
	v20 =	vperm.xlane v17, v6  }
0x177: {  	[tilespmem:s18+$0x5960] =	vst v18;
	v18 =	vpack.i.f32.bf16 v19, v19  }
0x178: {  	v31 =	vld [tilespmem:s18+$0x29C0];
	v25 =	vmul.bf16 v26, v18;
	v18 =	vmul.bf16 v27, v18;
	v20 =	vpack.i.f32.bf16 v20, v20  }
0x179: {  	v32 =	vld [tilespmem:s18+$0x29D0];
	v27 =	vmul.bf16 v28, v20  }
0x17a: {  	v33 =	vld [tilespmem:s18+$0x29E0];
	[tilespmem:s18+$0x5990] =	vst v18;
	v18 =	vperm.xlane v17, v7;
	v20 =	vmul.bf16 v30, v20  }
0x17b: {  	v35 =	vld [tilespmem:s18+$0x29F0]  }
0x17c: {  	v52 =	vld [tilespmem:s18+$0x2A00];
	v18 =	vpack.i.f32.bf16 v18, v18;
	[tilespmem:s18+$0x59B0] =	vst v20;
	v20 =	vperm.xlane v17, v8  }
0x17d: {  	v53 =	vld [tilespmem:s18+$0x2A10];
	[tilespmem:s18+$0x5980] =	vst v25;
	v55 =	vmul.bf16 v31, v18  }
0x17e: {  	v57 =	vperm.xlane v17, v9;
	v23 =	vld [tilespmem:s18+$0x2A20];
	[tilespmem:s18+$0x59A0] =	vst v27;
	v18 =	vmul.bf16 v32, v18;
	v20 =	vpack.i.f32.bf16 v20, v20  }
0x17f: {  	v24 =	vld [tilespmem:s18+$0x2A30];
	[tilespmem:s18+$0x59C0] =	vst v55;
	v33 =	vmul.bf16 v33, v20  }
0x180: {  	v60 =	vperm.xlane v17, v10;
	v21 =	vld [tilespmem:s18+$0x2A40];
	[tilespmem:s18+$0x59D0] =	vst v18;
	v18 =	vpack.i.f32.bf16 v57, v57;
	v20 =	vmul.bf16 v35, v20  }
0x181: {  	v22 =	vld [tilespmem:s18+$0x2A50];
	v29 =	vmul.bf16 v52, v18;
	[tilespmem:s18+$0x59E0] =	vst v33  }
0x182: {  	v61 =	vperm.xlane v17, v11;
	v19 =	vld [tilespmem:s18+$0x2A60];
	v18 =	vmul.bf16 v53, v18;
	[tilespmem:s18+$0x59F0] =	vst v20;
	v20 =	vpack.i.f32.bf16 v60, v60  }
0x183: {  	v26 =	vld [tilespmem:s18+$0x2A70];
	[tilespmem:s18+$0x5A00] =	vst v29;
	v23 =	vmul.bf16 v23, v20  }
0x184: {  	v25 =	vld [tilespmem:s18+$0x2A80];
	[tilespmem:s18+$0x5A10] =	vst v18;
	v18 =	vmul.bf16 v24, v20;
	v20 =	vperm.xlane v17, v12;
	v24 =	vpack.i.f32.bf16 v61, v61  }
0x185: {  	v54 =	vld [tilespmem:s18+$0x2A90];
	v21 =	vmul.bf16 v21, v24;
	[tilespmem:s18+$0x5A20] =	vst v23  }
0x186: {  	v27 =	vld [tilespmem:s18+$0x2AA0];
	v22 =	vmul.bf16 v22, v24;
	v23 =	vperm.xlane v17, v13;
	v20 =	vpack.i.f32.bf16 v20, v20;
	[tilespmem:s18+$0x5A30] =	vst v18  }
0x187: {  	v56 =	vld [tilespmem:s18+$0x2AB0];
	v18 =	vmul.bf16 v19, v20;
	[tilespmem:s18+$0x5A40] =	vst v21  }
0x188: {  	v58 =	vld [tilespmem:s18+$0x2AC0];
	v19 =	vperm.xlane v17, v14;
	v20 =	vmul.bf16 v26, v20;
	[tilespmem:s18+$0x5A50] =	vst v22;
	v21 =	vpack.i.f32.bf16 v23, v23  }
0x189: {  	v59 =	vld [tilespmem:s18+$0x2AD0];
	v22 =	vmul.bf16 v25, v21;
	[tilespmem:s18+$0x5A60] =	vst v18  }
0x18a: {  	v62 =	vld [tilespmem:s18+$0x2AE0];
	v18 =	vperm.xlane v17, v15;
	v19 =	vpack.i.f32.bf16 v19, v19;
	v21 =	vmul.bf16 v54, v21;
	[tilespmem:s18+$0x5A70] =	vst v20  }
0x18b: {  	v63 =	vld [tilespmem:s18+$0x2AF0];
	v20 =	vmul.bf16 v27, v19;
	[tilespmem:s18+$0x5A80] =	vst v22  }
0x18c: {  	v17 =	vperm.xlane v17, v16;
	v19 =	vmul.bf16 v56, v19;
	v18 =	vpack.i.f32.bf16 v18, v18;
	[tilespmem:s18+$0x5A90] =	vst v21  }
0x18d: {  	v21 =	vmul.bf16 v58, v18;
	[tilespmem:s18+$0x5AA0] =	vst v20  }
0x18e: {  	v17 =	vpack.i.f32.bf16 v17, v17;
	v18 =	vmul.bf16 v59, v18;
	[tilespmem:s18+$0x5AB0] =	vst v19  }
0x18f: {  	v19 =	vmul.bf16 v62, v17;
	[tilespmem:s18+$0x5AC0] =	vst v21  }
0x190: {  	v17 =	vmul.bf16 v63, v17;
	[tilespmem:s18+$0x5AD0] =	vst v18  }
0x191: {  	s21 =	rddreg [dreg:$0x14];
	[tilespmem:s18+$0x5AE0] =	vst v19  }
0x192: {  	s20 =	simm.s32 $0x380;
	[tilespmem:s18+$0x5AF0] =	vst v17;
	s18 =	sadd.s32 s17, s21  }
0x193: {  	[spmem:s3] =	stream.indirect.scatter.add.bf16 [tilespmem:s26], [sflag:$0x6], $0x20, s20, s31, $0xb8;
	[tilespmem:$0x10F40] =	vst v63  }
0x194: {  	s18 =	smul.u32 $0x30, s18;
	_ =	swait.ge [sflag:s5], $0x1000  }
0x195: {  	[sflag:s5] =	ssyncset.done $0x0  }
0x196: {  	s19 =	simm.s32 $0x0;
	s18 =	sadd.s32 s1, s18;
	[sflag:s5] =	ssyncadd.s32 $0xFFFFF000  }
0x197: {  	[tilespmem:s28], [sflag:$0xC] =	stream.linear.gather [hbm4b:s18+s19], $0x180, $0x38;
	[tilespmem:$0x10F40] =	vst v63  }
0x198: {  	_ =	swait.ge [sflag:s15], $0x180  }
0x199: {  	[sflag:s15] =	ssyncset.done $0x0  }
0x19a: {  	[sflag:s15] =	ssyncadd.s32 $0xFFFFFE80  }
0x19b: {  	[tilespmem:s8], [sflag:$0x2] =	stream.indirect.gather [spmem:s4], $0x20, s24, s31, $0xb8;
	[tilespmem:$0x10F40] =	vst v63  }
0x19c: {  	_ =	swait.ge [sflag:s9], $0x1000  }
0x19d: {  	[sflag:s9] =	ssyncset.done $0x0  }
0x19e: {  	s18 =	simm.s32 $0x0;
	[sflag:s9] =	ssyncadd.s32 $0xFFFFF000  }
0x19f: {  	v24 =	vld [tilespmem:s18+$0x900]  }
0x1a0: {  	v23 =	vld [tilespmem:s18+$0x910]  }
0x1a1: {  	v22 =	vld [tilespmem:s18+$0x920]  }
0x1a2: {  	v21 =	vld [tilespmem:s18+$0x930]  }
0x1a3: {  	v20 =	vld [tilespmem:s18+$0x940]  }
0x1a4: {  	v19 =	vld [tilespmem:s18+$0x950]  }
0x1a5: {  	s19 =	simm.s32 $0x580;
	v18 =	vld [tilespmem:s18+$0x960]  }
0x1a6: {  	s20 =	simm.s32 $0x800;
	v17 =	vld [tilespmem:s19+$0x0]  }
.LBB2_11:
0x1a7: {  	p0 =	sne.s32 s20, $0x3800;
	v25 =	vld [tilespmem:s18+$0x970]  }
0x1a8: {  	v26 =	vld [tilespmem:s18+$0x980]  }
0x1a9: {  	v27 =	vld [tilespmem:s18+$0x990]  }
0x1aa: {  	v28 =	vld [tilespmem:s18+$0x9A0]  }
0x1ab: {  	v29 =	vperm.xlane v17, v1;
	v30 =	vperm.xlane v17, v2;
	v31 =	vld [tilespmem:s18+$0x9B0]  }
0x1ac: {  	v32 =	vperm.xlane v17, v3;
	v33 =	vperm.xlane v17, v4;
	v34 =	vld [tilespmem:s18+$0x9C0]  }
0x1ad: {  	v35 =	vperm.xlane v17, v5;
	v29 =	vpack.i.f32.bf16 v29, v29;
	v30 =	vpack.i.f32.bf16 v30, v30;
	v36 =	vld [tilespmem:s18+$0x9D0]  }
0x1ae: {  	v24 =	vmul.bf16 v24, v29;
	v23 =	vmul.bf16 v23, v29;
	v29 =	vpack.i.f32.bf16 v32, v32;
	v32 =	vld [tilespmem:s18+$0x9E0]  }
0x1af: {  	v22 =	vmul.bf16 v22, v30;
	v21 =	vmul.bf16 v21, v30;
	v30 =	vpack.i.f32.bf16 v33, v33;
	v33 =	vld [tilespmem:s18+$0x9F0]  }
0x1b0: {  	v20 =	vmul.bf16 v20, v29;
	v19 =	vmul.bf16 v19, v29;
	[tilespmem:s18+$0x3900] =	vst v24;
	v24 =	vpack.i.f32.bf16 v35, v35;
	v29 =	vld [tilespmem:s18+$0xA00]  }
0x1b1: {  	v18 =	vmul.bf16 v18, v30;
	[tilespmem:s18+$0x3910] =	vst v23;
	v23 =	vmul.bf16 v25, v30;
	v25 =	vld [tilespmem:s18+$0xA10]  }
0x1b2: {  	[tilespmem:s18+$0x3920] =	vst v22;
	v22 =	vmul.bf16 v26, v24;
	v24 =	vmul.bf16 v27, v24;
	v26 =	vld [tilespmem:s18+$0xA20]  }
0x1b3: {  	v27 =	vperm.xlane v17, v7;
	[tilespmem:s18+$0x3930] =	vst v21;
	v21 =	vperm.xlane v17, v6;
	v30 =	vld [tilespmem:s18+$0xA30]  }
0x1b4: {  	v35 =	vperm.xlane v17, v9;
	[tilespmem:s18+$0x3940] =	vst v20;
	v20 =	vperm.xlane v17, v8;
	v37 =	vld [tilespmem:s18+$0xA40]  }
0x1b5: {  	[tilespmem:s18+$0x3950] =	vst v19;
	v19 =	vpack.i.f32.bf16 v21, v21;
	v21 =	vpack.i.f32.bf16 v27, v27;
	v27 =	vperm.xlane v17, v10;
	v38 =	vld [tilespmem:s18+$0xA50]  }
0x1b6: {  	[tilespmem:s18+$0x3960] =	vst v18;
	v18 =	vmul.bf16 v28, v19;
	v19 =	vmul.bf16 v31, v19;
	v20 =	vpack.i.f32.bf16 v20, v20;
	v28 =	vld [tilespmem:s18+$0xA60]  }
0x1b7: {  	v31 =	vpack.i.f32.bf16 v35, v35;
	[tilespmem:s18+$0x3970] =	vst v23;
	v23 =	vmul.bf16 v34, v21;
	v21 =	vmul.bf16 v36, v21;
	v34 =	vld [tilespmem:s18+$0xA70]  }
0x1b8: {  	v27 =	vpack.i.f32.bf16 v27, v27;
	[tilespmem:s18+$0x3980] =	vst v22;
	v22 =	vmul.bf16 v32, v20;
	v20 =	vmul.bf16 v33, v20;
	v32 =	vld [tilespmem:s18+$0xA80]  }
0x1b9: {  	v25 =	vmul.bf16 v25, v31;
	[tilespmem:s18+$0x3990] =	vst v24;
	v24 =	vmul.bf16 v29, v31;
	v29 =	vld [tilespmem:s18+$0xA90]  }
0x1ba: {  	[tilespmem:s18+$0x39A0] =	vst v18;
	v18 =	vmul.bf16 v26, v27;
	v26 =	vmul.bf16 v30, v27;
	v27 =	vld [tilespmem:s18+$0xAA0]  }
0x1bb: {  	v30 =	vperm.xlane v17, v12;
	[tilespmem:s18+$0x39B0] =	vst v19;
	v19 =	vperm.xlane v17, v11;
	v31 =	vld [tilespmem:s18+$0xAB0]  }
0x1bc: {  	v33 =	vperm.xlane v17, v14;
	[tilespmem:s18+$0x39C0] =	vst v23;
	v23 =	vperm.xlane v17, v13;
	v35 =	vld [tilespmem:s18+$0xAC0]  }
0x1bd: {  	[tilespmem:s18+$0x39D0] =	vst v21;
	v19 =	vpack.i.f32.bf16 v19, v19;
	v21 =	vpack.i.f32.bf16 v30, v30;
	v30 =	vperm.xlane v17, v15;
	v36 =	vld [tilespmem:s18+$0xAD0]  }
0x1be: {  	[tilespmem:s18+$0x39E0] =	vst v22;
	v22 =	vmul.bf16 v37, v19;
	v19 =	vmul.bf16 v38, v19;
	v23 =	vpack.i.f32.bf16 v23, v23  }
0x1bf: {  	[tilespmem:s18+$0x39F0] =	vst v20;
	v20 =	vmul.bf16 v28, v21;
	v21 =	vmul.bf16 v34, v21;
	v28 =	vpack.i.f32.bf16 v33, v33  }
0x1c0: {  	[tilespmem:s18+$0x3A00] =	vst v24;
	v24 =	vmul.bf16 v32, v23;
	v23 =	vmul.bf16 v29, v23;
	v29 =	vpack.i.f32.bf16 v30, v30;
	v30 =	vld [tilespmem:s18+$0xAE0]  }
0x1c1: {  	[tilespmem:s18+$0x3A10] =	vst v25;
	v25 =	vmul.bf16 v27, v28;
	v27 =	vmul.bf16 v31, v28;
	v28 =	vld [tilespmem:s18+$0xAF0]  }
0x1c2: {  	[tilespmem:s18+$0x3A20] =	vst v18;
	v18 =	vmul.bf16 v35, v29;
	v29 =	vmul.bf16 v36, v29  }
0x1c3: {  	v17 =	vperm.xlane v17, v16;
	[tilespmem:s18+$0x3A30] =	vst v26  }
0x1c4: {  	[tilespmem:s18+$0x3A40] =	vst v22  }
0x1c5: {  	v17 =	vpack.i.f32.bf16 v17, v17;
	[tilespmem:s18+$0x3A50] =	vst v19  }
0x1c6: {  	v26 =	vmul.bf16 v30, v17;
	[tilespmem:s18+$0x3A60] =	vst v20;
	v17 =	vmul.bf16 v28, v17  }
0x1c7: {  	[tilespmem:s18+$0x3A70] =	vst v21  }
0x1c8: {  	s21 =	sshra.s32 s20, $0x2;
	[tilespmem:s18+$0x3A80] =	vst v24  }
0x1c9: {  	v24 =	vld [tilespmem:s21+$0x900];
	[tilespmem:s18+$0x3A90] =	vst v23  }
0x1ca: {  	v23 =	vld [tilespmem:s21+$0x910];
	[tilespmem:s18+$0x3AA0] =	vst v25  }
0x1cb: {  	v22 =	vld [tilespmem:s21+$0x920];
	[tilespmem:s18+$0x3AB0] =	vst v27  }
.Ltmp4:
0x1cc: {  	v21 =	vld [tilespmem:s21+$0x930];
	[tilespmem:s18+$0x3AC0] =	vst v18;
	(pc) =	sbr.rel @p0 .LBB2_11-.Ltmp4, $4  }
0x1cd: {  	v20 =	vld [tilespmem:s21+$0x940];
	[tilespmem:s18+$0x3AD0] =	vst v29  }
0x1ce: {  	v19 =	vld [tilespmem:s21+$0x950];
	[tilespmem:s18+$0x3AE0] =	vst v26  }
0x1cf: {  	s19 =	sadd.s32 $0x10, s19;
	v18 =	vld [tilespmem:s21+$0x960];
	[tilespmem:s18+$0x3AF0] =	vst v17;
	s18 =	smov.u32 s21  }
0x1d0: {  	s20 =	sadd.s32 $0x800, s20;
	v17 =	vld [tilespmem:s19+$0x0]  }
0x1d1: {  	_ =	sdelay $0x3  }
0x1d2: {  	v29 =	vperm.xlane v17, v1;
	_ =	sdelay $0x1  }
0x1d3: {  	v29 =	vpack.i.f32.bf16 v29, v29  }
0x1d4: {  	v34 =	vperm.xlane v17, v2;
	v24 =	vmul.bf16 v24, v29  }
0x1d5: {  	v23 =	vmul.bf16 v23, v29  }
0x1d6: {  	[tilespmem:s18+$0x3900] =	vst v24;
	v24 =	vpack.i.f32.bf16 v34, v34  }
0x1d7: {  	[tilespmem:s18+$0x3910] =	vst v23;
	v23 =	vperm.xlane v17, v3;
	v22 =	vmul.bf16 v22, v24  }
0x1d8: {  	v25 =	vld [tilespmem:s18+$0x970];
	v21 =	vmul.bf16 v21, v24  }
0x1d9: {  	[tilespmem:s18+$0x3920] =	vst v22;
	v22 =	vpack.i.f32.bf16 v23, v23  }
0x1da: {  	[tilespmem:s18+$0x3930] =	vst v21;
	v21 =	vperm.xlane v17, v4;
	v20 =	vmul.bf16 v20, v22  }
0x1db: {  	v26 =	vld [tilespmem:s18+$0x980]  }
0x1dc: {  	v27 =	vld [tilespmem:s18+$0x990];
	v19 =	vmul.bf16 v19, v22;
	[tilespmem:s18+$0x3940] =	vst v20;
	v20 =	vpack.i.f32.bf16 v21, v21  }
0x1dd: {  	v28 =	vld [tilespmem:s18+$0x9A0];
	v18 =	vmul.bf16 v18, v20;
	v20 =	vmul.bf16 v25, v20  }
0x1de: {  	v30 =	vld [tilespmem:s18+$0x9B0];
	[tilespmem:s18+$0x3950] =	vst v19;
	v19 =	vperm.xlane v17, v5  }
0x1df: {  	[tilespmem:s18+$0x3970] =	vst v20;
	v20 =	vperm.xlane v17, v6  }
0x1e0: {  	[tilespmem:s18+$0x3960] =	vst v18;
	v18 =	vpack.i.f32.bf16 v19, v19  }
0x1e1: {  	v31 =	vld [tilespmem:s18+$0x9C0];
	v25 =	vmul.bf16 v26, v18;
	v18 =	vmul.bf16 v27, v18;
	v20 =	vpack.i.f32.bf16 v20, v20  }
0x1e2: {  	v32 =	vld [tilespmem:s18+$0x9D0];
	v27 =	vmul.bf16 v28, v20  }
0x1e3: {  	v33 =	vld [tilespmem:s18+$0x9E0];
	[tilespmem:s18+$0x3990] =	vst v18;
	v18 =	vperm.xlane v17, v7;
	v20 =	vmul.bf16 v30, v20  }
0x1e4: {  	v35 =	vld [tilespmem:s18+$0x9F0]  }
0x1e5: {  	v52 =	vld [tilespmem:s18+$0xA00];
	v18 =	vpack.i.f32.bf16 v18, v18;
	[tilespmem:s18+$0x39B0] =	vst v20;
	v20 =	vperm.xlane v17, v8  }
0x1e6: {  	v53 =	vld [tilespmem:s18+$0xA10];
	[tilespmem:s18+$0x3980] =	vst v25;
	v55 =	vmul.bf16 v31, v18  }
0x1e7: {  	v57 =	vperm.xlane v17, v9;
	v23 =	vld [tilespmem:s18+$0xA20];
	[tilespmem:s18+$0x39A0] =	vst v27;
	v18 =	vmul.bf16 v32, v18;
	v20 =	vpack.i.f32.bf16 v20, v20  }
0x1e8: {  	v24 =	vld [tilespmem:s18+$0xA30];
	[tilespmem:s18+$0x39C0] =	vst v55;
	v33 =	vmul.bf16 v33, v20  }
0x1e9: {  	v60 =	vperm.xlane v17, v10;
	v21 =	vld [tilespmem:s18+$0xA40];
	[tilespmem:s18+$0x39D0] =	vst v18;
	v18 =	vpack.i.f32.bf16 v57, v57;
	v20 =	vmul.bf16 v35, v20  }
0x1ea: {  	v22 =	vld [tilespmem:s18+$0xA50];
	v29 =	vmul.bf16 v52, v18;
	[tilespmem:s18+$0x39E0] =	vst v33  }
0x1eb: {  	v61 =	vperm.xlane v17, v11;
	v19 =	vld [tilespmem:s18+$0xA60];
	v18 =	vmul.bf16 v53, v18;
	[tilespmem:s18+$0x39F0] =	vst v20;
	v20 =	vpack.i.f32.bf16 v60, v60  }
0x1ec: {  	v26 =	vld [tilespmem:s18+$0xA70];
	[tilespmem:s18+$0x3A00] =	vst v29;
	v23 =	vmul.bf16 v23, v20  }
0x1ed: {  	v25 =	vld [tilespmem:s18+$0xA80];
	[tilespmem:s18+$0x3A10] =	vst v18;
	v18 =	vmul.bf16 v24, v20;
	v20 =	vperm.xlane v17, v12;
	v24 =	vpack.i.f32.bf16 v61, v61  }
0x1ee: {  	v54 =	vld [tilespmem:s18+$0xA90];
	v21 =	vmul.bf16 v21, v24;
	[tilespmem:s18+$0x3A20] =	vst v23  }
0x1ef: {  	v27 =	vld [tilespmem:s18+$0xAA0];
	v22 =	vmul.bf16 v22, v24;
	v23 =	vperm.xlane v17, v13;
	v20 =	vpack.i.f32.bf16 v20, v20;
	[tilespmem:s18+$0x3A30] =	vst v18  }
0x1f0: {  	v56 =	vld [tilespmem:s18+$0xAB0];
	v18 =	vmul.bf16 v19, v20;
	[tilespmem:s18+$0x3A40] =	vst v21  }
0x1f1: {  	v58 =	vld [tilespmem:s18+$0xAC0];
	v19 =	vperm.xlane v17, v14;
	v20 =	vmul.bf16 v26, v20;
	[tilespmem:s18+$0x3A50] =	vst v22;
	v21 =	vpack.i.f32.bf16 v23, v23  }
0x1f2: {  	v59 =	vld [tilespmem:s18+$0xAD0];
	v22 =	vmul.bf16 v25, v21;
	[tilespmem:s18+$0x3A60] =	vst v18  }
0x1f3: {  	v62 =	vld [tilespmem:s18+$0xAE0];
	v18 =	vperm.xlane v17, v15;
	v19 =	vpack.i.f32.bf16 v19, v19;
	v21 =	vmul.bf16 v54, v21;
	[tilespmem:s18+$0x3A70] =	vst v20  }
0x1f4: {  	v63 =	vld [tilespmem:s18+$0xAF0];
	v20 =	vmul.bf16 v27, v19;
	[tilespmem:s18+$0x3A80] =	vst v22  }
0x1f5: {  	v17 =	vperm.xlane v17, v16;
	v19 =	vmul.bf16 v56, v19;
	v18 =	vpack.i.f32.bf16 v18, v18;
	[tilespmem:s18+$0x3A90] =	vst v21  }
0x1f6: {  	v21 =	vmul.bf16 v58, v18;
	[tilespmem:s18+$0x3AA0] =	vst v20  }
0x1f7: {  	v17 =	vpack.i.f32.bf16 v17, v17;
	v18 =	vmul.bf16 v59, v18;
	[tilespmem:s18+$0x3AB0] =	vst v19  }
0x1f8: {  	v19 =	vmul.bf16 v62, v17;
	[tilespmem:s18+$0x3AC0] =	vst v21  }
0x1f9: {  	v17 =	vmul.bf16 v63, v17;
	[tilespmem:s18+$0x3AD0] =	vst v18  }
0x1fa: {  	[tilespmem:s18+$0x3AE0] =	vst v19  }
0x1fb: {  	s21 =	simm.s32 $0x500;
	p0 =	seq.s32 s2, $0x1A;
	[tilespmem:s18+$0x3AF0] =	vst v17;
	s18 =	rddreg [dreg:$0x15]  }
0x1fc: {  	[spmem:s3] =	stream.indirect.scatter.add.bf16 [tilespmem:s10], [sflag:$0x4], $0x20, s21, s31, $0xb8;
	[tilespmem:$0x10F40] =	vst v63  }
0x1fd: {  	s18 =	sadd.s32 @!p0 s17, s18  }
0x1fe: {  	_ =	swait.ge [sflag:s6], $0x1000;
	s18 =	smul.u32 @!p0 $0x30, s18  }
0x1ff: {  	[sflag:s6] =	ssyncset.done $0x0  }
0x200: {  	s19 =	simm.s32 @!p0 $0x0;
	[sflag:s6] =	ssyncadd.s32 $0xFFFFF000;
	s18 =	sadd.s32 @!p0 s1, s18  }
0x201: {  	[tilespmem:s19], [sflag:$0x7] =	stream.linear.gather @!p0 [hbm4b:s18+s19], $0x180, $0x38;
	[tilespmem:$0x10F40] =	vst v63  }
0x202: {  	_ =	swait.ge [sflag:s29], $0x180  }
0x203: {  	[sflag:s29] =	ssyncset.done $0x0  }
0x204: {  	[sflag:s29] =	ssyncadd.s32 $0xFFFFFE80  }
0x205: {  	[tilespmem:s13], [sflag:$0x3] =	stream.indirect.gather [spmem:s4], $0x20, s28, s31, $0xb8;
	[tilespmem:$0x10F40] =	vst v63  }
0x206: {  	_ =	swait.ge [sflag:s14], $0x1000  }
0x207: {  	[sflag:s14] =	ssyncset.done $0x0  }
0x208: {  	s18 =	simm.s32 $0x0;
	[sflag:s14] =	ssyncadd.s32 $0xFFFFF000  }
0x209: {  	v24 =	vld [tilespmem:s18+$0x1900]  }
0x20a: {  	v23 =	vld [tilespmem:s18+$0x1910]  }
0x20b: {  	v22 =	vld [tilespmem:s18+$0x1920]  }
0x20c: {  	v21 =	vld [tilespmem:s18+$0x1930]  }
0x20d: {  	v20 =	vld [tilespmem:s18+$0x1940]  }
0x20e: {  	v19 =	vld [tilespmem:s18+$0x1950]  }
0x20f: {  	s19 =	simm.s32 $0x700;
	v18 =	vld [tilespmem:s18+$0x1960]  }
0x210: {  	s20 =	simm.s32 $0x800;
	v17 =	vld [tilespmem:s19+$0x0]  }
.LBB2_13:
0x211: {  	p1 =	sne.s32 s20, $0x3800;
	v25 =	vld [tilespmem:s18+$0x1970]  }
0x212: {  	v26 =	vld [tilespmem:s18+$0x1980]  }
0x213: {  	v27 =	vld [tilespmem:s18+$0x1990]  }
0x214: {  	v28 =	vld [tilespmem:s18+$0x19A0]  }
0x215: {  	v29 =	vperm.xlane v17, v1;
	v30 =	vperm.xlane v17, v2;
	v31 =	vld [tilespmem:s18+$0x19B0]  }
0x216: {  	v32 =	vperm.xlane v17, v3;
	v33 =	vperm.xlane v17, v4;
	v34 =	vld [tilespmem:s18+$0x19C0]  }
0x217: {  	v35 =	vperm.xlane v17, v5;
	v29 =	vpack.i.f32.bf16 v29, v29;
	v30 =	vpack.i.f32.bf16 v30, v30;
	v36 =	vld [tilespmem:s18+$0x19D0]  }
0x218: {  	v24 =	vmul.bf16 v24, v29;
	v23 =	vmul.bf16 v23, v29;
	v29 =	vpack.i.f32.bf16 v32, v32;
	v32 =	vld [tilespmem:s18+$0x19E0]  }
0x219: {  	v22 =	vmul.bf16 v22, v30;
	v21 =	vmul.bf16 v21, v30;
	v30 =	vpack.i.f32.bf16 v33, v33;
	v33 =	vld [tilespmem:s18+$0x19F0]  }
0x21a: {  	v20 =	vmul.bf16 v20, v29;
	v19 =	vmul.bf16 v19, v29;
	[tilespmem:s18+$0x4900] =	vst v24;
	v24 =	vpack.i.f32.bf16 v35, v35;
	v29 =	vld [tilespmem:s18+$0x1A00]  }
0x21b: {  	v18 =	vmul.bf16 v18, v30;
	[tilespmem:s18+$0x4910] =	vst v23;
	v23 =	vmul.bf16 v25, v30;
	v25 =	vld [tilespmem:s18+$0x1A10]  }
0x21c: {  	[tilespmem:s18+$0x4920] =	vst v22;
	v22 =	vmul.bf16 v26, v24;
	v24 =	vmul.bf16 v27, v24;
	v26 =	vld [tilespmem:s18+$0x1A20]  }
0x21d: {  	v27 =	vperm.xlane v17, v7;
	[tilespmem:s18+$0x4930] =	vst v21;
	v21 =	vperm.xlane v17, v6;
	v30 =	vld [tilespmem:s18+$0x1A30]  }
0x21e: {  	v35 =	vperm.xlane v17, v9;
	[tilespmem:s18+$0x4940] =	vst v20;
	v20 =	vperm.xlane v17, v8;
	v37 =	vld [tilespmem:s18+$0x1A40]  }
0x21f: {  	[tilespmem:s18+$0x4950] =	vst v19;
	v19 =	vpack.i.f32.bf16 v21, v21;
	v21 =	vpack.i.f32.bf16 v27, v27;
	v27 =	vperm.xlane v17, v10;
	v38 =	vld [tilespmem:s18+$0x1A50]  }
0x220: {  	[tilespmem:s18+$0x4960] =	vst v18;
	v18 =	vmul.bf16 v28, v19;
	v19 =	vmul.bf16 v31, v19;
	v20 =	vpack.i.f32.bf16 v20, v20;
	v28 =	vld [tilespmem:s18+$0x1A60]  }
0x221: {  	v31 =	vpack.i.f32.bf16 v35, v35;
	[tilespmem:s18+$0x4970] =	vst v23;
	v23 =	vmul.bf16 v34, v21;
	v21 =	vmul.bf16 v36, v21;
	v34 =	vld [tilespmem:s18+$0x1A70]  }
0x222: {  	v27 =	vpack.i.f32.bf16 v27, v27;
	[tilespmem:s18+$0x4980] =	vst v22;
	v22 =	vmul.bf16 v32, v20;
	v20 =	vmul.bf16 v33, v20;
	v32 =	vld [tilespmem:s18+$0x1A80]  }
0x223: {  	v25 =	vmul.bf16 v25, v31;
	[tilespmem:s18+$0x4990] =	vst v24;
	v24 =	vmul.bf16 v29, v31;
	v29 =	vld [tilespmem:s18+$0x1A90]  }
0x224: {  	[tilespmem:s18+$0x49A0] =	vst v18;
	v18 =	vmul.bf16 v26, v27;
	v26 =	vmul.bf16 v30, v27;
	v27 =	vld [tilespmem:s18+$0x1AA0]  }
0x225: {  	v30 =	vperm.xlane v17, v12;
	[tilespmem:s18+$0x49B0] =	vst v19;
	v19 =	vperm.xlane v17, v11;
	v31 =	vld [tilespmem:s18+$0x1AB0]  }
0x226: {  	v33 =	vperm.xlane v17, v14;
	[tilespmem:s18+$0x49C0] =	vst v23;
	v23 =	vperm.xlane v17, v13;
	v35 =	vld [tilespmem:s18+$0x1AC0]  }
0x227: {  	[tilespmem:s18+$0x49D0] =	vst v21;
	v19 =	vpack.i.f32.bf16 v19, v19;
	v21 =	vpack.i.f32.bf16 v30, v30;
	v30 =	vperm.xlane v17, v15;
	v36 =	vld [tilespmem:s18+$0x1AD0]  }
0x228: {  	[tilespmem:s18+$0x49E0] =	vst v22;
	v22 =	vmul.bf16 v37, v19;
	v19 =	vmul.bf16 v38, v19;
	v23 =	vpack.i.f32.bf16 v23, v23  }
0x229: {  	[tilespmem:s18+$0x49F0] =	vst v20;
	v20 =	vmul.bf16 v28, v21;
	v21 =	vmul.bf16 v34, v21;
	v28 =	vpack.i.f32.bf16 v33, v33  }
0x22a: {  	[tilespmem:s18+$0x4A00] =	vst v24;
	v24 =	vmul.bf16 v32, v23;
	v23 =	vmul.bf16 v29, v23;
	v29 =	vpack.i.f32.bf16 v30, v30;
	v30 =	vld [tilespmem:s18+$0x1AE0]  }
0x22b: {  	[tilespmem:s18+$0x4A10] =	vst v25;
	v25 =	vmul.bf16 v27, v28;
	v27 =	vmul.bf16 v31, v28;
	v28 =	vld [tilespmem:s18+$0x1AF0]  }
0x22c: {  	[tilespmem:s18+$0x4A20] =	vst v18;
	v18 =	vmul.bf16 v35, v29;
	v29 =	vmul.bf16 v36, v29  }
0x22d: {  	v17 =	vperm.xlane v17, v16;
	[tilespmem:s18+$0x4A30] =	vst v26  }
0x22e: {  	[tilespmem:s18+$0x4A40] =	vst v22  }
0x22f: {  	v17 =	vpack.i.f32.bf16 v17, v17;
	[tilespmem:s18+$0x4A50] =	vst v19  }
0x230: {  	v26 =	vmul.bf16 v30, v17;
	[tilespmem:s18+$0x4A60] =	vst v20;
	v17 =	vmul.bf16 v28, v17  }
0x231: {  	[tilespmem:s18+$0x4A70] =	vst v21  }
0x232: {  	s21 =	sshra.s32 s20, $0x2;
	[tilespmem:s18+$0x4A80] =	vst v24  }
0x233: {  	v24 =	vld [tilespmem:s21+$0x1900];
	[tilespmem:s18+$0x4A90] =	vst v23  }
0x234: {  	v23 =	vld [tilespmem:s21+$0x1910];
	[tilespmem:s18+$0x4AA0] =	vst v25  }
0x235: {  	v22 =	vld [tilespmem:s21+$0x1920];
	[tilespmem:s18+$0x4AB0] =	vst v27  }
.Ltmp5:
0x236: {  	v21 =	vld [tilespmem:s21+$0x1930];
	[tilespmem:s18+$0x4AC0] =	vst v18;
	(pc) =	sbr.rel @p1 .LBB2_13-.Ltmp5, $4  }
0x237: {  	v20 =	vld [tilespmem:s21+$0x1940];
	[tilespmem:s18+$0x4AD0] =	vst v29  }
0x238: {  	v19 =	vld [tilespmem:s21+$0x1950];
	[tilespmem:s18+$0x4AE0] =	vst v26  }
0x239: {  	s19 =	sadd.s32 $0x10, s19;
	v18 =	vld [tilespmem:s21+$0x1960];
	[tilespmem:s18+$0x4AF0] =	vst v17;
	s18 =	smov.u32 s21  }
0x23a: {  	s20 =	sadd.s32 $0x800, s20;
	v17 =	vld [tilespmem:s19+$0x0]  }
0x23b: {  	_ =	sdelay $0x3  }
0x23c: {  	v29 =	vperm.xlane v17, v1;
	_ =	sdelay $0x1  }
0x23d: {  	v29 =	vpack.i.f32.bf16 v29, v29  }
0x23e: {  	v34 =	vperm.xlane v17, v2;
	v24 =	vmul.bf16 v24, v29  }
0x23f: {  	v23 =	vmul.bf16 v23, v29  }
0x240: {  	[tilespmem:s18+$0x4900] =	vst v24;
	v24 =	vpack.i.f32.bf16 v34, v34  }
0x241: {  	[tilespmem:s18+$0x4910] =	vst v23;
	v23 =	vperm.xlane v17, v3;
	v22 =	vmul.bf16 v22, v24  }
0x242: {  	v25 =	vld [tilespmem:s18+$0x1970];
	v21 =	vmul.bf16 v21, v24  }
0x243: {  	[tilespmem:s18+$0x4920] =	vst v22;
	v22 =	vpack.i.f32.bf16 v23, v23  }
0x244: {  	[tilespmem:s18+$0x4930] =	vst v21;
	v21 =	vperm.xlane v17, v4;
	v20 =	vmul.bf16 v20, v22  }
0x245: {  	v26 =	vld [tilespmem:s18+$0x1980]  }
0x246: {  	v27 =	vld [tilespmem:s18+$0x1990];
	v19 =	vmul.bf16 v19, v22;
	[tilespmem:s18+$0x4940] =	vst v20;
	v20 =	vpack.i.f32.bf16 v21, v21  }
0x247: {  	v28 =	vld [tilespmem:s18+$0x19A0];
	v18 =	vmul.bf16 v18, v20;
	v20 =	vmul.bf16 v25, v20  }
0x248: {  	v30 =	vld [tilespmem:s18+$0x19B0];
	[tilespmem:s18+$0x4950] =	vst v19;
	v19 =	vperm.xlane v17, v5  }
0x249: {  	[tilespmem:s18+$0x4970] =	vst v20;
	v20 =	vperm.xlane v17, v6  }
0x24a: {  	[tilespmem:s18+$0x4960] =	vst v18;
	v18 =	vpack.i.f32.bf16 v19, v19  }
0x24b: {  	v31 =	vld [tilespmem:s18+$0x19C0];
	v25 =	vmul.bf16 v26, v18;
	v18 =	vmul.bf16 v27, v18;
	v20 =	vpack.i.f32.bf16 v20, v20  }
0x24c: {  	v32 =	vld [tilespmem:s18+$0x19D0];
	v27 =	vmul.bf16 v28, v20  }
0x24d: {  	v33 =	vld [tilespmem:s18+$0x19E0];
	[tilespmem:s18+$0x4990] =	vst v18;
	v18 =	vperm.xlane v17, v7;
	v20 =	vmul.bf16 v30, v20  }
0x24e: {  	v35 =	vld [tilespmem:s18+$0x19F0]  }
0x24f: {  	v52 =	vld [tilespmem:s18+$0x1A00];
	v18 =	vpack.i.f32.bf16 v18, v18;
	[tilespmem:s18+$0x49B0] =	vst v20;
	v20 =	vperm.xlane v17, v8  }
0x250: {  	v53 =	vld [tilespmem:s18+$0x1A10];
	[tilespmem:s18+$0x4980] =	vst v25;
	v55 =	vmul.bf16 v31, v18  }
0x251: {  	v57 =	vperm.xlane v17, v9;
	v23 =	vld [tilespmem:s18+$0x1A20];
	[tilespmem:s18+$0x49A0] =	vst v27;
	v18 =	vmul.bf16 v32, v18;
	v20 =	vpack.i.f32.bf16 v20, v20  }
0x252: {  	v24 =	vld [tilespmem:s18+$0x1A30];
	[tilespmem:s18+$0x49C0] =	vst v55;
	v33 =	vmul.bf16 v33, v20  }
0x253: {  	v60 =	vperm.xlane v17, v10;
	v21 =	vld [tilespmem:s18+$0x1A40];
	[tilespmem:s18+$0x49D0] =	vst v18;
	v18 =	vpack.i.f32.bf16 v57, v57;
	v20 =	vmul.bf16 v35, v20  }
0x254: {  	v22 =	vld [tilespmem:s18+$0x1A50];
	v29 =	vmul.bf16 v52, v18;
	[tilespmem:s18+$0x49E0] =	vst v33  }
0x255: {  	v61 =	vperm.xlane v17, v11;
	v19 =	vld [tilespmem:s18+$0x1A60];
	v18 =	vmul.bf16 v53, v18;
	[tilespmem:s18+$0x49F0] =	vst v20;
	v20 =	vpack.i.f32.bf16 v60, v60  }
0x256: {  	v26 =	vld [tilespmem:s18+$0x1A70];
	[tilespmem:s18+$0x4A00] =	vst v29;
	v23 =	vmul.bf16 v23, v20  }
0x257: {  	v25 =	vld [tilespmem:s18+$0x1A80];
	[tilespmem:s18+$0x4A10] =	vst v18;
	v18 =	vmul.bf16 v24, v20;
	v20 =	vperm.xlane v17, v12;
	v24 =	vpack.i.f32.bf16 v61, v61  }
0x258: {  	v54 =	vld [tilespmem:s18+$0x1A90];
	v21 =	vmul.bf16 v21, v24;
	[tilespmem:s18+$0x4A20] =	vst v23  }
0x259: {  	v27 =	vld [tilespmem:s18+$0x1AA0];
	v22 =	vmul.bf16 v22, v24;
	v23 =	vperm.xlane v17, v13;
	v20 =	vpack.i.f32.bf16 v20, v20;
	[tilespmem:s18+$0x4A30] =	vst v18  }
0x25a: {  	v56 =	vld [tilespmem:s18+$0x1AB0];
	v18 =	vmul.bf16 v19, v20;
	[tilespmem:s18+$0x4A40] =	vst v21  }
0x25b: {  	v58 =	vld [tilespmem:s18+$0x1AC0];
	v19 =	vperm.xlane v17, v14;
	v20 =	vmul.bf16 v26, v20;
	[tilespmem:s18+$0x4A50] =	vst v22;
	v21 =	vpack.i.f32.bf16 v23, v23  }
0x25c: {  	v59 =	vld [tilespmem:s18+$0x1AD0];
	v22 =	vmul.bf16 v25, v21;
	[tilespmem:s18+$0x4A60] =	vst v18  }
0x25d: {  	v62 =	vld [tilespmem:s18+$0x1AE0];
	v18 =	vperm.xlane v17, v15;
	v19 =	vpack.i.f32.bf16 v19, v19;
	v21 =	vmul.bf16 v54, v21;
	[tilespmem:s18+$0x4A70] =	vst v20  }
0x25e: {  	v63 =	vld [tilespmem:s18+$0x1AF0];
	v20 =	vmul.bf16 v27, v19;
	[tilespmem:s18+$0x4A80] =	vst v22  }
0x25f: {  	v17 =	vperm.xlane v17, v16;
	v19 =	vmul.bf16 v56, v19;
	v18 =	vpack.i.f32.bf16 v18, v18;
	[tilespmem:s18+$0x4A90] =	vst v21  }
0x260: {  	v21 =	vmul.bf16 v58, v18;
	[tilespmem:s18+$0x4AA0] =	vst v20  }
0x261: {  	v17 =	vpack.i.f32.bf16 v17, v17;
	v18 =	vmul.bf16 v59, v18;
	[tilespmem:s18+$0x4AB0] =	vst v19  }
0x262: {  	v19 =	vmul.bf16 v62, v17;
	[tilespmem:s18+$0x4AC0] =	vst v21  }
0x263: {  	v17 =	vmul.bf16 v63, v17;
	[tilespmem:s18+$0x4AD0] =	vst v18  }
0x264: {  	[tilespmem:s18+$0x4AE0] =	vst v19  }
0x265: {  	s21 =	simm.s32 $0x680;
	s17 =	sadd.s32 @!p0 s17, s22;
	[tilespmem:s18+$0x4AF0] =	vst v17  }
0x266: {  	[spmem:s3] =	stream.indirect.scatter.add.bf16 [tilespmem:s16], [sflag:$0x5], $0x20, s21, s31, $0xb8;
	[tilespmem:$0x10F40] =	vst v63  }
0x267: {  	s17 =	smul.u32 @!p0 $0x30, s17;
	_ =	swait.ge [sflag:s23], $0x1000  }
0x268: {  	s19 =	simm.s32 @!p0 $0x180;
	[sflag:s23] =	ssyncset.done $0x0  }
0x269: {  	s17 =	sadd.s32 @!p0 s1, s17;
	s18 =	simm.s32 @!p0 $0x0;
	[sflag:s23] =	ssyncadd.s32 $0xFFFFF000  }
0x26a: {  	[tilespmem:s19], [sflag:$0x8] =	stream.linear.gather @!p0 [hbm4b:s17+s18], $0x180, $0x38;
	[tilespmem:$0x10F40] =	vst v63  }
0x26b: {  	s17 =	simm.s32 @!p0 $0x7  }
0x26c: {  	_ =	swait.ge @!p0 [sflag:s17], $0x180  }
0x26d: {  	[sflag:s17] =	ssyncset.done @!p0 $0x0  }
0x26e: {  	s19 =	simm.s32 @!p0 $0x900;
	[sflag:s17] =	ssyncadd.s32 @!p0 $0xFFFFFE80;
	s17 =	simm.s32 @!p0 $0x80  }
0x26f: {  	[tilespmem:s19], [sflag:$0x1] =	stream.indirect.gather @!p0 [spmem:s4], $0x20, s18, s17, $0xb8;
	[tilespmem:$0x10F40] =	vst v63  }
0x270: {  	_ =	swait.ge [sflag:s30], $0x1000  }
0x271: {  	[sflag:s30] =	ssyncset.done $0x0  }
0x272: {  	s17 =	simm.s32 $0x0;
	[sflag:s30] =	ssyncadd.s32 $0xFFFFF000  }
0x273: {  	v24 =	vld [tilespmem:s17+$0x2900]  }
0x274: {  	v23 =	vld [tilespmem:s17+$0x2910]  }
0x275: {  	v22 =	vld [tilespmem:s17+$0x2920]  }
0x276: {  	v21 =	vld [tilespmem:s17+$0x2930]  }
0x277: {  	v20 =	vld [tilespmem:s17+$0x2940]  }
0x278: {  	v19 =	vld [tilespmem:s17+$0x2950]  }
0x279: {  	s18 =	simm.s32 $0x880;
	v18 =	vld [tilespmem:s17+$0x2960]  }
0x27a: {  	s19 =	simm.s32 $0x800;
	v17 =	vld [tilespmem:s18+$0x0]  }
.LBB2_15:
0x27b: {  	p0 =	sne.s32 s19, $0x3800;
	v25 =	vld [tilespmem:s17+$0x2970]  }
0x27c: {  	v26 =	vld [tilespmem:s17+$0x2980]  }
0x27d: {  	v27 =	vld [tilespmem:s17+$0x2990]  }
0x27e: {  	v28 =	vld [tilespmem:s17+$0x29A0]  }
0x27f: {  	v29 =	vperm.xlane v17, v1;
	v30 =	vperm.xlane v17, v2;
	v31 =	vld [tilespmem:s17+$0x29B0]  }
0x280: {  	v32 =	vperm.xlane v17, v3;
	v33 =	vperm.xlane v17, v4;
	v34 =	vld [tilespmem:s17+$0x29C0]  }
0x281: {  	v35 =	vperm.xlane v17, v5;
	v29 =	vpack.i.f32.bf16 v29, v29;
	v30 =	vpack.i.f32.bf16 v30, v30;
	v36 =	vld [tilespmem:s17+$0x29D0]  }
0x282: {  	v24 =	vmul.bf16 v24, v29;
	v23 =	vmul.bf16 v23, v29;
	v29 =	vpack.i.f32.bf16 v32, v32;
	v32 =	vld [tilespmem:s17+$0x29E0]  }
0x283: {  	v22 =	vmul.bf16 v22, v30;
	v21 =	vmul.bf16 v21, v30;
	v30 =	vpack.i.f32.bf16 v33, v33;
	v33 =	vld [tilespmem:s17+$0x29F0]  }
0x284: {  	v20 =	vmul.bf16 v20, v29;
	v19 =	vmul.bf16 v19, v29;
	[tilespmem:s17+$0x5900] =	vst v24;
	v24 =	vpack.i.f32.bf16 v35, v35;
	v29 =	vld [tilespmem:s17+$0x2A00]  }
0x285: {  	v18 =	vmul.bf16 v18, v30;
	[tilespmem:s17+$0x5910] =	vst v23;
	v23 =	vmul.bf16 v25, v30;
	v25 =	vld [tilespmem:s17+$0x2A10]  }
0x286: {  	[tilespmem:s17+$0x5920] =	vst v22;
	v22 =	vmul.bf16 v26, v24;
	v24 =	vmul.bf16 v27, v24;
	v26 =	vld [tilespmem:s17+$0x2A20]  }
0x287: {  	v27 =	vperm.xlane v17, v7;
	[tilespmem:s17+$0x5930] =	vst v21;
	v21 =	vperm.xlane v17, v6;
	v30 =	vld [tilespmem:s17+$0x2A30]  }
0x288: {  	v35 =	vperm.xlane v17, v9;
	[tilespmem:s17+$0x5940] =	vst v20;
	v20 =	vperm.xlane v17, v8;
	v37 =	vld [tilespmem:s17+$0x2A40]  }
0x289: {  	[tilespmem:s17+$0x5950] =	vst v19;
	v19 =	vpack.i.f32.bf16 v21, v21;
	v21 =	vpack.i.f32.bf16 v27, v27;
	v27 =	vperm.xlane v17, v10;
	v38 =	vld [tilespmem:s17+$0x2A50]  }
0x28a: {  	[tilespmem:s17+$0x5960] =	vst v18;
	v18 =	vmul.bf16 v28, v19;
	v19 =	vmul.bf16 v31, v19;
	v20 =	vpack.i.f32.bf16 v20, v20;
	v28 =	vld [tilespmem:s17+$0x2A60]  }
0x28b: {  	v31 =	vpack.i.f32.bf16 v35, v35;
	[tilespmem:s17+$0x5970] =	vst v23;
	v23 =	vmul.bf16 v34, v21;
	v21 =	vmul.bf16 v36, v21;
	v34 =	vld [tilespmem:s17+$0x2A70]  }
0x28c: {  	v27 =	vpack.i.f32.bf16 v27, v27;
	[tilespmem:s17+$0x5980] =	vst v22;
	v22 =	vmul.bf16 v32, v20;
	v20 =	vmul.bf16 v33, v20;
	v32 =	vld [tilespmem:s17+$0x2A80]  }
0x28d: {  	v25 =	vmul.bf16 v25, v31;
	[tilespmem:s17+$0x5990] =	vst v24;
	v24 =	vmul.bf16 v29, v31;
	v29 =	vld [tilespmem:s17+$0x2A90]  }
0x28e: {  	[tilespmem:s17+$0x59A0] =	vst v18;
	v18 =	vmul.bf16 v26, v27;
	v26 =	vmul.bf16 v30, v27;
	v27 =	vld [tilespmem:s17+$0x2AA0]  }
0x28f: {  	v30 =	vperm.xlane v17, v12;
	[tilespmem:s17+$0x59B0] =	vst v19;
	v19 =	vperm.xlane v17, v11;
	v31 =	vld [tilespmem:s17+$0x2AB0]  }
0x290: {  	v33 =	vperm.xlane v17, v14;
	[tilespmem:s17+$0x59C0] =	vst v23;
	v23 =	vperm.xlane v17, v13;
	v35 =	vld [tilespmem:s17+$0x2AC0]  }
0x291: {  	[tilespmem:s17+$0x59D0] =	vst v21;
	v19 =	vpack.i.f32.bf16 v19, v19;
	v21 =	vpack.i.f32.bf16 v30, v30;
	v30 =	vperm.xlane v17, v15;
	v36 =	vld [tilespmem:s17+$0x2AD0]  }
0x292: {  	[tilespmem:s17+$0x59E0] =	vst v22;
	v22 =	vmul.bf16 v37, v19;
	v19 =	vmul.bf16 v38, v19;
	v23 =	vpack.i.f32.bf16 v23, v23  }
0x293: {  	[tilespmem:s17+$0x59F0] =	vst v20;
	v20 =	vmul.bf16 v28, v21;
	v21 =	vmul.bf16 v34, v21;
	v28 =	vpack.i.f32.bf16 v33, v33  }
0x294: {  	[tilespmem:s17+$0x5A00] =	vst v24;
	v24 =	vmul.bf16 v32, v23;
	v23 =	vmul.bf16 v29, v23;
	v29 =	vpack.i.f32.bf16 v30, v30;
	v30 =	vld [tilespmem:s17+$0x2AE0]  }
0x295: {  	[tilespmem:s17+$0x5A10] =	vst v25;
	v25 =	vmul.bf16 v27, v28;
	v27 =	vmul.bf16 v31, v28;
	v28 =	vld [tilespmem:s17+$0x2AF0]  }
0x296: {  	[tilespmem:s17+$0x5A20] =	vst v18;
	v18 =	vmul.bf16 v35, v29;
	v29 =	vmul.bf16 v36, v29  }
0x297: {  	v17 =	vperm.xlane v17, v16;
	[tilespmem:s17+$0x5A30] =	vst v26  }
0x298: {  	[tilespmem:s17+$0x5A40] =	vst v22  }
0x299: {  	v17 =	vpack.i.f32.bf16 v17, v17;
	[tilespmem:s17+$0x5A50] =	vst v19  }
0x29a: {  	v26 =	vmul.bf16 v30, v17;
	[tilespmem:s17+$0x5A60] =	vst v20;
	v17 =	vmul.bf16 v28, v17  }
0x29b: {  	[tilespmem:s17+$0x5A70] =	vst v21  }
0x29c: {  	s20 =	sshra.s32 s19, $0x2;
	[tilespmem:s17+$0x5A80] =	vst v24  }
0x29d: {  	v24 =	vld [tilespmem:s20+$0x2900];
	[tilespmem:s17+$0x5A90] =	vst v23  }
0x29e: {  	v23 =	vld [tilespmem:s20+$0x2910];
	[tilespmem:s17+$0x5AA0] =	vst v25  }
0x29f: {  	v22 =	vld [tilespmem:s20+$0x2920];
	[tilespmem:s17+$0x5AB0] =	vst v27  }
.Ltmp6:
0x2a0: {  	v21 =	vld [tilespmem:s20+$0x2930];
	[tilespmem:s17+$0x5AC0] =	vst v18;
	(pc) =	sbr.rel @p0 .LBB2_15-.Ltmp6, $4  }
0x2a1: {  	v20 =	vld [tilespmem:s20+$0x2940];
	[tilespmem:s17+$0x5AD0] =	vst v29  }
0x2a2: {  	v19 =	vld [tilespmem:s20+$0x2950];
	[tilespmem:s17+$0x5AE0] =	vst v26  }
0x2a3: {  	s18 =	sadd.s32 $0x10, s18;
	v18 =	vld [tilespmem:s20+$0x2960];
	[tilespmem:s17+$0x5AF0] =	vst v17;
	s17 =	smov.u32 s20  }
0x2a4: {  	s19 =	sadd.s32 $0x800, s19;
	v17 =	vld [tilespmem:s18+$0x0]  }
0x2a5: {  	_ =	sdelay $0x3  }
0x2a6: {  	v29 =	vperm.xlane v17, v1;
	_ =	sdelay $0x1  }
0x2a7: {  	v34 =	vperm.xlane v17, v2;
	v29 =	vpack.i.f32.bf16 v29, v29  }
0x2a8: {  	v25 =	vld [tilespmem:s17+$0x2970];
	v24 =	vmul.bf16 v24, v29  }
0x2a9: {  	v26 =	vld [tilespmem:s17+$0x2980];
	v58 =	vperm.xlane v17, v3;
	v56 =	vpack.i.f32.bf16 v34, v34;
	v23 =	vmul.bf16 v23, v29  }
0x2aa: {  	v27 =	vld [tilespmem:s17+$0x2990];
	v22 =	vmul.bf16 v22, v56;
	[tilespmem:s17+$0x5900] =	vst v24  }
0x2ab: {  	v61 =	vld [tilespmem:s17+$0x2A20];
	v62 =	vperm.xlane v17, v4;
	v60 =	vpack.i.f32.bf16 v58, v58;
	v21 =	vmul.bf16 v21, v56;
	[tilespmem:s17+$0x5910] =	vst v23  }
0x2ac: {  	v28 =	vld [tilespmem:s17+$0x29A0];
	v19 =	vmul.bf16 v19, v60;
	[tilespmem:s17+$0x5920] =	vst v22  }
0x2ad: {  	v30 =	vld [tilespmem:s17+$0x29B0];
	v52 =	vperm.xlane v17, v10;
	v36 =	vpack.i.f32.bf16 v62, v62;
	v20 =	vmul.bf16 v20, v60;
	[tilespmem:s17+$0x5930] =	vst v21  }
0x2ae: {  	v18 =	vmul.bf16 v18, v36;
	[tilespmem:s17+$0x5950] =	vst v19;
	v19 =	vperm.xlane v17, v5  }
0x2af: {  	v31 =	vld [tilespmem:s17+$0x29C0];
	v40 =	vperm.xlane v17, v6;
	v53 =	vpack.i.f32.bf16 v52, v52;
	[tilespmem:s17+$0x5940] =	vst v20;
	v20 =	vmul.bf16 v25, v36  }
0x2b0: {  	v33 =	vld [tilespmem:s17+$0x29E0];
	v47 =	vperm.xlane v17, v8;
	[tilespmem:s17+$0x5960] =	vst v18;
	v23 =	vmul.bf16 v61, v53;
	v18 =	vpack.i.f32.bf16 v19, v19  }
0x2b1: {  	v32 =	vld [tilespmem:s17+$0x29D0];
	[tilespmem:s17+$0x5970] =	vst v20;
	v20 =	vpack.i.f32.bf16 v40, v40;
	v39 =	vmul.bf16 v26, v18;
	v18 =	vmul.bf16 v27, v18  }
0x2b2: {  	v35 =	vld [tilespmem:s17+$0x29F0];
	[tilespmem:s17+$0x5A20] =	vst v23;
	v43 =	vmul.bf16 v28, v20;
	v20 =	vmul.bf16 v30, v20  }
0x2b3: {  	[tilespmem:s17+$0x5990] =	vst v18;
	v18 =	vperm.xlane v17, v7  }
0x2b4: {  	v57 =	vld [tilespmem:s17+$0x2A00];
	[tilespmem:s17+$0x59B0] =	vst v20;
	v20 =	vpack.i.f32.bf16 v47, v47  }
0x2b5: {  	v59 =	vld [tilespmem:s17+$0x2A10];
	v49 =	vperm.xlane v17, v9;
	[tilespmem:s17+$0x5980] =	vst v39;
	v33 =	vmul.bf16 v33, v20;
	v18 =	vpack.i.f32.bf16 v18, v18  }
0x2b6: {  	v37 =	vld [tilespmem:s17+$0x2A40];
	[tilespmem:s17+$0x59A0] =	vst v43;
	v46 =	vmul.bf16 v31, v18;
	v18 =	vmul.bf16 v32, v18  }
0x2b7: {  	v38 =	vld [tilespmem:s17+$0x2A50];
	v20 =	vmul.bf16 v35, v20;
	[tilespmem:s17+$0x59E0] =	vst v33  }
0x2b8: {  	v63 =	vld [tilespmem:s17+$0x2A30];
	v54 =	vperm.xlane v17, v11;
	[tilespmem:s17+$0x59D0] =	vst v18;
	v18 =	vpack.i.f32.bf16 v49, v49  }
0x2b9: {  	v42 =	vld [tilespmem:s17+$0x2A80];
	[tilespmem:s17+$0x59F0] =	vst v20;
	v29 =	vmul.bf16 v57, v18  }
0x2ba: {  	v19 =	vld [tilespmem:s17+$0x2A60];
	[tilespmem:s17+$0x59C0] =	vst v46;
	v18 =	vmul.bf16 v59, v18;
	v57 =	vpack.i.f32.bf16 v54, v54  }
0x2bb: {  	v44 =	vld [tilespmem:s17+$0x2A90];
	v59 =	vperm.xlane v17, v13;
	v21 =	vmul.bf16 v37, v57;
	[tilespmem:s17+$0x5A00] =	vst v29  }
0x2bc: {  	v41 =	vld [tilespmem:s17+$0x2A70];
	v56 =	vperm.xlane v17, v12;
	v22 =	vmul.bf16 v38, v57;
	[tilespmem:s17+$0x5A10] =	vst v18  }
0x2bd: {  	v45 =	vld [tilespmem:s17+$0x2AA0];
	v18 =	vmul.bf16 v63, v53;
	v60 =	vpack.i.f32.bf16 v59, v59;
	[tilespmem:s17+$0x5A40] =	vst v21  }
0x2be: {  	v48 =	vld [tilespmem:s17+$0x2AB0];
	v20 =	vpack.i.f32.bf16 v56, v56;
	[tilespmem:s17+$0x5A50] =	vst v22;
	v61 =	vmul.bf16 v42, v60  }
0x2bf: {  	v50 =	vld [tilespmem:s17+$0x2AC0];
	[tilespmem:s17+$0x5A30] =	vst v18;
	v18 =	vmul.bf16 v19, v20;
	v19 =	vperm.xlane v17, v14  }
0x2c0: {  	v51 =	vld [tilespmem:s17+$0x2AD0];
	v21 =	vmul.bf16 v44, v60;
	[tilespmem:s17+$0x5A80] =	vst v61  }
0x2c1: {  	v55 =	vld [tilespmem:s17+$0x2AE0];
	v20 =	vmul.bf16 v41, v20;
	[tilespmem:s17+$0x5A60] =	vst v18;
	v18 =	vperm.xlane v17, v15;
	v19 =	vpack.i.f32.bf16 v19, v19  }
0x2c2: {  	v58 =	vld [tilespmem:s17+$0x2AF0];
	[tilespmem:s17+$0x5A90] =	vst v21;
	v62 =	vmul.bf16 v45, v19  }
0x2c3: {  	[tilespmem:s17+$0x5A70] =	vst v20;
	v17 =	vperm.xlane v17, v16;
	v19 =	vmul.bf16 v48, v19;
	v18 =	vpack.i.f32.bf16 v18, v18  }
0x2c4: {  	s2 =	sadd.s32 $0x1, s2;
	v63 =	vmul.bf16 v50, v18;
	[tilespmem:s17+$0x5AA0] =	vst v62  }
0x2c5: {  	p0 =	sne.s32 s2, $0x1B;
	v17 =	vpack.i.f32.bf16 v17, v17;
	v18 =	vmul.bf16 v51, v18;
	[tilespmem:s17+$0x5AB0] =	vst v19  }
.Ltmp7:
0x2c6: {  	v19 =	vmul.bf16 v55, v17;
	[tilespmem:s17+$0x5AC0] =	vst v63;
	(pc) =	sbr.rel @p0 .LBB2_4-.Ltmp7, $4  }
0x2c7: {  	v17 =	vmul.bf16 v58, v17;
	[tilespmem:s17+$0x5AD0] =	vst v18  }
0x2c8: {  	[tilespmem:s17+$0x5AE0] =	vst v19  }
0x2c9: {  	s21 =	simm.s32 $0x800;
	[tilespmem:s17+$0x5AF0] =	vst v17  }
0x2ca: {  	[spmem:s3] =	stream.indirect.scatter.add.bf16 [tilespmem:s26], [sflag:$0x6], $0x20, s21, s31, $0xb8;
	[tilespmem:$0x10F40] =	vst v63  }
0x2cb: {  	_ =	swait.ge [sflag:s5], $0x1000  }
0x2cc: {  	[sflag:s5] =	ssyncset.done $0x0  }
0x2cd: {  	[sflag:s5] =	ssyncadd.s32 $0xFFFFF000  }
0x2ce: {  	_ =	swait.ge [sflag:s6], $0x1000  }
0x2cf: {  	[sflag:s6] =	ssyncset.done $0x0  }
0x2d0: {  	[sflag:s6] =	ssyncadd.s32 $0xFFFFF000  }
0x2d1: {  	[bflag:$0x0] =	sbarrier.arrive $0xFFFF  }
0x2d2: {  	s19 =	rddreg [dreg:$0x6]  }
0x2d3: {  	s17 =	rddreg [dreg:$0x16]  }
0x2d4: {  	s20 =	simm.s32 $0xD;
	s18 =	rddreg [dreg:$0x19];
	s2 =	sshrl.u32 s19, $0x3  }
0x2d5: {  	[hbm:s17], [sflag:s18] =	dma.local [spmem:s2], $0x9C4  }
0x2d6: {  	_ =	swait.ge [sflag:s20], $0x9C4  }
0x2d7: {  	s18 =	rddreg [dreg:$0x5]  }
0x2d8: {  	s21 =	rddreg [dreg:$0x17];
	s17 =	sadd.s32 $0x1, s18  }
0x2d9: {  	p0 =	sne.s32 s17, s21  }
.Ltmp8:
0x2da: {  	_ = 	snop;
	(pc) =	sbr.rel @p0 .LBB2_1-.Ltmp8, $3  }
0x2db: {  	_ =	sdelay $0x1  }
0x2dc: {  	[sflag:s20] =	ssyncset.done $0x0  }
0x2dd: {  	[sflag:s20] =	ssyncadd.s32 $0xFFFFF63C  }
0x2de: {  	_ =	sfence.sel $0x180000  }
0x2df: {  	[bflag:$0x0] =	sbarrier.arrive $0xFFFF  }
0x2e0: {  	_ =	strace $0x90000047  }
0x2e1: {  	s0 =	stileid.u32;
	[bflag:$0x2] =	sbarrier.arrive $0xFFFF  }
0x2e2: {  	p0 =	sne.s32 s0, $0x0;
	s0 =	rddreg [dreg:$0x4]  }
0x2e3: {  	s0 =	sadd.s32 @!p0 $0x100000, s0  }
0x2e4: {  	[sflag:s0] =	ssyncadd.tile.s32 @!p0 $0x1;
	_ =	shalt  }
.Lfunc_end2:
_tile_overlayer_lowered:
.L_overlay_start_2:
0x2e5: {  	(tag) =	ssettag $0x2  }
0x2e6: {  	s0 =	rddreg [dreg:$0x0];
	s2 =	stileid.u32  }
0x2e7: {  	s1 =	rddreg [dreg:$0x1];
	p0 =	sne.s32 s2, $0x0  }
0x2e8: {  	s3 =	rddreg [dreg:$0x2];
	[bflag:$0x3] =	sbarrier.arrive $0xFFFF;
	s2 =	simm.s32 @!p0 $0x1C0D  }
0x2e9: {  	[timem:s3], [sflag:s2] =	dma.local @!p0 [hbm:s0], s1  }
0x2ea: {  	s0 =	simm.s32 @!p0 $0xD  }
0x2eb: {  	_ =	swait.ge @!p0 [sflag:s0], s1  }
0x2ec: {  	s1 =	ssub.s32 @!p0 $0x0, s1;
	[sflag:s0] =	ssyncset.done @!p0 $0x0  }
0x2ed: {  	[sflag:s0] =	ssyncadd.s32 @!p0 s1  }
0x2ee: {  	[bflag:$0x3] =	sbarrier.arrive $0xFFFF  }
0x2ef: {  	_ =	shalt  }

</sc_bundles>
